<compile_context>
chip_gen: v7x
topology: tpu7x:2x2x1
jax: 0.10.2.dev20260603
libtpu: 0.0.44.dev20260713+nightly
codegen_flags: <defaults>
</compile_context>

<pallas_src>
import jax
import jax.numpy as jnp
from jax import lax
from jax.experimental import pallas as pl
from jax.experimental.pallas import tpu as pltpu
from jax.experimental.pallas import tpu_sc as plsc

NUM_VOCAB = 1000000
CHANNELS = 64
BATCH = 4096
SEQ = 200

_SEQ_PAD = 208
_N_CHUNKS = _SEQ_PAD // 16
_NROWS = 2
_INFO = plsc.get_sparse_core_info()
_NC = _INFO.num_cores
_NS = _INFO.num_subcores
_NW = _NC * _NS
_B_PER_W = BATCH // _NW


def _emb_kernel(x_hbm, mask_hbm, table_hbm, out_hbm,
                idx_all, mask_all, rows0, rows1,
                trans0, trans1,
                gsem0, gsem1, osem0, osem1):
    wid = lax.axis_index("s") * _NC + lax.axis_index("c")
    base = wid * _B_PER_W
    lanes = lax.iota(jnp.int32, 16)
    rows = (rows0, rows1)
    trans = (trans0, trans1)
    gsem = (gsem0, gsem1)
    osem = (osem0, osem1)

    def gather_copies(i, rows_v, sem):
        c1 = pltpu.make_async_copy(
            table_hbm.at[idx_all.at[i]], rows_v, sem)
        return (c1,)

    def out_copy(b, trans_v, sem):
        return pltpu.make_async_copy(
            trans_v.at[:, pl.ds(0, SEQ)], out_hbm.at[b], sem)

    def compute(rows_v, trans_v, i):
        for k in range(_N_CHUNKS):
            l0 = 16 * k
            lidx = lanes + l0
            mvec = mask_all[i, pl.ds(l0, 16)]

            @plsc.parallel_loop(0, CHANNELS, unroll=8)
            def _(c):
                cidx = jnp.full((16,), c, jnp.int32)
                v = plsc.load_gather(rows_v, [lidx, cidx])
                trans_v[c, pl.ds(l0, 16)] = v * mvec

    pltpu.sync_copy(x_hbm.at[pl.ds(base, _B_PER_W)], idx_all)
    pltpu.sync_copy(mask_hbm.at[pl.ds(base, _B_PER_W), 0],
                    mask_all.at[:, pl.ds(0, SEQ)])

    for s in range(_NROWS - 1):
        for c in gather_copies(s, rows[s], gsem[s]):
            c.start()

    def body(ip, _):
        for sl in range(_NROWS):
            i = ip * _NROWS + sl
            @pl.when(i < _B_PER_W - (_NROWS - 1))
            def _():
                nsl = (sl + _NROWS - 1) % _NROWS
                for c in gather_copies(i + _NROWS - 1, rows[nsl], gsem[nsl]):
                    c.start()
            for c in gather_copies(i, rows[sl], gsem[sl]):
                c.wait()
            st = sl % 2
            @pl.when(i >= 2)
            def _():
                out_copy(base + i, trans[st], osem[st]).wait()
            compute(rows[sl], trans[st], i)
            out_copy(base + i, trans[st], osem[st]).start()
        return 0

    lax.fori_loop(0, _B_PER_W // _NROWS, body, 0)
    out_copy(base, trans[0], osem[0]).wait()
    out_copy(base, trans[1], osem[1]).wait()


@jax.jit
def _run(x, mask, table):
    mesh = plsc.VectorSubcoreMesh(core_axis_name="c", subcore_axis_name="s")
    f = pl.kernel(
        _emb_kernel,
        out_type=jax.ShapeDtypeStruct((BATCH, CHANNELS, SEQ), jnp.float32),
        mesh=mesh,
        compiler_params=pltpu.CompilerParams(use_tc_tiling_on_sc=False,
                                             needs_layout_passes=False),
        scratch_types=[
            pltpu.VMEM((_B_PER_W, SEQ), jnp.int32),
            pltpu.VMEM((_B_PER_W, _SEQ_PAD), jnp.float32),
            pltpu.VMEM((SEQ, CHANNELS), jnp.float32),
            pltpu.VMEM((SEQ, CHANNELS), jnp.float32),
            pltpu.VMEM((CHANNELS, _SEQ_PAD), jnp.float32),
            pltpu.VMEM((CHANNELS, _SEQ_PAD), jnp.float32),
            pltpu.SemaphoreType.DMA,
            pltpu.SemaphoreType.DMA,
            pltpu.SemaphoreType.DMA,
            pltpu.SemaphoreType.DMA,
        ],
    )
    return f(x, mask, table)


def kernel(x, mask, table):
    return _run(x.astype(jnp.int32), mask, table)

# --- scband reference (transcript-rebuilt; emitter-appended) ---
"""Pipeline reference for scband-embedding-layer-32710470926387 (READ-ONLY COPY).

The authoritative reference and input builder live on the scoring server;
editing this copy changes nothing except your own understanding.
"""

import jax, jax.numpy as jnp
import numpy as np

NUM_VOCAB = 1000000
CHANNELS = 64
BATCH = 4096
SEQ = 200


def setup_inputs(seed: int = 0) -> dict:
    key = jax.random.key(seed)
    k1, k2, k3 = jax.random.split(key, 3)
    x = jax.random.randint(k1, (BATCH, SEQ), 0, NUM_VOCAB, dtype=jnp.int64 if jax.config.jax_enable_x64 else jnp.int32)
    mask = jax.random.uniform(k2, (BATCH, 1, SEQ), dtype=jnp.float32)
    table = jax.random.normal(k3, (NUM_VOCAB, CHANNELS), dtype=jnp.float32)
    # padding_idx=0: row 0 is zeroed in nn.Embedding
    table = table.at[0].set(0.0)
    return {"x": x, "mask": mask, "table": table}


def reference(x, mask, table):
    # nn.Embedding lookup with padding_idx=0 (row 0 already zero)
    emb = jnp.take(table, x, axis=0)          # [B, L, C]
    emb = jnp.transpose(emb, (0, 2, 1))       # [B, C, L]
    out = emb * mask                           # broadcast [B, 1, L]
    return out

if __name__ == "__main__":
    import jax
    _d = setup_inputs()
    print(jax.jit(kernel)(*tuple(_d.values())))

</pallas_src>

<mosaic_0001>
#map = affine_map<(d0, d1) -> (0, 0)>
#map1 = affine_map<(d0, d1) -> (0, 0, 0)>
module attributes {stable_mosaic.version = 14 : i64} {
  func.func @_emb_kernel(%arg0: i32, %arg1: i32, %arg2: memref<4096x200xi32, #tpu.memory_space<hbm>>, %arg3: memref<4096x1x200xf32, #tpu.memory_space<hbm>>, %arg4: memref<1000000x64xf32, #tpu.memory_space<hbm>>, %arg5: memref<4096x64x200xf32, #tpu.memory_space<hbm>>, %arg6: memref<128x200xi32, #tpu.memory_space<vmem>>, %arg7: memref<128x208xf32, #tpu.memory_space<vmem>>, %arg8: memref<200x64xf32, #tpu.memory_space<vmem>>, %arg9: memref<200x64xf32, #tpu.memory_space<vmem>>, %arg10: memref<64x208xf32, #tpu.memory_space<vmem>>, %arg11: memref<64x208xf32, #tpu.memory_space<vmem>>, %arg12: memref<!tpu.dma_semaphore, #tpu.memory_space<semaphore_mem>>, %arg13: memref<!tpu.dma_semaphore, #tpu.memory_space<semaphore_mem>>, %arg14: memref<!tpu.dma_semaphore, #tpu.memory_space<semaphore_mem>>, %arg15: memref<!tpu.dma_semaphore, #tpu.memory_space<semaphore_mem>>) attributes {dimension_semantics = [#tpu.dimension_semantics<core_parallel>, #tpu.dimension_semantics<subcore_parallel>], iteration_bounds = array<i64: 2, 16>, scalar_prefetch = 0 : i64, scratch_operands = 10 : i64, tpu.core_type = #tpu.core_type<sc_vector_subcore>, window_params = [{transform_indices = #map}, {transform_indices = #map1}, {transform_indices = #map}, {transform_indices = #map1}]} {
    %mul3A = arith.constant 2 : i32
    %mul3A_0 = arith.muli %arg1, %mul3A : i32
    %add3A = arith.addi %mul3A_0, %arg0 : i32
    %mul3A_1 = arith.constant 128 : i32
    %mul3A_2 = arith.muli %add3A, %mul3A_1 : i32
    %iota3A = tpu.iota {dimensions = array<i32: 0>} : vector<16xi32>
    "tpu.region"() ({
      %run_scoped3A_42 = tpu.sem_alloc : memref<!tpu.dma_semaphore, #tpu.memory_space<semaphore_mem>>
      %dma_start3A_43 = arith.constant 0 : i32
      %dma_start3A_44 = tpu.memref_slice %arg2[%mul3A_2, %dma_start3A_43] : memref<4096x200xi32, #tpu.memory_space<hbm>> -> memref<128x200xi32, #tpu.memory_space<hbm>>
      %dma_start3A_45 = arith.constant 0 : i32
      %dma_start3A_46 = tpu.memref_slice %arg2[%mul3A_2, %dma_start3A_45] : memref<4096x200xi32, #tpu.memory_space<hbm>> -> memref<128x200xi32, #tpu.memory_space<hbm>>
      tpu.enqueue_dma source(%dma_start3A_46 : memref<128x200xi32, #tpu.memory_space<hbm>>) target(%arg6 : memref<128x200xi32, #tpu.memory_space<vmem>>) target_semaphore(%run_scoped3A_42 : memref<!tpu.dma_semaphore, #tpu.memory_space<semaphore_mem>>)
      %dma_wait3A_47 = arith.constant 0 : i32
      %dma_wait3A_48 = tpu.memref_slice %arg2[%mul3A_2, %dma_wait3A_47] : memref<4096x200xi32, #tpu.memory_space<hbm>> -> memref<128x200xi32, #tpu.memory_space<hbm>>
      %dma_wait3A_49 = arith.constant 0 : i32
      %dma_wait3A_50 = tpu.memref_slice %arg2[%mul3A_2, %dma_wait3A_49] : memref<4096x200xi32, #tpu.memory_space<hbm>> -> memref<128x200xi32, #tpu.memory_space<hbm>>
      tpu.wait_dma2 semaphore(%run_scoped3A_42 : memref<!tpu.dma_semaphore, #tpu.memory_space<semaphore_mem>>) src(%dma_wait3A_50 : memref<128x200xi32, #tpu.memory_space<hbm>>) dst(%arg6 : memref<128x200xi32, #tpu.memory_space<vmem>>)
      tpu.yield
    }) : () -> ()
    %run_scoped3A = arith.constant 0 : i32
    "tpu.region"() ({
      %run_scoped3A_42 = tpu.sem_alloc : memref<!tpu.dma_semaphore, #tpu.memory_space<semaphore_mem>>
      %dma_start3A_43 = arith.constant 0 : i32
      %dma_start3A_44 = arith.constant 0 : i32
      %dma_start3A_45 = tpu.memref_slice %arg7[%dma_start3A_43, %dma_start3A_44] : memref<128x208xf32, #tpu.memory_space<vmem>> -> memref<128x200xf32, #tpu.memory_space<vmem>>
      %dma_start3A_46 = arith.constant 0 : i32
      %dma_start3A_47 = tpu.memref_slice %arg3[%mul3A_2, %run_scoped3A, %dma_start3A_46] : memref<4096x1x200xf32, #tpu.memory_space<hbm>> -> memref<128x1x200xf32, #tpu.memory_space<hbm>>
      %dma_start3A_48 = tpu.memref_squeeze %dma_start3A_47 : memref<128x1x200xf32, #tpu.memory_space<hbm>> -> memref<128x200xf32, #tpu.memory_space<hbm>>
      %dma_start3A_49 = arith.constant 0 : i32
      %dma_start3A_50 = arith.constant 0 : i32
      %dma_start3A_51 = tpu.memref_slice %arg7[%dma_start3A_49, %dma_start3A_50] : memref<128x208xf32, #tpu.memory_space<vmem>> -> memref<128x200xf32, #tpu.memory_space<vmem>>
      %dma_start3A_52 = arith.constant 0 : i32
      %dma_start3A_53 = tpu.memref_slice %arg3[%mul3A_2, %run_scoped3A, %dma_start3A_52] : memref<4096x1x200xf32, #tpu.memory_space<hbm>> -> memref<128x1x200xf32, #tpu.memory_space<hbm>>
      %dma_start3A_54 = tpu.memref_squeeze %dma_start3A_53 : memref<128x1x200xf32, #tpu.memory_space<hbm>> -> memref<128x200xf32, #tpu.memory_space<hbm>>
      tpu.enqueue_dma source(%dma_start3A_54 : memref<128x200xf32, #tpu.memory_space<hbm>>) target(%dma_start3A_51 : memref<128x200xf32, #tpu.memory_space<vmem>>) target_semaphore(%run_scoped3A_42 : memref<!tpu.dma_semaphore, #tpu.memory_space<semaphore_mem>>)
      %dma_wait3A_55 = arith.constant 0 : i32
      %dma_wait3A_56 = arith.constant 0 : i32
      %dma_wait3A_57 = tpu.memref_slice %arg7[%dma_wait3A_55, %dma_wait3A_56] : memref<128x208xf32, #tpu.memory_space<vmem>> -> memref<128x200xf32, #tpu.memory_space<vmem>>
      %dma_wait3A_58 = arith.constant 0 : i32
      %dma_wait3A_59 = tpu.memref_slice %arg3[%mul3A_2, %run_scoped3A, %dma_wait3A_58] : memref<4096x1x200xf32, #tpu.memory_space<hbm>> -> memref<128x1x200xf32, #tpu.memory_space<hbm>>
      %dma_wait3A_60 = tpu.memref_squeeze %dma_wait3A_59 : memref<128x1x200xf32, #tpu.memory_space<hbm>> -> memref<128x200xf32, #tpu.memory_space<hbm>>
      %dma_wait3A_61 = arith.constant 0 : i32
      %dma_wait3A_62 = arith.constant 0 : i32
      %dma_wait3A_63 = tpu.memref_slice %arg7[%dma_wait3A_61, %dma_wait3A_62] : memref<128x208xf32, #tpu.memory_space<vmem>> -> memref<128x200xf32, #tpu.memory_space<vmem>>
      %dma_wait3A_64 = arith.constant 0 : i32
      %dma_wait3A_65 = tpu.memref_slice %arg3[%mul3A_2, %run_scoped3A, %dma_wait3A_64] : memref<4096x1x200xf32, #tpu.memory_space<hbm>> -> memref<128x1x200xf32, #tpu.memory_space<hbm>>
      %dma_wait3A_66 = tpu.memref_squeeze %dma_wait3A_65 : memref<128x1x200xf32, #tpu.memory_space<hbm>> -> memref<128x200xf32, #tpu.memory_space<hbm>>
      tpu.wait_dma2 semaphore(%run_scoped3A_42 : memref<!tpu.dma_semaphore, #tpu.memory_space<semaphore_mem>>) src(%dma_wait3A_66 : memref<128x200xf32, #tpu.memory_space<hbm>>) dst(%dma_wait3A_63 : memref<128x200xf32, #tpu.memory_space<vmem>>)
      tpu.yield
    }) : () -> ()
    %dma_start3A = arith.constant 0 : i32
    %dma_start3A_3 = arith.constant 0 : i32
    %dma_start3A_4 = tpu.memref_slice %arg6[%dma_start3A, %dma_start3A_3] : memref<128x200xi32, #tpu.memory_space<vmem>> -> memref<1x200xi32, #tpu.memory_space<vmem>>
    %dma_start3A_5 = tpu.memref_squeeze %dma_start3A_4 : memref<1x200xi32, #tpu.memory_space<vmem>> -> memref<200xi32, #tpu.memory_space<vmem>>
    %dma_start3A_6 = arith.constant 0 : i32
    %dma_start3A_7 = arith.constant 0 : i32
    %dma_start3A_8 = tpu.memref_slice %arg4[%dma_start3A_6, %dma_start3A_7] : memref<1000000x64xf32, #tpu.memory_space<hbm>> -> memref<1000000x64xf32, #tpu.memory_space<hbm>>
    tpu.enqueue_indirect_dma source(%dma_start3A_8 : memref<1000000x64xf32, #tpu.memory_space<hbm>>) target(%arg8 : memref<200x64xf32, #tpu.memory_space<vmem>>) offsets(%dma_start3A_5 : memref<200xi32, #tpu.memory_space<vmem>>) semaphore(%arg12 : memref<!tpu.dma_semaphore, #tpu.memory_space<semaphore_mem>>)
    %scan3A = arith.constant 0 : i32
    %scan3A_9 = arith.constant 0 : i32
    %scan3A_10 = arith.constant 64 : i32
    %scan3A_11 = arith.addi %scan3A_9, %scan3A_10 : i32
    %scan3A_12 = arith.constant 1 : i32
    %scan3A_13 = scf.for %scan3A_42 = %scan3A_9 to %scan3A_11 step %scan3A_12 iter_args(%scan3A_43 = %scan3A) -> (i32)  : i32 {
      %mul3A_44 = arith.constant 2 : i32
      %mul3A_45 = arith.muli %scan3A_42, %mul3A_44 : i32
      %add3A_46 = arith.constant 0 : i32
      %add3A_47 = arith.addi %mul3A_45, %add3A_46 : i32
      %lt3A = arith.constant 127 : i32
      %lt3A_48 = arith.cmpi slt, %add3A_47, %lt3A : i32
      %convert_element_type3A = arith.extui %lt3A_48 : i1 to i32
      %cond3A = arith.constant 0 : i32
      %cond3A_49 = arith.cmpi ne, %convert_element_type3A, %cond3A : i32
      scf.if %cond3A_49 {
        %add3A_343 = arith.constant 2 : i32
        %add3A_344 = arith.addi %add3A_47, %add3A_343 : i32
        %sub3A = arith.constant 1 : i32
        %sub3A_345 = arith.subi %add3A_344, %sub3A : i32
        %dma_start3A_346 = arith.constant 0 : i32
        %dma_start3A_347 = tpu.memref_slice %arg6[%sub3A_345, %dma_start3A_346] : memref<128x200xi32, #tpu.memory_space<vmem>> -> memref<1x200xi32, #tpu.memory_space<vmem>>
        %dma_start3A_348 = tpu.memref_squeeze %dma_start3A_347 : memref<1x200xi32, #tpu.memory_space<vmem>> -> memref<200xi32, #tpu.memory_space<vmem>>
        %dma_start3A_349 = arith.constant 0 : i32
        %dma_start3A_350 = arith.constant 0 : i32
        %dma_start3A_351 = tpu.memref_slice %arg4[%dma_start3A_349, %dma_start3A_350] : memref<1000000x64xf32, #tpu.memory_space<hbm>> -> memref<1000000x64xf32, #tpu.memory_space<hbm>>
        tpu.enqueue_indirect_dma source(%dma_start3A_351 : memref<1000000x64xf32, #tpu.memory_space<hbm>>) target(%arg9 : memref<200x64xf32, #tpu.memory_space<vmem>>) offsets(%dma_start3A_348 : memref<200xi32, #tpu.memory_space<vmem>>) semaphore(%arg13 : memref<!tpu.dma_semaphore, #tpu.memory_space<semaphore_mem>>)
      } else {
      }
      %dma_wait3A_50 = arith.constant 0 : i32
      %dma_wait3A_51 = tpu.memref_slice %arg6[%add3A_47, %dma_wait3A_50] : memref<128x200xi32, #tpu.memory_space<vmem>> -> memref<1x200xi32, #tpu.memory_space<vmem>>
      %dma_wait3A_52 = tpu.memref_squeeze %dma_wait3A_51 : memref<1x200xi32, #tpu.memory_space<vmem>> -> memref<200xi32, #tpu.memory_space<vmem>>
      %dma_wait3A_53 = arith.constant 0 : i32
      %dma_wait3A_54 = arith.constant 0 : i32
      %dma_wait3A_55 = tpu.memref_slice %arg4[%dma_wait3A_53, %dma_wait3A_54] : memref<1000000x64xf32, #tpu.memory_space<hbm>> -> memref<1000000x64xf32, #tpu.memory_space<hbm>>
      tpu.wait_indirect_dma semaphore(%arg12 : memref<!tpu.dma_semaphore, #tpu.memory_space<semaphore_mem>>) src(%dma_wait3A_55 : memref<1000000x64xf32, #tpu.memory_space<hbm>>) dst(%arg8 : memref<200x64xf32, #tpu.memory_space<vmem>>)
      %ge3A = arith.constant 2 : i32
      %ge3A_56 = arith.cmpi sge, %add3A_47, %ge3A : i32
      %convert_element_type3A_57 = arith.extui %ge3A_56 : i1 to i32
      %cond3A_58 = arith.constant 0 : i32
      %cond3A_59 = arith.cmpi ne, %convert_element_type3A_57, %cond3A_58 : i32
      scf.if %cond3A_59 {
        %add3A_343 = arith.addi %mul3A_2, %add3A_47 : i32
        %dma_wait3A_344 = arith.constant 0 : i32
        %dma_wait3A_345 = arith.constant 0 : i32
        %dma_wait3A_346 = tpu.memref_slice %arg10[%dma_wait3A_344, %dma_wait3A_345] : memref<64x208xf32, #tpu.memory_space<vmem>> -> memref<64x200xf32, #tpu.memory_space<vmem>>
        %dma_wait3A_347 = arith.constant 0 : i32
        %dma_wait3A_348 = arith.constant 0 : i32
        %dma_wait3A_349 = tpu.memref_slice %arg5[%add3A_343, %dma_wait3A_347, %dma_wait3A_348] : memref<4096x64x200xf32, #tpu.memory_space<hbm>> -> memref<1x64x200xf32, #tpu.memory_space<hbm>>
        %dma_wait3A_350 = tpu.memref_squeeze %dma_wait3A_349 : memref<1x64x200xf32, #tpu.memory_space<hbm>> -> memref<64x200xf32, #tpu.memory_space<hbm>>
        %dma_wait3A_351 = arith.constant 0 : i32
        %dma_wait3A_352 = arith.constant 0 : i32
        %dma_wait3A_353 = tpu.memref_slice %arg5[%add3A_343, %dma_wait3A_351, %dma_wait3A_352] : memref<4096x64x200xf32, #tpu.memory_space<hbm>> -> memref<1x64x200xf32, #tpu.memory_space<hbm>>
        %dma_wait3A_354 = tpu.memref_squeeze %dma_wait3A_353 : memref<1x64x200xf32, #tpu.memory_space<hbm>> -> memref<64x200xf32, #tpu.memory_space<hbm>>
        %dma_wait3A_355 = arith.constant 0 : i32
        %dma_wait3A_356 = arith.constant 0 : i32
        %dma_wait3A_357 = tpu.memref_slice %arg10[%dma_wait3A_355, %dma_wait3A_356] : memref<64x208xf32, #tpu.memory_space<vmem>> -> memref<64x200xf32, #tpu.memory_space<vmem>>
        tpu.wait_dma2 semaphore(%arg14 : memref<!tpu.dma_semaphore, #tpu.memory_space<semaphore_mem>>) src(%dma_wait3A_357 : memref<64x200xf32, #tpu.memory_space<vmem>>) dst(%dma_wait3A_354 : memref<64x200xf32, #tpu.memory_space<hbm>>)
      } else {
      }
      %add3A_60 = arith.constant 0 : i32
      %add3A_61 = vector.broadcast %add3A_60 : i32 to vector<16xi32>
      %add3A_62 = arith.addi %iota3A, %add3A_61 : vector<16xi32>
      %get3A = arith.index_cast %add3A_47 : i32 to index
      %get3A_63 = arith.constant 0 : index
      %get3A_64 = tpu.vector_load %arg7[%get3A, %get3A_63] {strides = array<i32>} : memref<128x208xf32, #tpu.memory_space<vmem>>, vector<16xf32>,
      %parallel_loop3A = arith.constant 0 : i32
      %parallel_loop3A_65 = arith.constant 64 : i32
      %parallel_loop3A_66 = arith.constant 1 : i32
      scf.for %parallel_loop3A_343 = %parallel_loop3A to %parallel_loop3A_65 step %parallel_loop3A_66  : i32 {
        %parallel_loop3A_344 = vector.broadcast %parallel_loop3A_343 : i32 to vector<16xi32>
        %parallel_loop3A_345 = tpu.vector_load_idx %arg8[%add3A_62, %parallel_loop3A_344] : memref<200x64xf32, #tpu.memory_space<vmem>>[vector<16xi32>, vector<16xi32>], vector<16xf32>,
        %parallel_loop3A_346 = arith.mulf %parallel_loop3A_345, %get3A_64 : vector<16xf32>
        %parallel_loop3A_347 = arith.index_cast %parallel_loop3A_343 : i32 to index
        %parallel_loop3A_348 = arith.constant 0 : index
        %parallel_loop3A_349 = tpu.vector_load %arg10[%parallel_loop3A_347, %parallel_loop3A_348] {strides = array<i32>} : memref<64x208xf32, #tpu.memory_space<vmem>>, vector<16xf32>,
        tpu.vector_store %arg10[%parallel_loop3A_347, %parallel_loop3A_348], %parallel_loop3A_346 {strides = array<i32>} : memref<64x208xf32, #tpu.memory_space<vmem>>, vector<16xf32>,
      } {sc.loop_unroll_factor = 8 : i64, sc.parallel_access}
      %add3A_67 = arith.constant 16 : i32
      %add3A_68 = vector.broadcast %add3A_67 : i32 to vector<16xi32>
      %add3A_69 = arith.addi %iota3A, %add3A_68 : vector<16xi32>
      %get3A_70 = arith.index_cast %add3A_47 : i32 to index
      %get3A_71 = arith.constant 16 : index
      %get3A_72 = tpu.vector_load %arg7[%get3A_70, %get3A_71] {strides = array<i32>} : memref<128x208xf32, #tpu.memory_space<vmem>>, vector<16xf32>,
      %parallel_loop3A_73 = arith.constant 0 : i32
      %parallel_loop3A_74 = arith.constant 64 : i32
      %parallel_loop3A_75 = arith.constant 1 : i32
      scf.for %parallel_loop3A_343 = %parallel_loop3A_73 to %parallel_loop3A_74 step %parallel_loop3A_75  : i32 {
        %parallel_loop3A_344 = vector.broadcast %parallel_loop3A_343 : i32 to vector<16xi32>
        %parallel_loop3A_345 = tpu.vector_load_idx %arg8[%add3A_69, %parallel_loop3A_344] : memref<200x64xf32, #tpu.memory_space<vmem>>[vector<16xi32>, vector<16xi32>], vector<16xf32>,
        %parallel_loop3A_346 = arith.mulf %parallel_loop3A_345, %get3A_72 : vector<16xf32>
        %parallel_loop3A_347 = arith.index_cast %parallel_loop3A_343 : i32 to index
        %parallel_loop3A_348 = arith.constant 16 : index
        %parallel_loop3A_349 = tpu.vector_load %arg10[%parallel_loop3A_347, %parallel_loop3A_348] {strides = array<i32>} : memref<64x208xf32, #tpu.memory_space<vmem>>, vector<16xf32>,
        tpu.vector_store %arg10[%parallel_loop3A_347, %parallel_loop3A_348], %parallel_loop3A_346 {strides = array<i32>} : memref<64x208xf32, #tpu.memory_space<vmem>>, vector<16xf32>,
      } {sc.loop_unroll_factor = 8 : i64, sc.parallel_access}
      %add3A_76 = arith.constant 32 : i32
      %add3A_77 = vector.broadcast %add3A_76 : i32 to vector<16xi32>
      %add3A_78 = arith.addi %iota3A, %add3A_77 : vector<16xi32>
      %get3A_79 = arith.index_cast %add3A_47 : i32 to index
      %get3A_80 = arith.constant 32 : index
      %get3A_81 = tpu.vector_load %arg7[%get3A_79, %get3A_80] {strides = array<i32>} : memref<128x208xf32, #tpu.memory_space<vmem>>, vector<16xf32>,
      %parallel_loop3A_82 = arith.constant 0 : i32
      %parallel_loop3A_83 = arith.constant 64 : i32
      %parallel_loop3A_84 = arith.constant 1 : i32
      scf.for %parallel_loop3A_343 = %parallel_loop3A_82 to %parallel_loop3A_83 step %parallel_loop3A_84  : i32 {
        %parallel_loop3A_344 = vector.broadcast %parallel_loop3A_343 : i32 to vector<16xi32>
        %parallel_loop3A_345 = tpu.vector_load_idx %arg8[%add3A_78, %parallel_loop3A_344] : memref<200x64xf32, #tpu.memory_space<vmem>>[vector<16xi32>, vector<16xi32>], vector<16xf32>,
        %parallel_loop3A_346 = arith.mulf %parallel_loop3A_345, %get3A_81 : vector<16xf32>
        %parallel_loop3A_347 = arith.index_cast %parallel_loop3A_343 : i32 to index
        %parallel_loop3A_348 = arith.constant 32 : index
        %parallel_loop3A_349 = tpu.vector_load %arg10[%parallel_loop3A_347, %parallel_loop3A_348] {strides = array<i32>} : memref<64x208xf32, #tpu.memory_space<vmem>>, vector<16xf32>,
        tpu.vector_store %arg10[%parallel_loop3A_347, %parallel_loop3A_348], %parallel_loop3A_346 {strides = array<i32>} : memref<64x208xf32, #tpu.memory_space<vmem>>, vector<16xf32>,
      } {sc.loop_unroll_factor = 8 : i64, sc.parallel_access}
      %add3A_85 = arith.constant 48 : i32
      %add3A_86 = vector.broadcast %add3A_85 : i32 to vector<16xi32>
      %add3A_87 = arith.addi %iota3A, %add3A_86 : vector<16xi32>
      %get3A_88 = arith.index_cast %add3A_47 : i32 to index
      %get3A_89 = arith.constant 48 : index
      %get3A_90 = tpu.vector_load %arg7[%get3A_88, %get3A_89] {strides = array<i32>} : memref<128x208xf32, #tpu.memory_space<vmem>>, vector<16xf32>,
      %parallel_loop3A_91 = arith.constant 0 : i32
      %parallel_loop3A_92 = arith.constant 64 : i32
      %parallel_loop3A_93 = arith.constant 1 : i32
      scf.for %parallel_loop3A_343 = %parallel_loop3A_91 to %parallel_loop3A_92 step %parallel_loop3A_93  : i32 {
        %parallel_loop3A_344 = vector.broadcast %parallel_loop3A_343 : i32 to vector<16xi32>
        %parallel_loop3A_345 = tpu.vector_load_idx %arg8[%add3A_87, %parallel_loop3A_344] : memref<200x64xf32, #tpu.memory_space<vmem>>[vector<16xi32>, vector<16xi32>], vector<16xf32>,
        %parallel_loop3A_346 = arith.mulf %parallel_loop3A_345, %get3A_90 : vector<16xf32>
        %parallel_loop3A_347 = arith.index_cast %parallel_loop3A_343 : i32 to index
        %parallel_loop3A_348 = arith.constant 48 : index
        %parallel_loop3A_349 = tpu.vector_load %arg10[%parallel_loop3A_347, %parallel_loop3A_348] {strides = array<i32>} : memref<64x208xf32, #tpu.memory_space<vmem>>, vector<16xf32>,
        tpu.vector_store %arg10[%parallel_loop3A_347, %parallel_loop3A_348], %parallel_loop3A_346 {strides = array<i32>} : memref<64x208xf32, #tpu.memory_space<vmem>>, vector<16xf32>,
      } {sc.loop_unroll_factor = 8 : i64, sc.parallel_access}
      %add3A_94 = arith.constant 64 : i32
      %add3A_95 = vector.broadcast %add3A_94 : i32 to vector<16xi32>
      %add3A_96 = arith.addi %iota3A, %add3A_95 : vector<16xi32>
      %get3A_97 = arith.index_cast %add3A_47 : i32 to index
      %get3A_98 = arith.constant 64 : index
      %get3A_99 = tpu.vector_load %arg7[%get3A_97, %get3A_98] {strides = array<i32>} : memref<128x208xf32, #tpu.memory_space<vmem>>, vector<16xf32>,
      %parallel_loop3A_100 = arith.constant 0 : i32
      %parallel_loop3A_101 = arith.constant 64 : i32
      %parallel_loop3A_102 = arith.constant 1 : i32
      scf.for %parallel_loop3A_343 = %parallel_loop3A_100 to %parallel_loop3A_101 step %parallel_loop3A_102  : i32 {
        %parallel_loop3A_344 = vector.broadcast %parallel_loop3A_343 : i32 to vector<16xi32>
        %parallel_loop3A_345 = tpu.vector_load_idx %arg8[%add3A_96, %parallel_loop3A_344] : memref<200x64xf32, #tpu.memory_space<vmem>>[vector<16xi32>, vector<16xi32>], vector<16xf32>,
        %parallel_loop3A_346 = arith.mulf %parallel_loop3A_345, %get3A_99 : vector<16xf32>
        %parallel_loop3A_347 = arith.index_cast %parallel_loop3A_343 : i32 to index
        %parallel_loop3A_348 = arith.constant 64 : index
        %parallel_loop3A_349 = tpu.vector_load %arg10[%parallel_loop3A_347, %parallel_loop3A_348] {strides = array<i32>} : memref<64x208xf32, #tpu.memory_space<vmem>>, vector<16xf32>,
        tpu.vector_store %arg10[%parallel_loop3A_347, %parallel_loop3A_348], %parallel_loop3A_346 {strides = array<i32>} : memref<64x208xf32, #tpu.memory_space<vmem>>, vector<16xf32>,
      } {sc.loop_unroll_factor = 8 : i64, sc.parallel_access}
      %add3A_103 = arith.constant 80 : i32
      %add3A_104 = vector.broadcast %add3A_103 : i32 to vector<16xi32>
      %add3A_105 = arith.addi %iota3A, %add3A_104 : vector<16xi32>
      %get3A_106 = arith.index_cast %add3A_47 : i32 to index
      %get3A_107 = arith.constant 80 : index
      %get3A_108 = tpu.vector_load %arg7[%get3A_106, %get3A_107] {strides = array<i32>} : memref<128x208xf32, #tpu.memory_space<vmem>>, vector<16xf32>,
      %parallel_loop3A_109 = arith.constant 0 : i32
      %parallel_loop3A_110 = arith.constant 64 : i32
      %parallel_loop3A_111 = arith.constant 1 : i32
      scf.for %parallel_loop3A_343 = %parallel_loop3A_109 to %parallel_loop3A_110 step %parallel_loop3A_111  : i32 {
        %parallel_loop3A_344 = vector.broadcast %parallel_loop3A_343 : i32 to vector<16xi32>
        %parallel_loop3A_345 = tpu.vector_load_idx %arg8[%add3A_105, %parallel_loop3A_344] : memref<200x64xf32, #tpu.memory_space<vmem>>[vector<16xi32>, vector<16xi32>], vector<16xf32>,
        %parallel_loop3A_346 = arith.mulf %parallel_loop3A_345, %get3A_108 : vector<16xf32>
        %parallel_loop3A_347 = arith.index_cast %parallel_loop3A_343 : i32 to index
        %parallel_loop3A_348 = arith.constant 80 : index
        %parallel_loop3A_349 = tpu.vector_load %arg10[%parallel_loop3A_347, %parallel_loop3A_348] {strides = array<i32>} : memref<64x208xf32, #tpu.memory_space<vmem>>, vector<16xf32>,
        tpu.vector_store %arg10[%parallel_loop3A_347, %parallel_loop3A_348], %parallel_loop3A_346 {strides = array<i32>} : memref<64x208xf32, #tpu.memory_space<vmem>>, vector<16xf32>,
      } {sc.loop_unroll_factor = 8 : i64, sc.parallel_access}
      %add3A_112 = arith.constant 96 : i32
      %add3A_113 = vector.broadcast %add3A_112 : i32 to vector<16xi32>
      %add3A_114 = arith.addi %iota3A, %add3A_113 : vector<16xi32>
      %get3A_115 = arith.index_cast %add3A_47 : i32 to index
      %get3A_116 = arith.constant 96 : index
      %get3A_117 = tpu.vector_load %arg7[%get3A_115, %get3A_116] {strides = array<i32>} : memref<128x208xf32, #tpu.memory_space<vmem>>, vector<16xf32>,
      %parallel_loop3A_118 = arith.constant 0 : i32
      %parallel_loop3A_119 = arith.constant 64 : i32
      %parallel_loop3A_120 = arith.constant 1 : i32
      scf.for %parallel_loop3A_343 = %parallel_loop3A_118 to %parallel_loop3A_119 step %parallel_loop3A_120  : i32 {
        %parallel_loop3A_344 = vector.broadcast %parallel_loop3A_343 : i32 to vector<16xi32>
        %parallel_loop3A_345 = tpu.vector_load_idx %arg8[%add3A_114, %parallel_loop3A_344] : memref<200x64xf32, #tpu.memory_space<vmem>>[vector<16xi32>, vector<16xi32>], vector<16xf32>,
        %parallel_loop3A_346 = arith.mulf %parallel_loop3A_345, %get3A_117 : vector<16xf32>
        %parallel_loop3A_347 = arith.index_cast %parallel_loop3A_343 : i32 to index
        %parallel_loop3A_348 = arith.constant 96 : index
        %parallel_loop3A_349 = tpu.vector_load %arg10[%parallel_loop3A_347, %parallel_loop3A_348] {strides = array<i32>} : memref<64x208xf32, #tpu.memory_space<vmem>>, vector<16xf32>,
        tpu.vector_store %arg10[%parallel_loop3A_347, %parallel_loop3A_348], %parallel_loop3A_346 {strides = array<i32>} : memref<64x208xf32, #tpu.memory_space<vmem>>, vector<16xf32>,
      } {sc.loop_unroll_factor = 8 : i64, sc.parallel_access}
      %add3A_121 = arith.constant 112 : i32
      %add3A_122 = vector.broadcast %add3A_121 : i32 to vector<16xi32>
      %add3A_123 = arith.addi %iota3A, %add3A_122 : vector<16xi32>
      %get3A_124 = arith.index_cast %add3A_47 : i32 to index
      %get3A_125 = arith.constant 112 : index
      %get3A_126 = tpu.vector_load %arg7[%get3A_124, %get3A_125] {strides = array<i32>} : memref<128x208xf32, #tpu.memory_space<vmem>>, vector<16xf32>,
      %parallel_loop3A_127 = arith.constant 0 : i32
      %parallel_loop3A_128 = arith.constant 64 : i32
      %parallel_loop3A_129 = arith.constant 1 : i32
      scf.for %parallel_loop3A_343 = %parallel_loop3A_127 to %parallel_loop3A_128 step %parallel_loop3A_129  : i32 {
        %parallel_loop3A_344 = vector.broadcast %parallel_loop3A_343 : i32 to vector<16xi32>
        %parallel_loop3A_345 = tpu.vector_load_idx %arg8[%add3A_123, %parallel_loop3A_344] : memref<200x64xf32, #tpu.memory_space<vmem>>[vector<16xi32>, vector<16xi32>], vector<16xf32>,
        %parallel_loop3A_346 = arith.mulf %parallel_loop3A_345, %get3A_126 : vector<16xf32>
        %parallel_loop3A_347 = arith.index_cast %parallel_loop3A_343 : i32 to index
        %parallel_loop3A_348 = arith.constant 112 : index
        %parallel_loop3A_349 = tpu.vector_load %arg10[%parallel_loop3A_347, %parallel_loop3A_348] {strides = array<i32>} : memref<64x208xf32, #tpu.memory_space<vmem>>, vector<16xf32>,
        tpu.vector_store %arg10[%parallel_loop3A_347, %parallel_loop3A_348], %parallel_loop3A_346 {strides = array<i32>} : memref<64x208xf32, #tpu.memory_space<vmem>>, vector<16xf32>,
      } {sc.loop_unroll_factor = 8 : i64, sc.parallel_access}
      %add3A_130 = arith.constant 128 : i32
      %add3A_131 = vector.broadcast %add3A_130 : i32 to vector<16xi32>
      %add3A_132 = arith.addi %iota3A, %add3A_131 : vector<16xi32>
      %get3A_133 = arith.index_cast %add3A_47 : i32 to index
      %get3A_134 = arith.constant 128 : index
      %get3A_135 = tpu.vector_load %arg7[%get3A_133, %get3A_134] {strides = array<i32>} : memref<128x208xf32, #tpu.memory_space<vmem>>, vector<16xf32>,
      %parallel_loop3A_136 = arith.constant 0 : i32
      %parallel_loop3A_137 = arith.constant 64 : i32
      %parallel_loop3A_138 = arith.constant 1 : i32
      scf.for %parallel_loop3A_343 = %parallel_loop3A_136 to %parallel_loop3A_137 step %parallel_loop3A_138  : i32 {
        %parallel_loop3A_344 = vector.broadcast %parallel_loop3A_343 : i32 to vector<16xi32>
        %parallel_loop3A_345 = tpu.vector_load_idx %arg8[%add3A_132, %parallel_loop3A_344] : memref<200x64xf32, #tpu.memory_space<vmem>>[vector<16xi32>, vector<16xi32>], vector<16xf32>,
        %parallel_loop3A_346 = arith.mulf %parallel_loop3A_345, %get3A_135 : vector<16xf32>
        %parallel_loop3A_347 = arith.index_cast %parallel_loop3A_343 : i32 to index
        %parallel_loop3A_348 = arith.constant 128 : index
        %parallel_loop3A_349 = tpu.vector_load %arg10[%parallel_loop3A_347, %parallel_loop3A_348] {strides = array<i32>} : memref<64x208xf32, #tpu.memory_space<vmem>>, vector<16xf32>,
        tpu.vector_store %arg10[%parallel_loop3A_347, %parallel_loop3A_348], %parallel_loop3A_346 {strides = array<i32>} : memref<64x208xf32, #tpu.memory_space<vmem>>, vector<16xf32>,
      } {sc.loop_unroll_factor = 8 : i64, sc.parallel_access}
      %add3A_139 = arith.constant 144 : i32
      %add3A_140 = vector.broadcast %add3A_139 : i32 to vector<16xi32>
      %add3A_141 = arith.addi %iota3A, %add3A_140 : vector<16xi32>
      %get3A_142 = arith.index_cast %add3A_47 : i32 to index
      %get3A_143 = arith.constant 144 : index
      %get3A_144 = tpu.vector_load %arg7[%get3A_142, %get3A_143] {strides = array<i32>} : memref<128x208xf32, #tpu.memory_space<vmem>>, vector<16xf32>,
      %parallel_loop3A_145 = arith.constant 0 : i32
      %parallel_loop3A_146 = arith.constant 64 : i32
      %parallel_loop3A_147 = arith.constant 1 : i32
      scf.for %parallel_loop3A_343 = %parallel_loop3A_145 to %parallel_loop3A_146 step %parallel_loop3A_147  : i32 {
        %parallel_loop3A_344 = vector.broadcast %parallel_loop3A_343 : i32 to vector<16xi32>
        %parallel_loop3A_345 = tpu.vector_load_idx %arg8[%add3A_141, %parallel_loop3A_344] : memref<200x64xf32, #tpu.memory_space<vmem>>[vector<16xi32>, vector<16xi32>], vector<16xf32>,
        %parallel_loop3A_346 = arith.mulf %parallel_loop3A_345, %get3A_144 : vector<16xf32>
        %parallel_loop3A_347 = arith.index_cast %parallel_loop3A_343 : i32 to index
        %parallel_loop3A_348 = arith.constant 144 : index
        %parallel_loop3A_349 = tpu.vector_load %arg10[%parallel_loop3A_347, %parallel_loop3A_348] {strides = array<i32>} : memref<64x208xf32, #tpu.memory_space<vmem>>, vector<16xf32>,
        tpu.vector_store %arg10[%parallel_loop3A_347, %parallel_loop3A_348], %parallel_loop3A_346 {strides = array<i32>} : memref<64x208xf32, #tpu.memory_space<vmem>>, vector<16xf32>,
      } {sc.loop_unroll_factor = 8 : i64, sc.parallel_access}
      %add3A_148 = arith.constant 160 : i32
      %add3A_149 = vector.broadcast %add3A_148 : i32 to vector<16xi32>
      %add3A_150 = arith.addi %iota3A, %add3A_149 : vector<16xi32>
      %get3A_151 = arith.index_cast %add3A_47 : i32 to index
      %get3A_152 = arith.constant 160 : index
      %get3A_153 = tpu.vector_load %arg7[%get3A_151, %get3A_152] {strides = array<i32>} : memref<128x208xf32, #tpu.memory_space<vmem>>, vector<16xf32>,
      %parallel_loop3A_154 = arith.constant 0 : i32
      %parallel_loop3A_155 = arith.constant 64 : i32
      %parallel_loop3A_156 = arith.constant 1 : i32
      scf.for %parallel_loop3A_343 = %parallel_loop3A_154 to %parallel_loop3A_155 step %parallel_loop3A_156  : i32 {
        %parallel_loop3A_344 = vector.broadcast %parallel_loop3A_343 : i32 to vector<16xi32>
        %parallel_loop3A_345 = tpu.vector_load_idx %arg8[%add3A_150, %parallel_loop3A_344] : memref<200x64xf32, #tpu.memory_space<vmem>>[vector<16xi32>, vector<16xi32>], vector<16xf32>,
        %parallel_loop3A_346 = arith.mulf %parallel_loop3A_345, %get3A_153 : vector<16xf32>
        %parallel_loop3A_347 = arith.index_cast %parallel_loop3A_343 : i32 to index
        %parallel_loop3A_348 = arith.constant 160 : index
        %parallel_loop3A_349 = tpu.vector_load %arg10[%parallel_loop3A_347, %parallel_loop3A_348] {strides = array<i32>} : memref<64x208xf32, #tpu.memory_space<vmem>>, vector<16xf32>,
        tpu.vector_store %arg10[%parallel_loop3A_347, %parallel_loop3A_348], %parallel_loop3A_346 {strides = array<i32>} : memref<64x208xf32, #tpu.memory_space<vmem>>, vector<16xf32>,
      } {sc.loop_unroll_factor = 8 : i64, sc.parallel_access}
      %add3A_157 = arith.constant 176 : i32
      %add3A_158 = vector.broadcast %add3A_157 : i32 to vector<16xi32>
      %add3A_159 = arith.addi %iota3A, %add3A_158 : vector<16xi32>
      %get3A_160 = arith.index_cast %add3A_47 : i32 to index
      %get3A_161 = arith.constant 176 : index
      %get3A_162 = tpu.vector_load %arg7[%get3A_160, %get3A_161] {strides = array<i32>} : memref<128x208xf32, #tpu.memory_space<vmem>>, vector<16xf32>,
      %parallel_loop3A_163 = arith.constant 0 : i32
      %parallel_loop3A_164 = arith.constant 64 : i32
      %parallel_loop3A_165 = arith.constant 1 : i32
      scf.for %parallel_loop3A_343 = %parallel_loop3A_163 to %parallel_loop3A_164 step %parallel_loop3A_165  : i32 {
        %parallel_loop3A_344 = vector.broadcast %parallel_loop3A_343 : i32 to vector<16xi32>
        %parallel_loop3A_345 = tpu.vector_load_idx %arg8[%add3A_159, %parallel_loop3A_344] : memref<200x64xf32, #tpu.memory_space<vmem>>[vector<16xi32>, vector<16xi32>], vector<16xf32>,
        %parallel_loop3A_346 = arith.mulf %parallel_loop3A_345, %get3A_162 : vector<16xf32>
        %parallel_loop3A_347 = arith.index_cast %parallel_loop3A_343 : i32 to index
        %parallel_loop3A_348 = arith.constant 176 : index
        %parallel_loop3A_349 = tpu.vector_load %arg10[%parallel_loop3A_347, %parallel_loop3A_348] {strides = array<i32>} : memref<64x208xf32, #tpu.memory_space<vmem>>, vector<16xf32>,
        tpu.vector_store %arg10[%parallel_loop3A_347, %parallel_loop3A_348], %parallel_loop3A_346 {strides = array<i32>} : memref<64x208xf32, #tpu.memory_space<vmem>>, vector<16xf32>,
      } {sc.loop_unroll_factor = 8 : i64, sc.parallel_access}
      %add3A_166 = arith.constant 192 : i32
      %add3A_167 = vector.broadcast %add3A_166 : i32 to vector<16xi32>
      %add3A_168 = arith.addi %iota3A, %add3A_167 : vector<16xi32>
      %get3A_169 = arith.index_cast %add3A_47 : i32 to index
      %get3A_170 = arith.constant 192 : index
      %get3A_171 = tpu.vector_load %arg7[%get3A_169, %get3A_170] {strides = array<i32>} : memref<128x208xf32, #tpu.memory_space<vmem>>, vector<16xf32>,
      %parallel_loop3A_172 = arith.constant 0 : i32
      %parallel_loop3A_173 = arith.constant 64 : i32
      %parallel_loop3A_174 = arith.constant 1 : i32
      scf.for %parallel_loop3A_343 = %parallel_loop3A_172 to %parallel_loop3A_173 step %parallel_loop3A_174  : i32 {
        %parallel_loop3A_344 = vector.broadcast %parallel_loop3A_343 : i32 to vector<16xi32>
        %parallel_loop3A_345 = tpu.vector_load_idx %arg8[%add3A_168, %parallel_loop3A_344] : memref<200x64xf32, #tpu.memory_space<vmem>>[vector<16xi32>, vector<16xi32>], vector<16xf32>,
        %parallel_loop3A_346 = arith.mulf %parallel_loop3A_345, %get3A_171 : vector<16xf32>
        %parallel_loop3A_347 = arith.index_cast %parallel_loop3A_343 : i32 to index
        %parallel_loop3A_348 = arith.constant 192 : index
        %parallel_loop3A_349 = tpu.vector_load %arg10[%parallel_loop3A_347, %parallel_loop3A_348] {strides = array<i32>} : memref<64x208xf32, #tpu.memory_space<vmem>>, vector<16xf32>,
        tpu.vector_store %arg10[%parallel_loop3A_347, %parallel_loop3A_348], %parallel_loop3A_346 {strides = array<i32>} : memref<64x208xf32, #tpu.memory_space<vmem>>, vector<16xf32>,
      } {sc.loop_unroll_factor = 8 : i64, sc.parallel_access}
      %add3A_175 = arith.addi %mul3A_2, %add3A_47 : i32
      %dma_start3A_176 = arith.constant 0 : i32
      %dma_start3A_177 = arith.constant 0 : i32
      %dma_start3A_178 = tpu.memref_slice %arg10[%dma_start3A_176, %dma_start3A_177] : memref<64x208xf32, #tpu.memory_space<vmem>> -> memref<64x200xf32, #tpu.memory_space<vmem>>
      %dma_start3A_179 = arith.constant 0 : i32
      %dma_start3A_180 = arith.constant 0 : i32
      %dma_start3A_181 = tpu.memref_slice %arg5[%add3A_175, %dma_start3A_179, %dma_start3A_180] : memref<4096x64x200xf32, #tpu.memory_space<hbm>> -> memref<1x64x200xf32, #tpu.memory_space<hbm>>
      %dma_start3A_182 = tpu.memref_squeeze %dma_start3A_181 : memref<1x64x200xf32, #tpu.memory_space<hbm>> -> memref<64x200xf32, #tpu.memory_space<hbm>>
      %dma_start3A_183 = arith.constant 0 : i32
      %dma_start3A_184 = arith.constant 0 : i32
      %dma_start3A_185 = tpu.memref_slice %arg5[%add3A_175, %dma_start3A_183, %dma_start3A_184] : memref<4096x64x200xf32, #tpu.memory_space<hbm>> -> memref<1x64x200xf32, #tpu.memory_space<hbm>>
      %dma_start3A_186 = tpu.memref_squeeze %dma_start3A_185 : memref<1x64x200xf32, #tpu.memory_space<hbm>> -> memref<64x200xf32, #tpu.memory_space<hbm>>
      %dma_start3A_187 = arith.constant 0 : i32
      %dma_start3A_188 = arith.constant 0 : i32
      %dma_start3A_189 = tpu.memref_slice %arg10[%dma_start3A_187, %dma_start3A_188] : memref<64x208xf32, #tpu.memory_space<vmem>> -> memref<64x200xf32, #tpu.memory_space<vmem>>
      tpu.enqueue_dma source(%dma_start3A_189 : memref<64x200xf32, #tpu.memory_space<vmem>>) target(%dma_start3A_186 : memref<64x200xf32, #tpu.memory_space<hbm>>) target_semaphore(%arg14 : memref<!tpu.dma_semaphore, #tpu.memory_space<semaphore_mem>>)
      %mul3A_190 = arith.constant 2 : i32
      %mul3A_191 = arith.muli %scan3A_42, %mul3A_190 : i32
      %add3A_192 = arith.constant 1 : i32
      %add3A_193 = arith.addi %mul3A_191, %add3A_192 : i32
      %lt3A_194 = arith.constant 127 : i32
      %lt3A_195 = arith.cmpi slt, %add3A_193, %lt3A_194 : i32
      %convert_element_type3A_196 = arith.extui %lt3A_195 : i1 to i32
      %cond3A_197 = arith.constant 0 : i32
      %cond3A_198 = arith.cmpi ne, %convert_element_type3A_196, %cond3A_197 : i32
      scf.if %cond3A_198 {
        %add3A_343 = arith.constant 2 : i32
        %add3A_344 = arith.addi %add3A_193, %add3A_343 : i32
        %sub3A = arith.constant 1 : i32
        %sub3A_345 = arith.subi %add3A_344, %sub3A : i32
        %dma_start3A_346 = arith.constant 0 : i32
        %dma_start3A_347 = tpu.memref_slice %arg6[%sub3A_345, %dma_start3A_346] : memref<128x200xi32, #tpu.memory_space<vmem>> -> memref<1x200xi32, #tpu.memory_space<vmem>>
        %dma_start3A_348 = tpu.memref_squeeze %dma_start3A_347 : memref<1x200xi32, #tpu.memory_space<vmem>> -> memref<200xi32, #tpu.memory_space<vmem>>
        %dma_start3A_349 = arith.constant 0 : i32
        %dma_start3A_350 = arith.constant 0 : i32
        %dma_start3A_351 = tpu.memref_slice %arg4[%dma_start3A_349, %dma_start3A_350] : memref<1000000x64xf32, #tpu.memory_space<hbm>> -> memref<1000000x64xf32, #tpu.memory_space<hbm>>
        tpu.enqueue_indirect_dma source(%dma_start3A_351 : memref<1000000x64xf32, #tpu.memory_space<hbm>>) target(%arg8 : memref<200x64xf32, #tpu.memory_space<vmem>>) offsets(%dma_start3A_348 : memref<200xi32, #tpu.memory_space<vmem>>) semaphore(%arg12 : memref<!tpu.dma_semaphore, #tpu.memory_space<semaphore_mem>>)
      } else {
      }
      %dma_wait3A_199 = arith.constant 0 : i32
      %dma_wait3A_200 = tpu.memref_slice %arg6[%add3A_193, %dma_wait3A_199] : memref<128x200xi32, #tpu.memory_space<vmem>> -> memref<1x200xi32, #tpu.memory_space<vmem>>
      %dma_wait3A_201 = tpu.memref_squeeze %dma_wait3A_200 : memref<1x200xi32, #tpu.memory_space<vmem>> -> memref<200xi32, #tpu.memory_space<vmem>>
      %dma_wait3A_202 = arith.constant 0 : i32
      %dma_wait3A_203 = arith.constant 0 : i32
      %dma_wait3A_204 = tpu.memref_slice %arg4[%dma_wait3A_202, %dma_wait3A_203] : memref<1000000x64xf32, #tpu.memory_space<hbm>> -> memref<1000000x64xf32, #tpu.memory_space<hbm>>
      tpu.wait_indirect_dma semaphore(%arg13 : memref<!tpu.dma_semaphore, #tpu.memory_space<semaphore_mem>>) src(%dma_wait3A_204 : memref<1000000x64xf32, #tpu.memory_space<hbm>>) dst(%arg9 : memref<200x64xf32, #tpu.memory_space<vmem>>)
      %ge3A_205 = arith.constant 2 : i32
      %ge3A_206 = arith.cmpi sge, %add3A_193, %ge3A_205 : i32
      %convert_element_type3A_207 = arith.extui %ge3A_206 : i1 to i32
      %cond3A_208 = arith.constant 0 : i32
      %cond3A_209 = arith.cmpi ne, %convert_element_type3A_207, %cond3A_208 : i32
      scf.if %cond3A_209 {
        %add3A_343 = arith.addi %mul3A_2, %add3A_193 : i32
        %dma_wait3A_344 = arith.constant 0 : i32
        %dma_wait3A_345 = arith.constant 0 : i32
        %dma_wait3A_346 = tpu.memref_slice %arg11[%dma_wait3A_344, %dma_wait3A_345] : memref<64x208xf32, #tpu.memory_space<vmem>> -> memref<64x200xf32, #tpu.memory_space<vmem>>
        %dma_wait3A_347 = arith.constant 0 : i32
        %dma_wait3A_348 = arith.constant 0 : i32
        %dma_wait3A_349 = tpu.memref_slice %arg5[%add3A_343, %dma_wait3A_347, %dma_wait3A_348] : memref<4096x64x200xf32, #tpu.memory_space<hbm>> -> memref<1x64x200xf32, #tpu.memory_space<hbm>>
        %dma_wait3A_350 = tpu.memref_squeeze %dma_wait3A_349 : memref<1x64x200xf32, #tpu.memory_space<hbm>> -> memref<64x200xf32, #tpu.memory_space<hbm>>
        %dma_wait3A_351 = arith.constant 0 : i32
        %dma_wait3A_352 = arith.constant 0 : i32
        %dma_wait3A_353 = tpu.memref_slice %arg5[%add3A_343, %dma_wait3A_351, %dma_wait3A_352] : memref<4096x64x200xf32, #tpu.memory_space<hbm>> -> memref<1x64x200xf32, #tpu.memory_space<hbm>>
        %dma_wait3A_354 = tpu.memref_squeeze %dma_wait3A_353 : memref<1x64x200xf32, #tpu.memory_space<hbm>> -> memref<64x200xf32, #tpu.memory_space<hbm>>
        %dma_wait3A_355 = arith.constant 0 : i32
        %dma_wait3A_356 = arith.constant 0 : i32
        %dma_wait3A_357 = tpu.memref_slice %arg11[%dma_wait3A_355, %dma_wait3A_356] : memref<64x208xf32, #tpu.memory_space<vmem>> -> memref<64x200xf32, #tpu.memory_space<vmem>>
        tpu.wait_dma2 semaphore(%arg15 : memref<!tpu.dma_semaphore, #tpu.memory_space<semaphore_mem>>) src(%dma_wait3A_357 : memref<64x200xf32, #tpu.memory_space<vmem>>) dst(%dma_wait3A_354 : memref<64x200xf32, #tpu.memory_space<hbm>>)
      } else {
      }
      %add3A_210 = arith.constant 0 : i32
      %add3A_211 = vector.broadcast %add3A_210 : i32 to vector<16xi32>
      %add3A_212 = arith.addi %iota3A, %add3A_211 : vector<16xi32>
      %get3A_213 = arith.index_cast %add3A_193 : i32 to index
      %get3A_214 = arith.constant 0 : index
      %get3A_215 = tpu.vector_load %arg7[%get3A_213, %get3A_214] {strides = array<i32>} : memref<128x208xf32, #tpu.memory_space<vmem>>, vector<16xf32>,
      %parallel_loop3A_216 = arith.constant 0 : i32
      %parallel_loop3A_217 = arith.constant 64 : i32
      %parallel_loop3A_218 = arith.constant 1 : i32
      scf.for %parallel_loop3A_343 = %parallel_loop3A_216 to %parallel_loop3A_217 step %parallel_loop3A_218  : i32 {
        %parallel_loop3A_344 = vector.broadcast %parallel_loop3A_343 : i32 to vector<16xi32>
        %parallel_loop3A_345 = tpu.vector_load_idx %arg9[%add3A_212, %parallel_loop3A_344] : memref<200x64xf32, #tpu.memory_space<vmem>>[vector<16xi32>, vector<16xi32>], vector<16xf32>,
        %parallel_loop3A_346 = arith.mulf %parallel_loop3A_345, %get3A_215 : vector<16xf32>
        %parallel_loop3A_347 = arith.index_cast %parallel_loop3A_343 : i32 to index
        %parallel_loop3A_348 = arith.constant 0 : index
        %parallel_loop3A_349 = tpu.vector_load %arg11[%parallel_loop3A_347, %parallel_loop3A_348] {strides = array<i32>} : memref<64x208xf32, #tpu.memory_space<vmem>>, vector<16xf32>,
        tpu.vector_store %arg11[%parallel_loop3A_347, %parallel_loop3A_348], %parallel_loop3A_346 {strides = array<i32>} : memref<64x208xf32, #tpu.memory_space<vmem>>, vector<16xf32>,
      } {sc.loop_unroll_factor = 8 : i64, sc.parallel_access}
      %add3A_219 = arith.constant 16 : i32
      %add3A_220 = vector.broadcast %add3A_219 : i32 to vector<16xi32>
      %add3A_221 = arith.addi %iota3A, %add3A_220 : vector<16xi32>
      %get3A_222 = arith.index_cast %add3A_193 : i32 to index
      %get3A_223 = arith.constant 16 : index
      %get3A_224 = tpu.vector_load %arg7[%get3A_222, %get3A_223] {strides = array<i32>} : memref<128x208xf32, #tpu.memory_space<vmem>>, vector<16xf32>,
      %parallel_loop3A_225 = arith.constant 0 : i32
      %parallel_loop3A_226 = arith.constant 64 : i32
      %parallel_loop3A_227 = arith.constant 1 : i32
      scf.for %parallel_loop3A_343 = %parallel_loop3A_225 to %parallel_loop3A_226 step %parallel_loop3A_227  : i32 {
        %parallel_loop3A_344 = vector.broadcast %parallel_loop3A_343 : i32 to vector<16xi32>
        %parallel_loop3A_345 = tpu.vector_load_idx %arg9[%add3A_221, %parallel_loop3A_344] : memref<200x64xf32, #tpu.memory_space<vmem>>[vector<16xi32>, vector<16xi32>], vector<16xf32>,
        %parallel_loop3A_346 = arith.mulf %parallel_loop3A_345, %get3A_224 : vector<16xf32>
        %parallel_loop3A_347 = arith.index_cast %parallel_loop3A_343 : i32 to index
        %parallel_loop3A_348 = arith.constant 16 : index
        %parallel_loop3A_349 = tpu.vector_load %arg11[%parallel_loop3A_347, %parallel_loop3A_348] {strides = array<i32>} : memref<64x208xf32, #tpu.memory_space<vmem>>, vector<16xf32>,
        tpu.vector_store %arg11[%parallel_loop3A_347, %parallel_loop3A_348], %parallel_loop3A_346 {strides = array<i32>} : memref<64x208xf32, #tpu.memory_space<vmem>>, vector<16xf32>,
      } {sc.loop_unroll_factor = 8 : i64, sc.parallel_access}
      %add3A_228 = arith.constant 32 : i32
      %add3A_229 = vector.broadcast %add3A_228 : i32 to vector<16xi32>
      %add3A_230 = arith.addi %iota3A, %add3A_229 : vector<16xi32>
      %get3A_231 = arith.index_cast %add3A_193 : i32 to index
      %get3A_232 = arith.constant 32 : index
      %get3A_233 = tpu.vector_load %arg7[%get3A_231, %get3A_232] {strides = array<i32>} : memref<128x208xf32, #tpu.memory_space<vmem>>, vector<16xf32>,
      %parallel_loop3A_234 = arith.constant 0 : i32
      %parallel_loop3A_235 = arith.constant 64 : i32
      %parallel_loop3A_236 = arith.constant 1 : i32
      scf.for %parallel_loop3A_343 = %parallel_loop3A_234 to %parallel_loop3A_235 step %parallel_loop3A_236  : i32 {
        %parallel_loop3A_344 = vector.broadcast %parallel_loop3A_343 : i32 to vector<16xi32>
        %parallel_loop3A_345 = tpu.vector_load_idx %arg9[%add3A_230, %parallel_loop3A_344] : memref<200x64xf32, #tpu.memory_space<vmem>>[vector<16xi32>, vector<16xi32>], vector<16xf32>,
        %parallel_loop3A_346 = arith.mulf %parallel_loop3A_345, %get3A_233 : vector<16xf32>
        %parallel_loop3A_347 = arith.index_cast %parallel_loop3A_343 : i32 to index
        %parallel_loop3A_348 = arith.constant 32 : index
        %parallel_loop3A_349 = tpu.vector_load %arg11[%parallel_loop3A_347, %parallel_loop3A_348] {strides = array<i32>} : memref<64x208xf32, #tpu.memory_space<vmem>>, vector<16xf32>,
        tpu.vector_store %arg11[%parallel_loop3A_347, %parallel_loop3A_348], %parallel_loop3A_346 {strides = array<i32>} : memref<64x208xf32, #tpu.memory_space<vmem>>, vector<16xf32>,
      } {sc.loop_unroll_factor = 8 : i64, sc.parallel_access}
      %add3A_237 = arith.constant 48 : i32
      %add3A_238 = vector.broadcast %add3A_237 : i32 to vector<16xi32>
      %add3A_239 = arith.addi %iota3A, %add3A_238 : vector<16xi32>
      %get3A_240 = arith.index_cast %add3A_193 : i32 to index
      %get3A_241 = arith.constant 48 : index
      %get3A_242 = tpu.vector_load %arg7[%get3A_240, %get3A_241] {strides = array<i32>} : memref<128x208xf32, #tpu.memory_space<vmem>>, vector<16xf32>,
      %parallel_loop3A_243 = arith.constant 0 : i32
      %parallel_loop3A_244 = arith.constant 64 : i32
      %parallel_loop3A_245 = arith.constant 1 : i32
      scf.for %parallel_loop3A_343 = %parallel_loop3A_243 to %parallel_loop3A_244 step %parallel_loop3A_245  : i32 {
        %parallel_loop3A_344 = vector.broadcast %parallel_loop3A_343 : i32 to vector<16xi32>
        %parallel_loop3A_345 = tpu.vector_load_idx %arg9[%add3A_239, %parallel_loop3A_344] : memref<200x64xf32, #tpu.memory_space<vmem>>[vector<16xi32>, vector<16xi32>], vector<16xf32>,
        %parallel_loop3A_346 = arith.mulf %parallel_loop3A_345, %get3A_242 : vector<16xf32>
        %parallel_loop3A_347 = arith.index_cast %parallel_loop3A_343 : i32 to index
        %parallel_loop3A_348 = arith.constant 48 : index
        %parallel_loop3A_349 = tpu.vector_load %arg11[%parallel_loop3A_347, %parallel_loop3A_348] {strides = array<i32>} : memref<64x208xf32, #tpu.memory_space<vmem>>, vector<16xf32>,
        tpu.vector_store %arg11[%parallel_loop3A_347, %parallel_loop3A_348], %parallel_loop3A_346 {strides = array<i32>} : memref<64x208xf32, #tpu.memory_space<vmem>>, vector<16xf32>,
      } {sc.loop_unroll_factor = 8 : i64, sc.parallel_access}
      %add3A_246 = arith.constant 64 : i32
      %add3A_247 = vector.broadcast %add3A_246 : i32 to vector<16xi32>
      %add3A_248 = arith.addi %iota3A, %add3A_247 : vector<16xi32>
      %get3A_249 = arith.index_cast %add3A_193 : i32 to index
      %get3A_250 = arith.constant 64 : index
      %get3A_251 = tpu.vector_load %arg7[%get3A_249, %get3A_250] {strides = array<i32>} : memref<128x208xf32, #tpu.memory_space<vmem>>, vector<16xf32>,
      %parallel_loop3A_252 = arith.constant 0 : i32
      %parallel_loop3A_253 = arith.constant 64 : i32
      %parallel_loop3A_254 = arith.constant 1 : i32
      scf.for %parallel_loop3A_343 = %parallel_loop3A_252 to %parallel_loop3A_253 step %parallel_loop3A_254  : i32 {
        %parallel_loop3A_344 = vector.broadcast %parallel_loop3A_343 : i32 to vector<16xi32>
        %parallel_loop3A_345 = tpu.vector_load_idx %arg9[%add3A_248, %parallel_loop3A_344] : memref<200x64xf32, #tpu.memory_space<vmem>>[vector<16xi32>, vector<16xi32>], vector<16xf32>,
        %parallel_loop3A_346 = arith.mulf %parallel_loop3A_345, %get3A_251 : vector<16xf32>
        %parallel_loop3A_347 = arith.index_cast %parallel_loop3A_343 : i32 to index
        %parallel_loop3A_348 = arith.constant 64 : index
        %parallel_loop3A_349 = tpu.vector_load %arg11[%parallel_loop3A_347, %parallel_loop3A_348] {strides = array<i32>} : memref<64x208xf32, #tpu.memory_space<vmem>>, vector<16xf32>,
        tpu.vector_store %arg11[%parallel_loop3A_347, %parallel_loop3A_348], %parallel_loop3A_346 {strides = array<i32>} : memref<64x208xf32, #tpu.memory_space<vmem>>, vector<16xf32>,
      } {sc.loop_unroll_factor = 8 : i64, sc.parallel_access}
      %add3A_255 = arith.constant 80 : i32
      %add3A_256 = vector.broadcast %add3A_255 : i32 to vector<16xi32>
      %add3A_257 = arith.addi %iota3A, %add3A_256 : vector<16xi32>
      %get3A_258 = arith.index_cast %add3A_193 : i32 to index
      %get3A_259 = arith.constant 80 : index
      %get3A_260 = tpu.vector_load %arg7[%get3A_258, %get3A_259] {strides = array<i32>} : memref<128x208xf32, #tpu.memory_space<vmem>>, vector<16xf32>,
      %parallel_loop3A_261 = arith.constant 0 : i32
      %parallel_loop3A_262 = arith.constant 64 : i32
      %parallel_loop3A_263 = arith.constant 1 : i32
      scf.for %parallel_loop3A_343 = %parallel_loop3A_261 to %parallel_loop3A_262 step %parallel_loop3A_263  : i32 {
        %parallel_loop3A_344 = vector.broadcast %parallel_loop3A_343 : i32 to vector<16xi32>
        %parallel_loop3A_345 = tpu.vector_load_idx %arg9[%add3A_257, %parallel_loop3A_344] : memref<200x64xf32, #tpu.memory_space<vmem>>[vector<16xi32>, vector<16xi32>], vector<16xf32>,
        %parallel_loop3A_346 = arith.mulf %parallel_loop3A_345, %get3A_260 : vector<16xf32>
        %parallel_loop3A_347 = arith.index_cast %parallel_loop3A_343 : i32 to index
        %parallel_loop3A_348 = arith.constant 80 : index
        %parallel_loop3A_349 = tpu.vector_load %arg11[%parallel_loop3A_347, %parallel_loop3A_348] {strides = array<i32>} : memref<64x208xf32, #tpu.memory_space<vmem>>, vector<16xf32>,
        tpu.vector_store %arg11[%parallel_loop3A_347, %parallel_loop3A_348], %parallel_loop3A_346 {strides = array<i32>} : memref<64x208xf32, #tpu.memory_space<vmem>>, vector<16xf32>,
      } {sc.loop_unroll_factor = 8 : i64, sc.parallel_access}
      %add3A_264 = arith.constant 96 : i32
      %add3A_265 = vector.broadcast %add3A_264 : i32 to vector<16xi32>
      %add3A_266 = arith.addi %iota3A, %add3A_265 : vector<16xi32>
      %get3A_267 = arith.index_cast %add3A_193 : i32 to index
      %get3A_268 = arith.constant 96 : index
      %get3A_269 = tpu.vector_load %arg7[%get3A_267, %get3A_268] {strides = array<i32>} : memref<128x208xf32, #tpu.memory_space<vmem>>, vector<16xf32>,
      %parallel_loop3A_270 = arith.constant 0 : i32
      %parallel_loop3A_271 = arith.constant 64 : i32
      %parallel_loop3A_272 = arith.constant 1 : i32
      scf.for %parallel_loop3A_343 = %parallel_loop3A_270 to %parallel_loop3A_271 step %parallel_loop3A_272  : i32 {
        %parallel_loop3A_344 = vector.broadcast %parallel_loop3A_343 : i32 to vector<16xi32>
        %parallel_loop3A_345 = tpu.vector_load_idx %arg9[%add3A_266, %parallel_loop3A_344] : memref<200x64xf32, #tpu.memory_space<vmem>>[vector<16xi32>, vector<16xi32>], vector<16xf32>,
        %parallel_loop3A_346 = arith.mulf %parallel_loop3A_345, %get3A_269 : vector<16xf32>
        %parallel_loop3A_347 = arith.index_cast %parallel_loop3A_343 : i32 to index
        %parallel_loop3A_348 = arith.constant 96 : index
        %parallel_loop3A_349 = tpu.vector_load %arg11[%parallel_loop3A_347, %parallel_loop3A_348] {strides = array<i32>} : memref<64x208xf32, #tpu.memory_space<vmem>>, vector<16xf32>,
        tpu.vector_store %arg11[%parallel_loop3A_347, %parallel_loop3A_348], %parallel_loop3A_346 {strides = array<i32>} : memref<64x208xf32, #tpu.memory_space<vmem>>, vector<16xf32>,
      } {sc.loop_unroll_factor = 8 : i64, sc.parallel_access}
      %add3A_273 = arith.constant 112 : i32
      %add3A_274 = vector.broadcast %add3A_273 : i32 to vector<16xi32>
      %add3A_275 = arith.addi %iota3A, %add3A_274 : vector<16xi32>
      %get3A_276 = arith.index_cast %add3A_193 : i32 to index
      %get3A_277 = arith.constant 112 : index
      %get3A_278 = tpu.vector_load %arg7[%get3A_276, %get3A_277] {strides = array<i32>} : memref<128x208xf32, #tpu.memory_space<vmem>>, vector<16xf32>,
      %parallel_loop3A_279 = arith.constant 0 : i32
      %parallel_loop3A_280 = arith.constant 64 : i32
      %parallel_loop3A_281 = arith.constant 1 : i32
      scf.for %parallel_loop3A_343 = %parallel_loop3A_279 to %parallel_loop3A_280 step %parallel_loop3A_281  : i32 {
        %parallel_loop3A_344 = vector.broadcast %parallel_loop3A_343 : i32 to vector<16xi32>
        %parallel_loop3A_345 = tpu.vector_load_idx %arg9[%add3A_275, %parallel_loop3A_344] : memref<200x64xf32, #tpu.memory_space<vmem>>[vector<16xi32>, vector<16xi32>], vector<16xf32>,
        %parallel_loop3A_346 = arith.mulf %parallel_loop3A_345, %get3A_278 : vector<16xf32>
        %parallel_loop3A_347 = arith.index_cast %parallel_loop3A_343 : i32 to index
        %parallel_loop3A_348 = arith.constant 112 : index
        %parallel_loop3A_349 = tpu.vector_load %arg11[%parallel_loop3A_347, %parallel_loop3A_348] {strides = array<i32>} : memref<64x208xf32, #tpu.memory_space<vmem>>, vector<16xf32>,
        tpu.vector_store %arg11[%parallel_loop3A_347, %parallel_loop3A_348], %parallel_loop3A_346 {strides = array<i32>} : memref<64x208xf32, #tpu.memory_space<vmem>>, vector<16xf32>,
      } {sc.loop_unroll_factor = 8 : i64, sc.parallel_access}
      %add3A_282 = arith.constant 128 : i32
      %add3A_283 = vector.broadcast %add3A_282 : i32 to vector<16xi32>
      %add3A_284 = arith.addi %iota3A, %add3A_283 : vector<16xi32>
      %get3A_285 = arith.index_cast %add3A_193 : i32 to index
      %get3A_286 = arith.constant 128 : index
      %get3A_287 = tpu.vector_load %arg7[%get3A_285, %get3A_286] {strides = array<i32>} : memref<128x208xf32, #tpu.memory_space<vmem>>, vector<16xf32>,
      %parallel_loop3A_288 = arith.constant 0 : i32
      %parallel_loop3A_289 = arith.constant 64 : i32
      %parallel_loop3A_290 = arith.constant 1 : i32
      scf.for %parallel_loop3A_343 = %parallel_loop3A_288 to %parallel_loop3A_289 step %parallel_loop3A_290  : i32 {
        %parallel_loop3A_344 = vector.broadcast %parallel_loop3A_343 : i32 to vector<16xi32>
        %parallel_loop3A_345 = tpu.vector_load_idx %arg9[%add3A_284, %parallel_loop3A_344] : memref<200x64xf32, #tpu.memory_space<vmem>>[vector<16xi32>, vector<16xi32>], vector<16xf32>,
        %parallel_loop3A_346 = arith.mulf %parallel_loop3A_345, %get3A_287 : vector<16xf32>
        %parallel_loop3A_347 = arith.index_cast %parallel_loop3A_343 : i32 to index
        %parallel_loop3A_348 = arith.constant 128 : index
        %parallel_loop3A_349 = tpu.vector_load %arg11[%parallel_loop3A_347, %parallel_loop3A_348] {strides = array<i32>} : memref<64x208xf32, #tpu.memory_space<vmem>>, vector<16xf32>,
        tpu.vector_store %arg11[%parallel_loop3A_347, %parallel_loop3A_348], %parallel_loop3A_346 {strides = array<i32>} : memref<64x208xf32, #tpu.memory_space<vmem>>, vector<16xf32>,
      } {sc.loop_unroll_factor = 8 : i64, sc.parallel_access}
      %add3A_291 = arith.constant 144 : i32
      %add3A_292 = vector.broadcast %add3A_291 : i32 to vector<16xi32>
      %add3A_293 = arith.addi %iota3A, %add3A_292 : vector<16xi32>
      %get3A_294 = arith.index_cast %add3A_193 : i32 to index
      %get3A_295 = arith.constant 144 : index
      %get3A_296 = tpu.vector_load %arg7[%get3A_294, %get3A_295] {strides = array<i32>} : memref<128x208xf32, #tpu.memory_space<vmem>>, vector<16xf32>,
      %parallel_loop3A_297 = arith.constant 0 : i32
      %parallel_loop3A_298 = arith.constant 64 : i32
      %parallel_loop3A_299 = arith.constant 1 : i32
      scf.for %parallel_loop3A_343 = %parallel_loop3A_297 to %parallel_loop3A_298 step %parallel_loop3A_299  : i32 {
        %parallel_loop3A_344 = vector.broadcast %parallel_loop3A_343 : i32 to vector<16xi32>
        %parallel_loop3A_345 = tpu.vector_load_idx %arg9[%add3A_293, %parallel_loop3A_344] : memref<200x64xf32, #tpu.memory_space<vmem>>[vector<16xi32>, vector<16xi32>], vector<16xf32>,
        %parallel_loop3A_346 = arith.mulf %parallel_loop3A_345, %get3A_296 : vector<16xf32>
        %parallel_loop3A_347 = arith.index_cast %parallel_loop3A_343 : i32 to index
        %parallel_loop3A_348 = arith.constant 144 : index
        %parallel_loop3A_349 = tpu.vector_load %arg11[%parallel_loop3A_347, %parallel_loop3A_348] {strides = array<i32>} : memref<64x208xf32, #tpu.memory_space<vmem>>, vector<16xf32>,
        tpu.vector_store %arg11[%parallel_loop3A_347, %parallel_loop3A_348], %parallel_loop3A_346 {strides = array<i32>} : memref<64x208xf32, #tpu.memory_space<vmem>>, vector<16xf32>,
      } {sc.loop_unroll_factor = 8 : i64, sc.parallel_access}
      %add3A_300 = arith.constant 160 : i32
      %add3A_301 = vector.broadcast %add3A_300 : i32 to vector<16xi32>
      %add3A_302 = arith.addi %iota3A, %add3A_301 : vector<16xi32>
      %get3A_303 = arith.index_cast %add3A_193 : i32 to index
      %get3A_304 = arith.constant 160 : index
      %get3A_305 = tpu.vector_load %arg7[%get3A_303, %get3A_304] {strides = array<i32>} : memref<128x208xf32, #tpu.memory_space<vmem>>, vector<16xf32>,
      %parallel_loop3A_306 = arith.constant 0 : i32
      %parallel_loop3A_307 = arith.constant 64 : i32
      %parallel_loop3A_308 = arith.constant 1 : i32
      scf.for %parallel_loop3A_343 = %parallel_loop3A_306 to %parallel_loop3A_307 step %parallel_loop3A_308  : i32 {
        %parallel_loop3A_344 = vector.broadcast %parallel_loop3A_343 : i32 to vector<16xi32>
        %parallel_loop3A_345 = tpu.vector_load_idx %arg9[%add3A_302, %parallel_loop3A_344] : memref<200x64xf32, #tpu.memory_space<vmem>>[vector<16xi32>, vector<16xi32>], vector<16xf32>,
        %parallel_loop3A_346 = arith.mulf %parallel_loop3A_345, %get3A_305 : vector<16xf32>
        %parallel_loop3A_347 = arith.index_cast %parallel_loop3A_343 : i32 to index
        %parallel_loop3A_348 = arith.constant 160 : index
        %parallel_loop3A_349 = tpu.vector_load %arg11[%parallel_loop3A_347, %parallel_loop3A_348] {strides = array<i32>} : memref<64x208xf32, #tpu.memory_space<vmem>>, vector<16xf32>,
        tpu.vector_store %arg11[%parallel_loop3A_347, %parallel_loop3A_348], %parallel_loop3A_346 {strides = array<i32>} : memref<64x208xf32, #tpu.memory_space<vmem>>, vector<16xf32>,
      } {sc.loop_unroll_factor = 8 : i64, sc.parallel_access}
      %add3A_309 = arith.constant 176 : i32
      %add3A_310 = vector.broadcast %add3A_309 : i32 to vector<16xi32>
      %add3A_311 = arith.addi %iota3A, %add3A_310 : vector<16xi32>
      %get3A_312 = arith.index_cast %add3A_193 : i32 to index
      %get3A_313 = arith.constant 176 : index
      %get3A_314 = tpu.vector_load %arg7[%get3A_312, %get3A_313] {strides = array<i32>} : memref<128x208xf32, #tpu.memory_space<vmem>>, vector<16xf32>,
      %parallel_loop3A_315 = arith.constant 0 : i32
      %parallel_loop3A_316 = arith.constant 64 : i32
      %parallel_loop3A_317 = arith.constant 1 : i32
      scf.for %parallel_loop3A_343 = %parallel_loop3A_315 to %parallel_loop3A_316 step %parallel_loop3A_317  : i32 {
        %parallel_loop3A_344 = vector.broadcast %parallel_loop3A_343 : i32 to vector<16xi32>
        %parallel_loop3A_345 = tpu.vector_load_idx %arg9[%add3A_311, %parallel_loop3A_344] : memref<200x64xf32, #tpu.memory_space<vmem>>[vector<16xi32>, vector<16xi32>], vector<16xf32>,
        %parallel_loop3A_346 = arith.mulf %parallel_loop3A_345, %get3A_314 : vector<16xf32>
        %parallel_loop3A_347 = arith.index_cast %parallel_loop3A_343 : i32 to index
        %parallel_loop3A_348 = arith.constant 176 : index
        %parallel_loop3A_349 = tpu.vector_load %arg11[%parallel_loop3A_347, %parallel_loop3A_348] {strides = array<i32>} : memref<64x208xf32, #tpu.memory_space<vmem>>, vector<16xf32>,
        tpu.vector_store %arg11[%parallel_loop3A_347, %parallel_loop3A_348], %parallel_loop3A_346 {strides = array<i32>} : memref<64x208xf32, #tpu.memory_space<vmem>>, vector<16xf32>,
      } {sc.loop_unroll_factor = 8 : i64, sc.parallel_access}
      %add3A_318 = arith.constant 192 : i32
      %add3A_319 = vector.broadcast %add3A_318 : i32 to vector<16xi32>
      %add3A_320 = arith.addi %iota3A, %add3A_319 : vector<16xi32>
      %get3A_321 = arith.index_cast %add3A_193 : i32 to index
      %get3A_322 = arith.constant 192 : index
      %get3A_323 = tpu.vector_load %arg7[%get3A_321, %get3A_322] {strides = array<i32>} : memref<128x208xf32, #tpu.memory_space<vmem>>, vector<16xf32>,
      %parallel_loop3A_324 = arith.constant 0 : i32
      %parallel_loop3A_325 = arith.constant 64 : i32
      %parallel_loop3A_326 = arith.constant 1 : i32
      scf.for %parallel_loop3A_343 = %parallel_loop3A_324 to %parallel_loop3A_325 step %parallel_loop3A_326  : i32 {
        %parallel_loop3A_344 = vector.broadcast %parallel_loop3A_343 : i32 to vector<16xi32>
        %parallel_loop3A_345 = tpu.vector_load_idx %arg9[%add3A_320, %parallel_loop3A_344] : memref<200x64xf32, #tpu.memory_space<vmem>>[vector<16xi32>, vector<16xi32>], vector<16xf32>,
        %parallel_loop3A_346 = arith.mulf %parallel_loop3A_345, %get3A_323 : vector<16xf32>
        %parallel_loop3A_347 = arith.index_cast %parallel_loop3A_343 : i32 to index
        %parallel_loop3A_348 = arith.constant 192 : index
        %parallel_loop3A_349 = tpu.vector_load %arg11[%parallel_loop3A_347, %parallel_loop3A_348] {strides = array<i32>} : memref<64x208xf32, #tpu.memory_space<vmem>>, vector<16xf32>,
        tpu.vector_store %arg11[%parallel_loop3A_347, %parallel_loop3A_348], %parallel_loop3A_346 {strides = array<i32>} : memref<64x208xf32, #tpu.memory_space<vmem>>, vector<16xf32>,
      } {sc.loop_unroll_factor = 8 : i64, sc.parallel_access}
      %add3A_327 = arith.addi %mul3A_2, %add3A_193 : i32
      %dma_start3A_328 = arith.constant 0 : i32
      %dma_start3A_329 = arith.constant 0 : i32
      %dma_start3A_330 = tpu.memref_slice %arg11[%dma_start3A_328, %dma_start3A_329] : memref<64x208xf32, #tpu.memory_space<vmem>> -> memref<64x200xf32, #tpu.memory_space<vmem>>
      %dma_start3A_331 = arith.constant 0 : i32
      %dma_start3A_332 = arith.constant 0 : i32
      %dma_start3A_333 = tpu.memref_slice %arg5[%add3A_327, %dma_start3A_331, %dma_start3A_332] : memref<4096x64x200xf32, #tpu.memory_space<hbm>> -> memref<1x64x200xf32, #tpu.memory_space<hbm>>
      %dma_start3A_334 = tpu.memref_squeeze %dma_start3A_333 : memref<1x64x200xf32, #tpu.memory_space<hbm>> -> memref<64x200xf32, #tpu.memory_space<hbm>>
      %dma_start3A_335 = arith.constant 0 : i32
      %dma_start3A_336 = arith.constant 0 : i32
      %dma_start3A_337 = tpu.memref_slice %arg5[%add3A_327, %dma_start3A_335, %dma_start3A_336] : memref<4096x64x200xf32, #tpu.memory_space<hbm>> -> memref<1x64x200xf32, #tpu.memory_space<hbm>>
      %dma_start3A_338 = tpu.memref_squeeze %dma_start3A_337 : memref<1x64x200xf32, #tpu.memory_space<hbm>> -> memref<64x200xf32, #tpu.memory_space<hbm>>
      %dma_start3A_339 = arith.constant 0 : i32
      %dma_start3A_340 = arith.constant 0 : i32
      %dma_start3A_341 = tpu.memref_slice %arg11[%dma_start3A_339, %dma_start3A_340] : memref<64x208xf32, #tpu.memory_space<vmem>> -> memref<64x200xf32, #tpu.memory_space<vmem>>
      tpu.enqueue_dma source(%dma_start3A_341 : memref<64x200xf32, #tpu.memory_space<vmem>>) target(%dma_start3A_338 : memref<64x200xf32, #tpu.memory_space<hbm>>) target_semaphore(%arg15 : memref<!tpu.dma_semaphore, #tpu.memory_space<semaphore_mem>>)
      %scan3A_342 = arith.constant 0 : i32
      scf.yield %scan3A_342 : i32
    }
    %scan3A_14 = arith.constant 64 : i32
    %dma_wait3A = arith.constant 0 : i32
    %dma_wait3A_15 = arith.constant 0 : i32
    %dma_wait3A_16 = tpu.memref_slice %arg10[%dma_wait3A, %dma_wait3A_15] : memref<64x208xf32, #tpu.memory_space<vmem>> -> memref<64x200xf32, #tpu.memory_space<vmem>>
    %dma_wait3A_17 = arith.constant 0 : i32
    %dma_wait3A_18 = arith.constant 0 : i32
    %dma_wait3A_19 = tpu.memref_slice %arg5[%mul3A_2, %dma_wait3A_17, %dma_wait3A_18] : memref<4096x64x200xf32, #tpu.memory_space<hbm>> -> memref<1x64x200xf32, #tpu.memory_space<hbm>>
    %dma_wait3A_20 = tpu.memref_squeeze %dma_wait3A_19 : memref<1x64x200xf32, #tpu.memory_space<hbm>> -> memref<64x200xf32, #tpu.memory_space<hbm>>
    %dma_wait3A_21 = arith.constant 0 : i32
    %dma_wait3A_22 = arith.constant 0 : i32
    %dma_wait3A_23 = tpu.memref_slice %arg5[%mul3A_2, %dma_wait3A_21, %dma_wait3A_22] : memref<4096x64x200xf32, #tpu.memory_space<hbm>> -> memref<1x64x200xf32, #tpu.memory_space<hbm>>
    %dma_wait3A_24 = tpu.memref_squeeze %dma_wait3A_23 : memref<1x64x200xf32, #tpu.memory_space<hbm>> -> memref<64x200xf32, #tpu.memory_space<hbm>>
    %dma_wait3A_25 = arith.constant 0 : i32
    %dma_wait3A_26 = arith.constant 0 : i32
    %dma_wait3A_27 = tpu.memref_slice %arg10[%dma_wait3A_25, %dma_wait3A_26] : memref<64x208xf32, #tpu.memory_space<vmem>> -> memref<64x200xf32, #tpu.memory_space<vmem>>
    tpu.wait_dma2 semaphore(%arg14 : memref<!tpu.dma_semaphore, #tpu.memory_space<semaphore_mem>>) src(%dma_wait3A_27 : memref<64x200xf32, #tpu.memory_space<vmem>>) dst(%dma_wait3A_24 : memref<64x200xf32, #tpu.memory_space<hbm>>)
    %dma_wait3A_28 = arith.constant 0 : i32
    %dma_wait3A_29 = arith.constant 0 : i32
    %dma_wait3A_30 = tpu.memref_slice %arg11[%dma_wait3A_28, %dma_wait3A_29] : memref<64x208xf32, #tpu.memory_space<vmem>> -> memref<64x200xf32, #tpu.memory_space<vmem>>
    %dma_wait3A_31 = arith.constant 0 : i32
    %dma_wait3A_32 = arith.constant 0 : i32
    %dma_wait3A_33 = tpu.memref_slice %arg5[%mul3A_2, %dma_wait3A_31, %dma_wait3A_32] : memref<4096x64x200xf32, #tpu.memory_space<hbm>> -> memref<1x64x200xf32, #tpu.memory_space<hbm>>
    %dma_wait3A_34 = tpu.memref_squeeze %dma_wait3A_33 : memref<1x64x200xf32, #tpu.memory_space<hbm>> -> memref<64x200xf32, #tpu.memory_space<hbm>>
    %dma_wait3A_35 = arith.constant 0 : i32
    %dma_wait3A_36 = arith.constant 0 : i32
    %dma_wait3A_37 = tpu.memref_slice %arg5[%mul3A_2, %dma_wait3A_35, %dma_wait3A_36] : memref<4096x64x200xf32, #tpu.memory_space<hbm>> -> memref<1x64x200xf32, #tpu.memory_space<hbm>>
    %dma_wait3A_38 = tpu.memref_squeeze %dma_wait3A_37 : memref<1x64x200xf32, #tpu.memory_space<hbm>> -> memref<64x200xf32, #tpu.memory_space<hbm>>
    %dma_wait3A_39 = arith.constant 0 : i32
    %dma_wait3A_40 = arith.constant 0 : i32
    %dma_wait3A_41 = tpu.memref_slice %arg11[%dma_wait3A_39, %dma_wait3A_40] : memref<64x208xf32, #tpu.memory_space<vmem>> -> memref<64x200xf32, #tpu.memory_space<vmem>>
    tpu.wait_dma2 semaphore(%arg15 : memref<!tpu.dma_semaphore, #tpu.memory_space<semaphore_mem>>) src(%dma_wait3A_41 : memref<64x200xf32, #tpu.memory_space<vmem>>) dst(%dma_wait3A_38 : memref<64x200xf32, #tpu.memory_space<hbm>>)
    return
  }
}

</mosaic_0001>

<sc_bundles>
// kernel: _run.3.cloned.1.call-start
scs
__scs_entry_jumppad:
0x0: {  	(pc) =	sbr.rel $0x88, $3  }
0x1: {  	(tag) =	ssettag $0x0;
	lr =	simm.s32 $0x1  }
0x2: {  	[smem:$0x3F9E] =	sst lr;
	_ =	strace $0xD0000000  }
0x3: {  	_ = 	snop  }
0x4: {  	_ = 	snop  }
0x5: {  	_ = 	snop  }
0x6: {  	_ = 	snop  }
0x7: {  	_ = 	snop  }
__scs_overlays_trampoline_lowered:
0x8: {  	[smem:$0x3FAD] =	sst s0  }
0x9: {  	[smem:$0x3FAE] =	sst s1  }
0xa: {  	[smem:$0x3FAF] =	sst s2  }
0xb: {  	[smem:$0x3FB0] =	sst s3  }
0xc: {  	[smem:$0x3FB1] =	sst s4  }
0xd: {  	[smem:$0x3FB2] =	sst s5  }
0xe: {  	[smem:$0x3FB3] =	sst s6  }
0xf: {  	[smem:$0x3FB4] =	sst s7  }
0x10: {  	[smem:$0x3FB5] =	sst s8  }
0x11: {  	[smem:$0x3FB6] =	sst s9;
	s0 =	simm.s32 @!p0 $0x0  }
0x12: {  	s1 =	sld [smem:$0x3F9C];
	s0 =	simm.s32 @p0 $0x1  }
0x13: {  	[smem:$0x3FB7] =	sst s0;
	s0 =	simm.s32 @!p1 $0x0  }
0x14: {  	s2 =	sld [smem:$0x3F9B];
	s0 =	simm.s32 @p1 $0x1  }
0x15: {  	[smem:$0x3FB8] =	sst s0;
	s0 =	simm.s32 @!p2 $0x0  }
0x16: {  	s3 =	sld [smem:$0x3FDB];
	s0 =	simm.s32 @p2 $0x1  }
0x17: {  	s4 =	simm.s32 $0x1BF5;
	[smem:$0x3FBA] =	sst s0  }
0x18: {  	s0 =	sld [smem:$0x3F9D];
	_ =	swait.ge [sflag:s4], $0x0  }
0x19: {  	s7 =	sld [smem:$0x3F9E]  }
0x1a: {  	s8 =	sadd.s32 $0xFFFFE003, lr  }
0x1b: {  	s9 =	sadd.s32 $0xFFFFFEF7, lr;
	s5 =	simm.s32 $0xFFFFFFFF;
	p2 =	slt.u32 s8, $0xFFFFF086  }
0x1c: {  	p1 =	slt.u32 s9, $0xF7A;
	s5 =	simm.s32 @!p2 $0x0  }
0x1d: {  	s5 =	simm.s32 @p1 $0x1;
	p0 =	seq.s32 s7, s2  }
0x1e: {  	s7 =	smul.u32 @!p0 $0xF7A, s2;
	p2 =	seq.s32 @!p0 s5, $0x0  }
0x1f: {  	s9 =	smul.u32 $0xF7A, s1;
	s8 =	simm.s32 @!p0 $0x1BF5;
	p2 =	por !p2, p0  }
0x20: {  	[sflag:s8] =	ssyncset.s32 @!p0 $0xFFFFF086;
	s6 =	sadd.s32 @!p0 s3, s7;
	s7 =	simm.s32 @!p0 $0x108  }
0x21: {  	s3 =	sadd.s32 s3, s9;
	s6 =	sadd.s32 @!p0 $0x88, s6;
	s7 =	simm.s32 @p2 $0x1082  }
0x22: {  	[simem:s7], [sflag:s8] =	dma.local @!p0 [hbm:s6], $0xF7A  }
0x23: {  	s9 =	sor.u32 $0xD0000000, s2;
	s6 =	simm.s32 $0x108;
	_ =	swait.ge @!p0 [sflag:s8], $0x0  }
0x24: {  	s3 =	sadd.s32 $0x88, s3;
	s6 =	simm.s32 @!p1 $0x1082;
	[sflag:s4] =	ssyncset.s32 $0xFFFFF086  }
0x25: {  	[simem:s6], [sflag:s4] =	dma.local [hbm:s3], $0xF7A  }
0x26: {  	[smem:$0x3F9E] =	sst s1;
	(tag) =	ssettag s2;
	_ =	strace s9  }
0x27: {  	s1 =	sld [smem:$0x3FAE]  }
0x28: {  	s2 =	sld [smem:$0x3FAF]  }
0x29: {  	s4 =	sld [smem:$0x3FB1]  }
0x2a: {  	p0 =	seq.s32 s5, $0x0;
	s5 =	sld [smem:$0x3FB2]  }
0x2b: {  	s6 =	sld [smem:$0x3FB3]  }
0x2c: {  	s7 =	sld [smem:$0x3FB4]  }
0x2d: {  	s3 =	simm.s32 $0x108;
	s8 =	sld [smem:$0x3FB5]  }
0x2e: {  	s3 =	simm.s32 @!p0 $0x1082;
	s9 =	sld [smem:$0x3FB6]  }
0x2f: {  	lr =	sadd.s32 s0, s3;
	s0 =	sld [smem:$0x3FAD]  }
0x30: {  	s3 =	sld [smem:$0x3FB0]  }
0x31: {  	[smem:$0x3FB9] =	sst s10  }
0x32: {  	s10 =	sld [smem:$0x3FB7];
	_ =	sdelay $0x3  }
0x33: {  	p0 =	seq.s32 s10, $0x1;
	s10 =	sld [smem:$0x3FB9];
	_ =	sdelay $0x3  }
0x34: {  	[smem:$0x3FB9] =	sst s10  }
0x35: {  	s10 =	sld [smem:$0x3FB8];
	_ =	sdelay $0x3  }
0x36: {  	p1 =	seq.s32 s10, $0x1;
	s10 =	sld [smem:$0x3FB9];
	_ =	sdelay $0x3  }
0x37: {  	[smem:$0x3FB9] =	sst s10  }
0x38: {  	s10 =	sld [smem:$0x3FBA]  }
0x39: {  	_ = 	snop;
	(pc) =	sbr.ind lr, $3  }
0x3a: {  	_ = 	snop  }
0x3b: {  	_ = 	snop  }
0x3c: {  	p2 =	seq.s32 s10, $0x1;
	s10 =	sld [smem:$0x3FB9]  }
0x3d: {  	_ =	shalt  }
0x3e: {  	_ =	shalt  }
0x3f: {  	_ =	shalt  }
0x40: {  	_ =	shalt  }
0x41: {  	_ =	shalt  }
0x42: {  	_ =	shalt  }
0x43: {  	_ =	shalt  }
0x44: {  	_ =	shalt  }
0x45: {  	_ =	shalt  }
0x46: {  	_ =	shalt  }
0x47: {  	_ =	shalt  }
0x48: {  	_ =	shalt  }
0x49: {  	_ =	shalt  }
0x4a: {  	_ =	shalt  }
0x4b: {  	_ =	shalt  }
0x4c: {  	_ =	shalt  }
0x4d: {  	_ =	shalt  }
0x4e: {  	_ =	shalt  }
0x4f: {  	_ =	shalt  }
0x50: {  	_ =	shalt  }
0x51: {  	_ =	shalt  }
0x52: {  	_ =	shalt  }
0x53: {  	_ =	shalt  }
0x54: {  	_ =	shalt  }
0x55: {  	_ =	shalt  }
0x56: {  	_ =	shalt  }
0x57: {  	_ =	shalt  }
0x58: {  	_ =	shalt  }
0x59: {  	_ =	shalt  }
0x5a: {  	_ =	shalt  }
0x5b: {  	_ =	shalt  }
0x5c: {  	_ =	shalt  }
0x5d: {  	_ =	shalt  }
0x5e: {  	_ =	shalt  }
0x5f: {  	_ =	shalt  }
0x60: {  	_ =	shalt  }
0x61: {  	_ =	shalt  }
0x62: {  	_ =	shalt  }
0x63: {  	_ =	shalt  }
0x64: {  	_ =	shalt  }
0x65: {  	_ =	shalt  }
0x66: {  	_ =	shalt  }
0x67: {  	_ =	shalt  }
0x68: {  	_ =	shalt  }
0x69: {  	_ =	shalt  }
0x6a: {  	_ =	shalt  }
0x6b: {  	_ =	shalt  }
0x6c: {  	_ =	shalt  }
0x6d: {  	_ =	shalt  }
0x6e: {  	_ =	shalt  }
0x6f: {  	_ =	shalt  }
0x70: {  	_ =	shalt  }
0x71: {  	_ =	shalt  }
0x72: {  	_ =	shalt  }
0x73: {  	_ =	shalt  }
0x74: {  	_ =	shalt  }
0x75: {  	_ =	shalt  }
0x76: {  	_ =	shalt  }
0x77: {  	_ =	shalt  }
0x78: {  	_ =	shalt  }
0x79: {  	_ =	shalt  }
0x7a: {  	_ =	shalt  }
0x7b: {  	_ =	shalt  }
0x7c: {  	_ =	shalt  }
0x7d: {  	_ =	shalt  }
0x7e: {  	_ =	shalt  }
0x7f: {  	_ =	shalt  }
0x80: {  	_ =	shalt  }
0x81: {  	_ =	shalt  }
0x82: {  	_ =	shalt  }
0x83: {  	_ =	shalt  }
0x84: {  	_ =	shalt  }
0x85: {  	_ =	shalt  }
0x86: {  	_ =	shalt  }
0x87: {  	_ =	shalt  }
.Lfunc_end0:
.L_simem_size_0:
called_computation.1_lowered:
.L_overlay_start_0:
0x88: {  	s2 =	sld [smem:$0x3FD9]  }
0x89: {  	s3 =	sld [smem:$0x3FFE];
	_ =	sdelay $0x1  }
0x8a: {  	s1 =	srdreg.scid  }
0x8b: {  	s0 =	sand.u32 $0x1, s1  }
0x8c: {  	s17 =	sshll.u32 s0, $0xA;
	s2 =	sadd.s32 s3, s2  }
0x8d: {  	s2 =	sadd.s32 s2, s17  }
0x8e: {  	[smem:$0x3FC5] =	sst s2  }
0x8f: {  	_ = 	snop  }
0x90: {  	s2 =	sld [smem:$0x3FD0];
	(tm) =	ssettm $0x1  }
0x91: {  	s18 =	sld [smem:$0x3FFB];
	_ =	sdelay $0x3  }
0x92: {  	_ =	strace s18  }
0x93: {  	s3 =	sld [smem:$0x3FFC];
	_ =	sdelay $0x3  }
0x94: {  	_ =	strace s3  }
0x95: {  	s3 =	sld [smem:$0x3FFD];
	_ =	sdelay $0x3  }
0x96: {  	_ =	strace s3  }
0x97: {  	_ =	strace $0x8FFFFFFF  }
0x98: {  	s19 =	sld [smem:$0x3FDB];
	_ =	sdelay $0x1  }
0x99: {  	s4 =	simm.s32 $_scs_section_size  }
0x9a: {  	s5 =	simm.s32 $_size__tile_overlayer_lowered;
	s6 =	simm.s32 $_tile_overlayer_lowered  }
0x9b: {  	s22 =	simm.s32 $0x1BFF;
	s21 =	sshll.u32 s6, $0x1;
	s3 =	sadd.s32 s4, s19  }
0x9c: {  	s7 =	simm.s32 $0x0;
	s20 =	sshll.u32 s5, $0x1;
	s5 =	sadd.s32 s21, s3  }
0x9d: {  	[timem:s7], [sflag:s22] =	dma.local [hbm:s5], s20  }
0x9e: {  	_ =	swait.ge [sflag:s22], s20  }
0x9f: {  	s4 =	ssub.s32 $0x0, s20;
	[sflag:s22] =	ssyncset.done $0x0  }
0xa0: {  	[sflag:s22] =	ssyncadd.s32 s4;
	_ =	sdelay $0x1  }
0xa1: {  	s23 =	simm.s32 $0x1B8B  }
0xa2: {  	_ =	swait.ge [sflag:s23], $0x1  }
0xa3: {  	[sflag:s23] =	ssyncset.done $0x0  }
0xa4: {  	s25 =	simm.s32 $0x1B8E;
	s24 =	sld [smem:$0x3FFE];
	[sflag:s23] =	ssyncadd.s32 $0xFFFFFFFF  }
0xa5: {  	s26 =	simm.s32 $execute0_lowered;
	[smem:$0x3FD2] =	sst s25  }
0xa6: {  	s5 =	sshll.u32 s26, $0x1;
	_ =	strace $0x80000046;
	[dreg:$0x1] =	wrdreg $0xFFFFFFFF  }
0xa7: {  	s28 =	simm.s32 $_size_execute0_lowered;
	s3 =	sadd.s32 s3, s5;
	[dreg:$0x0] =	wrdreg $0x0  }
0xa8: {  	s5 =	sshll.u32 s28, $0x1;
	[dreg:$0x2] =	wrdreg s3  }
0xa9: {  	[dreg:$0x3] =	wrdreg s5  }
0xaa: {  	[dreg:$0x4] =	wrdreg $0xC0  }
0xab: {  	_ =	task [dreg:s7], $0x5FFFF  }
0xac: {  	[dreg:$0x1] =	wrdreg $0xFFFFFFFF  }
0xad: {  	[dreg:$0x0] =	wrdreg $0x60  }
0xae: {  	[dreg:$0x2] =	wrdreg s24  }
0xaf: {  	[dreg:$0x3] =	wrdreg s2  }
0xb0: {  	[dreg:$0x4] =	wrdreg $0x9  }
0xb1: {  	_ =	task.clear_ibuf [dreg:s7], $0x5FFFF;
	_ =	strace $0x90000046  }
0xb2: {  	s29 =	simm.s32 $0x9;
	_ =	strace $0x80000048  }
0xb3: {  	_ =	swait.ge [sflag:s29], $0x1  }
0xb4: {  	[sflag:s29] =	ssyncadd.s32 $0xFFFFFFFF  }
0xb5: {  	_ =	strace $0x90000048  }
0xb6: {  	_ =	sfence  }
0xb7: {  	s30 =	sld [smem:$0x0];
	_ =	sdelay $0x2  }
0xb8: {  	s31 =	sshll.u32 s1, $0xD;
	s1 =	sshrl.u32 s1, $0x2  }
0xb9: {  	s3 =	sand.u32 $0x4000, s31;
	s1 =	sadd.s32 s1, s30  }
0xba: {  	s0 =	sor.u32 s3, s0;
	s1 =	sshll.u32 s1, $0x11  }
0xbb: {  	s0 =	sor.u32 s1, s0  }
0xbc: {  	s0 =	sadd.s32 $0x8F2B, s0  }
0xbd: {  	[sflag:s0] =	ssyncadd.remote.s32 $0x1  }
0xbe: {  	_ =	sfence.sel $0xFFFF  }
0xbf: {  	[dreg:$0x0] =	wrdreg $0xFFFFFFFF;
	(pc) =	sbr.abs _section_cstart, $3  }
0xc0: {  	[dreg:$0x1] =	wrdreg $0xFFFFFFFF  }
0xc1: {  	_ =	task.clear_ibuf [dreg:s7], $0x2FFFF;
	_ =	strace $0x9FFFFFFF  }
0xc2: {  	(tm) =	ssettm $0x7FFFFFFF  }
0xc3: {  	_ =	shalt  }
tec
execute0_lowered:
.L_overlay_start_1:
0x0: {  	(tag) =	ssettag $0x1  }
0x1: {  	v0 =	vlaneseq.u32  }
0x2: {  	v3 =	vmul.u32 $0x40, v0;
	_ =	sdelay $0x1  }
0x3: {  	v0 =	vor.u32 $0x407, v3  }
0x4: {  	[tilespmem:$0x1FC20] =	vst v0;
	v0 =	vor.u32 $0x807, v3  }
0x5: {  	[tilespmem:$0x1FC30] =	vst v0;
	v0 =	vor.u32 $0xC00, v3  }
0x6: {  	[tilespmem:$0x1FC40] =	vst v0;
	v0 =	vor.u32 $0xC01, v3  }
0x7: {  	s5 =	rddreg [dreg:$0x0];
	[tilespmem:$0x1FC50] =	vst v0;
	v0 =	vor.u32 $0x1000, v3  }
0x8: {  	s2 =	rddreg [dreg:$0x1];
	s3 =	simm.s32 $0x0;
	[tilespmem:$0x1FC60] =	vst v0;
	v0 =	vor.u32 $0x1400, v3  }
0x9: {  	s1 =	srdreg.scid;
	[smem:$0x7FF] =	sst s3;
	[tilespmem:$0x1FC70] =	vst v0;
	v0 =	vor.u32 $0x1407, v3  }
0xa: {  	s6 =	sand.u32 $0x1, s1;
	s1 =	rddreg [dreg:$0x2];
	v2 =	vor.u32 $0x1802, v3;
	_ =	strace $0x80000047;
	[tilespmem:$0x1FC80] =	vst v0  }
0xb: {  	[tilespmem:$0x1FC90] =	vst v2  }
0xc: {  	v20 =	vor.u32 $0x1, v3;
	[tilespmem:$0x1FD00] =	vst v3  }
0xd: {  	v21 =	vor.u32 $0x3, v3;
	[tilespmem:$0x1FD20] =	vst v20  }
0xe: {  	v22 =	vor.u32 $0x4, v3;
	[tilespmem:$0x1FD30] =	vst v21  }
0xf: {  	v23 =	vor.u32 $0x5, v3;
	[tilespmem:$0x1FD40] =	vst v22  }
0x10: {  	v24 =	vor.u32 $0x6, v3;
	[tilespmem:$0x1FD50] =	vst v23  }
0x11: {  	v25 =	vor.u32 $0x7, v3;
	[tilespmem:$0x1FD60] =	vst v24  }
0x12: {  	v59 =	vor.u32 $0x400, v3;
	[tilespmem:$0x1FD70] =	vst v25  }
0x13: {  	v61 =	vor.u32 $0x401, v3;
	[tilespmem:$0x1FD80] =	vst v59  }
0x14: {  	v26 =	vor.u32 $0x402, v3;
	[tilespmem:$0x1FD90] =	vst v61  }
0x15: {  	v27 =	vor.u32 $0x403, v3;
	[tilespmem:$0x1FDA0] =	vst v26  }
0x16: {  	v28 =	vor.u32 $0x404, v3;
	[tilespmem:$0x1FDB0] =	vst v27  }
0x17: {  	v29 =	vor.u32 $0x405, v3;
	[tilespmem:$0x1FDC0] =	vst v28  }
0x18: {  	v30 =	vor.u32 $0x406, v3;
	[tilespmem:$0x1FDD0] =	vst v29  }
0x19: {  	v60 =	vor.u32 $0x800, v3;
	[tilespmem:$0x1FDE0] =	vst v30  }
0x1a: {  	v31 =	vor.u32 $0x801, v3;
	[tilespmem:$0x1FDF0] =	vst v60  }
0x1b: {  	v32 =	vor.u32 $0x802, v3;
	[tilespmem:$0x1FE00] =	vst v31  }
0x1c: {  	v33 =	vor.u32 $0x803, v3;
	[tilespmem:$0x1FE10] =	vst v32  }
0x1d: {  	v34 =	vor.u32 $0x804, v3;
	[tilespmem:$0x1FE20] =	vst v33  }
0x1e: {  	v35 =	vor.u32 $0x805, v3;
	[tilespmem:$0x1FE30] =	vst v34  }
0x1f: {  	v36 =	vor.u32 $0x806, v3;
	[tilespmem:$0x1FE40] =	vst v35  }
0x20: {  	v37 =	vor.u32 $0xC02, v3;
	[tilespmem:$0x1FE50] =	vst v36  }
0x21: {  	v38 =	vor.u32 $0xC03, v3;
	[tilespmem:$0x1FE60] =	vst v37  }
0x22: {  	v39 =	vor.u32 $0xC04, v3;
	[tilespmem:$0x1FE70] =	vst v38  }
0x23: {  	v40 =	vor.u32 $0xC05, v3;
	[tilespmem:$0x1FE80] =	vst v39  }
0x24: {  	v41 =	vor.u32 $0xC06, v3;
	[tilespmem:$0x1FE90] =	vst v40  }
0x25: {  	v54 =	vor.u32 $0xC07, v3;
	[tilespmem:$0x1FEA0] =	vst v41  }
0x26: {  	v42 =	vor.u32 $0x1001, v3;
	[tilespmem:$0x1FEB0] =	vst v54  }
0x27: {  	v43 =	vor.u32 $0x1002, v3;
	[tilespmem:$0x1FEC0] =	vst v42  }
0x28: {  	v44 =	vor.u32 $0x1003, v3;
	[tilespmem:$0x1FED0] =	vst v43  }
0x29: {  	v45 =	vor.u32 $0x1004, v3;
	[tilespmem:$0x1FEE0] =	vst v44  }
0x2a: {  	v46 =	vor.u32 $0x1005, v3;
	[tilespmem:$0x1FEF0] =	vst v45  }
0x2b: {  	v47 =	vor.u32 $0x1006, v3;
	[tilespmem:$0x1FF00] =	vst v46  }
0x2c: {  	v55 =	vor.u32 $0x1007, v3;
	[tilespmem:$0x1FF10] =	vst v47  }
0x2d: {  	v56 =	vor.u32 $0x1401, v3;
	[tilespmem:$0x1FF20] =	vst v55  }
0x2e: {  	v48 =	vor.u32 $0x1402, v3;
	[tilespmem:$0x1FF30] =	vst v56  }
0x2f: {  	v49 =	vor.u32 $0x1403, v3;
	[tilespmem:$0x1FF40] =	vst v48  }
0x30: {  	v50 =	vor.u32 $0x1404, v3;
	[tilespmem:$0x1FF50] =	vst v49  }
0x31: {  	v51 =	vor.u32 $0x1405, v3;
	[tilespmem:$0x1FF60] =	vst v50  }
0x32: {  	v52 =	vor.u32 $0x1406, v3;
	[tilespmem:$0x1FF70] =	vst v51  }
0x33: {  	v53 =	vor.u32 $0x1801, v3;
	[tilespmem:$0x1FF80] =	vst v52  }
0x34: {  	v58 =	vor.u32 $0x1806, v3;
	[tilespmem:$0x1FFA0] =	vst v53  }
0x35: {  	v62 =	vor.u32 $0x1C00, v3;
	[tilespmem:$0x1FFB0] =	vst v58  }
0x36: {  	v63 =	vor.u32 $0x1C01, v3;
	[tilespmem:$0x1FFC0] =	vst v62  }
0x37: {  	v57 =	vor.u32 $0x1C02, v3;
	[tilespmem:$0x1FFD0] =	vst v63  }
0x38: {  	v18 =	vor.u32 $0x2, v3;
	[tilespmem:$0x1FFE0] =	vst v57  }
0x39: {  	v2 =	vor.u32 $0x1803, v3;
	[tilespmem:$0x1FFF0] =	vst v18  }
0x3a: {  	s0 =	stileid.u32;
	v0 =	vor.u32 $0x1800, v3;
	[tilespmem:$0x1FCA0] =	vst v2  }
0x3b: {  	s9 =	simm.s32 $0x5;
	s10 =	simm.s32 $0xC8;
	s11 =	simm.s32 $0xCC00;
	v2 =	vor.u32 $0x1804, v3;
	[tilespmem:$0x1FF90] =	vst v0  }
0x3c: {  	s12 =	simm.s32 $0xFE00;
	s4 =	sshll.u32 s0, $0x8;
	s7 =	sshll.u32 s6, $0x7;
	[tilespmem:$0x1FCB0] =	vst v2;
	v2 =	vor.u32 $0x1805, v3  }
0x3d: {  	s13 =	simm.s32 $0x1;
	s6 =	ssub.s32 $0x2, s6;
	s4 =	sor.u32 s7, s4;
	[tilespmem:$0x1FCC0] =	vst v2;
	v2 =	vor.u32 $0x1807, v3  }
0x3e: {  	s14 =	simm.s32 $0x2;
	s8 =	sshrl.u32 s6, $0x1;
	s7 =	smul.u32 $0x19, s4;
	[tilespmem:$0x1FCD0] =	vst v2;
	v2 =	vor.u32 $0x1C03, v3  }
0x3f: {  	s15 =	simm.s32 $0x3;
	s16 =	simm.s32 $0x4;
	s8 =	ssub.s32 s6, s8;
	[tilespmem:$0x1FCE0] =	vst v2;
	v2 =	vor.u32 $0x1C04, v3  }
0x40: {  	v1 =	vimm.s32 $0x0;
	vm0 =	vcmask $0x300;
	s17 =	simm.s32 $0x0;
	s8 =	smax.u32 s8, $0x1;
	s7 =	sadd.s32 s7, s5;
	[tilespmem:$0x1FCF0] =	vst v2;
	v2 =	vor.u32 $0x1C05, v3  }
0x41: {  	v1 =	vsel vm0, $0x3, v1;
	s5 =	sadd.s32 $0xF43000, s5;
	s6 =	sadd.s32 $0x19C00, s7;
	s7 =	sadd.s32 $0xC00, s7;
	[tilespmem:$0x1FD10] =	vst v2  }
.LBB2_1:
0x42: {  	[tilespmem:s3], [sflag:$0x5] =	stream.linear.gather [hbm4b:s6+s3], $0x6400, $0x38;
	[tilespmem:$0x19800] =	vst v63  }
0x43: {  	_ =	swait.ge [sflag:s9], $0x6400  }
0x44: {  	s18 =	simm.s32 $0x6400;
	s19 =	simm.s32 $0x19;
	[sflag:s9] =	ssyncset.done $0x0  }
0x45: {  	s21 =	sadd.s32 $0x0, s7;
	s20 =	simm.s32 $0x64D0;
	[sflag:s9] =	ssyncadd.s32 $0xFFFF9C00  }
.LBB2_2:
0x46: {  	[tilespmem:s18], [sflag:$0x5] =	stream.linear.gather [hbm4b:s21+s3], $0xC8, $0x38;
	[tilespmem:$0x19800] =	vst v63  }
0x47: {  	s21 =	smov.u32 s19;
	s18 =	smov.u32 s20;
	p0 =	sne.s32 s19, $0xC67  }
.Ltmp0:
0x48: {  	s19 =	sadd.s32 $0x19, s19;
	(pc) =	sbr.rel @p0 .LBB2_2-.Ltmp0, $2  }
0x49: {  	_ =	sdelay $0x2  }
0x4a: {  	s20 =	sadd.s32 $0xD0, s20;
	s21 =	sadd.s32 s21, s7  }
0x4b: {  	[tilespmem:s18], [sflag:$0x5] =	stream.linear.gather [hbm4b:s21+s3], $0xC8, $0x38;
	[tilespmem:$0x19800] =	vst v63  }
0x4c: {  	_ =	swait.ge [sflag:s9], $0x6400  }
0x4d: {  	[sflag:s9] =	ssyncset.done $0x0  }
0x4e: {  	s18 =	simm.s32 $0x0;
	s19 =	simm.s32 $0x0;
	[sflag:s9] =	ssyncadd.s32 $0xFFFF9C00  }
0x4f: {  	[tilespmem:s11], [sflag:$0x1] =	stream.indirect.gather [hbm4b:s5+s10], $0x40, s18, s10, $0xb8;
	[tilespmem:$0x19800] =	vst v63  }
.LBB2_4:
0x50: {  	s20 =	smul.u32 $0x640, s19;
	v2 =	vmov s18;
	s21 =	simm.s32 $0x1  }
0x51: {  	s22 =	simm.s32 $0x2;
	s23 =	simm.s32 $0x3;
	s24 =	simm.s32 $0x4;
	v2 =	vshrl.u32 v2, $0x3  }
0x52: {  	s29 =	simm.s32 $0x5;
	s30 =	simm.s32 $0x6;
	s25 =	simm.s32 $0x8;
	v3 =	vmov s21;
	v4 =	vmov s22;
	v5 =	vmov s23  }
0x53: {  	s26 =	simm.s32 $0x7;
	s28 =	simm.s32 $0x9;
	v6 =	vmov s24;
	v7 =	vmov s29;
	v8 =	vmov s30;
	s21 =	sshra.s32 s20, $0x2  }
0x54: {  	v10 =	vmov s25;
	v11 =	vor.u32 s26, v25;
	v12 =	vmov s28;
	s31 =	sadd.s32 $0xC8, s21  }
0x55: {  	v2 =	vshll.u32 v2, v1;
	v3 =	vshrl.u32 v3, $0x3;
	v8 =	vshrl.u32 v8, $0x3;
	[tilespmem:s12], [sflag:$0x2] =	stream.indirect.gather [hbm4b:s5+s10], $0x40, s31, s10, $0xb8;
	[tilespmem:$0x19800] =	vst v63  }
0x56: {  	v4 =	vshrl.u32 v4, $0x3;
	v5 =	vshrl.u32 v5, $0x3;
	v8 =	vshll.u32 v8, v1;
	_ =	swait.ge [sflag:s13], $0x3200  }
0x57: {  	p0 =	seq.s32 s19, $0x0;
	v6 =	vshrl.u32 v6, $0x3;
	v3 =	vshll.u32 v3, v1;
	v8 =	vbroadcast v8, $0x0;
	[sflag:s13] =	ssyncset.done $0x0  }
0x58: {  	v7 =	vshrl.u32 v7, $0x3;
	s20 =	simm.s32 @!p0 $0x3;
	v4 =	vshll.u32 v4, v1;
	v3 =	vbroadcast v3, $0x0;
	[sflag:s13] =	ssyncadd.s32 $0xFFFFCE00  }
0x59: {  	v5 =	vshll.u32 v5, v1;
	v4 =	vbroadcast v4, $0x0;
	v8 =	vor.u32 v24, v8;
	_ =	swait.ge @!p0 [sflag:s20], $0x3200  }
0x5a: {  	s24 =	smul.u32 $0x680, s19;
	v6 =	vshll.u32 v6, v1;
	v5 =	vbroadcast v5, $0x0;
	v3 =	vor.u32 v20, v3;
	v61 =	vld [tilespmem:$0x1FD00]  }
0x5b: {  	v7 =	vshll.u32 v7, v1;
	v6 =	vbroadcast v6, $0x0;
	v4 =	vor.u32 v18, v4;
	[sflag:s20] =	ssyncset.done @!p0 $0x0  }
0x5c: {  	s29 =	simm.s32 $0xA;
	v10 =	vshrl.u32 v10, $0x3;
	s22 =	sshra.s32 s24, $0x2;
	v7 =	vbroadcast v7, $0x0;
	v5 =	vor.u32 v21, v5;
	[sflag:s20] =	ssyncadd.s32 @!p0 $0xFFFFCE00  }
0x5d: {  	s30 =	simm.s32 $0xB;
	v13 =	vmov s29;
	v9 =	vbroadcast v2, $0x0;
	v6 =	vor.u32 v22, v6;
	v2 =	vld [tilespmem:s22+$0x6400]  }
0x5e: {  	s25 =	simm.s32 $0xD;
	s26 =	simm.s32 $0xE;
	v14 =	vmov s30;
	v12 =	vshrl.u32 v12, $0x3;
	v7 =	vor.u32 v23, v7;
	v8 =	vld.idx.msk [tilespmem:v8+s11+$0x0], $0xffff  }
0x5f: {  	v16 =	vmov s25;
	v17 =	vmov s26;
	v3 =	vld.idx.msk [tilespmem:v3+s11+$0x0], $0xffff;
	v9 =	vor.u32 v61, v9  }
0x60: {  	v10 =	vshll.u32 v10, v1;
	v13 =	vshrl.u32 v13, $0x3;
	v14 =	vshrl.u32 v14, $0x3;
	v4 =	vld.idx.msk [tilespmem:v4+s11+$0x0], $0xffff  }
0x61: {  	v12 =	vshll.u32 v12, v1;
	v16 =	vshrl.u32 v16, $0x3;
	v17 =	vshrl.u32 v17, $0x3;
	v5 =	vld.idx.msk [tilespmem:v5+s11+$0x0], $0xffff  }
0x62: {  	s31 =	simm.s32 $0xC;
	v13 =	vshll.u32 v13, v1;
	v14 =	vshll.u32 v14, v1;
	v17 =	vshll.u32 v17, v1;
	v6 =	vld.idx.msk [tilespmem:v6+s11+$0x0], $0xffff  }
0x63: {  	v12 =	vbroadcast v12, $0x0;
	v15 =	vmov s31;
	v17 =	vbroadcast v17, $0x0;
	v7 =	vld.idx.msk [tilespmem:v7+s11+$0x0], $0xffff  }
0x64: {  	v13 =	vbroadcast v13, $0x0;
	v15 =	vshrl.u32 v15, $0x3;
	v8 =	vmul.f32 v8, v2;
	v9 =	vld.idx.msk [tilespmem:v9+s11+$0x0], $0xffff  }
0x65: {  	s23 =	simm.s32 $0x13340;
	v15 =	vshll.u32 v15, v1;
	v17 =	vor.u32 v24, v17;
	v3 =	vmul.f32 v3, v2  }
0x66: {  	v13 =	vor.u32 v18, v13;
	v4 =	vmul.f32 v4, v2;
	v5 =	vmul.f32 v5, v2;
	[tilespmem:s23+$0x1A0] =	vst v8  }
0x67: {  	v11 =	vld.idx.msk [tilespmem:v11+s11+$0x0], $0xffff;
	v6 =	vmul.f32 v6, v2;
	v8 =	vor.u32 v20, v12;
	v12 =	vbroadcast v14, $0x0;
	[tilespmem:s23+$0xFFFFFD90] =	vst v3  }
0x68: {  	v16 =	vshll.u32 v16, v1;
	v7 =	vmul.f32 v7, v2;
	v3 =	vbroadcast v15, $0x0;
	[tilespmem:s23+$0xFFFFFE60] =	vst v4  }
0x69: {  	s26 =	simm.s32 $0x14;
	[tilespmem:s23+$0xFFFFFF30] =	vst v5;
	v12 =	vor.u32 v21, v12;
	v4 =	vmul.f32 v9, v2;
	v9 =	vbroadcast v16, $0x0  }
0x6a: {  	v59 =	vmovc v18;
	s28 =	simm.s32 $0xF;
	s24 =	simm.s32 $0x10;
	v19 =	vmov s26;
	v10 =	vbroadcast v10, $0x0;
	[tilespmem:s23+$0x0] =	vst v6;
	v18 =	vor.u32 v22, v3  }
0x6b: {  	s25 =	simm.s32 $0x11;
	v6 =	vmov s24;
	v5 =	vor.u32 s28, v25;
	[tilespmem:s23+$0xD0] =	vst v7;
	v7 =	vld.idx.msk [tilespmem:v13+s11+$0x0], $0xffff;
	v9 =	vor.u32 v23, v9  }
0x6c: {  	s30 =	simm.s32 $0x13;
	v15 =	vmov s25;
	v3 =	vld.idx.msk [tilespmem:v17+s11+$0x0], $0xffff;
	v16 =	vmul.f32 v11, v2;
	v11 =	vor.u32 v61, v10  }
0x6d: {  	s29 =	simm.s32 $0x12;
	v14 =	vshrl.u32 v6, $0x3;
	v15 =	vshrl.u32 v15, $0x3;
	v17 =	vmov s30;
	v6 =	vld.idx.msk [tilespmem:v8+s11+$0x0], $0xffff  }
0x6e: {  	s31 =	simm.s32 $0x15;
	v13 =	vshrl.u32 v17, $0x3;
	v10 =	vmov s29;
	v8 =	vld.idx.msk [tilespmem:v12+s11+$0x0], $0xffff;
	v12 =	vshrl.u32 v19, $0x3;
	[tilespmem:s23+$0xFFFFFCC0] =	vst v4  }
0x6f: {  	s26 =	simm.s32 $0x16;
	s20 =	sshll.u32 s19, $0x1;
	s25 =	simm.s32 $0x18;
	v4 =	vshll.u32 v14, v1;
	v14 =	vmov s31;
	[tilespmem:s23+$0x270] =	vst v16;
	v16 =	vshrl.u32 v10, $0x3;
	v10 =	vld.idx.msk [tilespmem:v18+s11+$0x0], $0xffff  }
.LBB2_5:
0x70: {  	p1 =	slt.u32 s25, $0x38;
	v15 =	vshll.u32 v15, v1;
	v14 =	vshrl.u32 v14, $0x3;
	v17 =	vmov s26;
	v9 =	vld.idx.msk [tilespmem:v9+s11+$0x0], $0xffff  }
0x71: {  	v16 =	vshll.u32 v16, v1;
	v3 =	vmul.f32 v3, v2;
	v17 =	vshrl.u32 v17, $0x3;
	v11 =	vld.idx.msk [tilespmem:v11+s11+$0x0], $0xffff  }
0x72: {  	v13 =	vshll.u32 v13, v1;
	s23 =	sadd.s32 $0x680, s23;
	v6 =	vmul.f32 v6, v2;
	v17 =	vshll.u32 v17, v1;
	v5 =	vld.idx.msk [tilespmem:v5+s11+$0x0], $0xffff  }
0x73: {  	v12 =	vshll.u32 v12, v1;
	v7 =	vmul.f32 v7, v2;
	v17 =	vbroadcast v17, $0x0;
	[tilespmem:s23+$0x1A0] =	vst v3  }
0x74: {  	v14 =	vshll.u32 v14, v1;
	v3 =	vbroadcast v15, $0x0;
	[tilespmem:s23+$0xFFFFFD90] =	vst v6;
	v6 =	vmul.f32 v8, v2  }
0x75: {  	v8 =	vbroadcast v16, $0x0;
	v15 =	vor.u32 v24, v17;
	[tilespmem:s23+$0xFFFFFE60] =	vst v7;
	v7 =	vmul.f32 v10, v2  }
0x76: {  	v10 =	vor.u32 v20, v3;
	v3 =	vbroadcast v13, $0x0;
	[tilespmem:s23+$0xFFFFFF30] =	vst v6;
	v6 =	vmul.f32 v9, v2  }
0x77: {  	v8 =	vor.u32 v59, v8;
	v9 =	vbroadcast v12, $0x0;
	v11 =	vmul.f32 v11, v2;
	[tilespmem:s23+$0x0] =	vst v7  }
0x78: {  	v12 =	vor.u32 v21, v3;
	v3 =	vbroadcast v14, $0x0;
	[tilespmem:s23+$0xD0] =	vst v6;
	v6 =	vmul.f32 v5, v2  }
0x79: {  	v4 =	vbroadcast v4, $0x0;
	s26 =	sadd.s32 $0x7, s24;
	s24 =	smov.u32 s25;
	v17 =	vor.u32 v22, v9;
	[tilespmem:s23+$0xFFFFFCC0] =	vst v11  }
.Ltmp1:
0x7a: {  	s28 =	sadd.s32 $0x1, s25;
	v7 =	vmov s25;
	v5 =	vor.u32 s26, v25;
	v9 =	vor.u32 v23, v3;
	v3 =	vld.idx.msk [tilespmem:v15+s11+$0x0], $0xffff;
	[tilespmem:s23+$0x270] =	vst v6;
	(pc) =	sbr.rel @p1 .LBB2_5-.Ltmp1, $4  }
0x7b: {  	s29 =	sadd.s32 $0x4, s25;
	v14 =	vmov s28;
	s28 =	sadd.s32 $0x3, s25;
	v13 =	vshrl.u32 v7, $0x3;
	s26 =	sadd.s32 $0x2, s25;
	v11 =	vor.u32 v61, v4;
	v6 =	vld.idx.msk [tilespmem:v10+s11+$0x0], $0xffff  }
0x7c: {  	v19 =	vmov s29;
	v18 =	vmov s28;
	v10 =	vmov s26;
	s26 =	sadd.s32 $0x5, s25;
	v7 =	vld.idx.msk [tilespmem:v8+s11+$0x0], $0xffff  }
0x7d: {  	v4 =	vshll.u32 v13, v1;
	v15 =	vshrl.u32 v14, $0x3;
	v14 =	vmov s26;
	v8 =	vld.idx.msk [tilespmem:v12+s11+$0x0], $0xffff  }
0x7e: {  	v13 =	vshrl.u32 v18, $0x3;
	s25 =	sadd.s32 $0x8, s25;
	v16 =	vshrl.u32 v10, $0x3;
	s26 =	sadd.s32 $0x6, s24;
	v12 =	vshrl.u32 v19, $0x3;
	v10 =	vld.idx.msk [tilespmem:v17+s11+$0x0], $0xffff  }
0x7f: {  	v17 =	vmov s26;
	v15 =	vshll.u32 v15, v1  }
0x80: {  	v14 =	vshrl.u32 v14, $0x3;
	v16 =	vshll.u32 v16, v1;
	v4 =	vbroadcast v4, $0x0  }
0x81: {  	v13 =	vshll.u32 v13, v1;
	v12 =	vshll.u32 v12, v1;
	v15 =	vbroadcast v15, $0x0  }
0x82: {  	v3 =	vmul.f32 v3, v2;
	v16 =	vbroadcast v16, $0x0;
	v4 =	vor.u32 v61, v4  }
0x83: {  	v9 =	vld.idx.msk [tilespmem:v9+s11+$0x0], $0xffff;
	v17 =	vshrl.u32 v17, $0x3;
	v13 =	vbroadcast v13, $0x0;
	v15 =	vor.u32 v20, v15  }
0x84: {  	v11 =	vld.idx.msk [tilespmem:v11+s11+$0x0], $0xffff;
	v14 =	vshll.u32 v14, v1;
	v12 =	vbroadcast v12, $0x0;
	v16 =	vor.u32 v59, v16  }
0x85: {  	v5 =	vld.idx.msk [tilespmem:v5+s11+$0x0], $0xffff;
	v17 =	vshll.u32 v17, v1;
	v14 =	vbroadcast v14, $0x0;
	v13 =	vor.u32 v21, v13  }
0x86: {  	s23 =	sadd.s32 $0x680, s23;
	v6 =	vmul.f32 v6, v2;
	v17 =	vbroadcast v17, $0x0;
	v12 =	vor.u32 v22, v12  }
0x87: {  	v7 =	vmul.f32 v7, v2;
	[tilespmem:s23+$0x1A0] =	vst v3;
	v14 =	vor.u32 v23, v14;
	v4 =	vld.idx.msk [tilespmem:v4+s11+$0x0], $0xffff  }
0x88: {  	s24 =	sadd.s32 $0x7, s24;
	[tilespmem:s23+$0xFFFFFD90] =	vst v6;
	v17 =	vor.u32 v24, v17;
	v9 =	vmul.f32 v9, v2;
	v15 =	vld.idx.msk [tilespmem:v15+s11+$0x0], $0xffff  }
0x89: {  	v18 =	vor.u32 s24, v25;
	[tilespmem:s23+$0xFFFFFE60] =	vst v7;
	v3 =	vmul.f32 v11, v2;
	v16 =	vld.idx.msk [tilespmem:v16+s11+$0x0], $0xffff  }
0x8a: {  	s26 =	simm.s32 $0x1;
	v5 =	vmul.f32 v5, v2;
	[tilespmem:s23+$0xD0] =	vst v9;
	v13 =	vld.idx.msk [tilespmem:v13+s11+$0x0], $0xffff  }
0x8b: {  	s29 =	simm.s32 $0x4;
	s30 =	simm.s32 $0x5;
	v8 =	vmul.f32 v8, v2;
	v10 =	vmul.f32 v10, v2;
	v9 =	vmov s26;
	[tilespmem:s23+$0xFFFFFCC0] =	vst v3;
	v12 =	vld.idx.msk [tilespmem:v12+s11+$0x0], $0xffff  }
0x8c: {  	v3 =	vmov s29;
	[tilespmem:s23+$0x270] =	vst v5;
	v5 =	vmov s30;
	v9 =	vshrl.u32 v9, $0x3;
	v14 =	vld.idx.msk [tilespmem:v14+s11+$0x0], $0xffff  }
0x8d: {  	[tilespmem:s23+$0xFFFFFF30] =	vst v8;
	v3 =	vshrl.u32 v3, $0x3;
	v9 =	vshll.u32 v9, v1;
	v17 =	vld.idx.msk [tilespmem:v17+s11+$0x0], $0xffff;
	v11 =	vmul.f32 v15, v2  }
0x8e: {  	v18 =	vld.idx.msk [tilespmem:v18+s11+$0x0], $0xffff;
	[tilespmem:s23+$0x0] =	vst v10;
	s23 =	sadd.s32 $0x680, s23;
	v3 =	vshll.u32 v3, v1;
	v9 =	vbroadcast v9, $0x0;
	v7 =	vmul.f32 v16, v2  }
0x8f: {  	v5 =	vshrl.u32 v5, $0x3;
	v3 =	vbroadcast v3, $0x0;
	v13 =	vmul.f32 v13, v2;
	[tilespmem:s23+$0xFFFFFD90] =	vst v11  }
0x90: {  	s25 =	simm.s32 $0x0;
	s28 =	simm.s32 $0x3;
	v5 =	vshll.u32 v5, v1;
	v4 =	vmul.f32 v4, v2;
	v8 =	vmul.f32 v12, v2;
	[tilespmem:s23+$0xFFFFFE60] =	vst v7  }
0x91: {  	v15 =	vmov s28;
	v12 =	vmul.f32 v14, v2;
	v14 =	vmov s25;
	s25 =	simm.s32 $0x2;
	[tilespmem:s23+$0xFFFFFF30] =	vst v13  }
0x92: {  	s31 =	simm.s32 $0x6;
	v6 =	vmul.f32 v17, v2;
	v10 =	vshrl.u32 v14, $0x3;
	v14 =	vmov s25;
	[tilespmem:s23+$0x0] =	vst v8  }
0x93: {  	v16 =	vmov s31;
	v2 =	vmul.f32 v18, v2;
	v14 =	vshrl.u32 v14, $0x3;
	[tilespmem:s23+$0xD0] =	vst v12  }
0x94: {  	[tilespmem:s23+$0x1A0] =	vst v6;
	v6 =	vshrl.u32 v15, $0x3;
	v15 =	vshrl.u32 v16, $0x3;
	v7 =	vshll.u32 v14, v1  }
0x95: {  	v5 =	vbroadcast v5, $0x0;
	v11 =	vshll.u32 v15, v1;
	v7 =	vbroadcast v7, $0x0;
	v61 =	vld [tilespmem:$0x1FD90];
	[tilespmem:s23+$0xFFFFFCC0] =	vst v4  }
0x96: {  	v3 =	vor.u32 v28, v3;
	v6 =	vshll.u32 v6, v1;
	[tilespmem:s23+$0x270] =	vst v2;
	v11 =	vbroadcast v11, $0x0  }
0x97: {  	s29 =	simm.s32 $0xA;
	v5 =	vor.u32 v29, v5;
	v6 =	vbroadcast v6, $0x0;
	v59 =	vld [tilespmem:$0x1FD80];
	v4 =	vor.u32 v26, v7  }
0x98: {  	s28 =	simm.s32 $0x9;
	v13 =	vmov s29;
	v10 =	vshll.u32 v10, v1;
	v8 =	vor.u32 v30, v11  }
0x99: {  	s30 =	simm.s32 $0xB;
	v12 =	vmov s28;
	v13 =	vshrl.u32 v13, $0x3;
	v60 =	vld [tilespmem:$0x1FC20];
	v6 =	vor.u32 v27, v6  }
0x9a: {  	s24 =	simm.s32 $0xD;
	v14 =	vmov s30;
	v2 =	vld [tilespmem:s22+$0x6410];
	v7 =	vbroadcast v10, $0x0;
	v9 =	vor.u32 v61, v9  }
0x9b: {  	s31 =	simm.s32 $0xC;
	v12 =	vshrl.u32 v12, $0x3;
	v16 =	vmov s24;
	v13 =	vshll.u32 v13, v1;
	v3 =	vld.idx.msk [tilespmem:v3+s11+$0x0], $0xffff  }
0x9c: {  	s25 =	simm.s32 $0x8;
	v15 =	vmov s31;
	v14 =	vshrl.u32 v14, $0x3;
	v7 =	vor.u32 v59, v7;
	v4 =	vld.idx.msk [tilespmem:v4+s11+$0x0], $0xffff  }
0x9d: {  	s26 =	simm.s32 $0x7;
	v12 =	vshll.u32 v12, v1;
	v16 =	vshrl.u32 v16, $0x3;
	v10 =	vmov s25;
	s25 =	simm.s32 $0xE;
	v8 =	vld.idx.msk [tilespmem:v8+s11+$0x0], $0xffff  }
0x9e: {  	v13 =	vbroadcast v13, $0x0;
	v17 =	vmov s25;
	v11 =	vor.u32 s26, v60;
	v6 =	vld.idx.msk [tilespmem:v6+s11+$0x0], $0xffff  }
0x9f: {  	v15 =	vshrl.u32 v15, $0x3;
	v14 =	vshll.u32 v14, v1;
	v17 =	vshrl.u32 v17, $0x3;
	v9 =	vld.idx.msk [tilespmem:v9+s11+$0x0], $0xffff  }
0xa0: {  	v5 =	vld.idx.msk [tilespmem:v5+s11+$0x0], $0xffff;
	v12 =	vbroadcast v12, $0x0;
	v16 =	vshll.u32 v16, v1;
	v17 =	vshll.u32 v17, v1  }
0xa1: {  	v15 =	vshll.u32 v15, v1;
	v13 =	vor.u32 v26, v13;
	v17 =	vbroadcast v17, $0x0;
	v7 =	vld.idx.msk [tilespmem:v7+s11+$0x0], $0xffff  }
0xa2: {  	v10 =	vshrl.u32 v10, $0x3;
	v3 =	vmul.f32 v3, v2;
	v8 =	vmul.f32 v8, v2  }
0xa3: {  	s23 =	simm.s32 $0x13350;
	v17 =	vor.u32 v30, v17;
	v11 =	vld.idx.msk [tilespmem:v11+s11+$0x0], $0xffff;
	v4 =	vmul.f32 v4, v2;
	v6 =	vmul.f32 v6, v2  }
0xa4: {  	v9 =	vmul.f32 v9, v2;
	[tilespmem:s23+$0x1A0] =	vst v8;
	v8 =	vor.u32 v61, v12;
	v12 =	vbroadcast v14, $0x0  }
0xa5: {  	v10 =	vshll.u32 v10, v1;
	[tilespmem:s23+$0x0] =	vst v3;
	v14 =	vmul.f32 v5, v2;
	v5 =	vbroadcast v15, $0x0  }
0xa6: {  	s30 =	simm.s32 $0x13;
	[tilespmem:s23+$0xFFFFFE60] =	vst v4;
	v4 =	vmul.f32 v7, v2;
	v7 =	vbroadcast v16, $0x0;
	v12 =	vor.u32 v27, v12  }
0xa7: {  	s24 =	simm.s32 $0x10;
	v18 =	vmov s30;
	[tilespmem:s23+$0xFFFFFF30] =	vst v6;
	v6 =	vbroadcast v10, $0x0;
	v10 =	vor.u32 v28, v5  }
0xa8: {  	s28 =	simm.s32 $0x11;
	v3 =	vld.idx.msk [tilespmem:v17+s11+$0x0], $0xffff;
	v16 =	vmul.f32 v11, v2;
	v11 =	vmov s24;
	[tilespmem:s23+$0xFFFFFD90] =	vst v9;
	v9 =	vor.u32 v29, v7  }
0xa9: {  	s29 =	simm.s32 $0x12;
	s26 =	simm.s32 $0xF;
	v15 =	vmov s28;
	s28 =	simm.s32 $0x14;
	[tilespmem:s23+$0xD0] =	vst v14;
	v14 =	vshrl.u32 v11, $0x3;
	v11 =	vor.u32 v59, v6;
	v7 =	vld.idx.msk [tilespmem:v13+s11+$0x0], $0xffff  }
0xaa: {  	s31 =	simm.s32 $0x15;
	v17 =	vmov s29;
	v19 =	vmov s28;
	v5 =	vor.u32 s26, v60;
	v6 =	vld.idx.msk [tilespmem:v8+s11+$0x0], $0xffff  }
0xab: {  	v15 =	vshrl.u32 v15, $0x3;
	[tilespmem:s23+$0xFFFFFCC0] =	vst v4;
	v4 =	vshll.u32 v14, v1;
	v14 =	vmov s31;
	v8 =	vld.idx.msk [tilespmem:v12+s11+$0x0], $0xffff  }
0xac: {  	s25 =	simm.s32 $0x18;
	s26 =	simm.s32 $0x16;
	[tilespmem:s23+$0x270] =	vst v16;
	v16 =	vshrl.u32 v17, $0x3;
	v13 =	vshrl.u32 v18, $0x3;
	v12 =	vshrl.u32 v19, $0x3;
	v10 =	vld.idx.msk [tilespmem:v10+s11+$0x0], $0xffff  }
.LBB2_7:
0xad: {  	p1 =	slt.u32 s25, $0x38;
	v15 =	vshll.u32 v15, v1;
	v14 =	vshrl.u32 v14, $0x3;
	v17 =	vmov s26;
	v9 =	vld.idx.msk [tilespmem:v9+s11+$0x0], $0xffff  }
0xae: {  	v16 =	vshll.u32 v16, v1;
	v3 =	vmul.f32 v3, v2;
	v17 =	vshrl.u32 v17, $0x3;
	v11 =	vld.idx.msk [tilespmem:v11+s11+$0x0], $0xffff  }
0xaf: {  	v13 =	vshll.u32 v13, v1;
	s23 =	sadd.s32 $0x680, s23;
	v6 =	vmul.f32 v6, v2;
	v17 =	vshll.u32 v17, v1;
	v5 =	vld.idx.msk [tilespmem:v5+s11+$0x0], $0xffff  }
0xb0: {  	v12 =	vshll.u32 v12, v1;
	v7 =	vmul.f32 v7, v2;
	v17 =	vbroadcast v17, $0x0;
	[tilespmem:s23+$0x1A0] =	vst v3  }
0xb1: {  	v14 =	vshll.u32 v14, v1;
	v3 =	vbroadcast v15, $0x0;
	[tilespmem:s23+$0xFFFFFD90] =	vst v6;
	v6 =	vmul.f32 v8, v2  }
0xb2: {  	v8 =	vbroadcast v16, $0x0;
	v15 =	vor.u32 v30, v17;
	[tilespmem:s23+$0xFFFFFE60] =	vst v7;
	v7 =	vmul.f32 v10, v2  }
0xb3: {  	v10 =	vor.u32 v61, v3;
	v3 =	vbroadcast v13, $0x0;
	[tilespmem:s23+$0xFFFFFF30] =	vst v6;
	v6 =	vmul.f32 v9, v2  }
0xb4: {  	v8 =	vor.u32 v26, v8;
	v9 =	vbroadcast v12, $0x0;
	v11 =	vmul.f32 v11, v2;
	[tilespmem:s23+$0x0] =	vst v7  }
0xb5: {  	v12 =	vor.u32 v27, v3;
	v3 =	vbroadcast v14, $0x0;
	[tilespmem:s23+$0xD0] =	vst v6;
	v6 =	vmul.f32 v5, v2  }
0xb6: {  	v4 =	vbroadcast v4, $0x0;
	s26 =	sadd.s32 $0x7, s24;
	s24 =	smov.u32 s25;
	v17 =	vor.u32 v28, v9;
	[tilespmem:s23+$0xFFFFFCC0] =	vst v11  }
.Ltmp2:
0xb7: {  	s28 =	sadd.s32 $0x1, s25;
	v7 =	vmov s25;
	v5 =	vor.u32 s26, v60;
	v9 =	vor.u32 v29, v3;
	v3 =	vld.idx.msk [tilespmem:v15+s11+$0x0], $0xffff;
	[tilespmem:s23+$0x270] =	vst v6;
	(pc) =	sbr.rel @p1 .LBB2_7-.Ltmp2, $4  }
0xb8: {  	s29 =	sadd.s32 $0x4, s25;
	v14 =	vmov s28;
	s28 =	sadd.s32 $0x3, s25;
	v13 =	vshrl.u32 v7, $0x3;
	s26 =	sadd.s32 $0x2, s25;
	v11 =	vor.u32 v59, v4;
	v6 =	vld.idx.msk [tilespmem:v10+s11+$0x0], $0xffff  }
0xb9: {  	v19 =	vmov s29;
	v18 =	vmov s28;
	v10 =	vmov s26;
	s26 =	sadd.s32 $0x5, s25;
	v7 =	vld.idx.msk [tilespmem:v8+s11+$0x0], $0xffff  }
0xba: {  	v4 =	vshll.u32 v13, v1;
	v15 =	vshrl.u32 v14, $0x3;
	v14 =	vmov s26;
	v8 =	vld.idx.msk [tilespmem:v12+s11+$0x0], $0xffff  }
0xbb: {  	v13 =	vshrl.u32 v18, $0x3;
	s25 =	sadd.s32 $0x8, s25;
	v16 =	vshrl.u32 v10, $0x3;
	s26 =	sadd.s32 $0x6, s24;
	v12 =	vshrl.u32 v19, $0x3;
	v10 =	vld.idx.msk [tilespmem:v17+s11+$0x0], $0xffff  }
0xbc: {  	v17 =	vmov s26;
	v15 =	vshll.u32 v15, v1  }
0xbd: {  	v14 =	vshrl.u32 v14, $0x3;
	v16 =	vshll.u32 v16, v1;
	v4 =	vbroadcast v4, $0x0  }
0xbe: {  	v13 =	vshll.u32 v13, v1;
	v12 =	vshll.u32 v12, v1;
	v15 =	vbroadcast v15, $0x0  }
0xbf: {  	v3 =	vmul.f32 v3, v2;
	v16 =	vbroadcast v16, $0x0;
	v4 =	vor.u32 v59, v4  }
0xc0: {  	v9 =	vld.idx.msk [tilespmem:v9+s11+$0x0], $0xffff;
	v17 =	vshrl.u32 v17, $0x3;
	v13 =	vbroadcast v13, $0x0;
	v15 =	vor.u32 v61, v15  }
0xc1: {  	v11 =	vld.idx.msk [tilespmem:v11+s11+$0x0], $0xffff;
	v14 =	vshll.u32 v14, v1;
	v12 =	vbroadcast v12, $0x0;
	v16 =	vor.u32 v26, v16  }
0xc2: {  	v5 =	vld.idx.msk [tilespmem:v5+s11+$0x0], $0xffff;
	v17 =	vshll.u32 v17, v1;
	v14 =	vbroadcast v14, $0x0;
	v13 =	vor.u32 v27, v13  }
0xc3: {  	s23 =	sadd.s32 $0x680, s23;
	v6 =	vmul.f32 v6, v2;
	v17 =	vbroadcast v17, $0x0;
	v12 =	vor.u32 v28, v12  }
0xc4: {  	v7 =	vmul.f32 v7, v2;
	[tilespmem:s23+$0x1A0] =	vst v3;
	v14 =	vor.u32 v29, v14;
	v4 =	vld.idx.msk [tilespmem:v4+s11+$0x0], $0xffff  }
0xc5: {  	s24 =	sadd.s32 $0x7, s24;
	[tilespmem:s23+$0xFFFFFD90] =	vst v6;
	v17 =	vor.u32 v30, v17;
	v9 =	vmul.f32 v9, v2;
	v15 =	vld.idx.msk [tilespmem:v15+s11+$0x0], $0xffff  }
0xc6: {  	v18 =	vor.u32 s24, v60;
	[tilespmem:s23+$0xFFFFFE60] =	vst v7;
	v3 =	vmul.f32 v11, v2;
	v16 =	vld.idx.msk [tilespmem:v16+s11+$0x0], $0xffff  }
0xc7: {  	s26 =	simm.s32 $0x1;
	s29 =	simm.s32 $0x4;
	v8 =	vmul.f32 v8, v2;
	v5 =	vmul.f32 v5, v2;
	[tilespmem:s23+$0xD0] =	vst v9;
	v13 =	vld.idx.msk [tilespmem:v13+s11+$0x0], $0xffff  }
0xc8: {  	s30 =	simm.s32 $0x5;
	v10 =	vmul.f32 v10, v2;
	v9 =	vmov s26;
	[tilespmem:s23+$0xFFFFFCC0] =	vst v3;
	v3 =	vmov s29;
	v12 =	vld.idx.msk [tilespmem:v12+s11+$0x0], $0xffff  }
0xc9: {  	[tilespmem:s23+$0x270] =	vst v5;
	v5 =	vmov s30;
	v9 =	vshrl.u32 v9, $0x3;
	v3 =	vshrl.u32 v3, $0x3;
	v14 =	vld.idx.msk [tilespmem:v14+s11+$0x0], $0xffff  }
0xca: {  	[tilespmem:s23+$0xFFFFFF30] =	vst v8;
	v5 =	vshrl.u32 v5, $0x3;
	v9 =	vshll.u32 v9, v1;
	v17 =	vld.idx.msk [tilespmem:v17+s11+$0x0], $0xffff;
	v4 =	vmul.f32 v4, v2  }
0xcb: {  	v18 =	vld.idx.msk [tilespmem:v18+s11+$0x0], $0xffff;
	[tilespmem:s23+$0x0] =	vst v10;
	s23 =	sadd.s32 $0x680, s23;
	v3 =	vshll.u32 v3, v1;
	v9 =	vbroadcast v9, $0x0;
	v11 =	vmul.f32 v15, v2  }
0xcc: {  	v5 =	vshll.u32 v5, v1;
	v3 =	vbroadcast v3, $0x0;
	v7 =	vmul.f32 v16, v2;
	[tilespmem:s23+$0xFFFFFCC0] =	vst v4  }
0xcd: {  	s28 =	simm.s32 $0x3;
	v5 =	vbroadcast v5, $0x0;
	v13 =	vmul.f32 v13, v2;
	[tilespmem:s23+$0xFFFFFD90] =	vst v11  }
0xce: {  	s25 =	simm.s32 $0x0;
	v9 =	vor.u32 v31, v9;
	v8 =	vmul.f32 v12, v2;
	v15 =	vmov s28;
	[tilespmem:s23+$0xFFFFFE60] =	vst v7  }
0xcf: {  	s31 =	simm.s32 $0x6;
	v12 =	vmul.f32 v14, v2;
	v14 =	vmov s25;
	v6 =	vmul.f32 v17, v2;
	[tilespmem:s23+$0xFFFFFF30] =	vst v13  }
0xd0: {  	v16 =	vmov s31;
	s25 =	simm.s32 $0x2;
	v2 =	vmul.f32 v18, v2;
	v10 =	vshrl.u32 v14, $0x3;
	[tilespmem:s23+$0x0] =	vst v8  }
0xd1: {  	v14 =	vmov s25;
	[tilespmem:s23+$0x1A0] =	vst v6;
	v6 =	vshrl.u32 v15, $0x3;
	v15 =	vshrl.u32 v16, $0x3  }
0xd2: {  	v3 =	vor.u32 v34, v3;
	v14 =	vshrl.u32 v14, $0x3;
	[tilespmem:s23+$0xD0] =	vst v12;
	v11 =	vshll.u32 v15, v1  }
0xd3: {  	s29 =	simm.s32 $0xA;
	v5 =	vor.u32 v35, v5;
	v7 =	vshll.u32 v14, v1;
	[tilespmem:s23+$0x270] =	vst v2;
	v11 =	vbroadcast v11, $0x0  }
0xd4: {  	v13 =	vmov s29;
	v6 =	vshll.u32 v6, v1;
	v7 =	vbroadcast v7, $0x0;
	v60 =	vld [tilespmem:$0x1FDF0]  }
0xd5: {  	s28 =	simm.s32 $0x9;
	v10 =	vshll.u32 v10, v1;
	v6 =	vbroadcast v6, $0x0;
	v8 =	vor.u32 v36, v11  }
0xd6: {  	s30 =	simm.s32 $0xB;
	v12 =	vmov s28;
	v13 =	vshrl.u32 v13, $0x3;
	v54 =	vld [tilespmem:$0x1FC30];
	v4 =	vor.u32 v32, v7  }
0xd7: {  	s24 =	simm.s32 $0xD;
	v14 =	vmov s30;
	v2 =	vld [tilespmem:s22+$0x6420];
	v7 =	vbroadcast v10, $0x0;
	v6 =	vor.u32 v33, v6  }
0xd8: {  	s31 =	simm.s32 $0xC;
	v12 =	vshrl.u32 v12, $0x3;
	v16 =	vmov s24;
	v13 =	vshll.u32 v13, v1;
	v9 =	vld.idx.msk [tilespmem:v9+s11+$0x0], $0xffff  }
0xd9: {  	s25 =	simm.s32 $0x8;
	v15 =	vmov s31;
	v14 =	vshrl.u32 v14, $0x3;
	v3 =	vld.idx.msk [tilespmem:v3+s11+$0x0], $0xffff;
	v7 =	vor.u32 v60, v7  }
0xda: {  	s26 =	simm.s32 $0x7;
	v12 =	vshll.u32 v12, v1;
	v16 =	vshrl.u32 v16, $0x3;
	v10 =	vmov s25;
	s25 =	simm.s32 $0xE;
	v8 =	vld.idx.msk [tilespmem:v8+s11+$0x0], $0xffff  }
0xdb: {  	v13 =	vbroadcast v13, $0x0;
	v17 =	vmov s25;
	v11 =	vor.u32 s26, v54;
	v4 =	vld.idx.msk [tilespmem:v4+s11+$0x0], $0xffff  }
0xdc: {  	v15 =	vshrl.u32 v15, $0x3;
	v14 =	vshll.u32 v14, v1;
	v17 =	vshrl.u32 v17, $0x3;
	v6 =	vld.idx.msk [tilespmem:v6+s11+$0x0], $0xffff  }
0xdd: {  	v5 =	vld.idx.msk [tilespmem:v5+s11+$0x0], $0xffff;
	v12 =	vbroadcast v12, $0x0;
	v16 =	vshll.u32 v16, v1;
	v17 =	vshll.u32 v17, v1  }
0xde: {  	v15 =	vshll.u32 v15, v1;
	v13 =	vor.u32 v32, v13;
	v17 =	vbroadcast v17, $0x0;
	v7 =	vld.idx.msk [tilespmem:v7+s11+$0x0], $0xffff  }
0xdf: {  	v10 =	vshrl.u32 v10, $0x3;
	v9 =	vmul.f32 v9, v2;
	v8 =	vmul.f32 v8, v2  }
0xe0: {  	s23 =	simm.s32 $0x13360;
	v3 =	vmul.f32 v3, v2;
	v17 =	vor.u32 v36, v17;
	v11 =	vld.idx.msk [tilespmem:v11+s11+$0x0], $0xffff;
	v4 =	vmul.f32 v4, v2  }
0xe1: {  	v6 =	vmul.f32 v6, v2;
	[tilespmem:s23+$0x1A0] =	vst v8;
	v8 =	vor.u32 v31, v12;
	v12 =	vbroadcast v14, $0x0  }
0xe2: {  	v10 =	vshll.u32 v10, v1;
	[tilespmem:s23+$0xFFFFFD90] =	vst v9;
	v14 =	vmul.f32 v5, v2;
	v5 =	vbroadcast v15, $0x0  }
0xe3: {  	s30 =	simm.s32 $0x13;
	[tilespmem:s23+$0xFFFFFE60] =	vst v4;
	v4 =	vmul.f32 v7, v2;
	v7 =	vbroadcast v16, $0x0;
	v12 =	vor.u32 v33, v12  }
0xe4: {  	s24 =	simm.s32 $0x10;
	v18 =	vmov s30;
	[tilespmem:s23+$0xFFFFFF30] =	vst v6;
	v6 =	vbroadcast v10, $0x0;
	v10 =	vor.u32 v34, v5  }
0xe5: {  	s28 =	simm.s32 $0x11;
	[tilespmem:s23+$0x0] =	vst v3;
	v3 =	vld.idx.msk [tilespmem:v17+s11+$0x0], $0xffff;
	v16 =	vmul.f32 v11, v2;
	v11 =	vmov s24;
	v9 =	vor.u32 v35, v7  }
0xe6: {  	s29 =	simm.s32 $0x12;
	s26 =	simm.s32 $0xF;
	v15 =	vmov s28;
	s28 =	simm.s32 $0x14;
	[tilespmem:s23+$0xD0] =	vst v14;
	v14 =	vshrl.u32 v11, $0x3;
	v11 =	vor.u32 v60, v6;
	v7 =	vld.idx.msk [tilespmem:v13+s11+$0x0], $0xffff  }
0xe7: {  	v17 =	vmov s29;
	v19 =	vmov s28;
	v5 =	vor.u32 s26, v54;
	v6 =	vld.idx.msk [tilespmem:v8+s11+$0x0], $0xffff  }
0xe8: {  	s31 =	simm.s32 $0x15;
	v15 =	vshrl.u32 v15, $0x3;
	[tilespmem:s23+$0x270] =	vst v16;
	v16 =	vshrl.u32 v17, $0x3;
	v13 =	vshrl.u32 v18, $0x3;
	v8 =	vld.idx.msk [tilespmem:v12+s11+$0x0], $0xffff  }
0xe9: {  	s25 =	simm.s32 $0x18;
	[tilespmem:s23+$0xFFFFFCC0] =	vst v4;
	s26 =	simm.s32 $0x16;
	v4 =	vshll.u32 v14, v1;
	v14 =	vmov s31;
	v12 =	vshrl.u32 v19, $0x3;
	v10 =	vld.idx.msk [tilespmem:v10+s11+$0x0], $0xffff  }
.LBB2_9:
0xea: {  	p1 =	slt.u32 s25, $0x38;
	v15 =	vshll.u32 v15, v1;
	v14 =	vshrl.u32 v14, $0x3;
	v17 =	vmov s26;
	v9 =	vld.idx.msk [tilespmem:v9+s11+$0x0], $0xffff  }
0xeb: {  	v16 =	vshll.u32 v16, v1;
	v3 =	vmul.f32 v3, v2;
	v17 =	vshrl.u32 v17, $0x3;
	v11 =	vld.idx.msk [tilespmem:v11+s11+$0x0], $0xffff  }
0xec: {  	v13 =	vshll.u32 v13, v1;
	s23 =	sadd.s32 $0x680, s23;
	v6 =	vmul.f32 v6, v2;
	v17 =	vshll.u32 v17, v1;
	v5 =	vld.idx.msk [tilespmem:v5+s11+$0x0], $0xffff  }
0xed: {  	v12 =	vshll.u32 v12, v1;
	v7 =	vmul.f32 v7, v2;
	v17 =	vbroadcast v17, $0x0;
	[tilespmem:s23+$0x1A0] =	vst v3  }
0xee: {  	v14 =	vshll.u32 v14, v1;
	v3 =	vbroadcast v15, $0x0;
	[tilespmem:s23+$0xFFFFFD90] =	vst v6;
	v6 =	vmul.f32 v8, v2  }
0xef: {  	v8 =	vbroadcast v16, $0x0;
	v15 =	vor.u32 v36, v17;
	[tilespmem:s23+$0xFFFFFE60] =	vst v7;
	v7 =	vmul.f32 v10, v2  }
0xf0: {  	v10 =	vor.u32 v31, v3;
	v3 =	vbroadcast v13, $0x0;
	[tilespmem:s23+$0xFFFFFF30] =	vst v6;
	v6 =	vmul.f32 v9, v2  }
0xf1: {  	v8 =	vor.u32 v32, v8;
	v9 =	vbroadcast v12, $0x0;
	v11 =	vmul.f32 v11, v2;
	[tilespmem:s23+$0x0] =	vst v7  }
0xf2: {  	v12 =	vor.u32 v33, v3;
	v3 =	vbroadcast v14, $0x0;
	[tilespmem:s23+$0xD0] =	vst v6;
	v6 =	vmul.f32 v5, v2  }
0xf3: {  	v4 =	vbroadcast v4, $0x0;
	s26 =	sadd.s32 $0x7, s24;
	s24 =	smov.u32 s25;
	v17 =	vor.u32 v34, v9;
	[tilespmem:s23+$0xFFFFFCC0] =	vst v11  }
.Ltmp3:
0xf4: {  	s28 =	sadd.s32 $0x1, s25;
	v7 =	vmov s25;
	v5 =	vor.u32 s26, v54;
	v9 =	vor.u32 v35, v3;
	v3 =	vld.idx.msk [tilespmem:v15+s11+$0x0], $0xffff;
	[tilespmem:s23+$0x270] =	vst v6;
	(pc) =	sbr.rel @p1 .LBB2_9-.Ltmp3, $4  }
0xf5: {  	s29 =	sadd.s32 $0x4, s25;
	v14 =	vmov s28;
	s28 =	sadd.s32 $0x3, s25;
	v13 =	vshrl.u32 v7, $0x3;
	s26 =	sadd.s32 $0x2, s25;
	v11 =	vor.u32 v60, v4;
	v6 =	vld.idx.msk [tilespmem:v10+s11+$0x0], $0xffff  }
0xf6: {  	v19 =	vmov s29;
	v18 =	vmov s28;
	v10 =	vmov s26;
	s26 =	sadd.s32 $0x5, s25;
	v7 =	vld.idx.msk [tilespmem:v8+s11+$0x0], $0xffff  }
0xf7: {  	v4 =	vshll.u32 v13, v1;
	v15 =	vshrl.u32 v14, $0x3;
	v14 =	vmov s26;
	v8 =	vld.idx.msk [tilespmem:v12+s11+$0x0], $0xffff  }
0xf8: {  	v13 =	vshrl.u32 v18, $0x3;
	s25 =	sadd.s32 $0x8, s25;
	v16 =	vshrl.u32 v10, $0x3;
	s26 =	sadd.s32 $0x6, s24;
	v12 =	vshrl.u32 v19, $0x3;
	v10 =	vld.idx.msk [tilespmem:v17+s11+$0x0], $0xffff  }
0xf9: {  	v17 =	vmov s26;
	v15 =	vshll.u32 v15, v1  }
0xfa: {  	v14 =	vshrl.u32 v14, $0x3;
	v16 =	vshll.u32 v16, v1;
	v4 =	vbroadcast v4, $0x0  }
0xfb: {  	v13 =	vshll.u32 v13, v1;
	v12 =	vshll.u32 v12, v1;
	v15 =	vbroadcast v15, $0x0  }
0xfc: {  	v3 =	vmul.f32 v3, v2;
	v16 =	vbroadcast v16, $0x0;
	v4 =	vor.u32 v60, v4  }
0xfd: {  	v9 =	vld.idx.msk [tilespmem:v9+s11+$0x0], $0xffff;
	v17 =	vshrl.u32 v17, $0x3;
	v13 =	vbroadcast v13, $0x0;
	v15 =	vor.u32 v31, v15  }
0xfe: {  	v11 =	vld.idx.msk [tilespmem:v11+s11+$0x0], $0xffff;
	v14 =	vshll.u32 v14, v1;
	v12 =	vbroadcast v12, $0x0;
	v16 =	vor.u32 v32, v16  }
0xff: {  	v5 =	vld.idx.msk [tilespmem:v5+s11+$0x0], $0xffff;
	v17 =	vshll.u32 v17, v1;
	v14 =	vbroadcast v14, $0x0;
	v13 =	vor.u32 v33, v13  }
0x100: {  	s23 =	sadd.s32 $0x680, s23;
	v6 =	vmul.f32 v6, v2;
	v17 =	vbroadcast v17, $0x0;
	v12 =	vor.u32 v34, v12  }
0x101: {  	v7 =	vmul.f32 v7, v2;
	[tilespmem:s23+$0x1A0] =	vst v3;
	v14 =	vor.u32 v35, v14;
	v4 =	vld.idx.msk [tilespmem:v4+s11+$0x0], $0xffff  }
0x102: {  	s24 =	sadd.s32 $0x7, s24;
	[tilespmem:s23+$0xFFFFFD90] =	vst v6;
	v17 =	vor.u32 v36, v17;
	v9 =	vmul.f32 v9, v2;
	v15 =	vld.idx.msk [tilespmem:v15+s11+$0x0], $0xffff  }
0x103: {  	v18 =	vor.u32 s24, v54;
	[tilespmem:s23+$0xFFFFFE60] =	vst v7;
	v3 =	vmul.f32 v11, v2;
	v16 =	vld.idx.msk [tilespmem:v16+s11+$0x0], $0xffff  }
0x104: {  	s26 =	simm.s32 $0x1;
	v5 =	vmul.f32 v5, v2;
	[tilespmem:s23+$0xD0] =	vst v9;
	v13 =	vld.idx.msk [tilespmem:v13+s11+$0x0], $0xffff  }
0x105: {  	s29 =	simm.s32 $0x4;
	s30 =	simm.s32 $0x5;
	v8 =	vmul.f32 v8, v2;
	v10 =	vmul.f32 v10, v2;
	v9 =	vmov s26;
	[tilespmem:s23+$0xFFFFFCC0] =	vst v3;
	v12 =	vld.idx.msk [tilespmem:v12+s11+$0x0], $0xffff  }
0x106: {  	v3 =	vmov s29;
	[tilespmem:s23+$0x270] =	vst v5;
	v5 =	vmov s30;
	v9 =	vshrl.u32 v9, $0x3;
	v14 =	vld.idx.msk [tilespmem:v14+s11+$0x0], $0xffff  }
0x107: {  	[tilespmem:s23+$0xFFFFFF30] =	vst v8;
	v3 =	vshrl.u32 v3, $0x3;
	v9 =	vshll.u32 v9, v1;
	v17 =	vld.idx.msk [tilespmem:v17+s11+$0x0], $0xffff;
	v11 =	vmul.f32 v15, v2  }
0x108: {  	v18 =	vld.idx.msk [tilespmem:v18+s11+$0x0], $0xffff;
	[tilespmem:s23+$0x0] =	vst v10;
	s23 =	sadd.s32 $0x680, s23;
	v3 =	vshll.u32 v3, v1;
	v9 =	vbroadcast v9, $0x0;
	v7 =	vmul.f32 v16, v2  }
0x109: {  	v5 =	vshrl.u32 v5, $0x3;
	v3 =	vbroadcast v3, $0x0;
	v13 =	vmul.f32 v13, v2;
	[tilespmem:s23+$0xFFFFFD90] =	vst v11  }
0x10a: {  	s25 =	simm.s32 $0x0;
	s28 =	simm.s32 $0x3;
	v5 =	vshll.u32 v5, v1;
	v4 =	vmul.f32 v4, v2;
	v8 =	vmul.f32 v12, v2;
	[tilespmem:s23+$0xFFFFFE60] =	vst v7  }
0x10b: {  	v15 =	vmov s28;
	v12 =	vmul.f32 v14, v2;
	v14 =	vmov s25;
	s25 =	simm.s32 $0x2;
	[tilespmem:s23+$0xFFFFFF30] =	vst v13  }
0x10c: {  	s31 =	simm.s32 $0x6;
	v6 =	vmul.f32 v17, v2;
	v10 =	vshrl.u32 v14, $0x3;
	v14 =	vmov s25;
	[tilespmem:s23+$0x0] =	vst v8  }
0x10d: {  	v16 =	vmov s31;
	v2 =	vmul.f32 v18, v2;
	v14 =	vshrl.u32 v14, $0x3;
	[tilespmem:s23+$0xD0] =	vst v12  }
0x10e: {  	[tilespmem:s23+$0x1A0] =	vst v6;
	v6 =	vshrl.u32 v15, $0x3;
	v15 =	vshrl.u32 v16, $0x3;
	v7 =	vshll.u32 v14, v1  }
0x10f: {  	v5 =	vbroadcast v5, $0x0;
	v11 =	vshll.u32 v15, v1;
	v7 =	vbroadcast v7, $0x0;
	v60 =	vld [tilespmem:$0x1FC50];
	[tilespmem:s23+$0xFFFFFCC0] =	vst v4  }
0x110: {  	v3 =	vor.u32 v39, v3;
	v6 =	vshll.u32 v6, v1;
	[tilespmem:s23+$0x270] =	vst v2;
	v11 =	vbroadcast v11, $0x0  }
0x111: {  	s29 =	simm.s32 $0xA;
	v5 =	vor.u32 v40, v5;
	v6 =	vbroadcast v6, $0x0;
	v54 =	vld [tilespmem:$0x1FC40];
	v4 =	vor.u32 v37, v7  }
0x112: {  	s28 =	simm.s32 $0x9;
	v13 =	vmov s29;
	v10 =	vshll.u32 v10, v1;
	v8 =	vor.u32 v41, v11  }
0x113: {  	s30 =	simm.s32 $0xB;
	v12 =	vmov s28;
	v13 =	vshrl.u32 v13, $0x3;
	v55 =	vld [tilespmem:$0x1FEB0];
	v6 =	vor.u32 v38, v6  }
0x114: {  	s24 =	simm.s32 $0xD;
	v14 =	vmov s30;
	v2 =	vld [tilespmem:s22+$0x6430];
	v7 =	vbroadcast v10, $0x0;
	v9 =	vor.u32 v60, v9  }
0x115: {  	s31 =	simm.s32 $0xC;
	v12 =	vshrl.u32 v12, $0x3;
	v16 =	vmov s24;
	v13 =	vshll.u32 v13, v1;
	v3 =	vld.idx.msk [tilespmem:v3+s11+$0x0], $0xffff  }
0x116: {  	s25 =	simm.s32 $0x8;
	v15 =	vmov s31;
	v14 =	vshrl.u32 v14, $0x3;
	v7 =	vor.u32 v54, v7;
	v4 =	vld.idx.msk [tilespmem:v4+s11+$0x0], $0xffff  }
0x117: {  	s26 =	simm.s32 $0x7;
	v12 =	vshll.u32 v12, v1;
	v16 =	vshrl.u32 v16, $0x3;
	v10 =	vmov s25;
	s25 =	simm.s32 $0xE;
	v8 =	vld.idx.msk [tilespmem:v8+s11+$0x0], $0xffff  }
0x118: {  	v13 =	vbroadcast v13, $0x0;
	v17 =	vmov s25;
	v11 =	vor.u32 s26, v55;
	v6 =	vld.idx.msk [tilespmem:v6+s11+$0x0], $0xffff  }
0x119: {  	v15 =	vshrl.u32 v15, $0x3;
	v14 =	vshll.u32 v14, v1;
	v17 =	vshrl.u32 v17, $0x3;
	v9 =	vld.idx.msk [tilespmem:v9+s11+$0x0], $0xffff  }
0x11a: {  	v5 =	vld.idx.msk [tilespmem:v5+s11+$0x0], $0xffff;
	v12 =	vbroadcast v12, $0x0;
	v16 =	vshll.u32 v16, v1;
	v17 =	vshll.u32 v17, v1  }
0x11b: {  	v15 =	vshll.u32 v15, v1;
	v13 =	vor.u32 v37, v13;
	v17 =	vbroadcast v17, $0x0;
	v7 =	vld.idx.msk [tilespmem:v7+s11+$0x0], $0xffff  }
0x11c: {  	v10 =	vshrl.u32 v10, $0x3;
	v3 =	vmul.f32 v3, v2;
	v8 =	vmul.f32 v8, v2  }
0x11d: {  	s23 =	simm.s32 $0x13370;
	v17 =	vor.u32 v41, v17;
	v11 =	vld.idx.msk [tilespmem:v11+s11+$0x0], $0xffff;
	v4 =	vmul.f32 v4, v2;
	v6 =	vmul.f32 v6, v2  }
0x11e: {  	v9 =	vmul.f32 v9, v2;
	[tilespmem:s23+$0x1A0] =	vst v8;
	v8 =	vor.u32 v60, v12;
	v12 =	vbroadcast v14, $0x0  }
0x11f: {  	v10 =	vshll.u32 v10, v1;
	[tilespmem:s23+$0x0] =	vst v3;
	v14 =	vmul.f32 v5, v2;
	v5 =	vbroadcast v15, $0x0  }
0x120: {  	s30 =	simm.s32 $0x13;
	[tilespmem:s23+$0xFFFFFE60] =	vst v4;
	v4 =	vmul.f32 v7, v2;
	v7 =	vbroadcast v16, $0x0;
	v12 =	vor.u32 v38, v12  }
0x121: {  	s24 =	simm.s32 $0x10;
	v18 =	vmov s30;
	[tilespmem:s23+$0xFFFFFF30] =	vst v6;
	v6 =	vbroadcast v10, $0x0;
	v10 =	vor.u32 v39, v5  }
0x122: {  	s28 =	simm.s32 $0x11;
	v3 =	vld.idx.msk [tilespmem:v17+s11+$0x0], $0xffff;
	v16 =	vmul.f32 v11, v2;
	v11 =	vmov s24;
	[tilespmem:s23+$0xFFFFFD90] =	vst v9;
	v9 =	vor.u32 v40, v7  }
0x123: {  	s29 =	simm.s32 $0x12;
	s26 =	simm.s32 $0xF;
	v15 =	vmov s28;
	s28 =	simm.s32 $0x14;
	[tilespmem:s23+$0xD0] =	vst v14;
	v14 =	vshrl.u32 v11, $0x3;
	v11 =	vor.u32 v54, v6;
	v7 =	vld.idx.msk [tilespmem:v13+s11+$0x0], $0xffff  }
0x124: {  	s31 =	simm.s32 $0x15;
	v17 =	vmov s29;
	v19 =	vmov s28;
	v5 =	vor.u32 s26, v55;
	v6 =	vld.idx.msk [tilespmem:v8+s11+$0x0], $0xffff  }
0x125: {  	v15 =	vshrl.u32 v15, $0x3;
	[tilespmem:s23+$0xFFFFFCC0] =	vst v4;
	v4 =	vshll.u32 v14, v1;
	v14 =	vmov s31;
	v8 =	vld.idx.msk [tilespmem:v12+s11+$0x0], $0xffff  }
0x126: {  	s25 =	simm.s32 $0x18;
	s26 =	simm.s32 $0x16;
	[tilespmem:s23+$0x270] =	vst v16;
	v16 =	vshrl.u32 v17, $0x3;
	v13 =	vshrl.u32 v18, $0x3;
	v12 =	vshrl.u32 v19, $0x3;
	v10 =	vld.idx.msk [tilespmem:v10+s11+$0x0], $0xffff  }
.LBB2_11:
0x127: {  	p1 =	slt.u32 s25, $0x38;
	v15 =	vshll.u32 v15, v1;
	v14 =	vshrl.u32 v14, $0x3;
	v17 =	vmov s26;
	v9 =	vld.idx.msk [tilespmem:v9+s11+$0x0], $0xffff  }
0x128: {  	v16 =	vshll.u32 v16, v1;
	v3 =	vmul.f32 v3, v2;
	v17 =	vshrl.u32 v17, $0x3;
	v11 =	vld.idx.msk [tilespmem:v11+s11+$0x0], $0xffff  }
0x129: {  	v13 =	vshll.u32 v13, v1;
	s23 =	sadd.s32 $0x680, s23;
	v6 =	vmul.f32 v6, v2;
	v17 =	vshll.u32 v17, v1;
	v5 =	vld.idx.msk [tilespmem:v5+s11+$0x0], $0xffff  }
0x12a: {  	v12 =	vshll.u32 v12, v1;
	v7 =	vmul.f32 v7, v2;
	v17 =	vbroadcast v17, $0x0;
	[tilespmem:s23+$0x1A0] =	vst v3  }
0x12b: {  	v14 =	vshll.u32 v14, v1;
	v3 =	vbroadcast v15, $0x0;
	[tilespmem:s23+$0xFFFFFD90] =	vst v6;
	v6 =	vmul.f32 v8, v2  }
0x12c: {  	v8 =	vbroadcast v16, $0x0;
	v15 =	vor.u32 v41, v17;
	[tilespmem:s23+$0xFFFFFE60] =	vst v7;
	v7 =	vmul.f32 v10, v2  }
0x12d: {  	v10 =	vor.u32 v60, v3;
	v3 =	vbroadcast v13, $0x0;
	[tilespmem:s23+$0xFFFFFF30] =	vst v6;
	v6 =	vmul.f32 v9, v2  }
0x12e: {  	v8 =	vor.u32 v37, v8;
	v9 =	vbroadcast v12, $0x0;
	v11 =	vmul.f32 v11, v2;
	[tilespmem:s23+$0x0] =	vst v7  }
0x12f: {  	v12 =	vor.u32 v38, v3;
	v3 =	vbroadcast v14, $0x0;
	[tilespmem:s23+$0xD0] =	vst v6;
	v6 =	vmul.f32 v5, v2  }
0x130: {  	v4 =	vbroadcast v4, $0x0;
	s26 =	sadd.s32 $0x7, s24;
	s24 =	smov.u32 s25;
	v17 =	vor.u32 v39, v9;
	[tilespmem:s23+$0xFFFFFCC0] =	vst v11  }
.Ltmp4:
0x131: {  	s28 =	sadd.s32 $0x1, s25;
	v7 =	vmov s25;
	v5 =	vor.u32 s26, v55;
	v9 =	vor.u32 v40, v3;
	v3 =	vld.idx.msk [tilespmem:v15+s11+$0x0], $0xffff;
	[tilespmem:s23+$0x270] =	vst v6;
	(pc) =	sbr.rel @p1 .LBB2_11-.Ltmp4, $4  }
0x132: {  	s29 =	sadd.s32 $0x4, s25;
	v14 =	vmov s28;
	s28 =	sadd.s32 $0x3, s25;
	v13 =	vshrl.u32 v7, $0x3;
	s26 =	sadd.s32 $0x2, s25;
	v11 =	vor.u32 v54, v4;
	v6 =	vld.idx.msk [tilespmem:v10+s11+$0x0], $0xffff  }
0x133: {  	v19 =	vmov s29;
	v18 =	vmov s28;
	v10 =	vmov s26;
	s26 =	sadd.s32 $0x5, s25;
	v7 =	vld.idx.msk [tilespmem:v8+s11+$0x0], $0xffff  }
0x134: {  	v4 =	vshll.u32 v13, v1;
	v15 =	vshrl.u32 v14, $0x3;
	v14 =	vmov s26;
	v8 =	vld.idx.msk [tilespmem:v12+s11+$0x0], $0xffff  }
0x135: {  	v13 =	vshrl.u32 v18, $0x3;
	s25 =	sadd.s32 $0x8, s25;
	v16 =	vshrl.u32 v10, $0x3;
	s26 =	sadd.s32 $0x6, s24;
	v12 =	vshrl.u32 v19, $0x3;
	v10 =	vld.idx.msk [tilespmem:v17+s11+$0x0], $0xffff  }
0x136: {  	v17 =	vmov s26;
	v15 =	vshll.u32 v15, v1  }
0x137: {  	v14 =	vshrl.u32 v14, $0x3;
	v16 =	vshll.u32 v16, v1;
	v4 =	vbroadcast v4, $0x0  }
0x138: {  	v13 =	vshll.u32 v13, v1;
	v12 =	vshll.u32 v12, v1;
	v15 =	vbroadcast v15, $0x0  }
0x139: {  	v3 =	vmul.f32 v3, v2;
	v16 =	vbroadcast v16, $0x0;
	v4 =	vor.u32 v54, v4  }
0x13a: {  	v9 =	vld.idx.msk [tilespmem:v9+s11+$0x0], $0xffff;
	v17 =	vshrl.u32 v17, $0x3;
	v13 =	vbroadcast v13, $0x0;
	v15 =	vor.u32 v60, v15  }
0x13b: {  	v11 =	vld.idx.msk [tilespmem:v11+s11+$0x0], $0xffff;
	v14 =	vshll.u32 v14, v1;
	v12 =	vbroadcast v12, $0x0;
	v16 =	vor.u32 v37, v16  }
0x13c: {  	v5 =	vld.idx.msk [tilespmem:v5+s11+$0x0], $0xffff;
	v17 =	vshll.u32 v17, v1;
	v14 =	vbroadcast v14, $0x0;
	v13 =	vor.u32 v38, v13  }
0x13d: {  	s23 =	sadd.s32 $0x680, s23;
	v6 =	vmul.f32 v6, v2;
	v17 =	vbroadcast v17, $0x0;
	v12 =	vor.u32 v39, v12  }
0x13e: {  	v7 =	vmul.f32 v7, v2;
	[tilespmem:s23+$0x1A0] =	vst v3;
	v14 =	vor.u32 v40, v14;
	v4 =	vld.idx.msk [tilespmem:v4+s11+$0x0], $0xffff  }
0x13f: {  	s24 =	sadd.s32 $0x7, s24;
	[tilespmem:s23+$0xFFFFFD90] =	vst v6;
	v17 =	vor.u32 v41, v17;
	v9 =	vmul.f32 v9, v2;
	v15 =	vld.idx.msk [tilespmem:v15+s11+$0x0], $0xffff  }
0x140: {  	v18 =	vor.u32 s24, v55;
	[tilespmem:s23+$0xFFFFFE60] =	vst v7;
	v3 =	vmul.f32 v11, v2;
	v16 =	vld.idx.msk [tilespmem:v16+s11+$0x0], $0xffff  }
0x141: {  	s26 =	simm.s32 $0x1;
	s29 =	simm.s32 $0x4;
	v8 =	vmul.f32 v8, v2;
	v5 =	vmul.f32 v5, v2;
	[tilespmem:s23+$0xD0] =	vst v9;
	v13 =	vld.idx.msk [tilespmem:v13+s11+$0x0], $0xffff  }
0x142: {  	s30 =	simm.s32 $0x5;
	v10 =	vmul.f32 v10, v2;
	v9 =	vmov s26;
	[tilespmem:s23+$0xFFFFFCC0] =	vst v3;
	v3 =	vmov s29;
	v12 =	vld.idx.msk [tilespmem:v12+s11+$0x0], $0xffff  }
0x143: {  	[tilespmem:s23+$0x270] =	vst v5;
	v5 =	vmov s30;
	v9 =	vshrl.u32 v9, $0x3;
	v3 =	vshrl.u32 v3, $0x3;
	v14 =	vld.idx.msk [tilespmem:v14+s11+$0x0], $0xffff  }
0x144: {  	[tilespmem:s23+$0xFFFFFF30] =	vst v8;
	v5 =	vshrl.u32 v5, $0x3;
	v9 =	vshll.u32 v9, v1;
	v17 =	vld.idx.msk [tilespmem:v17+s11+$0x0], $0xffff;
	v4 =	vmul.f32 v4, v2  }
0x145: {  	v18 =	vld.idx.msk [tilespmem:v18+s11+$0x0], $0xffff;
	[tilespmem:s23+$0x0] =	vst v10;
	s23 =	sadd.s32 $0x680, s23;
	v3 =	vshll.u32 v3, v1;
	v9 =	vbroadcast v9, $0x0;
	v11 =	vmul.f32 v15, v2  }
0x146: {  	v5 =	vshll.u32 v5, v1;
	v3 =	vbroadcast v3, $0x0;
	v7 =	vmul.f32 v16, v2;
	[tilespmem:s23+$0xFFFFFCC0] =	vst v4  }
0x147: {  	s28 =	simm.s32 $0x3;
	v5 =	vbroadcast v5, $0x0;
	v13 =	vmul.f32 v13, v2;
	[tilespmem:s23+$0xFFFFFD90] =	vst v11  }
0x148: {  	s25 =	simm.s32 $0x0;
	v9 =	vor.u32 v42, v9;
	v8 =	vmul.f32 v12, v2;
	v15 =	vmov s28;
	[tilespmem:s23+$0xFFFFFE60] =	vst v7  }
0x149: {  	s31 =	simm.s32 $0x6;
	v12 =	vmul.f32 v14, v2;
	v14 =	vmov s25;
	v6 =	vmul.f32 v17, v2;
	[tilespmem:s23+$0xFFFFFF30] =	vst v13  }
0x14a: {  	v16 =	vmov s31;
	s25 =	simm.s32 $0x2;
	v2 =	vmul.f32 v18, v2;
	v10 =	vshrl.u32 v14, $0x3;
	[tilespmem:s23+$0x0] =	vst v8  }
0x14b: {  	v14 =	vmov s25;
	[tilespmem:s23+$0x1A0] =	vst v6;
	v6 =	vshrl.u32 v15, $0x3;
	v15 =	vshrl.u32 v16, $0x3  }
0x14c: {  	v3 =	vor.u32 v45, v3;
	v14 =	vshrl.u32 v14, $0x3;
	[tilespmem:s23+$0xD0] =	vst v12;
	v11 =	vshll.u32 v15, v1  }
0x14d: {  	s29 =	simm.s32 $0xA;
	v5 =	vor.u32 v46, v5;
	v7 =	vshll.u32 v14, v1;
	[tilespmem:s23+$0x270] =	vst v2;
	v11 =	vbroadcast v11, $0x0  }
0x14e: {  	v13 =	vmov s29;
	v6 =	vshll.u32 v6, v1;
	v7 =	vbroadcast v7, $0x0;
	v55 =	vld [tilespmem:$0x1FC60]  }
0x14f: {  	s28 =	simm.s32 $0x9;
	v10 =	vshll.u32 v10, v1;
	v6 =	vbroadcast v6, $0x0;
	v8 =	vor.u32 v47, v11  }
0x150: {  	s30 =	simm.s32 $0xB;
	v12 =	vmov s28;
	v13 =	vshrl.u32 v13, $0x3;
	v56 =	vld [tilespmem:$0x1FF20];
	v4 =	vor.u32 v43, v7  }
0x151: {  	s24 =	simm.s32 $0xD;
	v14 =	vmov s30;
	v2 =	vld [tilespmem:s22+$0x6440];
	v7 =	vbroadcast v10, $0x0;
	v6 =	vor.u32 v44, v6  }
0x152: {  	s31 =	simm.s32 $0xC;
	v12 =	vshrl.u32 v12, $0x3;
	v16 =	vmov s24;
	v13 =	vshll.u32 v13, v1;
	v9 =	vld.idx.msk [tilespmem:v9+s11+$0x0], $0xffff  }
0x153: {  	s25 =	simm.s32 $0x8;
	v15 =	vmov s31;
	v14 =	vshrl.u32 v14, $0x3;
	v3 =	vld.idx.msk [tilespmem:v3+s11+$0x0], $0xffff;
	v7 =	vor.u32 v55, v7  }
0x154: {  	s26 =	simm.s32 $0x7;
	v12 =	vshll.u32 v12, v1;
	v16 =	vshrl.u32 v16, $0x3;
	v10 =	vmov s25;
	s25 =	simm.s32 $0xE;
	v8 =	vld.idx.msk [tilespmem:v8+s11+$0x0], $0xffff  }
0x155: {  	v13 =	vbroadcast v13, $0x0;
	v17 =	vmov s25;
	v11 =	vor.u32 s26, v56;
	v4 =	vld.idx.msk [tilespmem:v4+s11+$0x0], $0xffff  }
0x156: {  	v15 =	vshrl.u32 v15, $0x3;
	v14 =	vshll.u32 v14, v1;
	v17 =	vshrl.u32 v17, $0x3;
	v6 =	vld.idx.msk [tilespmem:v6+s11+$0x0], $0xffff  }
0x157: {  	v5 =	vld.idx.msk [tilespmem:v5+s11+$0x0], $0xffff;
	v12 =	vbroadcast v12, $0x0;
	v16 =	vshll.u32 v16, v1;
	v17 =	vshll.u32 v17, v1  }
0x158: {  	v15 =	vshll.u32 v15, v1;
	v13 =	vor.u32 v43, v13;
	v17 =	vbroadcast v17, $0x0;
	v7 =	vld.idx.msk [tilespmem:v7+s11+$0x0], $0xffff  }
0x159: {  	v10 =	vshrl.u32 v10, $0x3;
	v9 =	vmul.f32 v9, v2;
	v8 =	vmul.f32 v8, v2  }
0x15a: {  	s23 =	simm.s32 $0x13380;
	v3 =	vmul.f32 v3, v2;
	v17 =	vor.u32 v47, v17;
	v11 =	vld.idx.msk [tilespmem:v11+s11+$0x0], $0xffff;
	v4 =	vmul.f32 v4, v2  }
0x15b: {  	v6 =	vmul.f32 v6, v2;
	[tilespmem:s23+$0x1A0] =	vst v8;
	v8 =	vor.u32 v42, v12;
	v12 =	vbroadcast v14, $0x0  }
0x15c: {  	v10 =	vshll.u32 v10, v1;
	[tilespmem:s23+$0xFFFFFD90] =	vst v9;
	v14 =	vmul.f32 v5, v2;
	v5 =	vbroadcast v15, $0x0  }
0x15d: {  	s30 =	simm.s32 $0x13;
	[tilespmem:s23+$0xFFFFFE60] =	vst v4;
	v4 =	vmul.f32 v7, v2;
	v7 =	vbroadcast v16, $0x0;
	v12 =	vor.u32 v44, v12  }
0x15e: {  	s24 =	simm.s32 $0x10;
	v18 =	vmov s30;
	[tilespmem:s23+$0xFFFFFF30] =	vst v6;
	v6 =	vbroadcast v10, $0x0;
	v10 =	vor.u32 v45, v5  }
0x15f: {  	s28 =	simm.s32 $0x11;
	[tilespmem:s23+$0x0] =	vst v3;
	v3 =	vld.idx.msk [tilespmem:v17+s11+$0x0], $0xffff;
	v16 =	vmul.f32 v11, v2;
	v11 =	vmov s24;
	v9 =	vor.u32 v46, v7  }
0x160: {  	s29 =	simm.s32 $0x12;
	s26 =	simm.s32 $0xF;
	v15 =	vmov s28;
	s28 =	simm.s32 $0x14;
	[tilespmem:s23+$0xD0] =	vst v14;
	v14 =	vshrl.u32 v11, $0x3;
	v11 =	vor.u32 v55, v6;
	v7 =	vld.idx.msk [tilespmem:v13+s11+$0x0], $0xffff  }
0x161: {  	v17 =	vmov s29;
	v19 =	vmov s28;
	v5 =	vor.u32 s26, v56;
	v6 =	vld.idx.msk [tilespmem:v8+s11+$0x0], $0xffff  }
0x162: {  	s31 =	simm.s32 $0x15;
	v15 =	vshrl.u32 v15, $0x3;
	[tilespmem:s23+$0x270] =	vst v16;
	v16 =	vshrl.u32 v17, $0x3;
	v13 =	vshrl.u32 v18, $0x3;
	v8 =	vld.idx.msk [tilespmem:v12+s11+$0x0], $0xffff  }
0x163: {  	s25 =	simm.s32 $0x18;
	[tilespmem:s23+$0xFFFFFCC0] =	vst v4;
	s26 =	simm.s32 $0x16;
	v4 =	vshll.u32 v14, v1;
	v14 =	vmov s31;
	v12 =	vshrl.u32 v19, $0x3;
	v10 =	vld.idx.msk [tilespmem:v10+s11+$0x0], $0xffff  }
.LBB2_13:
0x164: {  	p1 =	slt.u32 s25, $0x38;
	v15 =	vshll.u32 v15, v1;
	v14 =	vshrl.u32 v14, $0x3;
	v17 =	vmov s26;
	v9 =	vld.idx.msk [tilespmem:v9+s11+$0x0], $0xffff  }
0x165: {  	v16 =	vshll.u32 v16, v1;
	v3 =	vmul.f32 v3, v2;
	v17 =	vshrl.u32 v17, $0x3;
	v11 =	vld.idx.msk [tilespmem:v11+s11+$0x0], $0xffff  }
0x166: {  	v13 =	vshll.u32 v13, v1;
	s23 =	sadd.s32 $0x680, s23;
	v6 =	vmul.f32 v6, v2;
	v17 =	vshll.u32 v17, v1;
	v5 =	vld.idx.msk [tilespmem:v5+s11+$0x0], $0xffff  }
0x167: {  	v12 =	vshll.u32 v12, v1;
	v7 =	vmul.f32 v7, v2;
	v17 =	vbroadcast v17, $0x0;
	[tilespmem:s23+$0x1A0] =	vst v3  }
0x168: {  	v14 =	vshll.u32 v14, v1;
	v3 =	vbroadcast v15, $0x0;
	[tilespmem:s23+$0xFFFFFD90] =	vst v6;
	v6 =	vmul.f32 v8, v2  }
0x169: {  	v8 =	vbroadcast v16, $0x0;
	v15 =	vor.u32 v47, v17;
	[tilespmem:s23+$0xFFFFFE60] =	vst v7;
	v7 =	vmul.f32 v10, v2  }
0x16a: {  	v10 =	vor.u32 v42, v3;
	v3 =	vbroadcast v13, $0x0;
	[tilespmem:s23+$0xFFFFFF30] =	vst v6;
	v6 =	vmul.f32 v9, v2  }
0x16b: {  	v8 =	vor.u32 v43, v8;
	v9 =	vbroadcast v12, $0x0;
	v11 =	vmul.f32 v11, v2;
	[tilespmem:s23+$0x0] =	vst v7  }
0x16c: {  	v12 =	vor.u32 v44, v3;
	v3 =	vbroadcast v14, $0x0;
	[tilespmem:s23+$0xD0] =	vst v6;
	v6 =	vmul.f32 v5, v2  }
0x16d: {  	v4 =	vbroadcast v4, $0x0;
	s26 =	sadd.s32 $0x7, s24;
	s24 =	smov.u32 s25;
	v17 =	vor.u32 v45, v9;
	[tilespmem:s23+$0xFFFFFCC0] =	vst v11  }
.Ltmp5:
0x16e: {  	s28 =	sadd.s32 $0x1, s25;
	v7 =	vmov s25;
	v5 =	vor.u32 s26, v56;
	v9 =	vor.u32 v46, v3;
	v3 =	vld.idx.msk [tilespmem:v15+s11+$0x0], $0xffff;
	[tilespmem:s23+$0x270] =	vst v6;
	(pc) =	sbr.rel @p1 .LBB2_13-.Ltmp5, $4  }
0x16f: {  	s29 =	sadd.s32 $0x4, s25;
	v14 =	vmov s28;
	s28 =	sadd.s32 $0x3, s25;
	v13 =	vshrl.u32 v7, $0x3;
	s26 =	sadd.s32 $0x2, s25;
	v11 =	vor.u32 v55, v4;
	v6 =	vld.idx.msk [tilespmem:v10+s11+$0x0], $0xffff  }
0x170: {  	v19 =	vmov s29;
	v18 =	vmov s28;
	v10 =	vmov s26;
	s26 =	sadd.s32 $0x5, s25;
	v7 =	vld.idx.msk [tilespmem:v8+s11+$0x0], $0xffff  }
0x171: {  	v4 =	vshll.u32 v13, v1;
	v15 =	vshrl.u32 v14, $0x3;
	v14 =	vmov s26;
	v8 =	vld.idx.msk [tilespmem:v12+s11+$0x0], $0xffff  }
0x172: {  	v13 =	vshrl.u32 v18, $0x3;
	s25 =	sadd.s32 $0x8, s25;
	v16 =	vshrl.u32 v10, $0x3;
	s26 =	sadd.s32 $0x6, s24;
	v12 =	vshrl.u32 v19, $0x3;
	v10 =	vld.idx.msk [tilespmem:v17+s11+$0x0], $0xffff  }
0x173: {  	v17 =	vmov s26;
	v15 =	vshll.u32 v15, v1  }
0x174: {  	v14 =	vshrl.u32 v14, $0x3;
	v16 =	vshll.u32 v16, v1;
	v4 =	vbroadcast v4, $0x0  }
0x175: {  	v13 =	vshll.u32 v13, v1;
	v12 =	vshll.u32 v12, v1;
	v15 =	vbroadcast v15, $0x0  }
0x176: {  	v3 =	vmul.f32 v3, v2;
	v16 =	vbroadcast v16, $0x0;
	v4 =	vor.u32 v55, v4  }
0x177: {  	v9 =	vld.idx.msk [tilespmem:v9+s11+$0x0], $0xffff;
	v17 =	vshrl.u32 v17, $0x3;
	v13 =	vbroadcast v13, $0x0;
	v15 =	vor.u32 v42, v15  }
0x178: {  	v11 =	vld.idx.msk [tilespmem:v11+s11+$0x0], $0xffff;
	v14 =	vshll.u32 v14, v1;
	v12 =	vbroadcast v12, $0x0;
	v16 =	vor.u32 v43, v16  }
0x179: {  	v5 =	vld.idx.msk [tilespmem:v5+s11+$0x0], $0xffff;
	v17 =	vshll.u32 v17, v1;
	v14 =	vbroadcast v14, $0x0;
	v13 =	vor.u32 v44, v13  }
0x17a: {  	s23 =	sadd.s32 $0x680, s23;
	v6 =	vmul.f32 v6, v2;
	v17 =	vbroadcast v17, $0x0;
	v12 =	vor.u32 v45, v12  }
0x17b: {  	v7 =	vmul.f32 v7, v2;
	[tilespmem:s23+$0x1A0] =	vst v3;
	v14 =	vor.u32 v46, v14;
	v4 =	vld.idx.msk [tilespmem:v4+s11+$0x0], $0xffff  }
0x17c: {  	s24 =	sadd.s32 $0x7, s24;
	[tilespmem:s23+$0xFFFFFD90] =	vst v6;
	v17 =	vor.u32 v47, v17;
	v9 =	vmul.f32 v9, v2;
	v15 =	vld.idx.msk [tilespmem:v15+s11+$0x0], $0xffff  }
0x17d: {  	v18 =	vor.u32 s24, v56;
	[tilespmem:s23+$0xFFFFFE60] =	vst v7;
	v3 =	vmul.f32 v11, v2;
	v16 =	vld.idx.msk [tilespmem:v16+s11+$0x0], $0xffff  }
0x17e: {  	s26 =	simm.s32 $0x1;
	v5 =	vmul.f32 v5, v2;
	[tilespmem:s23+$0xD0] =	vst v9;
	v13 =	vld.idx.msk [tilespmem:v13+s11+$0x0], $0xffff  }
0x17f: {  	s29 =	simm.s32 $0x4;
	s30 =	simm.s32 $0x5;
	v8 =	vmul.f32 v8, v2;
	v10 =	vmul.f32 v10, v2;
	v9 =	vmov s26;
	[tilespmem:s23+$0xFFFFFCC0] =	vst v3;
	v12 =	vld.idx.msk [tilespmem:v12+s11+$0x0], $0xffff  }
0x180: {  	v3 =	vmov s29;
	[tilespmem:s23+$0x270] =	vst v5;
	v5 =	vmov s30;
	v9 =	vshrl.u32 v9, $0x3;
	v14 =	vld.idx.msk [tilespmem:v14+s11+$0x0], $0xffff  }
0x181: {  	[tilespmem:s23+$0xFFFFFF30] =	vst v8;
	v3 =	vshrl.u32 v3, $0x3;
	v9 =	vshll.u32 v9, v1;
	v17 =	vld.idx.msk [tilespmem:v17+s11+$0x0], $0xffff;
	v11 =	vmul.f32 v15, v2  }
0x182: {  	v18 =	vld.idx.msk [tilespmem:v18+s11+$0x0], $0xffff;
	[tilespmem:s23+$0x0] =	vst v10;
	s23 =	sadd.s32 $0x680, s23;
	v3 =	vshll.u32 v3, v1;
	v9 =	vbroadcast v9, $0x0;
	v7 =	vmul.f32 v16, v2  }
0x183: {  	v5 =	vshrl.u32 v5, $0x3;
	v3 =	vbroadcast v3, $0x0;
	v13 =	vmul.f32 v13, v2;
	[tilespmem:s23+$0xFFFFFD90] =	vst v11  }
0x184: {  	s25 =	simm.s32 $0x0;
	s28 =	simm.s32 $0x3;
	v5 =	vshll.u32 v5, v1;
	v4 =	vmul.f32 v4, v2;
	v8 =	vmul.f32 v12, v2;
	[tilespmem:s23+$0xFFFFFE60] =	vst v7  }
0x185: {  	v15 =	vmov s28;
	v12 =	vmul.f32 v14, v2;
	v14 =	vmov s25;
	s25 =	simm.s32 $0x2;
	[tilespmem:s23+$0xFFFFFF30] =	vst v13  }
0x186: {  	s31 =	simm.s32 $0x6;
	v6 =	vmul.f32 v17, v2;
	v10 =	vshrl.u32 v14, $0x3;
	v14 =	vmov s25;
	[tilespmem:s23+$0x0] =	vst v8  }
0x187: {  	v16 =	vmov s31;
	v2 =	vmul.f32 v18, v2;
	v14 =	vshrl.u32 v14, $0x3;
	[tilespmem:s23+$0xD0] =	vst v12  }
0x188: {  	[tilespmem:s23+$0x1A0] =	vst v6;
	v6 =	vshrl.u32 v15, $0x3;
	v15 =	vshrl.u32 v16, $0x3;
	v7 =	vshll.u32 v14, v1  }
0x189: {  	v5 =	vbroadcast v5, $0x0;
	v11 =	vshll.u32 v15, v1;
	v7 =	vbroadcast v7, $0x0;
	v56 =	vld [tilespmem:$0x1FF30];
	[tilespmem:s23+$0xFFFFFCC0] =	vst v4  }
0x18a: {  	v3 =	vor.u32 v50, v3;
	v6 =	vshll.u32 v6, v1;
	[tilespmem:s23+$0x270] =	vst v2;
	v11 =	vbroadcast v11, $0x0  }
0x18b: {  	s29 =	simm.s32 $0xA;
	v5 =	vor.u32 v51, v5;
	v6 =	vbroadcast v6, $0x0;
	v55 =	vld [tilespmem:$0x1FC70];
	v4 =	vor.u32 v48, v7  }
0x18c: {  	s28 =	simm.s32 $0x9;
	v13 =	vmov s29;
	v10 =	vshll.u32 v10, v1;
	v8 =	vor.u32 v52, v11  }
0x18d: {  	s30 =	simm.s32 $0xB;
	v12 =	vmov s28;
	v13 =	vshrl.u32 v13, $0x3;
	v57 =	vld [tilespmem:$0x1FC80];
	v6 =	vor.u32 v49, v6  }
0x18e: {  	s24 =	simm.s32 $0xD;
	v14 =	vmov s30;
	v2 =	vld [tilespmem:s22+$0x6450];
	v7 =	vbroadcast v10, $0x0;
	v9 =	vor.u32 v56, v9  }
0x18f: {  	s31 =	simm.s32 $0xC;
	v12 =	vshrl.u32 v12, $0x3;
	v16 =	vmov s24;
	v13 =	vshll.u32 v13, v1;
	v3 =	vld.idx.msk [tilespmem:v3+s11+$0x0], $0xffff  }
0x190: {  	s25 =	simm.s32 $0x8;
	v15 =	vmov s31;
	v14 =	vshrl.u32 v14, $0x3;
	v7 =	vor.u32 v55, v7;
	v4 =	vld.idx.msk [tilespmem:v4+s11+$0x0], $0xffff  }
0x191: {  	s26 =	simm.s32 $0x7;
	v12 =	vshll.u32 v12, v1;
	v16 =	vshrl.u32 v16, $0x3;
	v10 =	vmov s25;
	s25 =	simm.s32 $0xE;
	v8 =	vld.idx.msk [tilespmem:v8+s11+$0x0], $0xffff  }
0x192: {  	v13 =	vbroadcast v13, $0x0;
	v17 =	vmov s25;
	v11 =	vor.u32 s26, v57;
	v6 =	vld.idx.msk [tilespmem:v6+s11+$0x0], $0xffff  }
0x193: {  	v15 =	vshrl.u32 v15, $0x3;
	v14 =	vshll.u32 v14, v1;
	v17 =	vshrl.u32 v17, $0x3;
	v9 =	vld.idx.msk [tilespmem:v9+s11+$0x0], $0xffff  }
0x194: {  	v5 =	vld.idx.msk [tilespmem:v5+s11+$0x0], $0xffff;
	v12 =	vbroadcast v12, $0x0;
	v16 =	vshll.u32 v16, v1;
	v17 =	vshll.u32 v17, v1  }
0x195: {  	v15 =	vshll.u32 v15, v1;
	v13 =	vor.u32 v48, v13;
	v17 =	vbroadcast v17, $0x0;
	v7 =	vld.idx.msk [tilespmem:v7+s11+$0x0], $0xffff  }
0x196: {  	v10 =	vshrl.u32 v10, $0x3;
	v3 =	vmul.f32 v3, v2;
	v8 =	vmul.f32 v8, v2  }
0x197: {  	s23 =	simm.s32 $0x13390;
	v17 =	vor.u32 v52, v17;
	v11 =	vld.idx.msk [tilespmem:v11+s11+$0x0], $0xffff;
	v4 =	vmul.f32 v4, v2;
	v6 =	vmul.f32 v6, v2  }
0x198: {  	v9 =	vmul.f32 v9, v2;
	[tilespmem:s23+$0x1A0] =	vst v8;
	v8 =	vor.u32 v56, v12;
	v12 =	vbroadcast v14, $0x0  }
0x199: {  	v10 =	vshll.u32 v10, v1;
	[tilespmem:s23+$0x0] =	vst v3;
	v14 =	vmul.f32 v5, v2;
	v5 =	vbroadcast v15, $0x0  }
0x19a: {  	s30 =	simm.s32 $0x13;
	[tilespmem:s23+$0xFFFFFE60] =	vst v4;
	v4 =	vmul.f32 v7, v2;
	v7 =	vbroadcast v16, $0x0;
	v12 =	vor.u32 v49, v12  }
0x19b: {  	s24 =	simm.s32 $0x10;
	v18 =	vmov s30;
	[tilespmem:s23+$0xFFFFFF30] =	vst v6;
	v6 =	vbroadcast v10, $0x0;
	v10 =	vor.u32 v50, v5  }
0x19c: {  	s28 =	simm.s32 $0x11;
	v3 =	vld.idx.msk [tilespmem:v17+s11+$0x0], $0xffff;
	v16 =	vmul.f32 v11, v2;
	v11 =	vmov s24;
	[tilespmem:s23+$0xFFFFFD90] =	vst v9;
	v9 =	vor.u32 v51, v7  }
0x19d: {  	s29 =	simm.s32 $0x12;
	s26 =	simm.s32 $0xF;
	v15 =	vmov s28;
	s28 =	simm.s32 $0x14;
	[tilespmem:s23+$0xD0] =	vst v14;
	v14 =	vshrl.u32 v11, $0x3;
	v11 =	vor.u32 v55, v6;
	v7 =	vld.idx.msk [tilespmem:v13+s11+$0x0], $0xffff  }
0x19e: {  	s31 =	simm.s32 $0x15;
	v17 =	vmov s29;
	v19 =	vmov s28;
	v5 =	vor.u32 s26, v57;
	v6 =	vld.idx.msk [tilespmem:v8+s11+$0x0], $0xffff  }
0x19f: {  	v15 =	vshrl.u32 v15, $0x3;
	[tilespmem:s23+$0xFFFFFCC0] =	vst v4;
	v4 =	vshll.u32 v14, v1;
	v14 =	vmov s31;
	v8 =	vld.idx.msk [tilespmem:v12+s11+$0x0], $0xffff  }
0x1a0: {  	s25 =	simm.s32 $0x18;
	s26 =	simm.s32 $0x16;
	[tilespmem:s23+$0x270] =	vst v16;
	v16 =	vshrl.u32 v17, $0x3;
	v13 =	vshrl.u32 v18, $0x3;
	v12 =	vshrl.u32 v19, $0x3;
	v10 =	vld.idx.msk [tilespmem:v10+s11+$0x0], $0xffff  }
.LBB2_15:
0x1a1: {  	p1 =	slt.u32 s25, $0x38;
	v15 =	vshll.u32 v15, v1;
	v14 =	vshrl.u32 v14, $0x3;
	v17 =	vmov s26;
	v9 =	vld.idx.msk [tilespmem:v9+s11+$0x0], $0xffff  }
0x1a2: {  	v16 =	vshll.u32 v16, v1;
	v3 =	vmul.f32 v3, v2;
	v17 =	vshrl.u32 v17, $0x3;
	v11 =	vld.idx.msk [tilespmem:v11+s11+$0x0], $0xffff  }
0x1a3: {  	v13 =	vshll.u32 v13, v1;
	s23 =	sadd.s32 $0x680, s23;
	v6 =	vmul.f32 v6, v2;
	v17 =	vshll.u32 v17, v1;
	v5 =	vld.idx.msk [tilespmem:v5+s11+$0x0], $0xffff  }
0x1a4: {  	v12 =	vshll.u32 v12, v1;
	v7 =	vmul.f32 v7, v2;
	v17 =	vbroadcast v17, $0x0;
	[tilespmem:s23+$0x1A0] =	vst v3  }
0x1a5: {  	v14 =	vshll.u32 v14, v1;
	v3 =	vbroadcast v15, $0x0;
	[tilespmem:s23+$0xFFFFFD90] =	vst v6;
	v6 =	vmul.f32 v8, v2  }
0x1a6: {  	v8 =	vbroadcast v16, $0x0;
	v15 =	vor.u32 v52, v17;
	[tilespmem:s23+$0xFFFFFE60] =	vst v7;
	v7 =	vmul.f32 v10, v2  }
0x1a7: {  	v10 =	vor.u32 v56, v3;
	v3 =	vbroadcast v13, $0x0;
	[tilespmem:s23+$0xFFFFFF30] =	vst v6;
	v6 =	vmul.f32 v9, v2  }
0x1a8: {  	v8 =	vor.u32 v48, v8;
	v9 =	vbroadcast v12, $0x0;
	v11 =	vmul.f32 v11, v2;
	[tilespmem:s23+$0x0] =	vst v7  }
0x1a9: {  	v12 =	vor.u32 v49, v3;
	v3 =	vbroadcast v14, $0x0;
	[tilespmem:s23+$0xD0] =	vst v6;
	v6 =	vmul.f32 v5, v2  }
0x1aa: {  	v4 =	vbroadcast v4, $0x0;
	s26 =	sadd.s32 $0x7, s24;
	s24 =	smov.u32 s25;
	v17 =	vor.u32 v50, v9;
	[tilespmem:s23+$0xFFFFFCC0] =	vst v11  }
.Ltmp6:
0x1ab: {  	s28 =	sadd.s32 $0x1, s25;
	v7 =	vmov s25;
	v5 =	vor.u32 s26, v57;
	v9 =	vor.u32 v51, v3;
	v3 =	vld.idx.msk [tilespmem:v15+s11+$0x0], $0xffff;
	[tilespmem:s23+$0x270] =	vst v6;
	(pc) =	sbr.rel @p1 .LBB2_15-.Ltmp6, $4  }
0x1ac: {  	s29 =	sadd.s32 $0x4, s25;
	v14 =	vmov s28;
	s28 =	sadd.s32 $0x3, s25;
	v13 =	vshrl.u32 v7, $0x3;
	s26 =	sadd.s32 $0x2, s25;
	v11 =	vor.u32 v55, v4;
	v6 =	vld.idx.msk [tilespmem:v10+s11+$0x0], $0xffff  }
0x1ad: {  	v19 =	vmov s29;
	v18 =	vmov s28;
	v10 =	vmov s26;
	s26 =	sadd.s32 $0x5, s25;
	v7 =	vld.idx.msk [tilespmem:v8+s11+$0x0], $0xffff  }
0x1ae: {  	v4 =	vshll.u32 v13, v1;
	v15 =	vshrl.u32 v14, $0x3;
	v14 =	vmov s26;
	v8 =	vld.idx.msk [tilespmem:v12+s11+$0x0], $0xffff  }
0x1af: {  	v13 =	vshrl.u32 v18, $0x3;
	s25 =	sadd.s32 $0x8, s25;
	v16 =	vshrl.u32 v10, $0x3;
	s26 =	sadd.s32 $0x6, s24;
	v12 =	vshrl.u32 v19, $0x3;
	v10 =	vld.idx.msk [tilespmem:v17+s11+$0x0], $0xffff  }
0x1b0: {  	v17 =	vmov s26;
	v15 =	vshll.u32 v15, v1;
	v14 =	vshrl.u32 v14, $0x3  }
0x1b1: {  	v16 =	vshll.u32 v16, v1;
	v13 =	vshll.u32 v13, v1;
	v4 =	vbroadcast v4, $0x0  }
0x1b2: {  	v12 =	vshll.u32 v12, v1;
	v3 =	vmul.f32 v3, v2;
	v15 =	vbroadcast v15, $0x0  }
0x1b3: {  	v17 =	vshrl.u32 v17, $0x3;
	v16 =	vbroadcast v16, $0x0;
	v4 =	vor.u32 v55, v4  }
0x1b4: {  	v13 =	vbroadcast v13, $0x0;
	v14 =	vshll.u32 v14, v1;
	v15 =	vor.u32 v56, v15  }
0x1b5: {  	v9 =	vld.idx.msk [tilespmem:v9+s11+$0x0], $0xffff;
	v12 =	vbroadcast v12, $0x0;
	v6 =	vmul.f32 v6, v2;
	v16 =	vor.u32 v48, v16  }
0x1b6: {  	v11 =	vld.idx.msk [tilespmem:v11+s11+$0x0], $0xffff;
	s23 =	sadd.s32 $0x680, s23;
	v17 =	vshll.u32 v17, v1;
	v14 =	vbroadcast v14, $0x0;
	v13 =	vor.u32 v49, v13  }
0x1b7: {  	v5 =	vld.idx.msk [tilespmem:v5+s11+$0x0], $0xffff;
	v7 =	vmul.f32 v7, v2;
	[tilespmem:s23+$0x1A0] =	vst v3;
	v17 =	vbroadcast v17, $0x0;
	v12 =	vor.u32 v50, v12  }
0x1b8: {  	v8 =	vmul.f32 v8, v2;
	[tilespmem:s23+$0xFFFFFD90] =	vst v6;
	v14 =	vor.u32 v51, v14;
	v4 =	vld.idx.msk [tilespmem:v4+s11+$0x0], $0xffff  }
0x1b9: {  	v10 =	vmul.f32 v10, v2;
	[tilespmem:s23+$0xFFFFFE60] =	vst v7;
	v17 =	vor.u32 v52, v17;
	v15 =	vld.idx.msk [tilespmem:v15+s11+$0x0], $0xffff  }
0x1ba: {  	s24 =	sadd.s32 $0x7, s24;
	v9 =	vmul.f32 v9, v2;
	[tilespmem:s23+$0xFFFFFF30] =	vst v8;
	v16 =	vld.idx.msk [tilespmem:v16+s11+$0x0], $0xffff  }
0x1bb: {  	v18 =	vor.u32 s24, v57;
	v3 =	vmul.f32 v11, v2;
	[tilespmem:s23+$0x0] =	vst v10;
	v13 =	vld.idx.msk [tilespmem:v13+s11+$0x0], $0xffff  }
0x1bc: {  	v5 =	vmul.f32 v5, v2;
	[tilespmem:s23+$0xD0] =	vst v9;
	v12 =	vld.idx.msk [tilespmem:v12+s11+$0x0], $0xffff  }
0x1bd: {  	[tilespmem:s23+$0xFFFFFCC0] =	vst v3;
	v14 =	vld.idx.msk [tilespmem:v14+s11+$0x0], $0xffff;
	v4 =	vmul.f32 v4, v2  }
0x1be: {  	s26 =	simm.s32 $0x1;
	[tilespmem:s23+$0x270] =	vst v5;
	s23 =	sadd.s32 $0x680, s23;
	v17 =	vld.idx.msk [tilespmem:v17+s11+$0x0], $0xffff;
	v11 =	vmul.f32 v15, v2  }
0x1bf: {  	s29 =	simm.s32 $0x4;
	s30 =	simm.s32 $0x5;
	v9 =	vmov s26;
	v7 =	vmul.f32 v16, v2;
	[tilespmem:s23+$0xFFFFFCC0] =	vst v4  }
0x1c0: {  	v18 =	vld.idx.msk [tilespmem:v18+s11+$0x0], $0xffff;
	v3 =	vmov s29;
	v5 =	vmov s30;
	v13 =	vmul.f32 v13, v2;
	[tilespmem:s23+$0xFFFFFD90] =	vst v11  }
0x1c1: {  	v9 =	vshrl.u32 v9, $0x3;
	v3 =	vshrl.u32 v3, $0x3;
	v8 =	vmul.f32 v12, v2;
	[tilespmem:s23+$0xFFFFFE60] =	vst v7  }
0x1c2: {  	v5 =	vshrl.u32 v5, $0x3;
	v9 =	vshll.u32 v9, v1;
	v12 =	vmul.f32 v14, v2;
	[tilespmem:s23+$0xFFFFFF30] =	vst v13  }
0x1c3: {  	s25 =	simm.s32 $0x0;
	s28 =	simm.s32 $0x3;
	v3 =	vshll.u32 v3, v1;
	v5 =	vshll.u32 v5, v1;
	v6 =	vmul.f32 v17, v2;
	[tilespmem:s23+$0x0] =	vst v8  }
0x1c4: {  	s31 =	simm.s32 $0x6;
	v9 =	vbroadcast v9, $0x0;
	v15 =	vmov s28;
	v14 =	vmov s25;
	[tilespmem:s23+$0xD0] =	vst v12  }
0x1c5: {  	v16 =	vmov s31;
	s25 =	simm.s32 $0x2;
	v2 =	vmul.f32 v18, v2;
	v10 =	vshrl.u32 v14, $0x3;
	[tilespmem:s23+$0x1A0] =	vst v6  }
0x1c6: {  	v14 =	vmov s25;
	v6 =	vshrl.u32 v15, $0x3;
	v15 =	vshrl.u32 v16, $0x3;
	v37 =	vld [tilespmem:$0x1FC90]  }
0x1c7: {  	v3 =	vbroadcast v3, $0x0;
	v14 =	vshrl.u32 v14, $0x3;
	v11 =	vshll.u32 v15, v1;
	v38 =	vld [tilespmem:$0x1FCA0];
	[tilespmem:s23+$0x270] =	vst v2  }
0x1c8: {  	v5 =	vbroadcast v5, $0x0;
	v7 =	vshll.u32 v14, v1;
	v11 =	vbroadcast v11, $0x0;
	v57 =	vld [tilespmem:$0x1FCB0]  }
0x1c9: {  	s29 =	simm.s32 $0xA;
	v9 =	vor.u32 v53, v9;
	v6 =	vshll.u32 v6, v1;
	v7 =	vbroadcast v7, $0x0;
	v51 =	vld [tilespmem:$0x1FCC0]  }
0x1ca: {  	s28 =	simm.s32 $0x9;
	v13 =	vmov s29;
	v6 =	vbroadcast v6, $0x0;
	v8 =	vor.u32 v58, v11  }
0x1cb: {  	s30 =	simm.s32 $0xB;
	v10 =	vshll.u32 v10, v1;
	v12 =	vmov s28;
	v4 =	vor.u32 v37, v7  }
0x1cc: {  	v13 =	vshrl.u32 v13, $0x3;
	v14 =	vmov s30;
	v20 =	vld [tilespmem:$0x1FCD0];
	v6 =	vor.u32 v38, v6  }
0x1cd: {  	s24 =	simm.s32 $0xD;
	v12 =	vshrl.u32 v12, $0x3;
	v2 =	vld [tilespmem:s22+$0x6460];
	v7 =	vbroadcast v10, $0x0;
	v3 =	vor.u32 v57, v3  }
0x1ce: {  	s31 =	simm.s32 $0xC;
	v16 =	vmov s24;
	v13 =	vshll.u32 v13, v1;
	v9 =	vld.idx.msk [tilespmem:v9+s11+$0x0], $0xffff;
	v5 =	vor.u32 v51, v5  }
0x1cf: {  	s25 =	simm.s32 $0x8;
	v15 =	vmov s31;
	v14 =	vshrl.u32 v14, $0x3;
	v7 =	vor.u32 v0, v7;
	v8 =	vld.idx.msk [tilespmem:v8+s11+$0x0], $0xffff  }
0x1d0: {  	s26 =	simm.s32 $0x7;
	v12 =	vshll.u32 v12, v1;
	v16 =	vshrl.u32 v16, $0x3;
	v10 =	vmov s25;
	s25 =	simm.s32 $0xE;
	v4 =	vld.idx.msk [tilespmem:v4+s11+$0x0], $0xffff  }
0x1d1: {  	v13 =	vbroadcast v13, $0x0;
	v11 =	vor.u32 s26, v20;
	v17 =	vmov s25;
	v6 =	vld.idx.msk [tilespmem:v6+s11+$0x0], $0xffff  }
0x1d2: {  	v15 =	vshrl.u32 v15, $0x3;
	v14 =	vshll.u32 v14, v1;
	v17 =	vshrl.u32 v17, $0x3;
	v3 =	vld.idx.msk [tilespmem:v3+s11+$0x0], $0xffff  }
0x1d3: {  	v12 =	vbroadcast v12, $0x0;
	v16 =	vshll.u32 v16, v1;
	v17 =	vshll.u32 v17, v1;
	v5 =	vld.idx.msk [tilespmem:v5+s11+$0x0], $0xffff  }
0x1d4: {  	v15 =	vshll.u32 v15, v1;
	v13 =	vor.u32 v37, v13;
	v17 =	vbroadcast v17, $0x0;
	v7 =	vld.idx.msk [tilespmem:v7+s11+$0x0], $0xffff  }
0x1d5: {  	v10 =	vshrl.u32 v10, $0x3;
	v9 =	vmul.f32 v9, v2;
	v8 =	vmul.f32 v8, v2  }
0x1d6: {  	s23 =	simm.s32 $0x133A0;
	v11 =	vld.idx.msk [tilespmem:v11+s11+$0x0], $0xffff;
	v17 =	vor.u32 v58, v17;
	v4 =	vmul.f32 v4, v2;
	v6 =	vmul.f32 v6, v2  }
0x1d7: {  	[tilespmem:s23+$0x1A0] =	vst v8;
	v8 =	vor.u32 v53, v12;
	v12 =	vbroadcast v14, $0x0;
	v3 =	vmul.f32 v3, v2  }
0x1d8: {  	v10 =	vshll.u32 v10, v1;
	[tilespmem:s23+$0xFFFFFD90] =	vst v9;
	v14 =	vmul.f32 v5, v2;
	v5 =	vbroadcast v15, $0x0  }
0x1d9: {  	s30 =	simm.s32 $0x13;
	[tilespmem:s23+$0xFFFFFE60] =	vst v4;
	v4 =	vmul.f32 v7, v2;
	v12 =	vor.u32 v38, v12;
	v7 =	vbroadcast v16, $0x0  }
0x1da: {  	s24 =	simm.s32 $0x10;
	v18 =	vmov s30;
	[tilespmem:s23+$0xFFFFFF30] =	vst v6;
	v6 =	vbroadcast v10, $0x0;
	v10 =	vor.u32 v57, v5  }
0x1db: {  	s28 =	simm.s32 $0x11;
	v16 =	vmul.f32 v11, v2;
	v11 =	vmov s24;
	[tilespmem:s23+$0x0] =	vst v3;
	v3 =	vld.idx.msk [tilespmem:v17+s11+$0x0], $0xffff;
	v9 =	vor.u32 v51, v7  }
0x1dc: {  	s26 =	simm.s32 $0xF;
	v15 =	vmov s28;
	s28 =	simm.s32 $0x14;
	[tilespmem:s23+$0xD0] =	vst v14;
	v14 =	vshrl.u32 v11, $0x3;
	v11 =	vor.u32 v0, v6;
	v7 =	vld.idx.msk [tilespmem:v13+s11+$0x0], $0xffff  }
0x1dd: {  	s29 =	simm.s32 $0x12;
	s31 =	simm.s32 $0x15;
	v19 =	vmov s28;
	v15 =	vshrl.u32 v15, $0x3;
	v5 =	vor.u32 s26, v20;
	v6 =	vld.idx.msk [tilespmem:v8+s11+$0x0], $0xffff  }
0x1de: {  	v17 =	vmov s29;
	[tilespmem:s23+$0xFFFFFCC0] =	vst v4;
	v4 =	vshll.u32 v14, v1;
	v14 =	vmov s31;
	v8 =	vld.idx.msk [tilespmem:v12+s11+$0x0], $0xffff  }
0x1df: {  	s25 =	simm.s32 $0x18;
	s26 =	simm.s32 $0x16;
	[tilespmem:s23+$0x270] =	vst v16;
	v16 =	vshrl.u32 v17, $0x3;
	v13 =	vshrl.u32 v18, $0x3;
	v12 =	vshrl.u32 v19, $0x3;
	v10 =	vld.idx.msk [tilespmem:v10+s11+$0x0], $0xffff  }
.LBB2_17:
0x1e0: {  	p1 =	slt.u32 s25, $0x38;
	v15 =	vshll.u32 v15, v1;
	v14 =	vshrl.u32 v14, $0x3;
	v17 =	vmov s26;
	v9 =	vld.idx.msk [tilespmem:v9+s11+$0x0], $0xffff  }
0x1e1: {  	v16 =	vshll.u32 v16, v1;
	v3 =	vmul.f32 v3, v2;
	v17 =	vshrl.u32 v17, $0x3;
	v11 =	vld.idx.msk [tilespmem:v11+s11+$0x0], $0xffff  }
0x1e2: {  	v13 =	vshll.u32 v13, v1;
	s23 =	sadd.s32 $0x680, s23;
	v6 =	vmul.f32 v6, v2;
	v17 =	vshll.u32 v17, v1;
	v5 =	vld.idx.msk [tilespmem:v5+s11+$0x0], $0xffff  }
0x1e3: {  	v12 =	vshll.u32 v12, v1;
	v7 =	vmul.f32 v7, v2;
	v17 =	vbroadcast v17, $0x0;
	[tilespmem:s23+$0x1A0] =	vst v3  }
0x1e4: {  	v14 =	vshll.u32 v14, v1;
	v3 =	vbroadcast v15, $0x0;
	[tilespmem:s23+$0xFFFFFD90] =	vst v6;
	v6 =	vmul.f32 v8, v2  }
0x1e5: {  	v8 =	vbroadcast v16, $0x0;
	v15 =	vor.u32 v58, v17;
	[tilespmem:s23+$0xFFFFFE60] =	vst v7;
	v7 =	vmul.f32 v10, v2  }
0x1e6: {  	v10 =	vor.u32 v53, v3;
	v3 =	vbroadcast v13, $0x0;
	[tilespmem:s23+$0xFFFFFF30] =	vst v6;
	v6 =	vmul.f32 v9, v2  }
0x1e7: {  	v8 =	vor.u32 v37, v8;
	v9 =	vbroadcast v12, $0x0;
	v11 =	vmul.f32 v11, v2;
	[tilespmem:s23+$0x0] =	vst v7  }
0x1e8: {  	v12 =	vor.u32 v38, v3;
	v3 =	vbroadcast v14, $0x0;
	[tilespmem:s23+$0xD0] =	vst v6;
	v6 =	vmul.f32 v5, v2  }
0x1e9: {  	v4 =	vbroadcast v4, $0x0;
	s26 =	sadd.s32 $0x7, s24;
	s24 =	smov.u32 s25;
	v17 =	vor.u32 v57, v9;
	[tilespmem:s23+$0xFFFFFCC0] =	vst v11  }
.Ltmp7:
0x1ea: {  	s28 =	sadd.s32 $0x1, s25;
	v7 =	vmov s25;
	v5 =	vor.u32 s26, v20;
	v9 =	vor.u32 v51, v3;
	v3 =	vld.idx.msk [tilespmem:v15+s11+$0x0], $0xffff;
	[tilespmem:s23+$0x270] =	vst v6;
	(pc) =	sbr.rel @p1 .LBB2_17-.Ltmp7, $4  }
0x1eb: {  	s29 =	sadd.s32 $0x4, s25;
	v14 =	vmov s28;
	s28 =	sadd.s32 $0x3, s25;
	v13 =	vshrl.u32 v7, $0x3;
	s26 =	sadd.s32 $0x2, s25;
	v11 =	vor.u32 v0, v4;
	v6 =	vld.idx.msk [tilespmem:v10+s11+$0x0], $0xffff  }
0x1ec: {  	v19 =	vmov s29;
	v18 =	vmov s28;
	v10 =	vmov s26;
	s26 =	sadd.s32 $0x5, s25;
	v7 =	vld.idx.msk [tilespmem:v8+s11+$0x0], $0xffff  }
0x1ed: {  	v4 =	vshll.u32 v13, v1;
	v15 =	vshrl.u32 v14, $0x3;
	v14 =	vmov s26;
	v8 =	vld.idx.msk [tilespmem:v12+s11+$0x0], $0xffff  }
0x1ee: {  	v13 =	vshrl.u32 v18, $0x3;
	s25 =	sadd.s32 $0x8, s25;
	v16 =	vshrl.u32 v10, $0x3;
	s26 =	sadd.s32 $0x6, s24;
	v12 =	vshrl.u32 v19, $0x3;
	v10 =	vld.idx.msk [tilespmem:v17+s11+$0x0], $0xffff  }
0x1ef: {  	v17 =	vmov s26;
	v15 =	vshll.u32 v15, v1  }
0x1f0: {  	v14 =	vshrl.u32 v14, $0x3;
	v16 =	vshll.u32 v16, v1;
	v15 =	vbroadcast v15, $0x0  }
0x1f1: {  	v13 =	vshll.u32 v13, v1;
	v17 =	vshrl.u32 v17, $0x3;
	v16 =	vbroadcast v16, $0x0  }
0x1f2: {  	v13 =	vbroadcast v13, $0x0;
	v14 =	vshll.u32 v14, v1;
	v15 =	vor.u32 v53, v15  }
0x1f3: {  	v17 =	vshll.u32 v17, v1;
	v14 =	vbroadcast v14, $0x0;
	v16 =	vor.u32 v37, v16  }
0x1f4: {  	v12 =	vshll.u32 v12, v1;
	v9 =	vld.idx.msk [tilespmem:v9+s11+$0x0], $0xffff;
	v17 =	vbroadcast v17, $0x0;
	v13 =	vor.u32 v38, v13  }
0x1f5: {  	v11 =	vld.idx.msk [tilespmem:v11+s11+$0x0], $0xffff;
	v3 =	vmul.f32 v3, v2;
	v12 =	vbroadcast v12, $0x0;
	v14 =	vor.u32 v51, v14  }
0x1f6: {  	v5 =	vld.idx.msk [tilespmem:v5+s11+$0x0], $0xffff;
	v4 =	vbroadcast v4, $0x0;
	s23 =	sadd.s32 $0x680, s23;
	v6 =	vmul.f32 v6, v2;
	v17 =	vor.u32 v58, v17  }
0x1f7: {  	v7 =	vmul.f32 v7, v2;
	[tilespmem:s23+$0x1A0] =	vst v3;
	v12 =	vor.u32 v57, v12;
	v15 =	vld.idx.msk [tilespmem:v15+s11+$0x0], $0xffff  }
0x1f8: {  	v4 =	vor.u32 v0, v4;
	v8 =	vmul.f32 v8, v2;
	[tilespmem:s23+$0xFFFFFD90] =	vst v6;
	v16 =	vld.idx.msk [tilespmem:v16+s11+$0x0], $0xffff  }
0x1f9: {  	s24 =	sadd.s32 $0x7, s24;
	v10 =	vmul.f32 v10, v2;
	[tilespmem:s23+$0xFFFFFE60] =	vst v7;
	v13 =	vld.idx.msk [tilespmem:v13+s11+$0x0], $0xffff  }
0x1fa: {  	v18 =	vor.u32 s24, v20;
	v9 =	vmul.f32 v9, v2;
	[tilespmem:s23+$0xFFFFFF30] =	vst v8;
	v14 =	vld.idx.msk [tilespmem:v14+s11+$0x0], $0xffff  }
0x1fb: {  	v11 =	vmul.f32 v11, v2;
	[tilespmem:s23+$0x0] =	vst v10;
	v17 =	vld.idx.msk [tilespmem:v17+s11+$0x0], $0xffff  }
0x1fc: {  	s25 =	simm.s32 $0x2;
	v3 =	vmul.f32 v5, v2;
	[tilespmem:s23+$0xD0] =	vst v9;
	v12 =	vld.idx.msk [tilespmem:v12+s11+$0x0], $0xffff  }
0x1fd: {  	s31 =	simm.s32 $0x5;
	v4 =	vld.idx.msk [tilespmem:v4+s11+$0x0], $0xffff;
	v9 =	vmov s25;
	[tilespmem:s23+$0xFFFFFCC0] =	vst v11;
	v6 =	vmul.f32 v15, v2  }
0x1fe: {  	s26 =	simm.s32 $0x0;
	v11 =	vmov s31;
	[tilespmem:s23+$0x270] =	vst v3;
	s23 =	sadd.s32 $0x680, s23;
	v9 =	vshrl.u32 v9, $0x3;
	v15 =	vmul.f32 v16, v2  }
0x1ff: {  	s29 =	simm.s32 $0x3;
	v18 =	vld.idx.msk [tilespmem:v18+s11+$0x0], $0xffff;
	v11 =	vshrl.u32 v11, $0x3;
	v7 =	vmul.f32 v13, v2;
	v13 =	vmov s26;
	[tilespmem:s23+$0xFFFFFD90] =	vst v6  }
0x200: {  	s26 =	simm.s32 $0x6;
	v8 =	vmul.f32 v14, v2;
	v14 =	vmov s29;
	v5 =	vmul.f32 v17, v2;
	[tilespmem:s23+$0xFFFFFE60] =	vst v15  }
0x201: {  	v12 =	vmul.f32 v12, v2;
	v3 =	vshrl.u32 v14, $0x3;
	v14 =	vmov s26;
	[tilespmem:s23+$0xFFFFFF30] =	vst v7  }
0x202: {  	s28 =	simm.s32 $0x1;
	v4 =	vmul.f32 v4, v2;
	v10 =	vshrl.u32 v13, $0x3;
	v14 =	vshrl.u32 v14, $0x3;
	[tilespmem:s23+$0x1A0] =	vst v5  }
0x203: {  	s30 =	simm.s32 $0x4;
	v13 =	vmov s28;
	v6 =	vshll.u32 v9, v1;
	v9 =	vshll.u32 v14, v1;
	v14 =	vld [tilespmem:$0x1FD00];
	[tilespmem:s23+$0x0] =	vst v12  }
0x204: {  	v16 =	vmov s30;
	v2 =	vmul.f32 v18, v2;
	v13 =	vshrl.u32 v13, $0x3;
	[tilespmem:s23+$0xD0] =	vst v8  }
0x205: {  	v7 =	vshll.u32 v11, v1;
	s26 =	simm.s32 $0xC;
	v13 =	vshll.u32 v13, v1;
	v3 =	vshll.u32 v3, v1;
	[tilespmem:s23+$0xFFFFFCC0] =	vst v4  }
0x206: {  	v6 =	vbroadcast v6, $0x0;
	v7 =	vbroadcast v7, $0x0;
	v15 =	vmov s26;
	v57 =	vld [tilespmem:$0x1FFE0];
	[tilespmem:s23+$0x270] =	vst v2  }
0x207: {  	v5 =	vshrl.u32 v16, $0x3;
	v13 =	vbroadcast v13, $0x0;
	v3 =	vbroadcast v3, $0x0;
	v35 =	vld [tilespmem:$0x1FCE0]  }
0x208: {  	v15 =	vshrl.u32 v15, $0x3;
	v5 =	vshll.u32 v5, v1;
	v9 =	vbroadcast v9, $0x0;
	v33 =	vld [tilespmem:$0x1FCF0]  }
0x209: {  	s30 =	simm.s32 $0x9;
	v8 =	vshll.u32 v10, v1;
	v11 =	vor.u32 v63, v13;
	v37 =	vor.u32 $0x1C06, v14  }
0x20a: {  	s31 =	simm.s32 $0xA;
	v12 =	vmov s30;
	v15 =	vshll.u32 v15, v1;
	v34 =	vld [tilespmem:$0x1FD10];
	v9 =	vor.u32 v37, v9  }
0x20b: {  	v5 =	vbroadcast v5, $0x0;
	v13 =	vmov s31;
	v4 =	vor.u32 v57, v6  }
0x20c: {  	v12 =	vshrl.u32 v12, $0x3;
	v13 =	vshrl.u32 v13, $0x3;
	v3 =	vor.u32 v35, v3  }
0x20d: {  	v2 =	vld [tilespmem:s22+$0x6470];
	v12 =	vshll.u32 v12, v1;
	v13 =	vshll.u32 v13, v1;
	v5 =	vor.u32 v33, v5  }
0x20e: {  	s29 =	simm.s32 $0x7;
	v12 =	vbroadcast v12, $0x0;
	v38 =	vor.u32 $0x1C07, v14;
	v6 =	vbroadcast v8, $0x0;
	v11 =	vld.idx.msk [tilespmem:v11+s11+$0x0], $0xffff  }
0x20f: {  	s24 =	simm.s32 $0xB;
	v13 =	vbroadcast v13, $0x0;
	v10 =	vor.u32 s29, v38;
	s29 =	simm.s32 $0xE;
	v7 =	vor.u32 v34, v7;
	v9 =	vld.idx.msk [tilespmem:v9+s11+$0x0], $0xffff  }
0x210: {  	s28 =	simm.s32 $0x8;
	v14 =	vmov s24;
	v17 =	vmov s29;
	v6 =	vor.u32 v62, v6;
	v4 =	vld.idx.msk [tilespmem:v4+s11+$0x0], $0xffff  }
0x211: {  	v8 =	vmov s28;
	s28 =	simm.s32 $0xD;
	v14 =	vshrl.u32 v14, $0x3;
	v17 =	vshrl.u32 v17, $0x3;
	v3 =	vld.idx.msk [tilespmem:v3+s11+$0x0], $0xffff  }
0x212: {  	v8 =	vshrl.u32 v8, $0x3;
	v16 =	vmov s28;
	v17 =	vshll.u32 v17, v1;
	v5 =	vld.idx.msk [tilespmem:v5+s11+$0x0], $0xffff  }
0x213: {  	v16 =	vshrl.u32 v16, $0x3;
	v17 =	vbroadcast v17, $0x0;
	v11 =	vmul.f32 v11, v2  }
0x214: {  	s23 =	simm.s32 $0x133B0;
	v14 =	vshll.u32 v14, v1;
	v16 =	vshll.u32 v16, v1;
	v7 =	vld.idx.msk [tilespmem:v7+s11+$0x0], $0xffff;
	v9 =	vmul.f32 v9, v2  }
0x215: {  	v17 =	vor.u32 v37, v17;
	v6 =	vld.idx.msk [tilespmem:v6+s11+$0x0], $0xffff;
	[tilespmem:s23+$0xFFFFFD90] =	vst v11;
	v11 =	vor.u32 v57, v13;
	v13 =	vbroadcast v15, $0x0  }
0x216: {  	s28 =	simm.s32 $0x12;
	v10 =	vld.idx.msk [tilespmem:v10+s11+$0x0], $0xffff;
	v4 =	vmul.f32 v4, v2;
	[tilespmem:s23+$0x1A0] =	vst v9;
	v9 =	vor.u32 v63, v12;
	v12 =	vbroadcast v14, $0x0  }
0x217: {  	v15 =	vmov s28;
	v3 =	vmul.f32 v3, v2;
	v5 =	vmul.f32 v5, v2  }
0x218: {  	[tilespmem:s23+$0xFFFFFE60] =	vst v4;
	v4 =	vshll.u32 v8, v1;
	v8 =	vbroadcast v16, $0x0;
	v12 =	vor.u32 v35, v12  }
0x219: {  	s24 =	simm.s32 $0x10;
	v13 =	vor.u32 v33, v13;
	[tilespmem:s23+$0xFFFFFF30] =	vst v3;
	v3 =	vmul.f32 v7, v2;
	v7 =	vbroadcast v4, $0x0  }
0x21a: {  	v14 =	vmul.f32 v6, v2;
	v6 =	vmov s24;
	v4 =	vld.idx.msk [tilespmem:v17+s11+$0x0], $0xffff;
	v19 =	vor.u32 v34, v8  }
0x21b: {  	s30 =	simm.s32 $0xF;
	v18 =	vmul.f32 v10, v2;
	v10 =	vor.u32 v62, v7;
	[tilespmem:s23+$0xD0] =	vst v3;
	v3 =	vshrl.u32 v6, $0x3;
	v6 =	vld.idx.msk [tilespmem:v11+s11+$0x0], $0xffff  }
0x21c: {  	s31 =	simm.s32 $0x11;
	s29 =	simm.s32 $0x13;
	v16 =	vshrl.u32 v15, $0x3;
	[tilespmem:s23+$0x0] =	vst v5;
	v8 =	vor.u32 s30, v38;
	s30 =	simm.s32 $0x14;
	v5 =	vld.idx.msk [tilespmem:v9+s11+$0x0], $0xffff  }
0x21d: {  	v11 =	vmov s29;
	v17 =	vmov s30;
	v9 =	vmov s31;
	s31 =	simm.s32 $0x15;
	v7 =	vld.idx.msk [tilespmem:v12+s11+$0x0], $0xffff  }
0x21e: {  	[tilespmem:s23+$0x270] =	vst v18;
	v15 =	vshrl.u32 v11, $0x3;
	v61 =	vmov s31;
	v12 =	vshrl.u32 v9, $0x3;
	v9 =	vld.idx.msk [tilespmem:v13+s11+$0x0], $0xffff  }
0x21f: {  	s25 =	simm.s32 $0x18;
	s26 =	simm.s32 $0x16;
	[tilespmem:s23+$0xFFFFFCC0] =	vst v14;
	v14 =	vshrl.u32 v17, $0x3;
	v13 =	vshrl.u32 v61, $0x3;
	v11 =	vld.idx.msk [tilespmem:v19+s11+$0x0], $0xffff;
	v12 =	vshll.u32 v12, v1  }
.LBB2_19:
0x220: {  	p1 =	slt.u32 s25, $0x38;
	v16 =	vshll.u32 v16, v1;
	v17 =	vmov s26;
	v10 =	vld.idx.msk [tilespmem:v10+s11+$0x0], $0xffff;
	v4 =	vmul.f32 v4, v2  }
0x221: {  	v15 =	vshll.u32 v15, v1;
	v5 =	vmul.f32 v5, v2;
	s23 =	sadd.s32 $0x680, s23;
	v17 =	vshrl.u32 v17, $0x3;
	v8 =	vld.idx.msk [tilespmem:v8+s11+$0x0], $0xffff  }
0x222: {  	v14 =	vshll.u32 v14, v1;
	v6 =	vmul.f32 v6, v2;
	v17 =	vshll.u32 v17, v1;
	[tilespmem:s23+$0x1A0] =	vst v4  }
0x223: {  	v4 =	vshll.u32 v13, v1;
	v13 =	vbroadcast v17, $0x0;
	[tilespmem:s23+$0xFFFFFD90] =	vst v5;
	v5 =	vmul.f32 v7, v2  }
0x224: {  	v7 =	vbroadcast v12, $0x0;
	[tilespmem:s23+$0xFFFFFE60] =	vst v6;
	v6 =	vmul.f32 v9, v2  }
0x225: {  	v9 =	vbroadcast v16, $0x0;
	v12 =	vor.u32 v37, v13;
	[tilespmem:s23+$0xFFFFFF30] =	vst v5;
	v5 =	vmul.f32 v11, v2  }
0x226: {  	v7 =	vor.u32 v63, v7;
	v11 =	vbroadcast v15, $0x0;
	v10 =	vmul.f32 v10, v2;
	[tilespmem:s23+$0x0] =	vst v6  }
0x227: {  	v6 =	vor.u32 v57, v9;
	v9 =	vbroadcast v14, $0x0;
	[tilespmem:s23+$0xD0] =	vst v5;
	v5 =	vmul.f32 v8, v2  }
0x228: {  	v3 =	vshll.u32 v3, v1;
	v4 =	vbroadcast v4, $0x0;
	v11 =	vor.u32 v35, v11;
	[tilespmem:s23+$0xFFFFFCC0] =	vst v10  }
0x229: {  	v3 =	vbroadcast v3, $0x0;
	v9 =	vor.u32 v33, v9;
	[tilespmem:s23+$0x270] =	vst v5  }
0x22a: {  	s26 =	sadd.s32 $0x7, s24;
	s24 =	smov.u32 s25;
	v17 =	vor.u32 v34, v4;
	v4 =	vld.idx.msk [tilespmem:v12+s11+$0x0], $0xffff  }
.Ltmp8:
0x22b: {  	s28 =	sadd.s32 $0x1, s25;
	s29 =	sadd.s32 $0x2, s25;
	v8 =	vor.u32 s26, v38;
	v10 =	vor.u32 v62, v3;
	v12 =	vmov s25;
	v5 =	vld.idx.msk [tilespmem:v7+s11+$0x0], $0xffff;
	(pc) =	sbr.rel @p1 .LBB2_19-.Ltmp8, $4  }
0x22c: {  	v13 =	vmov s29;
	s29 =	sadd.s32 $0x5, s25;
	s26 =	sadd.s32 $0x3, s25;
	v3 =	vshrl.u32 v12, $0x3;
	v12 =	vmov s28;
	s28 =	sadd.s32 $0x4, s25;
	v6 =	vld.idx.msk [tilespmem:v6+s11+$0x0], $0xffff  }
0x22d: {  	v19 =	vmov s29;
	v14 =	vmov s26;
	v18 =	vmov s28;
	v7 =	vld.idx.msk [tilespmem:v11+s11+$0x0], $0xffff  }
0x22e: {  	v16 =	vshrl.u32 v13, $0x3;
	v15 =	vshrl.u32 v14, $0x3;
	v11 =	vshrl.u32 v12, $0x3;
	v9 =	vld.idx.msk [tilespmem:v9+s11+$0x0], $0xffff  }
0x22f: {  	v13 =	vshrl.u32 v19, $0x3;
	s26 =	sadd.s32 $0x6, s24;
	s25 =	sadd.s32 $0x8, s25;
	v14 =	vshrl.u32 v18, $0x3;
	v12 =	vshll.u32 v11, v1;
	v11 =	vld.idx.msk [tilespmem:v17+s11+$0x0], $0xffff  }
0x230: {  	v17 =	vmov s26;
	v16 =	vshll.u32 v16, v1  }
0x231: {  	v12 =	vbroadcast v12, $0x0;
	v15 =	vshll.u32 v15, v1;
	v4 =	vmul.f32 v4, v2  }
0x232: {  	v14 =	vshll.u32 v14, v1;
	v13 =	vshll.u32 v13, v1;
	v5 =	vmul.f32 v5, v2;
	s23 =	sadd.s32 $0x680, s23  }
0x233: {  	v17 =	vshrl.u32 v17, $0x3;
	v16 =	vbroadcast v16, $0x0;
	v6 =	vmul.f32 v6, v2;
	[tilespmem:s23+$0x1A0] =	vst v4  }
0x234: {  	v15 =	vbroadcast v15, $0x0;
	v12 =	vor.u32 v63, v12;
	v7 =	vmul.f32 v7, v2;
	[tilespmem:s23+$0xFFFFFD90] =	vst v5  }
0x235: {  	v14 =	vbroadcast v14, $0x0;
	v16 =	vor.u32 v57, v16;
	v9 =	vmul.f32 v9, v2;
	[tilespmem:s23+$0xFFFFFE60] =	vst v6  }
0x236: {  	v8 =	vld.idx.msk [tilespmem:v8+s11+$0x0], $0xffff;
	v13 =	vbroadcast v13, $0x0;
	v17 =	vshll.u32 v17, v1;
	v15 =	vor.u32 v35, v15;
	[tilespmem:s23+$0xFFFFFF30] =	vst v7  }
0x237: {  	v10 =	vld.idx.msk [tilespmem:v10+s11+$0x0], $0xffff;
	v3 =	vshll.u32 v3, v1;
	v17 =	vbroadcast v17, $0x0;
	v14 =	vor.u32 v33, v14;
	[tilespmem:s23+$0x0] =	vst v9  }
0x238: {  	v3 =	vbroadcast v3, $0x0;
	v13 =	vor.u32 v34, v13;
	v20 =	vld [tilespmem:$0x1FD00]  }
0x239: {  	v17 =	vor.u32 v37, v17;
	v12 =	vld.idx.msk [tilespmem:v12+s11+$0x0], $0xffff  }
0x23a: {  	v3 =	vor.u32 v62, v3;
	v16 =	vld.idx.msk [tilespmem:v16+s11+$0x0], $0xffff  }
0x23b: {  	s24 =	sadd.s32 $0x7, s24;
	s25 =	simm.s32 $0x0;
	v8 =	vmul.f32 v8, v2;
	v15 =	vld.idx.msk [tilespmem:v15+s11+$0x0], $0xffff  }
0x23c: {  	s29 =	simm.s32 $0x4;
	v18 =	vor.u32 s24, v38;
	v11 =	vmul.f32 v11, v2;
	v7 =	vmov s25;
	v14 =	vld.idx.msk [tilespmem:v14+s11+$0x0], $0xffff  }
0x23d: {  	s26 =	simm.s32 $0x1;
	s28 =	simm.s32 $0x3;
	v10 =	vmul.f32 v10, v2;
	v7 =	vshrl.u32 v7, $0x3;
	[tilespmem:s23+$0x270] =	vst v8;
	v8 =	vmov s29;
	v13 =	vld.idx.msk [tilespmem:v13+s11+$0x0], $0xffff  }
0x23e: {  	s25 =	simm.s32 $0x2;
	v9 =	vmov s26;
	[tilespmem:s23+$0xD0] =	vst v11;
	v11 =	vmov s28;
	v8 =	vshrl.u32 v8, $0x3;
	v17 =	vld.idx.msk [tilespmem:v17+s11+$0x0], $0xffff  }
0x23f: {  	v7 =	vshll.u32 v7, v1;
	[tilespmem:s23+$0xFFFFFCC0] =	vst v10;
	v10 =	vmov s25;
	v3 =	vld.idx.msk [tilespmem:v3+s11+$0x0], $0xffff;
	v8 =	vshll.u32 v8, v1  }
0x240: {  	v11 =	vshrl.u32 v11, $0x3;
	v7 =	vbroadcast v7, $0x0;
	v8 =	vbroadcast v8, $0x0  }
0x241: {  	v36 =	vor.u32 $0x2001, v20;
	v12 =	vmul.f32 v12, v2;
	v5 =	vmul.f32 v16, v2  }
0x242: {  	v18 =	vld.idx.msk [tilespmem:v18+s11+$0x0], $0xffff;
	v35 =	vor.u32 $0x2003, v20;
	v15 =	vmul.f32 v15, v2;
	v6 =	vmul.f32 v14, v2  }
0x243: {  	s31 =	simm.s32 $0x6;
	s23 =	sadd.s32 $0x680, s23;
	v39 =	vor.u32 $0x2006, v20;
	v13 =	vmul.f32 v13, v2;
	v4 =	vmul.f32 v17, v2  }
0x244: {  	v3 =	vmul.f32 v3, v2;
	v16 =	vmov s31;
	[tilespmem:s23+$0x0] =	vst v6;
	v6 =	vshll.u32 v11, v1  }
0x245: {  	s30 =	simm.s32 $0x5;
	[tilespmem:s23+$0x1A0] =	vst v4;
	v4 =	vshrl.u32 v9, $0x3;
	v9 =	vshrl.u32 v10, $0x3;
	v10 =	vshrl.u32 v16, $0x3  }
0x246: {  	v14 =	vmov s30;
	[tilespmem:s23+$0xFFFFFD90] =	vst v12;
	v6 =	vbroadcast v6, $0x0;
	v10 =	vshll.u32 v10, v1  }
0x247: {  	v2 =	vmul.f32 v18, v2;
	[tilespmem:s23+$0xFFFFFE60] =	vst v5;
	v4 =	vshll.u32 v4, v1;
	v10 =	vbroadcast v10, $0x0  }
0x248: {  	[tilespmem:s23+$0xFFFFFF30] =	vst v15;
	v9 =	vshll.u32 v9, v1;
	v6 =	vor.u32 v35, v6;
	v4 =	vbroadcast v4, $0x0  }
0x249: {  	v5 =	vshrl.u32 v14, $0x3;
	[tilespmem:s23+$0xD0] =	vst v13;
	v9 =	vbroadcast v9, $0x0;
	v10 =	vor.u32 v39, v10  }
0x24a: {  	v34 =	vor.u32 $0x2002, v20;
	[tilespmem:s23+$0xFFFFFCC0] =	vst v3;
	v5 =	vshll.u32 v5, v1;
	v4 =	vor.u32 v36, v4  }
0x24b: {  	v33 =	vor.u32 $0x2004, v20;
	[tilespmem:s23+$0x270] =	vst v2;
	v5 =	vbroadcast v5, $0x0;
	v3 =	vor.u32 v34, v9  }
0x24c: {  	v41 =	vor.u32 $0x2005, v20;
	v40 =	vor.u32 $0x2000, v20;
	v8 =	vor.u32 v33, v8;
	v2 =	vld [tilespmem:s22+$0x6480]  }
0x24d: {  	v11 =	vor.u32 v40, v7;
	v9 =	vor.u32 v41, v5;
	v5 =	vld.idx.msk [tilespmem:v6+s11+$0x0], $0xffff  }
0x24e: {  	s25 =	simm.s32 $0x7;
	v42 =	vor.u32 $0x2007, v20;
	v10 =	vld.idx.msk [tilespmem:v10+s11+$0x0], $0xffff  }
0x24f: {  	s26 =	simm.s32 $0x9;
	v18 =	vor.u32 s25, v42;
	v17 =	vld.idx.msk [tilespmem:v4+s11+$0x0], $0xffff  }
0x250: {  	s28 =	simm.s32 $0xA;
	s29 =	simm.s32 $0xB;
	s30 =	simm.s32 $0xC;
	v12 =	vmov s26;
	v4 =	vld.idx.msk [tilespmem:v3+s11+$0x0], $0xffff  }
0x251: {  	s31 =	simm.s32 $0xD;
	v19 =	vmov s30;
	v13 =	vmov s28;
	v14 =	vmov s29;
	v6 =	vld.idx.msk [tilespmem:v8+s11+$0x0], $0xffff  }
0x252: {  	s24 =	simm.s32 $0x8;
	v15 =	vmov s31;
	v13 =	vshrl.u32 v13, $0x3;
	v14 =	vshrl.u32 v14, $0x3;
	v8 =	vld.idx.msk [tilespmem:v11+s11+$0x0], $0xffff  }
0x253: {  	v16 =	vshrl.u32 v12, $0x3;
	v3 =	vmov s24;
	v7 =	vld.idx.msk [tilespmem:v9+s11+$0x0], $0xffff;
	v10 =	vmul.f32 v10, v2  }
0x254: {  	s26 =	simm.s32 $0xE;
	s25 =	simm.s32 $0x10;
	s23 =	simm.s32 $0x133C0;
	v12 =	vshrl.u32 v19, $0x3;
	v9 =	vld.idx.msk [tilespmem:v18+s11+$0x0], $0xffff;
	v3 =	vshrl.u32 v3, $0x3;
	v11 =	vmul.f32 v17, v2  }
.LBB2_21:
0x255: {  	p1 =	slt.u32 s25, $0x38;
	v15 =	vshrl.u32 v15, $0x3;
	v17 =	vmov s26;
	v4 =	vmul.f32 v4, v2;
	[tilespmem:s23+$0x1A0] =	vst v10  }
0x256: {  	v10 =	vshll.u32 v16, v1;
	v5 =	vmul.f32 v5, v2;
	v16 =	vshrl.u32 v17, $0x3;
	[tilespmem:s23+$0xFFFFFD90] =	vst v11  }
0x257: {  	v11 =	vshll.u32 v13, v1;
	v13 =	vshll.u32 v16, v1;
	[tilespmem:s23+$0xFFFFFE60] =	vst v4;
	v4 =	vmul.f32 v6, v2  }
0x258: {  	v6 =	vshll.u32 v14, v1;
	v13 =	vbroadcast v13, $0x0;
	[tilespmem:s23+$0xFFFFFF30] =	vst v5;
	v5 =	vmul.f32 v7, v2  }
0x259: {  	v7 =	vbroadcast v10, $0x0;
	v8 =	vmul.f32 v8, v2;
	[tilespmem:s23+$0x0] =	vst v4  }
0x25a: {  	v4 =	vbroadcast v11, $0x0;
	v10 =	vor.u32 v39, v13;
	[tilespmem:s23+$0xD0] =	vst v5;
	v5 =	vmul.f32 v9, v2  }
0x25b: {  	v6 =	vbroadcast v6, $0x0;
	v7 =	vor.u32 v36, v7;
	v9 =	vshll.u32 v12, v1;
	[tilespmem:s23+$0xFFFFFCC0] =	vst v8  }
0x25c: {  	v4 =	vor.u32 v34, v4;
	v8 =	vbroadcast v9, $0x0;
	v9 =	vshll.u32 v15, v1;
	[tilespmem:s23+$0x270] =	vst v5  }
0x25d: {  	v3 =	vshll.u32 v3, v1;
	v5 =	vor.u32 v35, v6;
	v6 =	vbroadcast v9, $0x0  }
0x25e: {  	v3 =	vbroadcast v3, $0x0;
	v8 =	vor.u32 v33, v8  }
0x25f: {  	v9 =	vor.u32 v41, v6;
	v10 =	vld.idx.msk [tilespmem:v10+s11+$0x0], $0xffff  }
0x260: {  	s26 =	sadd.s32 $0x7, s24;
	s24 =	smov.u32 s25;
	v11 =	vor.u32 v40, v3;
	v17 =	vld.idx.msk [tilespmem:v7+s11+$0x0], $0xffff  }
0x261: {  	v18 =	vor.u32 s26, v42;
	v4 =	vld.idx.msk [tilespmem:v4+s11+$0x0], $0xffff  }
.Ltmp9:
0x262: {  	s28 =	sadd.s32 $0x2, s25;
	s26 =	sadd.s32 $0x1, s25;
	v3 =	vmov s25;
	v5 =	vld.idx.msk [tilespmem:v5+s11+$0x0], $0xffff;
	(pc) =	sbr.rel @p1 .LBB2_21-.Ltmp9, $4  }
0x263: {  	s29 =	sadd.s32 $0x5, s25;
	v3 =	vshrl.u32 v3, $0x3;
	v12 =	vmov s26;
	v13 =	vmov s28;
	s26 =	sadd.s32 $0x3, s25;
	s28 =	sadd.s32 $0x4, s25;
	v6 =	vld.idx.msk [tilespmem:v8+s11+$0x0], $0xffff  }
0x264: {  	v14 =	vmov s26;
	v19 =	vmov s28;
	v15 =	vmov s29;
	v7 =	vld.idx.msk [tilespmem:v9+s11+$0x0], $0xffff  }
0x265: {  	v16 =	vshrl.u32 v12, $0x3;
	v13 =	vshrl.u32 v13, $0x3;
	v10 =	vmul.f32 v10, v2;
	v8 =	vld.idx.msk [tilespmem:v11+s11+$0x0], $0xffff  }
0x266: {  	s25 =	sadd.s32 $0x8, s25;
	s26 =	sadd.s32 $0x6, s24;
	v14 =	vshrl.u32 v14, $0x3;
	v12 =	vshrl.u32 v19, $0x3;
	s23 =	sadd.s32 $0x680, s23;
	v11 =	vmul.f32 v17, v2;
	v9 =	vld.idx.msk [tilespmem:v18+s11+$0x0], $0xffff  }
0x267: {  	v17 =	vmov s26;
	v16 =	vshll.u32 v16, v1;
	v15 =	vshrl.u32 v15, $0x3  }
0x268: {  	v13 =	vshll.u32 v13, v1;
	v14 =	vshll.u32 v14, v1;
	v16 =	vbroadcast v16, $0x0  }
0x269: {  	v12 =	vshll.u32 v12, v1;
	v17 =	vshrl.u32 v17, $0x3;
	v13 =	vbroadcast v13, $0x0  }
0x26a: {  	v12 =	vbroadcast v12, $0x0;
	v17 =	vshll.u32 v17, v1;
	v16 =	vor.u32 v36, v16  }
0x26b: {  	v15 =	vshll.u32 v15, v1;
	v17 =	vbroadcast v17, $0x0;
	v13 =	vor.u32 v34, v13  }
0x26c: {  	v3 =	vshll.u32 v3, v1;
	v15 =	vbroadcast v15, $0x0;
	v12 =	vor.u32 v33, v12  }
0x26d: {  	v4 =	vmul.f32 v4, v2;
	v14 =	vbroadcast v14, $0x0;
	v17 =	vor.u32 v39, v17  }
0x26e: {  	v5 =	vmul.f32 v5, v2;
	v3 =	vbroadcast v3, $0x0;
	v15 =	vor.u32 v41, v15  }
0x26f: {  	v28 =	vor.u32 $0x2401, v20;
	v26 =	vor.u32 $0x2402, v20;
	v14 =	vor.u32 v35, v14;
	v16 =	vld.idx.msk [tilespmem:v16+s11+$0x0], $0xffff  }
0x270: {  	s24 =	sadd.s32 $0x7, s24;
	[tilespmem:s23+$0x1A0] =	vst v10;
	v25 =	vor.u32 $0x2404, v20;
	v6 =	vmul.f32 v6, v2;
	v3 =	vor.u32 v40, v3;
	v13 =	vld.idx.msk [tilespmem:v13+s11+$0x0], $0xffff  }
0x271: {  	s29 =	simm.s32 $0x0;
	s30 =	simm.s32 $0x1;
	v29 =	vor.u32 $0x2406, v20;
	v18 =	vor.u32 s24, v42;
	v7 =	vmul.f32 v7, v2;
	[tilespmem:s23+$0xFFFFFF30] =	vst v5;
	v12 =	vld.idx.msk [tilespmem:v12+s11+$0x0], $0xffff  }
0x272: {  	s25 =	simm.s32 $0x2;
	v5 =	vmov s29;
	v8 =	vmul.f32 v8, v2;
	[tilespmem:s23+$0x0] =	vst v6;
	v6 =	vmov s30;
	v17 =	vld.idx.msk [tilespmem:v17+s11+$0x0], $0xffff  }
0x273: {  	s31 =	simm.s32 $0x3;
	v9 =	vmul.f32 v9, v2;
	[tilespmem:s23+$0xD0] =	vst v7;
	v7 =	vmov s25;
	v6 =	vshrl.u32 v6, $0x3;
	v15 =	vld.idx.msk [tilespmem:v15+s11+$0x0], $0xffff  }
0x274: {  	s28 =	simm.s32 $0x4;
	[tilespmem:s23+$0xFFFFFCC0] =	vst v8;
	v8 =	vmov s31;
	v7 =	vshrl.u32 v7, $0x3;
	v6 =	vshll.u32 v6, v1;
	v14 =	vld.idx.msk [tilespmem:v14+s11+$0x0], $0xffff  }
0x275: {  	[tilespmem:s23+$0x270] =	vst v9;
	v9 =	vmov s28;
	v7 =	vshll.u32 v7, v1;
	v6 =	vbroadcast v6, $0x0;
	v3 =	vld.idx.msk [tilespmem:v3+s11+$0x0], $0xffff  }
0x276: {  	[tilespmem:s23+$0xFFFFFD90] =	vst v11;
	v18 =	vld.idx.msk [tilespmem:v18+s11+$0x0], $0xffff;
	v8 =	vshrl.u32 v8, $0x3;
	v7 =	vbroadcast v7, $0x0;
	v16 =	vmul.f32 v16, v2  }
0x277: {  	[tilespmem:s23+$0xFFFFFE60] =	vst v4;
	s30 =	simm.s32 $0x6;
	s31 =	sadd.s32 $0x680, s23;
	v9 =	vshrl.u32 v9, $0x3;
	v11 =	vmul.f32 v13, v2;
	v10 =	vmul.f32 v17, v2  }
0x278: {  	v4 =	vmul.f32 v12, v2;
	v12 =	vmul.f32 v15, v2;
	v15 =	vmov s30;
	[tilespmem:s31+$0xFFFFFD90] =	vst v16  }
0x279: {  	v6 =	vor.u32 v28, v6;
	v9 =	vshll.u32 v9, v1;
	[tilespmem:s31+$0x1A0] =	vst v10;
	v10 =	vshrl.u32 v15, $0x3  }
0x27a: {  	s29 =	simm.s32 $0x5;
	v13 =	vmul.f32 v14, v2;
	v3 =	vmul.f32 v3, v2;
	[tilespmem:s31+$0xFFFFFE60] =	vst v11;
	v10 =	vshll.u32 v10, v1  }
0x27b: {  	v14 =	vmov s29;
	v2 =	vmul.f32 v18, v2;
	[tilespmem:s31+$0x0] =	vst v4;
	v10 =	vbroadcast v10, $0x0  }
0x27c: {  	v4 =	vshll.u32 v8, v1;
	[tilespmem:s31+$0xFFFFFCC0] =	vst v3;
	v3 =	vor.u32 v26, v7;
	v7 =	vbroadcast v9, $0x0  }
0x27d: {  	v11 =	vshrl.u32 v14, $0x3;
	[tilespmem:s31+$0xFFFFFF30] =	vst v13;
	v4 =	vbroadcast v4, $0x0;
	v8 =	vor.u32 v29, v10  }
0x27e: {  	v27 =	vor.u32 $0x2403, v20;
	[tilespmem:s31+$0xD0] =	vst v12;
	v9 =	vshll.u32 v11, v1;
	v7 =	vor.u32 v25, v7  }
0x27f: {  	v5 =	vshrl.u32 v5, $0x3;
	[tilespmem:s31+$0x270] =	vst v2;
	v10 =	vor.u32 v27, v4;
	v4 =	vbroadcast v9, $0x0  }
0x280: {  	v31 =	vor.u32 $0x2405, v20;
	v5 =	vshll.u32 v5, v1;
	v2 =	vld [tilespmem:s22+$0x6490]  }
0x281: {  	v32 =	vor.u32 $0x2407, v20;
	s25 =	simm.s32 $0x7;
	v5 =	vbroadcast v5, $0x0;
	v17 =	vld.idx.msk [tilespmem:v6+s11+$0x0], $0xffff;
	v9 =	vor.u32 v31, v4  }
0x282: {  	v30 =	vor.u32 $0x2400, v20;
	v18 =	vor.u32 s25, v32;
	v11 =	vld.idx.msk [tilespmem:v8+s11+$0x0], $0xffff  }
0x283: {  	s29 =	simm.s32 $0xB;
	v6 =	vld.idx.msk [tilespmem:v7+s11+$0x0], $0xffff;
	v8 =	vor.u32 v30, v5  }
0x284: {  	s28 =	simm.s32 $0xA;
	s30 =	simm.s32 $0xC;
	v14 =	vmov s29;
	v4 =	vld.idx.msk [tilespmem:v3+s11+$0x0], $0xffff  }
0x285: {  	s26 =	simm.s32 $0x9;
	v19 =	vmov s30;
	v12 =	vmov s28;
	v14 =	vshrl.u32 v14, $0x3;
	v5 =	vld.idx.msk [tilespmem:v10+s11+$0x0], $0xffff  }
0x286: {  	s24 =	simm.s32 $0x8;
	v13 =	vshrl.u32 v12, $0x3;
	v12 =	vshrl.u32 v19, $0x3;
	v10 =	vmov s26;
	v7 =	vld.idx.msk [tilespmem:v9+s11+$0x0], $0xffff  }
0x287: {  	s31 =	simm.s32 $0xD;
	v3 =	vmov s24;
	v16 =	vshrl.u32 v10, $0x3;
	v9 =	vld.idx.msk [tilespmem:v18+s11+$0x0], $0xffff;
	v10 =	vmul.f32 v11, v2  }
0x288: {  	s23 =	simm.s32 $0x133D0;
	s25 =	simm.s32 $0x10;
	v15 =	vmov s31;
	v3 =	vshrl.u32 v3, $0x3;
	s26 =	simm.s32 $0xE;
	v8 =	vld.idx.msk [tilespmem:v8+s11+$0x0], $0xffff;
	v11 =	vmul.f32 v17, v2  }
.LBB2_23:
0x289: {  	p1 =	slt.u32 s25, $0x38;
	v15 =	vshrl.u32 v15, $0x3;
	v17 =	vmov s26;
	v4 =	vmul.f32 v4, v2;
	[tilespmem:s23+$0x1A0] =	vst v10  }
0x28a: {  	v10 =	vshll.u32 v16, v1;
	v5 =	vmul.f32 v5, v2;
	v16 =	vshrl.u32 v17, $0x3;
	[tilespmem:s23+$0xFFFFFD90] =	vst v11  }
0x28b: {  	v11 =	vshll.u32 v13, v1;
	v13 =	vshll.u32 v16, v1;
	[tilespmem:s23+$0xFFFFFE60] =	vst v4;
	v4 =	vmul.f32 v6, v2  }
0x28c: {  	v6 =	vshll.u32 v14, v1;
	v13 =	vbroadcast v13, $0x0;
	[tilespmem:s23+$0xFFFFFF30] =	vst v5;
	v5 =	vmul.f32 v7, v2  }
0x28d: {  	v7 =	vbroadcast v10, $0x0;
	v8 =	vmul.f32 v8, v2;
	[tilespmem:s23+$0x0] =	vst v4  }
0x28e: {  	v4 =	vbroadcast v11, $0x0;
	v10 =	vor.u32 v29, v13;
	[tilespmem:s23+$0xD0] =	vst v5;
	v5 =	vmul.f32 v9, v2  }
0x28f: {  	v6 =	vbroadcast v6, $0x0;
	v7 =	vor.u32 v28, v7;
	v9 =	vshll.u32 v12, v1;
	[tilespmem:s23+$0xFFFFFCC0] =	vst v8  }
0x290: {  	v4 =	vor.u32 v26, v4;
	v8 =	vbroadcast v9, $0x0;
	v9 =	vshll.u32 v15, v1;
	[tilespmem:s23+$0x270] =	vst v5  }
0x291: {  	v3 =	vshll.u32 v3, v1;
	v5 =	vor.u32 v27, v6;
	v6 =	vbroadcast v9, $0x0  }
0x292: {  	v3 =	vbroadcast v3, $0x0;
	v8 =	vor.u32 v25, v8  }
0x293: {  	v9 =	vor.u32 v31, v6;
	v10 =	vld.idx.msk [tilespmem:v10+s11+$0x0], $0xffff  }
0x294: {  	s26 =	sadd.s32 $0x7, s24;
	s24 =	smov.u32 s25;
	v11 =	vor.u32 v30, v3;
	v17 =	vld.idx.msk [tilespmem:v7+s11+$0x0], $0xffff  }
0x295: {  	v18 =	vor.u32 s26, v32;
	v4 =	vld.idx.msk [tilespmem:v4+s11+$0x0], $0xffff  }
.Ltmp10:
0x296: {  	s28 =	sadd.s32 $0x2, s25;
	s26 =	sadd.s32 $0x1, s25;
	v3 =	vmov s25;
	v5 =	vld.idx.msk [tilespmem:v5+s11+$0x0], $0xffff;
	(pc) =	sbr.rel @p1 .LBB2_23-.Ltmp10, $4  }
0x297: {  	s29 =	sadd.s32 $0x5, s25;
	v3 =	vshrl.u32 v3, $0x3;
	v12 =	vmov s26;
	v13 =	vmov s28;
	s26 =	sadd.s32 $0x3, s25;
	s28 =	sadd.s32 $0x4, s25;
	v6 =	vld.idx.msk [tilespmem:v8+s11+$0x0], $0xffff  }
0x298: {  	v14 =	vmov s26;
	v19 =	vmov s28;
	v15 =	vmov s29;
	v7 =	vld.idx.msk [tilespmem:v9+s11+$0x0], $0xffff  }
0x299: {  	v16 =	vshrl.u32 v12, $0x3;
	v13 =	vshrl.u32 v13, $0x3;
	v10 =	vmul.f32 v10, v2;
	v8 =	vld.idx.msk [tilespmem:v11+s11+$0x0], $0xffff  }
0x29a: {  	s25 =	sadd.s32 $0x8, s25;
	s26 =	sadd.s32 $0x6, s24;
	v14 =	vshrl.u32 v14, $0x3;
	v12 =	vshrl.u32 v19, $0x3;
	s23 =	sadd.s32 $0x680, s23;
	v11 =	vmul.f32 v17, v2;
	v9 =	vld.idx.msk [tilespmem:v18+s11+$0x0], $0xffff  }
0x29b: {  	v17 =	vmov s26;
	v16 =	vshll.u32 v16, v1;
	v15 =	vshrl.u32 v15, $0x3  }
0x29c: {  	v13 =	vshll.u32 v13, v1;
	v14 =	vshll.u32 v14, v1;
	v16 =	vbroadcast v16, $0x0  }
0x29d: {  	v12 =	vshll.u32 v12, v1;
	v17 =	vshrl.u32 v17, $0x3;
	v13 =	vbroadcast v13, $0x0  }
0x29e: {  	v12 =	vbroadcast v12, $0x0;
	v17 =	vshll.u32 v17, v1;
	v16 =	vor.u32 v28, v16  }
0x29f: {  	v15 =	vshll.u32 v15, v1;
	v17 =	vbroadcast v17, $0x0;
	v13 =	vor.u32 v26, v13  }
0x2a0: {  	v3 =	vshll.u32 v3, v1;
	v15 =	vbroadcast v15, $0x0;
	v12 =	vor.u32 v25, v12  }
0x2a1: {  	v4 =	vmul.f32 v4, v2;
	v14 =	vbroadcast v14, $0x0;
	v17 =	vor.u32 v29, v17  }
0x2a2: {  	v5 =	vmul.f32 v5, v2;
	v3 =	vbroadcast v3, $0x0;
	v15 =	vor.u32 v31, v15  }
0x2a3: {  	s24 =	sadd.s32 $0x7, s24;
	v24 =	vmovc v20;
	v20 =	vor.u32 $0x2801, v20;
	v6 =	vmul.f32 v6, v2;
	v14 =	vor.u32 v27, v14;
	v16 =	vld.idx.msk [tilespmem:v16+s11+$0x0], $0xffff  }
0x2a4: {  	v18 =	vor.u32 s24, v32;
	v7 =	vmul.f32 v7, v2;
	[tilespmem:s23+$0xFFFFFF30] =	vst v5;
	v3 =	vor.u32 v30, v3;
	v13 =	vld.idx.msk [tilespmem:v13+s11+$0x0], $0xffff  }
0x2a5: {  	s29 =	simm.s32 $0x0;
	s30 =	simm.s32 $0x1;
	v19 =	vor.u32 $0x2803, v24;
	v21 =	vor.u32 $0x2806, v24;
	v8 =	vmul.f32 v8, v2;
	[tilespmem:s23+$0x0] =	vst v6;
	v12 =	vld.idx.msk [tilespmem:v12+s11+$0x0], $0xffff  }
0x2a6: {  	s25 =	simm.s32 $0x2;
	s31 =	simm.s32 $0x3;
	v5 =	vmov s29;
	v6 =	vmov s30;
	v9 =	vmul.f32 v9, v2;
	[tilespmem:s23+$0xD0] =	vst v7;
	v17 =	vld.idx.msk [tilespmem:v17+s11+$0x0], $0xffff  }
0x2a7: {  	s28 =	simm.s32 $0x4;
	v7 =	vmov s25;
	v6 =	vshrl.u32 v6, $0x3;
	[tilespmem:s23+$0xFFFFFCC0] =	vst v8;
	v8 =	vmov s31;
	v15 =	vld.idx.msk [tilespmem:v15+s11+$0x0], $0xffff  }
0x2a8: {  	v7 =	vshrl.u32 v7, $0x3;
	v6 =	vshll.u32 v6, v1;
	[tilespmem:s23+$0x270] =	vst v9;
	v9 =	vmov s28;
	v14 =	vld.idx.msk [tilespmem:v14+s11+$0x0], $0xffff  }
0x2a9: {  	[tilespmem:s23+$0x1A0] =	vst v10;
	v8 =	vshrl.u32 v8, $0x3;
	v7 =	vshll.u32 v7, v1;
	v6 =	vbroadcast v6, $0x0;
	v3 =	vld.idx.msk [tilespmem:v3+s11+$0x0], $0xffff  }
0x2aa: {  	[tilespmem:s23+$0xFFFFFD90] =	vst v11;
	v18 =	vld.idx.msk [tilespmem:v18+s11+$0x0], $0xffff;
	v9 =	vshrl.u32 v9, $0x3;
	v7 =	vbroadcast v7, $0x0;
	v16 =	vmul.f32 v16, v2  }
0x2ab: {  	[tilespmem:s23+$0xFFFFFE60] =	vst v4;
	s30 =	simm.s32 $0x6;
	s31 =	sadd.s32 $0x680, s23;
	v6 =	vor.u32 v20, v6;
	v11 =	vmul.f32 v13, v2;
	v10 =	vmul.f32 v17, v2  }
0x2ac: {  	v4 =	vmul.f32 v12, v2;
	v12 =	vmul.f32 v15, v2;
	v15 =	vmov s30;
	[tilespmem:s31+$0xFFFFFD90] =	vst v16  }
0x2ad: {  	s29 =	simm.s32 $0x5;
	v9 =	vshll.u32 v9, v1;
	v13 =	vmul.f32 v14, v2;
	[tilespmem:s31+$0x1A0] =	vst v10;
	v10 =	vshrl.u32 v15, $0x3  }
0x2ae: {  	v3 =	vmul.f32 v3, v2;
	v14 =	vmov s29;
	[tilespmem:s31+$0xFFFFFE60] =	vst v11;
	v10 =	vshll.u32 v10, v1  }
0x2af: {  	v2 =	vmul.f32 v18, v2;
	[tilespmem:s31+$0x0] =	vst v4;
	v4 =	vshll.u32 v8, v1;
	v10 =	vbroadcast v10, $0x0  }
0x2b0: {  	v18 =	vor.u32 $0x2802, v24;
	v11 =	vshrl.u32 v14, $0x3;
	[tilespmem:s31+$0xFFFFFF30] =	vst v13;
	v4 =	vbroadcast v4, $0x0  }
0x2b1: {  	[tilespmem:s31+$0xFFFFFCC0] =	vst v3;
	v3 =	vor.u32 v18, v7;
	v7 =	vbroadcast v9, $0x0;
	v8 =	vor.u32 v21, v10  }
0x2b2: {  	v5 =	vshrl.u32 v5, $0x3;
	v17 =	vor.u32 $0x2804, v24;
	[tilespmem:s31+$0xD0] =	vst v12;
	v9 =	vshll.u32 v11, v1  }
0x2b3: {  	[tilespmem:s31+$0x270] =	vst v2;
	v7 =	vor.u32 v17, v7;
	v10 =	vor.u32 v19, v4;
	v4 =	vbroadcast v9, $0x0  }
0x2b4: {  	v23 =	vor.u32 $0x2805, v24;
	v22 =	vor.u32 $0x2800, v24;
	v5 =	vshll.u32 v5, v1;
	v2 =	vld [tilespmem:s22+$0x64A0]  }
0x2b5: {  	s25 =	simm.s32 $0x7;
	v5 =	vbroadcast v5, $0x0;
	v24 =	vor.u32 $0x2807, v24;
	v43 =	vld.idx.msk [tilespmem:v6+s11+$0x0], $0xffff;
	v9 =	vor.u32 v23, v4  }
0x2b6: {  	v44 =	vor.u32 s25, v24;
	v11 =	vld.idx.msk [tilespmem:v8+s11+$0x0], $0xffff  }
0x2b7: {  	s29 =	simm.s32 $0xB;
	v4 =	vld.idx.msk [tilespmem:v3+s11+$0x0], $0xffff;
	v8 =	vor.u32 v22, v5  }
0x2b8: {  	s28 =	simm.s32 $0xA;
	s30 =	simm.s32 $0xC;
	v14 =	vmov s29;
	v6 =	vld.idx.msk [tilespmem:v7+s11+$0x0], $0xffff  }
0x2b9: {  	s26 =	simm.s32 $0x9;
	v45 =	vmov s30;
	v12 =	vmov s28;
	v14 =	vshrl.u32 v14, $0x3;
	v5 =	vld.idx.msk [tilespmem:v10+s11+$0x0], $0xffff  }
0x2ba: {  	s24 =	simm.s32 $0x8;
	v13 =	vshrl.u32 v12, $0x3;
	v12 =	vshrl.u32 v45, $0x3;
	v10 =	vmov s26;
	v7 =	vld.idx.msk [tilespmem:v9+s11+$0x0], $0xffff  }
0x2bb: {  	s31 =	simm.s32 $0xD;
	v3 =	vmov s24;
	v16 =	vshrl.u32 v10, $0x3;
	v9 =	vld.idx.msk [tilespmem:v44+s11+$0x0], $0xffff;
	v10 =	vmul.f32 v11, v2  }
0x2bc: {  	s23 =	simm.s32 $0x133E0;
	s25 =	simm.s32 $0x10;
	v15 =	vmov s31;
	v3 =	vshrl.u32 v3, $0x3;
	s26 =	simm.s32 $0xE;
	v8 =	vld.idx.msk [tilespmem:v8+s11+$0x0], $0xffff;
	v11 =	vmul.f32 v43, v2  }
.LBB2_25:
0x2bd: {  	p1 =	slt.u32 s25, $0x38;
	v15 =	vshrl.u32 v15, $0x3;
	v43 =	vmov s26;
	v4 =	vmul.f32 v4, v2;
	[tilespmem:s23+$0x1A0] =	vst v10  }
0x2be: {  	v10 =	vshll.u32 v16, v1;
	v5 =	vmul.f32 v5, v2;
	v16 =	vshrl.u32 v43, $0x3;
	[tilespmem:s23+$0xFFFFFD90] =	vst v11  }
0x2bf: {  	v11 =	vshll.u32 v13, v1;
	v13 =	vshll.u32 v16, v1;
	[tilespmem:s23+$0xFFFFFE60] =	vst v4;
	v4 =	vmul.f32 v6, v2  }
0x2c0: {  	v6 =	vshll.u32 v14, v1;
	v13 =	vbroadcast v13, $0x0;
	[tilespmem:s23+$0xFFFFFF30] =	vst v5;
	v5 =	vmul.f32 v7, v2  }
0x2c1: {  	v7 =	vbroadcast v10, $0x0;
	v8 =	vmul.f32 v8, v2;
	[tilespmem:s23+$0x0] =	vst v4  }
0x2c2: {  	v4 =	vbroadcast v11, $0x0;
	v10 =	vor.u32 v21, v13;
	[tilespmem:s23+$0xD0] =	vst v5;
	v5 =	vmul.f32 v9, v2  }
0x2c3: {  	v6 =	vbroadcast v6, $0x0;
	v7 =	vor.u32 v20, v7;
	v9 =	vshll.u32 v12, v1;
	[tilespmem:s23+$0xFFFFFCC0] =	vst v8  }
0x2c4: {  	v4 =	vor.u32 v18, v4;
	v8 =	vbroadcast v9, $0x0;
	v9 =	vshll.u32 v15, v1;
	[tilespmem:s23+$0x270] =	vst v5  }
0x2c5: {  	v3 =	vshll.u32 v3, v1;
	v5 =	vor.u32 v19, v6;
	v6 =	vbroadcast v9, $0x0  }
0x2c6: {  	v3 =	vbroadcast v3, $0x0;
	v8 =	vor.u32 v17, v8  }
0x2c7: {  	v9 =	vor.u32 v23, v6;
	v10 =	vld.idx.msk [tilespmem:v10+s11+$0x0], $0xffff  }
0x2c8: {  	s26 =	sadd.s32 $0x7, s24;
	s24 =	smov.u32 s25;
	v11 =	vor.u32 v22, v3;
	v43 =	vld.idx.msk [tilespmem:v7+s11+$0x0], $0xffff  }
0x2c9: {  	v44 =	vor.u32 s26, v24;
	v4 =	vld.idx.msk [tilespmem:v4+s11+$0x0], $0xffff  }
.Ltmp11:
0x2ca: {  	s28 =	sadd.s32 $0x2, s25;
	s26 =	sadd.s32 $0x1, s25;
	v3 =	vmov s25;
	v5 =	vld.idx.msk [tilespmem:v5+s11+$0x0], $0xffff;
	(pc) =	sbr.rel @p1 .LBB2_25-.Ltmp11, $4  }
0x2cb: {  	s29 =	sadd.s32 $0x5, s25;
	v3 =	vshrl.u32 v3, $0x3;
	v12 =	vmov s26;
	v13 =	vmov s28;
	s26 =	sadd.s32 $0x3, s25;
	s28 =	sadd.s32 $0x4, s25;
	v6 =	vld.idx.msk [tilespmem:v8+s11+$0x0], $0xffff  }
0x2cc: {  	v14 =	vmov s26;
	v45 =	vmov s28;
	v15 =	vmov s29;
	v7 =	vld.idx.msk [tilespmem:v9+s11+$0x0], $0xffff  }
0x2cd: {  	v16 =	vshrl.u32 v12, $0x3;
	v13 =	vshrl.u32 v13, $0x3;
	v10 =	vmul.f32 v10, v2;
	v8 =	vld.idx.msk [tilespmem:v11+s11+$0x0], $0xffff  }
0x2ce: {  	s25 =	sadd.s32 $0x8, s25;
	s26 =	sadd.s32 $0x6, s24;
	v14 =	vshrl.u32 v14, $0x3;
	v12 =	vshrl.u32 v45, $0x3;
	s23 =	sadd.s32 $0x680, s23;
	v11 =	vmul.f32 v43, v2;
	v9 =	vld.idx.msk [tilespmem:v44+s11+$0x0], $0xffff  }
0x2cf: {  	v43 =	vmov s26;
	v16 =	vshll.u32 v16, v1  }
0x2d0: {  	v15 =	vshrl.u32 v15, $0x3;
	v13 =	vshll.u32 v13, v1;
	v14 =	vshll.u32 v14, v1  }
0x2d1: {  	v12 =	vshll.u32 v12, v1;
	v4 =	vmul.f32 v4, v2;
	v16 =	vbroadcast v16, $0x0  }
0x2d2: {  	v5 =	vmul.f32 v5, v2;
	[tilespmem:s23+$0x1A0] =	vst v10;
	v43 =	vshrl.u32 v43, $0x3;
	v13 =	vbroadcast v13, $0x0  }
0x2d3: {  	v14 =	vbroadcast v14, $0x0;
	[tilespmem:s23+$0xFFFFFD90] =	vst v11;
	v43 =	vshll.u32 v43, v1;
	v16 =	vor.u32 v20, v16  }
0x2d4: {  	v6 =	vmul.f32 v6, v2;
	[tilespmem:s23+$0xFFFFFE60] =	vst v4;
	v43 =	vbroadcast v43, $0x0;
	v13 =	vor.u32 v18, v13  }
0x2d5: {  	v3 =	vshll.u32 v3, v1;
	v12 =	vbroadcast v12, $0x0;
	[tilespmem:s23+$0xFFFFFF30] =	vst v5;
	v14 =	vor.u32 v19, v14  }
0x2d6: {  	s24 =	sadd.s32 $0x7, s24;
	v15 =	vshll.u32 v15, v1;
	v3 =	vbroadcast v3, $0x0;
	[tilespmem:s23+$0x0] =	vst v6;
	v43 =	vor.u32 v21, v43  }
0x2d7: {  	s28 =	simm.s32 $0x4;
	v44 =	vor.u32 s24, v24;
	v15 =	vbroadcast v15, $0x0;
	v12 =	vor.u32 v17, v12;
	v47 =	vld [tilespmem:$0x1FD00]  }
0x2d8: {  	s29 =	simm.s32 $0x0;
	v55 =	vmov s28;
	v7 =	vmul.f32 v7, v2;
	v3 =	vor.u32 v22, v3;
	v16 =	vld.idx.msk [tilespmem:v16+s11+$0x0], $0xffff  }
0x2d9: {  	s30 =	simm.s32 $0x1;
	v5 =	vmov s29;
	s29 =	simm.s32 $0x5;
	v8 =	vmul.f32 v8, v2;
	v15 =	vor.u32 v23, v15;
	v13 =	vld.idx.msk [tilespmem:v13+s11+$0x0], $0xffff  }
0x2da: {  	s25 =	simm.s32 $0x2;
	v5 =	vshrl.u32 v5, $0x3;
	v6 =	vmov s30;
	s30 =	simm.s32 $0x6;
	v56 =	vmov s29;
	v14 =	vld.idx.msk [tilespmem:v14+s11+$0x0], $0xffff  }
0x2db: {  	v45 =	vmul.f32 v9, v2;
	[tilespmem:s23+$0xD0] =	vst v7;
	v7 =	vmov s25;
	v46 =	vmov s30;
	v43 =	vld.idx.msk [tilespmem:v43+s11+$0x0], $0xffff  }
0x2dc: {  	s31 =	simm.s32 $0x3;
	v6 =	vshrl.u32 v6, $0x3;
	v58 =	vshrl.u32 v56, $0x3;
	v5 =	vshll.u32 v5, v1;
	v12 =	vld.idx.msk [tilespmem:v12+s11+$0x0], $0xffff  }
0x2dd: {  	[tilespmem:s23+$0xFFFFFCC0] =	vst v8;
	v8 =	vmov s31;
	v7 =	vshrl.u32 v7, $0x3;
	v57 =	vshrl.u32 v46, $0x3;
	v3 =	vld.idx.msk [tilespmem:v3+s11+$0x0], $0xffff  }
0x2de: {  	v6 =	vshll.u32 v6, v1;
	v8 =	vshrl.u32 v8, $0x3;
	v15 =	vld.idx.msk [tilespmem:v15+s11+$0x0], $0xffff;
	v16 =	vmul.f32 v16, v2  }
0x2df: {  	s31 =	sadd.s32 $0x680, s23;
	v44 =	vld.idx.msk [tilespmem:v44+s11+$0x0], $0xffff;
	[tilespmem:s23+$0x270] =	vst v45;
	v7 =	vshll.u32 v7, v1;
	v6 =	vbroadcast v6, $0x0;
	v13 =	vmul.f32 v13, v2  }
0x2e0: {  	v7 =	vbroadcast v7, $0x0;
	v10 =	vor.u32 $0x2C02, v47;
	v43 =	vmul.f32 v43, v2;
	[tilespmem:s31+$0xFFFFFD90] =	vst v16  }
0x2e1: {  	v11 =	vor.u32 $0x2C03, v47;
	v14 =	vmul.f32 v14, v2;
	v4 =	vmul.f32 v12, v2;
	[tilespmem:s31+$0xFFFFFE60] =	vst v13  }
0x2e2: {  	v3 =	vmul.f32 v3, v2;
	v12 =	vor.u32 $0x2C01, v47;
	[tilespmem:s31+$0x1A0] =	vst v43;
	v43 =	vshll.u32 v57, v1  }
0x2e3: {  	v15 =	vmul.f32 v15, v2;
	v6 =	vor.u32 v12, v6;
	[tilespmem:s31+$0xFFFFFF30] =	vst v14;
	v43 =	vbroadcast v43, $0x0  }
0x2e4: {  	v2 =	vmul.f32 v44, v2;
	v16 =	vshrl.u32 v55, $0x3;
	v13 =	vor.u32 $0x2C06, v47;
	[tilespmem:s31+$0x0] =	vst v4  }
0x2e5: {  	v4 =	vshll.u32 v8, v1;
	[tilespmem:s31+$0xFFFFFCC0] =	vst v3;
	v3 =	vor.u32 v10, v7;
	v8 =	vor.u32 v13, v43  }
0x2e6: {  	s25 =	simm.s32 $0x7;
	[tilespmem:s31+$0xD0] =	vst v15;
	v4 =	vbroadcast v4, $0x0;
	v14 =	vshll.u32 v16, v1;
	v16 =	vor.u32 $0x2C07, v47  }
0x2e7: {  	v7 =	vbroadcast v14, $0x0;
	v14 =	vshll.u32 v58, v1;
	[tilespmem:s31+$0x270] =	vst v2;
	v52 =	vor.u32 s25, v16  }
0x2e8: {  	v9 =	vor.u32 $0x2C04, v47;
	v59 =	vor.u32 v11, v4;
	v4 =	vbroadcast v14, $0x0;
	v2 =	vld [tilespmem:s22+$0x64B0]  }
0x2e9: {  	v5 =	vbroadcast v5, $0x0;
	v15 =	vor.u32 $0x2C05, v47;
	v7 =	vor.u32 v9, v7;
	v51 =	vld.idx.msk [tilespmem:v6+s11+$0x0], $0xffff  }
0x2ea: {  	v14 =	vor.u32 $0x2C00, v47;
	v60 =	vor.u32 v15, v4;
	v61 =	vld.idx.msk [tilespmem:v8+s11+$0x0], $0xffff  }
0x2eb: {  	s26 =	simm.s32 $0x9;
	v4 =	vld.idx.msk [tilespmem:v3+s11+$0x0], $0xffff;
	v8 =	vor.u32 v14, v5  }
0x2ec: {  	s28 =	simm.s32 $0xA;
	v62 =	vmov s26;
	s29 =	simm.s32 $0xB;
	s30 =	simm.s32 $0xC;
	v43 =	vld.idx.msk [tilespmem:v52+s11+$0x0], $0xffff  }
0x2ed: {  	v63 =	vmov s28;
	v48 =	vmov s29;
	v53 =	vmov s30;
	v5 =	vld.idx.msk [tilespmem:v59+s11+$0x0], $0xffff  }
0x2ee: {  	s24 =	simm.s32 $0x8;
	v50 =	vshrl.u32 v62, $0x3;
	v48 =	vshrl.u32 v48, $0x3;
	v46 =	vshrl.u32 v53, $0x3;
	s31 =	simm.s32 $0xD;
	v6 =	vld.idx.msk [tilespmem:v7+s11+$0x0], $0xffff  }
0x2ef: {  	v49 =	vmov s31;
	v3 =	vmov s24;
	v7 =	vld.idx.msk [tilespmem:v60+s11+$0x0], $0xffff;
	v44 =	vmul.f32 v61, v2  }
0x2f0: {  	s26 =	simm.s32 $0xE;
	s23 =	simm.s32 $0x133F0;
	s25 =	simm.s32 $0x10;
	v47 =	vshrl.u32 v63, $0x3;
	v3 =	vshrl.u32 v3, $0x3;
	v45 =	vmul.f32 v51, v2;
	v8 =	vld.idx.msk [tilespmem:v8+s11+$0x0], $0xffff  }
.LBB2_27:
0x2f1: {  	p1 =	slt.u32 s25, $0x38;
	v49 =	vshrl.u32 v49, $0x3;
	v51 =	vmov s26;
	v4 =	vmul.f32 v4, v2;
	[tilespmem:s23+$0x1A0] =	vst v44  }
0x2f2: {  	v44 =	vshll.u32 v50, v1;
	v5 =	vmul.f32 v5, v2;
	v50 =	vshrl.u32 v51, $0x3;
	[tilespmem:s23+$0xFFFFFD90] =	vst v45  }
0x2f3: {  	v45 =	vshll.u32 v47, v1;
	v47 =	vshll.u32 v50, v1;
	[tilespmem:s23+$0xFFFFFE60] =	vst v4;
	v4 =	vmul.f32 v6, v2  }
0x2f4: {  	v6 =	vshll.u32 v48, v1;
	v47 =	vbroadcast v47, $0x0;
	[tilespmem:s23+$0xFFFFFF30] =	vst v5;
	v5 =	vmul.f32 v7, v2  }
0x2f5: {  	v7 =	vbroadcast v44, $0x0;
	v8 =	vmul.f32 v8, v2;
	[tilespmem:s23+$0x0] =	vst v4  }
0x2f6: {  	v4 =	vbroadcast v45, $0x0;
	v44 =	vor.u32 v13, v47;
	[tilespmem:s23+$0xD0] =	vst v5;
	v5 =	vmul.f32 v43, v2  }
0x2f7: {  	v6 =	vbroadcast v6, $0x0;
	v7 =	vor.u32 v12, v7;
	v43 =	vshll.u32 v46, v1;
	[tilespmem:s23+$0xFFFFFCC0] =	vst v8  }
0x2f8: {  	v4 =	vor.u32 v10, v4;
	v8 =	vbroadcast v43, $0x0;
	v43 =	vshll.u32 v49, v1;
	[tilespmem:s23+$0x270] =	vst v5  }
0x2f9: {  	v3 =	vshll.u32 v3, v1;
	v5 =	vor.u32 v11, v6;
	v6 =	vbroadcast v43, $0x0  }
0x2fa: {  	v3 =	vbroadcast v3, $0x0;
	v8 =	vor.u32 v9, v8  }
0x2fb: {  	v43 =	vor.u32 v15, v6;
	v44 =	vld.idx.msk [tilespmem:v44+s11+$0x0], $0xffff  }
0x2fc: {  	s26 =	sadd.s32 $0x7, s24;
	s24 =	smov.u32 s25;
	v45 =	vor.u32 v14, v3;
	v51 =	vld.idx.msk [tilespmem:v7+s11+$0x0], $0xffff  }
0x2fd: {  	v52 =	vor.u32 s26, v16;
	v4 =	vld.idx.msk [tilespmem:v4+s11+$0x0], $0xffff  }
.Ltmp12:
0x2fe: {  	s28 =	sadd.s32 $0x2, s25;
	s26 =	sadd.s32 $0x1, s25;
	v3 =	vmov s25;
	v5 =	vld.idx.msk [tilespmem:v5+s11+$0x0], $0xffff;
	(pc) =	sbr.rel @p1 .LBB2_27-.Ltmp12, $4  }
0x2ff: {  	s29 =	sadd.s32 $0x5, s25;
	v3 =	vshrl.u32 v3, $0x3;
	v46 =	vmov s26;
	v47 =	vmov s28;
	s26 =	sadd.s32 $0x3, s25;
	s28 =	sadd.s32 $0x4, s25;
	v6 =	vld.idx.msk [tilespmem:v8+s11+$0x0], $0xffff  }
0x300: {  	v48 =	vmov s26;
	v53 =	vmov s28;
	v49 =	vmov s29;
	v7 =	vld.idx.msk [tilespmem:v43+s11+$0x0], $0xffff  }
0x301: {  	v50 =	vshrl.u32 v46, $0x3;
	v47 =	vshrl.u32 v47, $0x3;
	v44 =	vmul.f32 v44, v2;
	v8 =	vld.idx.msk [tilespmem:v45+s11+$0x0], $0xffff  }
0x302: {  	s25 =	sadd.s32 $0x8, s25;
	s26 =	sadd.s32 $0x6, s24;
	v48 =	vshrl.u32 v48, $0x3;
	v46 =	vshrl.u32 v53, $0x3;
	s23 =	sadd.s32 $0x680, s23;
	v45 =	vmul.f32 v51, v2;
	v43 =	vld.idx.msk [tilespmem:v52+s11+$0x0], $0xffff  }
0x303: {  	v51 =	vmov s26;
	v50 =	vshll.u32 v50, v1;
	v49 =	vshrl.u32 v49, $0x3  }
0x304: {  	v47 =	vshll.u32 v47, v1;
	v48 =	vshll.u32 v48, v1;
	s24 =	sadd.s32 $0x7, s24;
	v50 =	vbroadcast v50, $0x0  }
0x305: {  	v46 =	vshll.u32 v46, v1;
	v47 =	vbroadcast v47, $0x0;
	v52 =	vor.u32 s24, v16  }
0x306: {  	v3 =	vshll.u32 v3, v1;
	v48 =	vbroadcast v48, $0x0;
	v50 =	vor.u32 v12, v50  }
0x307: {  	v51 =	vshrl.u32 v51, $0x3;
	v46 =	vbroadcast v46, $0x0;
	v47 =	vor.u32 v10, v47  }
0x308: {  	v49 =	vshll.u32 v49, v1;
	v3 =	vbroadcast v3, $0x0;
	v48 =	vor.u32 v11, v48  }
0x309: {  	v51 =	vshll.u32 v51, v1;
	v49 =	vbroadcast v49, $0x0;
	v46 =	vor.u32 v9, v46  }
0x30a: {  	v51 =	vbroadcast v51, $0x0;
	v3 =	vor.u32 v14, v3;
	v52 =	vld.idx.msk [tilespmem:v52+s11+$0x0], $0xffff  }
0x30b: {  	v49 =	vor.u32 v15, v49;
	v50 =	vld.idx.msk [tilespmem:v50+s11+$0x0], $0xffff  }
0x30c: {  	v51 =	vor.u32 v13, v51;
	v47 =	vld.idx.msk [tilespmem:v47+s11+$0x0], $0xffff  }
0x30d: {  	v48 =	vld.idx.msk [tilespmem:v48+s11+$0x0], $0xffff  }
0x30e: {  	v46 =	vld.idx.msk [tilespmem:v46+s11+$0x0], $0xffff  }
0x30f: {  	v3 =	vld.idx.msk [tilespmem:v3+s11+$0x0], $0xffff  }
0x310: {  	v4 =	vmul.f32 v4, v2;
	v5 =	vmul.f32 v5, v2;
	s31 =	simm.s32 $0x3;
	v49 =	vld.idx.msk [tilespmem:v49+s11+$0x0], $0xffff  }
0x311: {  	[tilespmem:s23+$0x1A0] =	vst v44;
	s28 =	simm.s32 $0x4;
	v6 =	vmul.f32 v6, v2;
	v60 =	vmov s31;
	v7 =	vmul.f32 v7, v2;
	v51 =	vld.idx.msk [tilespmem:v51+s11+$0x0], $0xffff  }
0x312: {  	s29 =	simm.s32 $0x0;
	[tilespmem:s23+$0xFFFFFD90] =	vst v45;
	v61 =	vmov s28;
	v8 =	vmul.f32 v8, v2;
	v43 =	vmul.f32 v43, v2  }
0x313: {  	[tilespmem:s23+$0x0] =	vst v6;
	v6 =	vmov s29;
	v59 =	vmul.f32 v52, v2;
	v50 =	vmul.f32 v50, v2  }
0x314: {  	[tilespmem:s23+$0xFFFFFE60] =	vst v4;
	s29 =	simm.s32 $0x5;
	v6 =	vshrl.u32 v6, $0x3;
	v57 =	vmul.f32 v47, v2;
	v58 =	vmul.f32 v48, v2  }
0x315: {  	[tilespmem:s23+$0xFFFFFF30] =	vst v5;
	v62 =	vmov s29;
	v46 =	vmul.f32 v46, v2;
	v5 =	vmul.f32 v3, v2  }
0x316: {  	s30 =	simm.s32 $0x1;
	v6 =	vshll.u32 v6, v1;
	v48 =	vmul.f32 v49, v2;
	v63 =	vmul.f32 v51, v2;
	v2 =	vld [tilespmem:$0x1FD00];
	[tilespmem:s23+$0xD0] =	vst v7  }
0x317: {  	s25 =	simm.s32 $0x2;
	v56 =	vshrl.u32 v62, $0x3;
	v6 =	vbroadcast v6, $0x0;
	[tilespmem:s23+$0xFFFFFCC0] =	vst v8;
	v7 =	vmov s30;
	s30 =	simm.s32 $0x6  }
0x318: {  	s31 =	sadd.s32 $0x680, s23;
	v8 =	vmov s25;
	[tilespmem:s23+$0x270] =	vst v43;
	v43 =	vshrl.u32 v61, $0x3;
	v53 =	vmov s30  }
0x319: {  	v7 =	vshrl.u32 v7, $0x3;
	v8 =	vshrl.u32 v8, $0x3;
	[tilespmem:s31+$0x1A0] =	vst v63;
	v63 =	vshrl.u32 v53, $0x3  }
0x31a: {  	[tilespmem:s31+$0xFFFFFD90] =	vst v50;
	v43 =	vshll.u32 v43, v1;
	v53 =	vshrl.u32 v60, $0x3;
	v44 =	vshll.u32 v63, v1  }
0x31b: {  	[tilespmem:s31+$0xFFFFFE60] =	vst v57;
	v7 =	vshll.u32 v7, v1;
	v8 =	vshll.u32 v8, v1;
	v44 =	vbroadcast v44, $0x0  }
0x31c: {  	[tilespmem:s31+$0xFFFFFF30] =	vst v58;
	v57 =	vbroadcast v7, $0x0;
	v58 =	vshll.u32 v53, v1;
	v63 =	vor.u32 $0x3006, v2  }
0x31d: {  	[tilespmem:s31+$0x0] =	vst v46;
	v8 =	vbroadcast v8, $0x0;
	v54 =	vor.u32 $0x3001, v2;
	v44 =	vor.u32 v63, v44  }
0x31e: {  	[tilespmem:s31+$0xFFFFFCC0] =	vst v5;
	v46 =	vbroadcast v58, $0x0;
	v4 =	vor.u32 $0x3002, v2;
	v47 =	vor.u32 v54, v57  }
0x31f: {  	[tilespmem:s31+$0xD0] =	vst v48;
	v5 =	vbroadcast v43, $0x0;
	v55 =	vor.u32 $0x3003, v2;
	v48 =	vor.u32 v4, v8  }
0x320: {  	[tilespmem:s31+$0x270] =	vst v59;
	v3 =	vor.u32 $0x3004, v2;
	v8 =	vshll.u32 v56, v1;
	v46 =	vor.u32 v55, v46  }
0x321: {  	v43 =	vld [tilespmem:s22+$0x64C0];
	v61 =	vor.u32 $0x3000, v2;
	v49 =	vor.u32 v3, v5;
	v45 =	vbroadcast v8, $0x0  }
0x322: {  	v7 =	vmov v54;
	v52 =	vor.u32 v61, v6;
	v8 =	vor.u32 $0x3005, v2;
	v54 =	vld.idx.msk [tilespmem:v44+s11+$0x0], $0xffff  }
0x323: {  	s25 =	simm.s32 $0x7;
	v6 =	vor.u32 $0x3007, v2;
	v57 =	vor.u32 v8, v45;
	v58 =	vld.idx.msk [tilespmem:v47+s11+$0x0], $0xffff  }
0x324: {  	s30 =	simm.s32 $0xC;
	v2 =	vor.u32 s25, v6;
	v45 =	vld.idx.msk [tilespmem:v48+s11+$0x0], $0xffff  }
0x325: {  	s26 =	simm.s32 $0x9;
	s29 =	simm.s32 $0xB;
	v62 =	vmov s30;
	v46 =	vld.idx.msk [tilespmem:v46+s11+$0x0], $0xffff  }
0x326: {  	s28 =	simm.s32 $0xA;
	s31 =	simm.s32 $0xD;
	v60 =	vmov s29;
	s22 =	simm.s32 $0x8;
	v53 =	vmov s26;
	v51 =	vshrl.u32 v62, $0x3;
	v48 =	vld.idx.msk [tilespmem:v49+s11+$0x0], $0xffff  }
0x327: {  	v59 =	vmov s22;
	v5 =	vmovc v55;
	v55 =	vmov s28;
	v56 =	vmov s31;
	v49 =	vld.idx.msk [tilespmem:v52+s11+$0x0], $0xffff  }
0x328: {  	v44 =	vshrl.u32 v59, $0x3;
	v47 =	vld.idx.msk [tilespmem:v57+s11+$0x0], $0xffff;
	v57 =	vshrl.u32 v53, $0x3;
	v52 =	vmul.f32 v54, v43  }
0x329: {  	s24 =	simm.s32 $0x10;
	s23 =	simm.s32 $0x13400;
	s25 =	simm.s32 $0xE;
	v50 =	vld.idx.msk [tilespmem:v2+s11+$0x0], $0xffff;
	v53 =	vshrl.u32 v55, $0x3;
	v55 =	vshrl.u32 v60, $0x3;
	v54 =	vmul.f32 v58, v43  }
.LBB2_29:
0x32a: {  	p1 =	slt.u32 s24, $0x38;
	v56 =	vshrl.u32 v56, $0x3;
	v58 =	vmov s25;
	v45 =	vmul.f32 v45, v43;
	[tilespmem:s23+$0x1A0] =	vst v52  }
0x32b: {  	v52 =	vshll.u32 v57, v1;
	v46 =	vmul.f32 v46, v43;
	v57 =	vshrl.u32 v58, $0x3;
	[tilespmem:s23+$0xFFFFFD90] =	vst v54  }
0x32c: {  	v53 =	vshll.u32 v53, v1;
	v54 =	vshll.u32 v57, v1;
	[tilespmem:s23+$0xFFFFFE60] =	vst v45;
	v45 =	vmul.f32 v48, v43  }
0x32d: {  	v48 =	vshll.u32 v55, v1;
	v54 =	vbroadcast v54, $0x0;
	[tilespmem:s23+$0xFFFFFF30] =	vst v46;
	v46 =	vmul.f32 v47, v43  }
0x32e: {  	v47 =	vbroadcast v52, $0x0;
	v49 =	vmul.f32 v49, v43;
	[tilespmem:s23+$0x0] =	vst v45  }
0x32f: {  	v45 =	vbroadcast v53, $0x0;
	v52 =	vor.u32 v63, v54;
	[tilespmem:s23+$0xD0] =	vst v46;
	v46 =	vmul.f32 v50, v43  }
0x330: {  	v48 =	vbroadcast v48, $0x0;
	v47 =	vor.u32 v7, v47;
	v50 =	vshll.u32 v51, v1;
	[tilespmem:s23+$0xFFFFFCC0] =	vst v49  }
0x331: {  	v45 =	vor.u32 v4, v45;
	v49 =	vbroadcast v50, $0x0;
	v50 =	vshll.u32 v56, v1;
	[tilespmem:s23+$0x270] =	vst v46  }
0x332: {  	v44 =	vshll.u32 v44, v1;
	v46 =	vor.u32 v5, v48;
	v48 =	vbroadcast v50, $0x0  }
0x333: {  	v44 =	vbroadcast v44, $0x0;
	v49 =	vor.u32 v3, v49  }
0x334: {  	v50 =	vor.u32 v8, v48;
	v51 =	vld.idx.msk [tilespmem:v52+s11+$0x0], $0xffff  }
0x335: {  	s25 =	sadd.s32 $0x7, s22;
	s22 =	smov.u32 s24;
	v52 =	vor.u32 v61, v44;
	v54 =	vld.idx.msk [tilespmem:v47+s11+$0x0], $0xffff  }
0x336: {  	v58 =	vor.u32 s25, v6;
	v45 =	vld.idx.msk [tilespmem:v45+s11+$0x0], $0xffff  }
.Ltmp13:
0x337: {  	s26 =	sadd.s32 $0x2, s24;
	s25 =	sadd.s32 $0x1, s24;
	v44 =	vmov s24;
	v46 =	vld.idx.msk [tilespmem:v46+s11+$0x0], $0xffff;
	(pc) =	sbr.rel @p1 .LBB2_29-.Ltmp13, $4  }
0x338: {  	s28 =	sadd.s32 $0x5, s24;
	v55 =	vmov s26;
	s26 =	sadd.s32 $0x4, s24;
	v53 =	vmov s25;
	s25 =	sadd.s32 $0x3, s24;
	v44 =	vshrl.u32 v44, $0x3;
	v48 =	vld.idx.msk [tilespmem:v49+s11+$0x0], $0xffff  }
0x339: {  	v60 =	vmov s26;
	v59 =	vmov s25;
	v56 =	vmov s28;
	v47 =	vld.idx.msk [tilespmem:v50+s11+$0x0], $0xffff  }
0x33a: {  	v57 =	vshrl.u32 v53, $0x3;
	v53 =	vshrl.u32 v55, $0x3;
	v49 =	vld.idx.msk [tilespmem:v52+s11+$0x0], $0xffff;
	v52 =	vmul.f32 v51, v43  }
0x33b: {  	s25 =	sadd.s32 $0x6, s22;
	v55 =	vshrl.u32 v59, $0x3;
	s23 =	sadd.s32 $0x680, s23;
	s24 =	sadd.s32 $0x8, s24;
	v51 =	vshrl.u32 v60, $0x3;
	v54 =	vmul.f32 v54, v43;
	v50 =	vld.idx.msk [tilespmem:v58+s11+$0x0], $0xffff  }
0x33c: {  	v58 =	vmov s25  }
0x33d: {  	v58 =	vshrl.u32 v58, $0x3  }
0x33e: {  	v58 =	vshll.u32 v58, v1  }
0x33f: {  	v57 =	vshll.u32 v57, v1;
	v56 =	vshrl.u32 v56, $0x3;
	v58 =	vbroadcast v58, $0x0  }
0x340: {  	v53 =	vshll.u32 v53, v1;
	v55 =	vshll.u32 v55, v1;
	[tilespmem:$0x1FBE0] =	vst v63;
	v57 =	vbroadcast v57, $0x0  }
0x341: {  	v59 =	vld [tilespmem:$0x1FD00];
	v51 =	vshll.u32 v51, v1;
	[tilespmem:$0x1FBF0] =	vst v4;
	v53 =	vbroadcast v53, $0x0;
	v58 =	vor.u32 v63, v58  }
0x342: {  	v62 =	vld [tilespmem:$0x1FFF0];
	v45 =	vmul.f32 v45, v43;
	v55 =	vbroadcast v55, $0x0;
	[tilespmem:s23+$0x1A0] =	vst v52;
	v57 =	vor.u32 v7, v57  }
0x343: {  	v51 =	vbroadcast v51, $0x0;
	v56 =	vshll.u32 v56, v1;
	[tilespmem:$0x1FC00] =	vst v3;
	v53 =	vor.u32 v4, v53  }
0x344: {  	v44 =	vshll.u32 v44, v1;
	v56 =	vbroadcast v56, $0x0;
	v55 =	vor.u32 v5, v55;
	[tilespmem:s23+$0xFFFFFD90] =	vst v54  }
0x345: {  	v44 =	vbroadcast v44, $0x0;
	v51 =	vor.u32 v3, v51;
	[tilespmem:s23+$0xFFFFFE60] =	vst v45  }
0x346: {  	v46 =	vmul.f32 v46, v43;
	v52 =	vor.u32 v8, v56;
	v54 =	vld.idx.msk [tilespmem:v58+s11+$0x0], $0xffff;
	[tilespmem:$0x1FC10] =	vst v61  }
0x347: {  	s22 =	sadd.s32 $0x7, s22;
	v44 =	vor.u32 v61, v44;
	v56 =	vmul.f32 v48, v43;
	v48 =	vld.idx.msk [tilespmem:v57+s11+$0x0], $0xffff  }
0x348: {  	v49 =	vmul.f32 v49, v43;
	v58 =	vor.u32 s22, v6;
	[tilespmem:s23+$0xFFFFFF30] =	vst v46;
	v57 =	vmul.f32 v47, v43;
	v47 =	vld.idx.msk [tilespmem:v53+s11+$0x0], $0xffff  }
0x349: {  	v61 =	vmul.f32 v50, v43;
	[tilespmem:s23+$0x0] =	vst v56;
	v60 =	vld.idx.msk [tilespmem:v55+s11+$0x0], $0xffff  }
0x34a: {  	v63 =	vld.idx.msk [tilespmem:v51+s11+$0x0], $0xffff;
	[tilespmem:s23+$0xFFFFFCC0] =	vst v49  }
0x34b: {  	v55 =	vld.idx.msk [tilespmem:v52+s11+$0x0], $0xffff;
	[tilespmem:s23+$0x270] =	vst v61;
	v56 =	vmul.f32 v54, v43  }
0x34c: {  	s24 =	sadd.s32 $0x680, s23;
	v44 =	vld.idx.msk [tilespmem:v44+s11+$0x0], $0xffff;
	[tilespmem:s23+$0xD0] =	vst v57;
	v57 =	vmul.f32 v48, v43  }
0x34d: {  	v58 =	vld.idx.msk [tilespmem:v58+s11+$0x0], $0xffff;
	v47 =	vmul.f32 v47, v43;
	[tilespmem:s24+$0x1A0] =	vst v56  }
0x34e: {  	v45 =	vmul.f32 v60, v43;
	[tilespmem:s24+$0xFFFFFD90] =	vst v57  }
0x34f: {  	v60 =	vmul.f32 v63, v43;
	[tilespmem:s24+$0xFFFFFE60] =	vst v47  }
0x350: {  	s31 =	sadd.s32 s4, s20;
	v61 =	vmul.f32 v55, v43;
	[tilespmem:s24+$0xFFFFFF30] =	vst v45  }
0x351: {  	s22 =	smul.u32 $0x640, s31;
	v44 =	vmul.f32 v44, v43;
	[tilespmem:s24+$0x0] =	vst v60  }
0x352: {  	[tilespmem:s24+$0xD0] =	vst v61;
	v63 =	vmul.f32 v58, v43  }
0x353: {  	s25 =	simm.s32 $0x130D0;
	s22 =	sadd.s32 s2, s22;
	[tilespmem:s24+$0xFFFFFCC0] =	vst v44  }
0x354: {  	s23 =	simm.s32 $0x13000;
	s26 =	sadd.s32 $0x0, s22;
	[tilespmem:s24+$0x270] =	vst v63;
	s24 =	simm.s32 $0x19  }
.LBB2_31:
0x355: {  	[hbm4b:s26+s3] =	stream.linear.scatter [tilespmem:s23], [sflag:$0x3], $0xC8, $0x38;
	[tilespmem:$0x19800] =	vst v63  }
0x356: {  	s26 =	smov.u32 s24;
	s23 =	smov.u32 s25;
	p1 =	sne.s32 s24, $0x627  }
.Ltmp14:
0x357: {  	s24 =	sadd.s32 $0x19, s24;
	(pc) =	sbr.rel @p1 .LBB2_31-.Ltmp14, $2  }
0x358: {  	_ =	sdelay $0x2  }
0x359: {  	s25 =	sadd.s32 $0xD0, s25;
	s26 =	sadd.s32 s26, s22  }
0x35a: {  	s22 =	simm.s32 $0x0  }
0x35b: {  	[hbm4b:s26+s3] =	stream.linear.scatter [tilespmem:s23], [sflag:$0x3], $0xC8, $0x38;
	[tilespmem:$0x19800] =	vst v63  }
0x35c: {  	s26 =	simm.s32 $0x1;
	s28 =	simm.s32 $0x2;
	s24 =	simm.s32 $0x3  }
0x35d: {  	s20 =	sor.u32 $0x1, s20;
	s29 =	simm.s32 $0x4;
	s30 =	simm.s32 $0x5  }
0x35e: {  	[tilespmem:$0x1FBC0] =	vst v6;
	s31 =	simm.s32 $0x6;
	s23 =	simm.s32 $0xD;
	p1 =	sgt.u32 s20, $0x7E  }
0x35f: {  	[tilespmem:$0x1FBD0] =	vst v5;
	v43 =	vmov s22;
	v44 =	vmov s26;
	v46 =	vmov s24;
	s21 =	sadd.s32 @!p1 $0x190, s21;
	s24 =	simm.s32 @!p1 $0xC8;
	s25 =	simm.s32 @!p1 $0xCC00  }
0x360: {  	v45 =	vmov s28;
	v47 =	vmov s29;
	[tilespmem:s25], [sflag:$0x1] =	stream.indirect.gather @!p1 [hbm4b:s5+s24], $0x40, s21, s24, $0xb8;
	[tilespmem:$0x19800] =	vst v63  }
0x361: {  	v48 =	vmov s30;
	v49 =	vmov s31;
	v57 =	vmov s23;
	_ =	swait.ge [sflag:s14], $0x3200  }
0x362: {  	s28 =	simm.s32 $0x9;
	v43 =	vshrl.u32 v43, $0x3;
	v44 =	vshrl.u32 v44, $0x3;
	v45 =	vshrl.u32 v45, $0x3;
	[sflag:s14] =	ssyncset.done $0x0  }
0x363: {  	s29 =	simm.s32 $0xA;
	v46 =	vshrl.u32 v46, $0x3;
	v47 =	vshrl.u32 v47, $0x3;
	v49 =	vshrl.u32 v49, $0x3;
	s21 =	simm.s32 @!p0 $0x4;
	[sflag:s14] =	ssyncadd.s32 $0xFFFFCE00  }
0x364: {  	s30 =	simm.s32 $0xB;
	s31 =	simm.s32 $0xC;
	v48 =	vshrl.u32 v48, $0x3;
	v53 =	vmov s28;
	v54 =	vmov s29;
	_ =	swait.ge @!p0 [sflag:s21], $0x3200  }
0x365: {  	v55 =	vmov s30;
	v56 =	vmov s31;
	v45 =	vshll.u32 v45, v1;
	v4 =	vld [tilespmem:$0x1FD60]  }
0x366: {  	v57 =	vshrl.u32 v57, $0x3;
	v43 =	vshll.u32 v43, v1;
	v45 =	vbroadcast v45, $0x0;
	v61 =	vld [tilespmem:$0x1FD20]  }
0x367: {  	v44 =	vshll.u32 v44, v1;
	v49 =	vshll.u32 v49, v1;
	v50 =	vbroadcast v43, $0x0;
	v0 =	vld [tilespmem:$0x1FD30]  }
0x368: {  	v46 =	vshll.u32 v46, v1;
	v49 =	vbroadcast v49, $0x0;
	v45 =	vor.u32 v62, v45;
	v2 =	vld [tilespmem:$0x1FD40]  }
0x369: {  	v47 =	vshll.u32 v47, v1;
	s24 =	smul.u32 $0x340, s20;
	v44 =	vbroadcast v44, $0x0;
	v50 =	vor.u32 v59, v50;
	v3 =	vld [tilespmem:$0x1FD50]  }
0x36a: {  	v48 =	vshll.u32 v48, v1;
	v46 =	vbroadcast v46, $0x0;
	[sflag:s21] =	ssyncset.done @!p0 $0x0;
	v5 =	vld [tilespmem:$0x1FD70];
	v49 =	vor.u32 v4, v49  }
0x36b: {  	v53 =	vshrl.u32 v53, $0x3;
	v47 =	vbroadcast v47, $0x0;
	[sflag:s21] =	ssyncadd.s32 @!p0 $0xFFFFCE00;
	s21 =	sshra.s32 s24, $0x2;
	v44 =	vor.u32 v61, v44  }
0x36c: {  	v54 =	vshrl.u32 v54, $0x3;
	v48 =	vbroadcast v48, $0x0;
	v43 =	vld [tilespmem:s21+$0x6400];
	v46 =	vor.u32 v0, v46  }
0x36d: {  	s25 =	simm.s32 $0x8;
	v55 =	vshrl.u32 v55, $0x3;
	v56 =	vshrl.u32 v56, $0x3;
	v45 =	vld.idx.msk [tilespmem:v45+s12+$0x0], $0xffff;
	v47 =	vor.u32 v2, v47  }
0x36e: {  	s26 =	simm.s32 $0x7;
	v57 =	vshll.u32 v57, v1;
	v51 =	vmov s25;
	s24 =	simm.s32 $0xE;
	v50 =	vld.idx.msk [tilespmem:v50+s12+$0x0], $0xffff;
	v48 =	vor.u32 v3, v48  }
0x36f: {  	v53 =	vshll.u32 v53, v1;
	v58 =	vmov s24;
	v52 =	vor.u32 s26, v5;
	v49 =	vld.idx.msk [tilespmem:v49+s12+$0x0], $0xffff  }
0x370: {  	v54 =	vshll.u32 v54, v1;
	v55 =	vshll.u32 v55, v1;
	v58 =	vshrl.u32 v58, $0x3;
	v44 =	vld.idx.msk [tilespmem:v44+s12+$0x0], $0xffff  }
0x371: {  	v56 =	vshll.u32 v56, v1;
	v53 =	vbroadcast v53, $0x0;
	v58 =	vshll.u32 v58, v1;
	v46 =	vld.idx.msk [tilespmem:v46+s12+$0x0], $0xffff  }
0x372: {  	v51 =	vshrl.u32 v51, $0x3;
	v54 =	vbroadcast v54, $0x0;
	v58 =	vbroadcast v58, $0x0;
	v47 =	vld.idx.msk [tilespmem:v47+s12+$0x0], $0xffff  }
0x373: {  	v60 =	vbroadcast v56, $0x0;
	v51 =	vshll.u32 v51, v1;
	v45 =	vmul.f32 v45, v43;
	v48 =	vld.idx.msk [tilespmem:v48+s12+$0x0], $0xffff  }
0x374: {  	v63 =	vmovc v59;
	s22 =	simm.s32 $0x16740;
	v59 =	vbroadcast v55, $0x0;
	v58 =	vor.u32 v4, v58;
	v52 =	vld.idx.msk [tilespmem:v52+s12+$0x0], $0xffff;
	v49 =	vmul.f32 v49, v43  }
0x375: {  	v55 =	vbroadcast v57, $0x0;
	v54 =	vor.u32 v62, v54;
	[tilespmem:s22+$0xFFFFFE60] =	vst v45;
	v44 =	vmul.f32 v44, v43  }
0x376: {  	v51 =	vbroadcast v51, $0x0;
	s26 =	simm.s32 $0x11;
	v46 =	vmul.f32 v46, v43;
	[tilespmem:s22+$0x1A0] =	vst v49;
	v49 =	vor.u32 v61, v53  }
0x377: {  	v56 =	vmov s26;
	v47 =	vmul.f32 v47, v43;
	[tilespmem:s22+$0xFFFFFD90] =	vst v44;
	v53 =	vor.u32 v0, v59  }
0x378: {  	v45 =	vmul.f32 v50, v43;
	v48 =	vmul.f32 v48, v43;
	[tilespmem:s22+$0xFFFFFF30] =	vst v46;
	v59 =	vor.u32 v2, v60  }
0x379: {  	s23 =	simm.s32 $0x10;
	s28 =	simm.s32 $0x12;
	v56 =	vshrl.u32 v56, $0x3;
	v50 =	vor.u32 v3, v55;
	v57 =	vmul.f32 v52, v43;
	[tilespmem:s22+$0x0] =	vst v47;
	v44 =	vld.idx.msk [tilespmem:v58+s12+$0x0], $0xffff  }
0x37a: {  	s29 =	simm.s32 $0x13;
	s25 =	simm.s32 $0xF;
	v52 =	vor.u32 v63, v51;
	v51 =	vmov s28;
	v60 =	vmov s23;
	[tilespmem:s22+$0xD0] =	vst v48;
	v48 =	vld.idx.msk [tilespmem:v54+s12+$0x0], $0xffff  }
0x37b: {  	s30 =	simm.s32 $0x14;
	v46 =	vor.u32 s25, v5;
	v58 =	vmov s29;
	[tilespmem:s22+$0x270] =	vst v57;
	v57 =	vshrl.u32 v51, $0x3;
	v47 =	vld.idx.msk [tilespmem:v49+s12+$0x0], $0xffff  }
0x37c: {  	s31 =	simm.s32 $0x15;
	v55 =	vshrl.u32 v60, $0x3;
	v60 =	vmov s30;
	v54 =	vshrl.u32 v58, $0x3;
	v49 =	vld.idx.msk [tilespmem:v53+s12+$0x0], $0xffff  }
0x37d: {  	s24 =	simm.s32 $0x18;
	[tilespmem:s22+$0xFFFFFCC0] =	vst v45;
	s25 =	simm.s32 $0x16;
	v45 =	vshll.u32 v55, v1;
	v55 =	vmov s31;
	v53 =	vshrl.u32 v60, $0x3;
	v51 =	vld.idx.msk [tilespmem:v59+s12+$0x0], $0xffff  }
.LBB2_33:
0x37e: {  	p0 =	slt.u32 s24, $0x38;
	v56 =	vshll.u32 v56, v1;
	v55 =	vshrl.u32 v55, $0x3;
	v58 =	vmov s25;
	v50 =	vld.idx.msk [tilespmem:v50+s12+$0x0], $0xffff  }
0x37f: {  	v57 =	vshll.u32 v57, v1;
	v44 =	vmul.f32 v44, v43;
	v58 =	vshrl.u32 v58, $0x3;
	v52 =	vld.idx.msk [tilespmem:v52+s12+$0x0], $0xffff  }
0x380: {  	v54 =	vshll.u32 v54, v1;
	s22 =	sadd.s32 $0x680, s22;
	v47 =	vmul.f32 v47, v43;
	v58 =	vshll.u32 v58, v1;
	v46 =	vld.idx.msk [tilespmem:v46+s12+$0x0], $0xffff  }
0x381: {  	v53 =	vshll.u32 v53, v1;
	v48 =	vmul.f32 v48, v43;
	v58 =	vbroadcast v58, $0x0;
	[tilespmem:s22+$0x1A0] =	vst v44  }
0x382: {  	v55 =	vshll.u32 v55, v1;
	v44 =	vbroadcast v56, $0x0;
	[tilespmem:s22+$0xFFFFFD90] =	vst v47;
	v47 =	vmul.f32 v49, v43  }
0x383: {  	v49 =	vbroadcast v57, $0x0;
	v56 =	vor.u32 v4, v58;
	[tilespmem:s22+$0xFFFFFE60] =	vst v48;
	v48 =	vmul.f32 v51, v43  }
0x384: {  	v51 =	vor.u32 v61, v44;
	v44 =	vbroadcast v54, $0x0;
	[tilespmem:s22+$0xFFFFFF30] =	vst v47;
	v47 =	vmul.f32 v50, v43  }
0x385: {  	v49 =	vor.u32 v62, v49;
	v50 =	vbroadcast v53, $0x0;
	v52 =	vmul.f32 v52, v43;
	[tilespmem:s22+$0x0] =	vst v48  }
0x386: {  	v53 =	vor.u32 v0, v44;
	v44 =	vbroadcast v55, $0x0;
	[tilespmem:s22+$0xD0] =	vst v47;
	v47 =	vmul.f32 v46, v43  }
0x387: {  	v45 =	vbroadcast v45, $0x0;
	s25 =	sadd.s32 $0x7, s23;
	s23 =	smov.u32 s24;
	v58 =	vor.u32 v2, v50;
	[tilespmem:s22+$0xFFFFFCC0] =	vst v52  }
.Ltmp15:
0x388: {  	s26 =	sadd.s32 $0x1, s24;
	v48 =	vmov s24;
	v46 =	vor.u32 s25, v5;
	v50 =	vor.u32 v3, v44;
	v44 =	vld.idx.msk [tilespmem:v56+s12+$0x0], $0xffff;
	[tilespmem:s22+$0x270] =	vst v47;
	(pc) =	sbr.rel @p0 .LBB2_33-.Ltmp15, $4  }
0x389: {  	s28 =	sadd.s32 $0x4, s24;
	v55 =	vmov s26;
	s26 =	sadd.s32 $0x3, s24;
	v54 =	vshrl.u32 v48, $0x3;
	s25 =	sadd.s32 $0x2, s24;
	v52 =	vor.u32 v63, v45;
	v47 =	vld.idx.msk [tilespmem:v51+s12+$0x0], $0xffff  }
0x38a: {  	v60 =	vmov s28;
	v59 =	vmov s26;
	v51 =	vmov s25;
	s25 =	sadd.s32 $0x5, s24;
	v48 =	vld.idx.msk [tilespmem:v49+s12+$0x0], $0xffff  }
0x38b: {  	v45 =	vshll.u32 v54, v1;
	v56 =	vshrl.u32 v55, $0x3;
	v55 =	vmov s25;
	v49 =	vld.idx.msk [tilespmem:v53+s12+$0x0], $0xffff  }
0x38c: {  	v54 =	vshrl.u32 v59, $0x3;
	s24 =	sadd.s32 $0x8, s24;
	v57 =	vshrl.u32 v51, $0x3;
	s25 =	sadd.s32 $0x6, s23;
	v53 =	vshrl.u32 v60, $0x3;
	v51 =	vld.idx.msk [tilespmem:v58+s12+$0x0], $0xffff  }
0x38d: {  	v58 =	vmov s25;
	v56 =	vshll.u32 v56, v1;
	v55 =	vshrl.u32 v55, $0x3  }
0x38e: {  	v57 =	vshll.u32 v57, v1;
	v54 =	vshll.u32 v54, v1;
	v56 =	vbroadcast v56, $0x0  }
0x38f: {  	v53 =	vshll.u32 v53, v1;
	v44 =	vmul.f32 v44, v43;
	v57 =	vbroadcast v57, $0x0  }
0x390: {  	v58 =	vshrl.u32 v58, $0x3;
	v54 =	vbroadcast v54, $0x0;
	v56 =	vor.u32 v61, v56  }
0x391: {  	[tilespmem:$0x1FBB0] =	vst v7;
	v53 =	vbroadcast v53, $0x0;
	v58 =	vshll.u32 v58, v1;
	v57 =	vor.u32 v62, v57  }
0x392: {  	v50 =	vld.idx.msk [tilespmem:v50+s12+$0x0], $0xffff;
	v55 =	vshll.u32 v55, v1;
	v58 =	vbroadcast v58, $0x0;
	v54 =	vor.u32 v0, v54  }
0x393: {  	s22 =	sadd.s32 $0x680, s22;
	v52 =	vld.idx.msk [tilespmem:v52+s12+$0x0], $0xffff;
	v47 =	vmul.f32 v47, v43;
	v55 =	vbroadcast v55, $0x0;
	v53 =	vor.u32 v2, v53  }
0x394: {  	v45 =	vbroadcast v45, $0x0;
	v46 =	vld.idx.msk [tilespmem:v46+s12+$0x0], $0xffff;
	v48 =	vmul.f32 v48, v43;
	[tilespmem:s22+$0x1A0] =	vst v44;
	v58 =	vor.u32 v4, v58  }
0x395: {  	v49 =	vmul.f32 v49, v43;
	[tilespmem:s22+$0xFFFFFD90] =	vst v47;
	v55 =	vor.u32 v3, v55;
	v56 =	vld.idx.msk [tilespmem:v56+s12+$0x0], $0xffff  }
0x396: {  	v45 =	vor.u32 v63, v45;
	v51 =	vmul.f32 v51, v43;
	[tilespmem:s22+$0xFFFFFE60] =	vst v48;
	v57 =	vld.idx.msk [tilespmem:v57+s12+$0x0], $0xffff  }
0x397: {  	s23 =	sadd.s32 $0x7, s23;
	[tilespmem:s22+$0xFFFFFF30] =	vst v49;
	v50 =	vmul.f32 v50, v43;
	v54 =	vld.idx.msk [tilespmem:v54+s12+$0x0], $0xffff  }
0x398: {  	v59 =	vor.u32 s23, v5;
	v44 =	vmul.f32 v52, v43;
	[tilespmem:s22+$0x0] =	vst v51;
	v53 =	vld.idx.msk [tilespmem:v53+s12+$0x0], $0xffff  }
0x399: {  	v46 =	vmul.f32 v46, v43;
	[tilespmem:s22+$0xD0] =	vst v50;
	v58 =	vld.idx.msk [tilespmem:v58+s12+$0x0], $0xffff  }
0x39a: {  	s26 =	simm.s32 $0x1;
	s24 =	simm.s32 $0x2;
	[tilespmem:s22+$0xFFFFFCC0] =	vst v44;
	v55 =	vld.idx.msk [tilespmem:v55+s12+$0x0], $0xffff;
	v52 =	vmul.f32 v56, v43  }
0x39b: {  	s25 =	simm.s32 $0x0;
	s28 =	simm.s32 $0x3;
	v60 =	vmov s24;
	v63 =	vmov s26;
	v45 =	vld.idx.msk [tilespmem:v45+s12+$0x0], $0xffff;
	[tilespmem:s22+$0x270] =	vst v46;
	s22 =	sadd.s32 $0x680, s22;
	v48 =	vmul.f32 v57, v43  }
0x39c: {  	v62 =	vmov s25;
	v61 =	vmov s28;
	v54 =	vmul.f32 v54, v43;
	[tilespmem:s22+$0xFFFFFD90] =	vst v52  }
0x39d: {  	s29 =	simm.s32 $0x4;
	v61 =	vshrl.u32 v61, $0x3;
	v59 =	vld.idx.msk [tilespmem:v59+s12+$0x0], $0xffff;
	v51 =	vshrl.u32 v62, $0x3;
	v49 =	vmul.f32 v53, v43;
	[tilespmem:s22+$0xFFFFFE60] =	vst v48  }
0x39e: {  	s30 =	simm.s32 $0x5;
	v62 =	vmov s29;
	v50 =	vshrl.u32 v63, $0x3;
	v47 =	vmul.f32 v58, v43;
	[tilespmem:s22+$0xFFFFFF30] =	vst v54  }
0x39f: {  	s31 =	simm.s32 $0x6;
	v63 =	vmov s30;
	v44 =	vshrl.u32 v62, $0x3;
	v53 =	vmul.f32 v55, v43;
	[tilespmem:s22+$0x0] =	vst v49  }
0x3a0: {  	v45 =	vmul.f32 v45, v43;
	v55 =	vshrl.u32 v60, $0x3;
	v60 =	vmov s31;
	[tilespmem:s22+$0x1A0] =	vst v47  }
0x3a1: {  	v50 =	vshll.u32 v50, v1;
	v62 =	vshrl.u32 v60, $0x3;
	v47 =	vshll.u32 v61, v1;
	v61 =	vld [tilespmem:$0x1FDE0];
	[tilespmem:s22+$0xD0] =	vst v53  }
0x3a2: {  	v46 =	vshrl.u32 v63, $0x3;
	v43 =	vmul.f32 v59, v43;
	v63 =	vshll.u32 v62, v1;
	v62 =	vld [tilespmem:$0x1FD90];
	[tilespmem:s22+$0xFFFFFCC0] =	vst v45  }
0x3a3: {  	v44 =	vshll.u32 v44, v1;
	v50 =	vbroadcast v50, $0x0;
	v46 =	vshll.u32 v46, v1;
	v3 =	vld [tilespmem:$0x1FDA0]  }
0x3a4: {  	v51 =	vshll.u32 v51, v1;
	v44 =	vbroadcast v44, $0x0;
	v46 =	vbroadcast v46, $0x0;
	v4 =	vld [tilespmem:$0x1FDB0];
	[tilespmem:s22+$0x270] =	vst v43  }
0x3a5: {  	s25 =	simm.s32 $0x8;
	s28 =	simm.s32 $0x9;
	s29 =	simm.s32 $0xA;
	v56 =	vshll.u32 v55, v1;
	v58 =	vbroadcast v51, $0x0;
	v52 =	vbroadcast v63, $0x0;
	v5 =	vld [tilespmem:$0x1FDC0]  }
0x3a6: {  	s30 =	simm.s32 $0xB;
	v59 =	vmov s25;
	v60 =	vmov s28;
	v54 =	vmov s29;
	v7 =	vld [tilespmem:$0x1FD80]  }
0x3a7: {  	v55 =	vmov s30;
	v48 =	vbroadcast v56, $0x0;
	v57 =	vor.u32 v61, v52  }
0x3a8: {  	s30 =	simm.s32 $0x13;
	v51 =	vshrl.u32 v59, $0x3;
	v54 =	vshrl.u32 v54, $0x3;
	v2 =	vld [tilespmem:$0x1FDD0];
	v50 =	vor.u32 v62, v50  }
0x3a9: {  	s31 =	simm.s32 $0xC;
	v55 =	vshrl.u32 v55, $0x3;
	v59 =	vmov s30;
	v0 =	vld [tilespmem:$0x1FC20];
	v45 =	vor.u32 v3, v48  }
0x3aa: {  	v63 =	vmov s31;
	v47 =	vbroadcast v47, $0x0;
	v44 =	vor.u32 v5, v44  }
0x3ab: {  	v51 =	vshll.u32 v51, v1;
	v54 =	vshll.u32 v54, v1;
	v43 =	vld [tilespmem:s21+$0x6410];
	v48 =	vor.u32 v7, v58  }
0x3ac: {  	s25 =	simm.s32 $0xE;
	v55 =	vshll.u32 v55, v1;
	v53 =	vshrl.u32 v60, $0x3;
	v47 =	vor.u32 v4, v47;
	v49 =	vld.idx.msk [tilespmem:v57+s12+$0x0], $0xffff  }
0x3ad: {  	s24 =	simm.s32 $0xD;
	s26 =	simm.s32 $0x7;
	v56 =	vshrl.u32 v63, $0x3;
	v63 =	vmov s25;
	v46 =	vor.u32 v2, v46;
	v50 =	vld.idx.msk [tilespmem:v50+s12+$0x0], $0xffff  }
0x3ae: {  	v60 =	vmov s24;
	v52 =	vor.u32 s26, v0;
	v58 =	vshrl.u32 v63, $0x3;
	v45 =	vld.idx.msk [tilespmem:v45+s12+$0x0], $0xffff  }
0x3af: {  	v54 =	vbroadcast v54, $0x0;
	v53 =	vshll.u32 v53, v1;
	v58 =	vshll.u32 v58, v1;
	v44 =	vld.idx.msk [tilespmem:v44+s12+$0x0], $0xffff  }
0x3b0: {  	s28 =	simm.s32 $0x11;
	v56 =	vshll.u32 v56, v1;
	v53 =	vbroadcast v53, $0x0;
	v58 =	vbroadcast v58, $0x0;
	v48 =	vld.idx.msk [tilespmem:v48+s12+$0x0], $0xffff  }
0x3b1: {  	v54 =	vor.u32 v3, v54;
	v63 =	vbroadcast v56, $0x0;
	v56 =	vmov s28;
	v47 =	vld.idx.msk [tilespmem:v47+s12+$0x0], $0xffff  }
0x3b2: {  	v57 =	vshrl.u32 v60, $0x3;
	v58 =	vor.u32 v61, v58;
	v46 =	vld.idx.msk [tilespmem:v46+s12+$0x0], $0xffff;
	v49 =	vmul.f32 v49, v43  }
0x3b3: {  	s22 =	simm.s32 $0x16750;
	v60 =	vbroadcast v55, $0x0;
	v57 =	vshll.u32 v57, v1;
	v52 =	vld.idx.msk [tilespmem:v52+s12+$0x0], $0xffff;
	v45 =	vmul.f32 v45, v43  }
0x3b4: {  	v50 =	vmul.f32 v50, v43;
	[tilespmem:s22+$0x1A0] =	vst v49;
	v49 =	vor.u32 v62, v53;
	v44 =	vmul.f32 v44, v43  }
0x3b5: {  	v53 =	vor.u32 v4, v60;
	[tilespmem:s22+$0xFFFFFE60] =	vst v45;
	v45 =	vmul.f32 v48, v43;
	v48 =	vbroadcast v57, $0x0  }
0x3b6: {  	s23 =	simm.s32 $0x10;
	v47 =	vmul.f32 v47, v43;
	v60 =	vbroadcast v51, $0x0;
	v51 =	vor.u32 v5, v63;
	[tilespmem:s22+$0xFFFFFD90] =	vst v50  }
0x3b7: {  	s26 =	simm.s32 $0xF;
	v63 =	vmov s23;
	v55 =	vmul.f32 v46, v43;
	[tilespmem:s22+$0x0] =	vst v44;
	v44 =	vld.idx.msk [tilespmem:v58+s12+$0x0], $0xffff;
	v50 =	vor.u32 v2, v48  }
0x3b8: {  	v46 =	vor.u32 s26, v0;
	s26 =	simm.s32 $0x14;
	[tilespmem:s22+$0xFFFFFF30] =	vst v47;
	v57 =	vmul.f32 v52, v43;
	v52 =	vor.u32 v7, v60;
	v48 =	vld.idx.msk [tilespmem:v54+s12+$0x0], $0xffff  }
0x3b9: {  	s29 =	simm.s32 $0x12;
	s31 =	simm.s32 $0x15;
	v56 =	vshrl.u32 v56, $0x3;
	v60 =	vmov s26;
	[tilespmem:s22+$0xD0] =	vst v55;
	v55 =	vshrl.u32 v63, $0x3;
	v47 =	vld.idx.msk [tilespmem:v49+s12+$0x0], $0xffff  }
0x3ba: {  	v58 =	vmov s29;
	[tilespmem:s22+$0xFFFFFCC0] =	vst v45;
	v45 =	vshll.u32 v55, v1;
	v55 =	vmov s31;
	v49 =	vld.idx.msk [tilespmem:v53+s12+$0x0], $0xffff  }
0x3bb: {  	s25 =	simm.s32 $0x16;
	s24 =	simm.s32 $0x18;
	[tilespmem:s22+$0x270] =	vst v57;
	v57 =	vshrl.u32 v58, $0x3;
	v54 =	vshrl.u32 v59, $0x3;
	v59 =	vmovc v7;
	v53 =	vshrl.u32 v60, $0x3;
	v51 =	vld.idx.msk [tilespmem:v51+s12+$0x0], $0xffff  }
.LBB2_35:
0x3bc: {  	p0 =	slt.u32 s24, $0x38;
	v56 =	vshll.u32 v56, v1;
	v55 =	vshrl.u32 v55, $0x3;
	v58 =	vmov s25;
	v50 =	vld.idx.msk [tilespmem:v50+s12+$0x0], $0xffff  }
0x3bd: {  	v57 =	vshll.u32 v57, v1;
	v44 =	vmul.f32 v44, v43;
	v58 =	vshrl.u32 v58, $0x3;
	v52 =	vld.idx.msk [tilespmem:v52+s12+$0x0], $0xffff  }
0x3be: {  	v54 =	vshll.u32 v54, v1;
	s22 =	sadd.s32 $0x680, s22;
	v47 =	vmul.f32 v47, v43;
	v58 =	vshll.u32 v58, v1;
	v46 =	vld.idx.msk [tilespmem:v46+s12+$0x0], $0xffff  }
0x3bf: {  	v53 =	vshll.u32 v53, v1;
	v48 =	vmul.f32 v48, v43;
	v58 =	vbroadcast v58, $0x0;
	[tilespmem:s22+$0x1A0] =	vst v44  }
0x3c0: {  	v55 =	vshll.u32 v55, v1;
	v44 =	vbroadcast v56, $0x0;
	[tilespmem:s22+$0xFFFFFD90] =	vst v47;
	v47 =	vmul.f32 v49, v43  }
0x3c1: {  	v49 =	vbroadcast v57, $0x0;
	v56 =	vor.u32 v61, v58;
	[tilespmem:s22+$0xFFFFFE60] =	vst v48;
	v48 =	vmul.f32 v51, v43  }
0x3c2: {  	v51 =	vor.u32 v62, v44;
	v44 =	vbroadcast v54, $0x0;
	[tilespmem:s22+$0xFFFFFF30] =	vst v47;
	v47 =	vmul.f32 v50, v43  }
0x3c3: {  	v49 =	vor.u32 v3, v49;
	v50 =	vbroadcast v53, $0x0;
	v52 =	vmul.f32 v52, v43;
	[tilespmem:s22+$0x0] =	vst v48  }
0x3c4: {  	v53 =	vor.u32 v4, v44;
	v44 =	vbroadcast v55, $0x0;
	[tilespmem:s22+$0xD0] =	vst v47;
	v47 =	vmul.f32 v46, v43  }
0x3c5: {  	v45 =	vbroadcast v45, $0x0;
	s25 =	sadd.s32 $0x7, s23;
	s23 =	smov.u32 s24;
	v58 =	vor.u32 v5, v50;
	[tilespmem:s22+$0xFFFFFCC0] =	vst v52  }
.Ltmp16:
0x3c6: {  	s26 =	sadd.s32 $0x1, s24;
	v48 =	vmov s24;
	v46 =	vor.u32 s25, v0;
	v50 =	vor.u32 v2, v44;
	v44 =	vld.idx.msk [tilespmem:v56+s12+$0x0], $0xffff;
	[tilespmem:s22+$0x270] =	vst v47;
	(pc) =	sbr.rel @p0 .LBB2_35-.Ltmp16, $4  }
0x3c7: {  	s28 =	sadd.s32 $0x4, s24;
	v55 =	vmov s26;
	s26 =	sadd.s32 $0x3, s24;
	v54 =	vshrl.u32 v48, $0x3;
	s25 =	sadd.s32 $0x2, s24;
	v52 =	vor.u32 v59, v45;
	v47 =	vld.idx.msk [tilespmem:v51+s12+$0x0], $0xffff  }
0x3c8: {  	v6 =	vmovc v59;
	v60 =	vmov s28;
	v7 =	vmov s26;
	v51 =	vmov s25;
	s25 =	sadd.s32 $0x5, s24;
	v48 =	vld.idx.msk [tilespmem:v49+s12+$0x0], $0xffff  }
0x3c9: {  	v45 =	vshll.u32 v54, v1;
	v56 =	vshrl.u32 v55, $0x3;
	v55 =	vmov s25;
	v49 =	vld.idx.msk [tilespmem:v53+s12+$0x0], $0xffff  }
0x3ca: {  	v54 =	vshrl.u32 v7, $0x3;
	v59 =	vmovc v6;
	s24 =	sadd.s32 $0x8, s24;
	v57 =	vshrl.u32 v51, $0x3;
	s25 =	sadd.s32 $0x6, s23;
	v53 =	vshrl.u32 v60, $0x3;
	v51 =	vld.idx.msk [tilespmem:v58+s12+$0x0], $0xffff  }
0x3cb: {  	v58 =	vmov s25;
	v56 =	vshll.u32 v56, v1;
	v55 =	vshrl.u32 v55, $0x3  }
0x3cc: {  	v57 =	vshll.u32 v57, v1;
	v54 =	vshll.u32 v54, v1;
	v56 =	vbroadcast v56, $0x0  }
0x3cd: {  	v53 =	vshll.u32 v53, v1;
	v44 =	vmul.f32 v44, v43;
	v57 =	vbroadcast v57, $0x0  }
0x3ce: {  	v58 =	vshrl.u32 v58, $0x3;
	v54 =	vbroadcast v54, $0x0;
	v56 =	vor.u32 v62, v56  }
0x3cf: {  	v53 =	vbroadcast v53, $0x0;
	v58 =	vshll.u32 v58, v1;
	v57 =	vor.u32 v3, v57  }
0x3d0: {  	v50 =	vld.idx.msk [tilespmem:v50+s12+$0x0], $0xffff;
	v55 =	vshll.u32 v55, v1;
	v58 =	vbroadcast v58, $0x0;
	v54 =	vor.u32 v4, v54  }
0x3d1: {  	v52 =	vld.idx.msk [tilespmem:v52+s12+$0x0], $0xffff;
	s22 =	sadd.s32 $0x680, s22;
	v47 =	vmul.f32 v47, v43;
	v55 =	vbroadcast v55, $0x0;
	v53 =	vor.u32 v5, v53  }
0x3d2: {  	v46 =	vld.idx.msk [tilespmem:v46+s12+$0x0], $0xffff;
	v45 =	vbroadcast v45, $0x0;
	v48 =	vmul.f32 v48, v43;
	[tilespmem:s22+$0x1A0] =	vst v44;
	v58 =	vor.u32 v61, v58  }
0x3d3: {  	v49 =	vmul.f32 v49, v43;
	[tilespmem:s22+$0xFFFFFD90] =	vst v47;
	v55 =	vor.u32 v2, v55;
	v56 =	vld.idx.msk [tilespmem:v56+s12+$0x0], $0xffff  }
0x3d4: {  	v45 =	vor.u32 v59, v45;
	v51 =	vmul.f32 v51, v43;
	[tilespmem:s22+$0xFFFFFE60] =	vst v48;
	v57 =	vld.idx.msk [tilespmem:v57+s12+$0x0], $0xffff  }
0x3d5: {  	s23 =	sadd.s32 $0x7, s23;
	v50 =	vmul.f32 v50, v43;
	[tilespmem:s22+$0xFFFFFF30] =	vst v49;
	v54 =	vld.idx.msk [tilespmem:v54+s12+$0x0], $0xffff  }
0x3d6: {  	v61 =	vor.u32 s23, v0;
	v44 =	vmul.f32 v52, v43;
	[tilespmem:s22+$0x0] =	vst v51;
	v53 =	vld.idx.msk [tilespmem:v53+s12+$0x0], $0xffff  }
0x3d7: {  	v46 =	vmul.f32 v46, v43;
	[tilespmem:s22+$0xD0] =	vst v50;
	v58 =	vld.idx.msk [tilespmem:v58+s12+$0x0], $0xffff  }
0x3d8: {  	s25 =	simm.s32 $0x0;
	s26 =	simm.s32 $0x1;
	[tilespmem:s22+$0xFFFFFCC0] =	vst v44;
	v55 =	vld.idx.msk [tilespmem:v55+s12+$0x0], $0xffff;
	v52 =	vmul.f32 v56, v43  }
0x3d9: {  	s24 =	simm.s32 $0x2;
	v63 =	vmov s26;
	v62 =	vmov s25;
	v45 =	vld.idx.msk [tilespmem:v45+s12+$0x0], $0xffff;
	[tilespmem:s22+$0x270] =	vst v46;
	s22 =	sadd.s32 $0x680, s22;
	v48 =	vmul.f32 v57, v43  }
0x3da: {  	s29 =	simm.s32 $0x4;
	v60 =	vmov s24;
	v51 =	vshrl.u32 v62, $0x3;
	v54 =	vmul.f32 v54, v43;
	[tilespmem:s22+$0xFFFFFD90] =	vst v52  }
0x3db: {  	s30 =	simm.s32 $0x5;
	v62 =	vmov s29;
	v51 =	vshll.u32 v51, v1;
	v59 =	vld.idx.msk [tilespmem:v61+s12+$0x0], $0xffff;
	v49 =	vmul.f32 v53, v43;
	[tilespmem:s22+$0xFFFFFE60] =	vst v48  }
0x3dc: {  	s31 =	simm.s32 $0x6;
	v50 =	vshrl.u32 v63, $0x3;
	v63 =	vmov s30;
	v47 =	vmul.f32 v58, v43;
	[tilespmem:s22+$0xFFFFFF30] =	vst v54  }
0x3dd: {  	v53 =	vmul.f32 v55, v43;
	v55 =	vshrl.u32 v60, $0x3;
	v60 =	vmov s31;
	[tilespmem:s22+$0x0] =	vst v49  }
0x3de: {  	v44 =	vshrl.u32 v62, $0x3;
	v45 =	vmul.f32 v45, v43;
	v62 =	vshrl.u32 v60, $0x3;
	[tilespmem:s22+$0x1A0] =	vst v47  }
0x3df: {  	v50 =	vshll.u32 v50, v1;
	v46 =	vshrl.u32 v63, $0x3;
	v63 =	vshll.u32 v62, v1;
	v62 =	vld [tilespmem:$0x1FE50];
	[tilespmem:s22+$0xD0] =	vst v53  }
0x3e0: {  	s28 =	simm.s32 $0x3;
	v44 =	vshll.u32 v44, v1;
	v50 =	vbroadcast v50, $0x0;
	v43 =	vmul.f32 v59, v43;
	v3 =	vld [tilespmem:$0x1FE00];
	[tilespmem:s22+$0xFFFFFCC0] =	vst v45  }
0x3e1: {  	v46 =	vshll.u32 v46, v1;
	v44 =	vbroadcast v44, $0x0;
	v61 =	vmov s28;
	v4 =	vld [tilespmem:$0x1FE10]  }
0x3e2: {  	s25 =	simm.s32 $0x8;
	v46 =	vbroadcast v46, $0x0;
	v61 =	vshrl.u32 v61, $0x3;
	v52 =	vbroadcast v63, $0x0;
	v5 =	vld [tilespmem:$0x1FE20];
	[tilespmem:s22+$0x270] =	vst v43  }
0x3e3: {  	v56 =	vshll.u32 v55, v1;
	v58 =	vbroadcast v51, $0x0;
	v59 =	vmov s25;
	v2 =	vld [tilespmem:$0x1FE30]  }
0x3e4: {  	s29 =	simm.s32 $0xA;
	v48 =	vbroadcast v56, $0x0;
	v47 =	vshll.u32 v61, v1;
	v0 =	vld [tilespmem:$0x1FDF0];
	v57 =	vor.u32 v62, v52  }
0x3e5: {  	s30 =	simm.s32 $0xB;
	s31 =	simm.s32 $0xC;
	v54 =	vmov s29;
	v47 =	vbroadcast v47, $0x0;
	v50 =	vor.u32 v3, v50  }
0x3e6: {  	v55 =	vmov s30;
	v60 =	vmov s31;
	v61 =	vld [tilespmem:$0x1FE40];
	v45 =	vor.u32 v4, v48  }
0x3e7: {  	v51 =	vshrl.u32 v59, $0x3;
	v54 =	vshrl.u32 v54, $0x3;
	v63 =	vld [tilespmem:$0x1FC30];
	v47 =	vor.u32 v5, v47  }
0x3e8: {  	s25 =	simm.s32 $0xE;
	v55 =	vshrl.u32 v55, $0x3;
	v56 =	vshrl.u32 v60, $0x3;
	v43 =	vld [tilespmem:s21+$0x6420];
	v44 =	vor.u32 v2, v44  }
0x3e9: {  	v60 =	vmov s25;
	v51 =	vshll.u32 v51, v1;
	v48 =	vor.u32 v0, v58;
	v49 =	vld.idx.msk [tilespmem:v57+s12+$0x0], $0xffff  }
0x3ea: {  	s28 =	simm.s32 $0x9;
	v54 =	vshll.u32 v54, v1;
	v55 =	vshll.u32 v55, v1;
	v56 =	vshll.u32 v56, v1;
	v50 =	vld.idx.msk [tilespmem:v50+s12+$0x0], $0xffff  }
0x3eb: {  	s26 =	simm.s32 $0x7;
	v53 =	vmov s28;
	v54 =	vbroadcast v54, $0x0;
	v46 =	vor.u32 v61, v46;
	v45 =	vld.idx.msk [tilespmem:v45+s12+$0x0], $0xffff  }
0x3ec: {  	v53 =	vshrl.u32 v53, $0x3;
	v52 =	vor.u32 s26, v63;
	v58 =	vshrl.u32 v60, $0x3;
	v47 =	vld.idx.msk [tilespmem:v47+s12+$0x0], $0xffff  }
0x3ed: {  	v59 =	vbroadcast v55, $0x0;
	v53 =	vshll.u32 v53, v1;
	v58 =	vshll.u32 v58, v1;
	v44 =	vld.idx.msk [tilespmem:v44+s12+$0x0], $0xffff  }
0x3ee: {  	s24 =	simm.s32 $0xD;
	v53 =	vbroadcast v53, $0x0;
	v54 =	vor.u32 v4, v54;
	v58 =	vbroadcast v58, $0x0;
	v48 =	vld.idx.msk [tilespmem:v48+s12+$0x0], $0xffff  }
0x3ef: {  	v60 =	vbroadcast v56, $0x0;
	v57 =	vmov s24;
	v49 =	vmul.f32 v49, v43  }
0x3f0: {  	s28 =	simm.s32 $0x11;
	s22 =	simm.s32 $0x16760;
	v57 =	vshrl.u32 v57, $0x3;
	v58 =	vor.u32 v62, v58;
	v46 =	vld.idx.msk [tilespmem:v46+s12+$0x0], $0xffff;
	v50 =	vmul.f32 v50, v43  }
0x3f1: {  	v56 =	vmov s28;
	v57 =	vshll.u32 v57, v1;
	v52 =	vld.idx.msk [tilespmem:v52+s12+$0x0], $0xffff;
	v45 =	vmul.f32 v45, v43;
	[tilespmem:s22+$0x1A0] =	vst v49  }
0x3f2: {  	v47 =	vmul.f32 v47, v43;
	v49 =	vor.u32 v3, v53;
	v44 =	vmul.f32 v44, v43;
	[tilespmem:s22+$0xFFFFFD90] =	vst v50  }
0x3f3: {  	v53 =	vor.u32 v5, v59;
	[tilespmem:s22+$0xFFFFFE60] =	vst v45;
	v45 =	vmul.f32 v48, v43;
	v48 =	vbroadcast v57, $0x0  }
0x3f4: {  	s30 =	simm.s32 $0x13;
	v56 =	vshrl.u32 v56, $0x3;
	[tilespmem:s22+$0xFFFFFF30] =	vst v47;
	v47 =	vbroadcast v51, $0x0;
	v51 =	vor.u32 v2, v60  }
0x3f5: {  	s23 =	simm.s32 $0x10;
	v59 =	vmov s30;
	v55 =	vmul.f32 v46, v43;
	[tilespmem:s22+$0x0] =	vst v44;
	v44 =	vld.idx.msk [tilespmem:v58+s12+$0x0], $0xffff;
	v50 =	vor.u32 v61, v48  }
0x3f6: {  	s29 =	simm.s32 $0x12;
	s26 =	simm.s32 $0xF;
	v57 =	vmul.f32 v52, v43;
	v60 =	vmov s23;
	v52 =	vor.u32 v0, v47;
	v48 =	vld.idx.msk [tilespmem:v54+s12+$0x0], $0xffff  }
0x3f7: {  	s31 =	simm.s32 $0x15;
	v46 =	vor.u32 s26, v63;
	s26 =	simm.s32 $0x14;
	[tilespmem:s22+$0xD0] =	vst v55;
	v55 =	vshrl.u32 v60, $0x3;
	v58 =	vmov s29;
	v47 =	vld.idx.msk [tilespmem:v49+s12+$0x0], $0xffff  }
0x3f8: {  	v60 =	vmov s26;
	[tilespmem:s22+$0xFFFFFCC0] =	vst v45;
	v45 =	vshll.u32 v55, v1;
	v55 =	vmov s31;
	v49 =	vld.idx.msk [tilespmem:v53+s12+$0x0], $0xffff  }
0x3f9: {  	s25 =	simm.s32 $0x16;
	s24 =	simm.s32 $0x18;
	[tilespmem:s22+$0x270] =	vst v57;
	v57 =	vshrl.u32 v58, $0x3;
	v54 =	vshrl.u32 v59, $0x3;
	v53 =	vshrl.u32 v60, $0x3;
	v51 =	vld.idx.msk [tilespmem:v51+s12+$0x0], $0xffff  }
.LBB2_37:
0x3fa: {  	p0 =	slt.u32 s24, $0x38;
	v56 =	vshll.u32 v56, v1;
	v55 =	vshrl.u32 v55, $0x3;
	v58 =	vmov s25;
	v50 =	vld.idx.msk [tilespmem:v50+s12+$0x0], $0xffff  }
0x3fb: {  	v57 =	vshll.u32 v57, v1;
	v44 =	vmul.f32 v44, v43;
	v58 =	vshrl.u32 v58, $0x3;
	v52 =	vld.idx.msk [tilespmem:v52+s12+$0x0], $0xffff  }
0x3fc: {  	v54 =	vshll.u32 v54, v1;
	s22 =	sadd.s32 $0x680, s22;
	v47 =	vmul.f32 v47, v43;
	v58 =	vshll.u32 v58, v1;
	v46 =	vld.idx.msk [tilespmem:v46+s12+$0x0], $0xffff  }
0x3fd: {  	v53 =	vshll.u32 v53, v1;
	v48 =	vmul.f32 v48, v43;
	v58 =	vbroadcast v58, $0x0;
	[tilespmem:s22+$0x1A0] =	vst v44  }
0x3fe: {  	v55 =	vshll.u32 v55, v1;
	v44 =	vbroadcast v56, $0x0;
	[tilespmem:s22+$0xFFFFFD90] =	vst v47;
	v47 =	vmul.f32 v49, v43  }
0x3ff: {  	v49 =	vbroadcast v57, $0x0;
	v56 =	vor.u32 v62, v58;
	[tilespmem:s22+$0xFFFFFE60] =	vst v48;
	v48 =	vmul.f32 v51, v43  }
0x400: {  	v51 =	vor.u32 v3, v44;
	v44 =	vbroadcast v54, $0x0;
	[tilespmem:s22+$0xFFFFFF30] =	vst v47;
	v47 =	vmul.f32 v50, v43  }
0x401: {  	v49 =	vor.u32 v4, v49;
	v50 =	vbroadcast v53, $0x0;
	v52 =	vmul.f32 v52, v43;
	[tilespmem:s22+$0x0] =	vst v48  }
0x402: {  	v53 =	vor.u32 v5, v44;
	v44 =	vbroadcast v55, $0x0;
	[tilespmem:s22+$0xD0] =	vst v47;
	v47 =	vmul.f32 v46, v43  }
0x403: {  	v45 =	vbroadcast v45, $0x0;
	s25 =	sadd.s32 $0x7, s23;
	s23 =	smov.u32 s24;
	v58 =	vor.u32 v2, v50;
	[tilespmem:s22+$0xFFFFFCC0] =	vst v52  }
.Ltmp17:
0x404: {  	s26 =	sadd.s32 $0x1, s24;
	v48 =	vmov s24;
	v46 =	vor.u32 s25, v63;
	v50 =	vor.u32 v61, v44;
	v44 =	vld.idx.msk [tilespmem:v56+s12+$0x0], $0xffff;
	[tilespmem:s22+$0x270] =	vst v47;
	(pc) =	sbr.rel @p0 .LBB2_37-.Ltmp17, $4  }
0x405: {  	s28 =	sadd.s32 $0x4, s24;
	v55 =	vmov s26;
	s26 =	sadd.s32 $0x3, s24;
	v54 =	vshrl.u32 v48, $0x3;
	s25 =	sadd.s32 $0x2, s24;
	v52 =	vor.u32 v0, v45;
	v47 =	vld.idx.msk [tilespmem:v51+s12+$0x0], $0xffff  }
0x406: {  	v60 =	vmov s28;
	v59 =	vmov s26;
	v51 =	vmov s25;
	s25 =	sadd.s32 $0x5, s24;
	v48 =	vld.idx.msk [tilespmem:v49+s12+$0x0], $0xffff  }
0x407: {  	v45 =	vshll.u32 v54, v1;
	v56 =	vshrl.u32 v55, $0x3;
	v55 =	vmov s25;
	v49 =	vld.idx.msk [tilespmem:v53+s12+$0x0], $0xffff  }
0x408: {  	v54 =	vshrl.u32 v59, $0x3;
	s24 =	sadd.s32 $0x8, s24;
	v57 =	vshrl.u32 v51, $0x3;
	s25 =	sadd.s32 $0x6, s23;
	v53 =	vshrl.u32 v60, $0x3;
	v51 =	vld.idx.msk [tilespmem:v58+s12+$0x0], $0xffff  }
0x409: {  	v58 =	vmov s25;
	v56 =	vshll.u32 v56, v1  }
0x40a: {  	v55 =	vshrl.u32 v55, $0x3;
	v57 =	vshll.u32 v57, v1;
	v56 =	vbroadcast v56, $0x0  }
0x40b: {  	v54 =	vshll.u32 v54, v1;
	v53 =	vshll.u32 v53, v1;
	v57 =	vbroadcast v57, $0x0  }
0x40c: {  	v58 =	vshrl.u32 v58, $0x3;
	v54 =	vbroadcast v54, $0x0;
	v56 =	vor.u32 v3, v56  }
0x40d: {  	v55 =	vshll.u32 v55, v1;
	v53 =	vbroadcast v53, $0x0;
	v57 =	vor.u32 v4, v57  }
0x40e: {  	v50 =	vld.idx.msk [tilespmem:v50+s12+$0x0], $0xffff;
	v58 =	vshll.u32 v58, v1;
	v55 =	vbroadcast v55, $0x0;
	v54 =	vor.u32 v5, v54  }
0x40f: {  	v52 =	vld.idx.msk [tilespmem:v52+s12+$0x0], $0xffff;
	v44 =	vmul.f32 v44, v43;
	v58 =	vbroadcast v58, $0x0;
	v53 =	vor.u32 v2, v53  }
0x410: {  	v46 =	vld.idx.msk [tilespmem:v46+s12+$0x0], $0xffff;
	s22 =	sadd.s32 $0x680, s22;
	v47 =	vmul.f32 v47, v43;
	v55 =	vor.u32 v61, v55  }
0x411: {  	v45 =	vbroadcast v45, $0x0;
	v48 =	vmul.f32 v48, v43;
	[tilespmem:s22+$0x1A0] =	vst v44;
	v58 =	vor.u32 v62, v58;
	v56 =	vld.idx.msk [tilespmem:v56+s12+$0x0], $0xffff  }
0x412: {  	v49 =	vmul.f32 v49, v43;
	[tilespmem:s22+$0xFFFFFD90] =	vst v47;
	v57 =	vld.idx.msk [tilespmem:v57+s12+$0x0], $0xffff  }
0x413: {  	v45 =	vor.u32 v0, v45;
	v51 =	vmul.f32 v51, v43;
	[tilespmem:s22+$0xFFFFFE60] =	vst v48;
	v54 =	vld.idx.msk [tilespmem:v54+s12+$0x0], $0xffff  }
0x414: {  	s23 =	sadd.s32 $0x7, s23;
	v50 =	vmul.f32 v50, v43;
	[tilespmem:s22+$0xFFFFFF30] =	vst v49;
	v53 =	vld.idx.msk [tilespmem:v53+s12+$0x0], $0xffff  }
0x415: {  	v59 =	vor.u32 s23, v63;
	v44 =	vmul.f32 v52, v43;
	[tilespmem:s22+$0x0] =	vst v51;
	v55 =	vld.idx.msk [tilespmem:v55+s12+$0x0], $0xffff  }
0x416: {  	s25 =	simm.s32 $0x0;
	s28 =	simm.s32 $0x3;
	v46 =	vmul.f32 v46, v43;
	[tilespmem:s22+$0xD0] =	vst v50;
	v58 =	vld.idx.msk [tilespmem:v58+s12+$0x0], $0xffff  }
0x417: {  	s26 =	simm.s32 $0x1;
	s24 =	simm.s32 $0x2;
	v60 =	vmov s25;
	v63 =	vmov s28;
	[tilespmem:s22+$0xFFFFFCC0] =	vst v44;
	v52 =	vmul.f32 v56, v43  }
0x418: {  	s29 =	simm.s32 $0x4;
	v61 =	vmov s26;
	v62 =	vmov s24;
	v45 =	vld.idx.msk [tilespmem:v45+s12+$0x0], $0xffff;
	[tilespmem:s22+$0x270] =	vst v46;
	s22 =	sadd.s32 $0x680, s22;
	v48 =	vmul.f32 v57, v43  }
0x419: {  	v51 =	vshrl.u32 v60, $0x3;
	v60 =	vmov s29;
	v54 =	vmul.f32 v54, v43;
	[tilespmem:s22+$0xFFFFFD90] =	vst v52  }
0x41a: {  	s31 =	simm.s32 $0x6;
	v59 =	vld.idx.msk [tilespmem:v59+s12+$0x0], $0xffff;
	v50 =	vshrl.u32 v61, $0x3;
	v49 =	vmul.f32 v53, v43;
	v53 =	vmul.f32 v55, v43;
	[tilespmem:s22+$0xFFFFFE60] =	vst v48  }
0x41b: {  	s30 =	simm.s32 $0x5;
	v55 =	vshrl.u32 v62, $0x3;
	v62 =	vmov s31;
	v47 =	vmul.f32 v58, v43;
	[tilespmem:s22+$0xFFFFFF30] =	vst v54  }
0x41c: {  	v61 =	vmov s30;
	v44 =	vshrl.u32 v60, $0x3;
	v60 =	vshrl.u32 v62, $0x3;
	[tilespmem:s22+$0x0] =	vst v49  }
0x41d: {  	v46 =	vshrl.u32 v61, $0x3;
	v45 =	vmul.f32 v45, v43;
	v61 =	vshll.u32 v60, v1;
	[tilespmem:s22+$0x1A0] =	vst v47  }
0x41e: {  	v63 =	vshrl.u32 v63, $0x3;
	v52 =	vbroadcast v61, $0x0;
	v61 =	vld [tilespmem:$0x1FEA0];
	[tilespmem:s22+$0xD0] =	vst v53  }
0x41f: {  	v51 =	vshll.u32 v51, v1;
	v50 =	vshll.u32 v50, v1;
	v43 =	vmul.f32 v59, v43;
	v59 =	vld [tilespmem:$0x1FC50];
	[tilespmem:s22+$0xFFFFFCC0] =	vst v45  }
0x420: {  	v44 =	vshll.u32 v44, v1;
	v50 =	vbroadcast v50, $0x0;
	v46 =	vshll.u32 v46, v1;
	v3 =	vld [tilespmem:$0x1FE60]  }
0x421: {  	s25 =	simm.s32 $0x8;
	v44 =	vbroadcast v44, $0x0;
	v46 =	vbroadcast v46, $0x0;
	v62 =	vshll.u32 v55, v1;
	v4 =	vld [tilespmem:$0x1FE70];
	[tilespmem:s22+$0x270] =	vst v43  }
0x422: {  	v58 =	vbroadcast v51, $0x0;
	v48 =	vbroadcast v62, $0x0;
	v62 =	vmov s25;
	v5 =	vld [tilespmem:$0x1FE80]  }
0x423: {  	s29 =	simm.s32 $0xA;
	v47 =	vshll.u32 v63, v1;
	v51 =	vshrl.u32 v62, $0x3;
	v62 =	vld [tilespmem:$0x1FC40];
	v63 =	vor.u32 v61, v52  }
0x424: {  	s24 =	simm.s32 $0xD;
	s30 =	simm.s32 $0xB;
	v54 =	vmov s29;
	v47 =	vbroadcast v47, $0x0;
	v2 =	vld [tilespmem:$0x1FE90];
	v50 =	vor.u32 v59, v50  }
0x425: {  	v55 =	vmov s30;
	v60 =	vmov s24;
	v0 =	vld [tilespmem:$0x1FEB0];
	v45 =	vor.u32 v3, v48  }
0x426: {  	v54 =	vshrl.u32 v54, $0x3;
	v55 =	vshrl.u32 v55, $0x3;
	v47 =	vor.u32 v4, v47  }
0x427: {  	s31 =	simm.s32 $0xC;
	v57 =	vshrl.u32 v60, $0x3;
	v54 =	vshll.u32 v54, v1;
	v43 =	vld [tilespmem:s21+$0x6430];
	v44 =	vor.u32 v5, v44  }
0x428: {  	s25 =	simm.s32 $0xE;
	v55 =	vshll.u32 v55, v1;
	v48 =	vor.u32 v62, v58;
	v49 =	vld.idx.msk [tilespmem:v63+s12+$0x0], $0xffff;
	v63 =	vmov s31  }
0x429: {  	s28 =	simm.s32 $0x9;
	s26 =	simm.s32 $0x7;
	v46 =	vor.u32 v2, v46;
	v50 =	vld.idx.msk [tilespmem:v50+s12+$0x0], $0xffff;
	v56 =	vshrl.u32 v63, $0x3;
	v63 =	vmov s25  }
0x42a: {  	v53 =	vmov s28;
	v52 =	vor.u32 s26, v0;
	v45 =	vld.idx.msk [tilespmem:v45+s12+$0x0], $0xffff;
	v58 =	vshrl.u32 v63, $0x3  }
0x42b: {  	v51 =	vshll.u32 v51, v1;
	v53 =	vshrl.u32 v53, $0x3;
	v47 =	vld.idx.msk [tilespmem:v47+s12+$0x0], $0xffff;
	v58 =	vshll.u32 v58, v1  }
0x42c: {  	v54 =	vbroadcast v54, $0x0;
	v53 =	vshll.u32 v53, v1;
	v44 =	vld.idx.msk [tilespmem:v44+s12+$0x0], $0xffff;
	v58 =	vbroadcast v58, $0x0  }
0x42d: {  	v57 =	vshll.u32 v57, v1;
	v60 =	vbroadcast v55, $0x0;
	v53 =	vbroadcast v53, $0x0;
	v48 =	vld.idx.msk [tilespmem:v48+s12+$0x0], $0xffff  }
0x42e: {  	v56 =	vshll.u32 v56, v1;
	v46 =	vld.idx.msk [tilespmem:v46+s12+$0x0], $0xffff;
	v49 =	vmul.f32 v49, v43;
	v58 =	vor.u32 v61, v58  }
0x42f: {  	s22 =	simm.s32 $0x16770;
	v54 =	vor.u32 v3, v54;
	v52 =	vld.idx.msk [tilespmem:v52+s12+$0x0], $0xffff;
	v63 =	vbroadcast v56, $0x0;
	v50 =	vmul.f32 v50, v43  }
0x430: {  	v45 =	vmul.f32 v45, v43;
	v47 =	vmul.f32 v47, v43;
	[tilespmem:s22+$0x1A0] =	vst v49;
	v49 =	vor.u32 v59, v53  }
0x431: {  	v53 =	vor.u32 v4, v60;
	v60 =	vbroadcast v51, $0x0;
	v44 =	vmul.f32 v44, v43;
	[tilespmem:s22+$0xFFFFFD90] =	vst v50  }
0x432: {  	s28 =	simm.s32 $0x11;
	v51 =	vor.u32 v5, v63;
	[tilespmem:s22+$0xFFFFFE60] =	vst v45;
	v45 =	vmul.f32 v48, v43;
	v48 =	vbroadcast v57, $0x0  }
0x433: {  	s23 =	simm.s32 $0x10;
	v56 =	vmov s28;
	v55 =	vmul.f32 v46, v43;
	[tilespmem:s22+$0x0] =	vst v44;
	v44 =	vld.idx.msk [tilespmem:v58+s12+$0x0], $0xffff  }
0x434: {  	s30 =	simm.s32 $0x13;
	s26 =	simm.s32 $0xF;
	v56 =	vshrl.u32 v56, $0x3;
	v63 =	vmov s23;
	[tilespmem:s22+$0xFFFFFF30] =	vst v47;
	v50 =	vor.u32 v2, v48;
	v48 =	vld.idx.msk [tilespmem:v54+s12+$0x0], $0xffff  }
0x435: {  	v59 =	vmov s30;
	v46 =	vor.u32 s26, v0;
	s26 =	simm.s32 $0x14;
	v57 =	vmul.f32 v52, v43;
	[tilespmem:s22+$0xD0] =	vst v55;
	v47 =	vld.idx.msk [tilespmem:v49+s12+$0x0], $0xffff  }
0x436: {  	s29 =	simm.s32 $0x12;
	s31 =	simm.s32 $0x15;
	v52 =	vor.u32 v62, v60;
	v60 =	vmov s26;
	v55 =	vshrl.u32 v63, $0x3;
	[tilespmem:s22+$0xFFFFFCC0] =	vst v45;
	v49 =	vld.idx.msk [tilespmem:v53+s12+$0x0], $0xffff  }
0x437: {  	v58 =	vmov s29;
	v45 =	vshll.u32 v55, v1;
	v55 =	vmov s31;
	[tilespmem:s22+$0x270] =	vst v57;
	v51 =	vld.idx.msk [tilespmem:v51+s12+$0x0], $0xffff  }
0x438: {  	s24 =	simm.s32 $0x18;
	s25 =	simm.s32 $0x16;
	v54 =	vshrl.u32 v59, $0x3;
	v57 =	vshrl.u32 v58, $0x3;
	v53 =	vshrl.u32 v60, $0x3;
	v59 =	vld [tilespmem:$0x1FC50]  }
.LBB2_39:
0x439: {  	v56 =	vshll.u32 v56, v1;
	v58 =	vmov s25  }
0x43a: {  	v55 =	vshrl.u32 v55, $0x3;
	v57 =	vshll.u32 v57, v1;
	v58 =	vshrl.u32 v58, $0x3  }
0x43b: {  	v45 =	vbroadcast v45, $0x0;
	v63 =	vbroadcast v57, $0x0;
	v58 =	vshll.u32 v58, v1  }
0x43c: {  	v52 =	vld.idx.msk [tilespmem:v52+s12+$0x0], $0xffff;
	v53 =	vshll.u32 v53, v1;
	v58 =	vbroadcast v58, $0x0;
	v44 =	vmul.f32 v44, v43  }
0x43d: {  	v50 =	vld.idx.msk [tilespmem:v50+s12+$0x0], $0xffff;
	s22 =	sadd.s32 $0x680, s22;
	v47 =	vmul.f32 v47, v43;
	v60 =	vmul.f32 v49, v43;
	v49 =	vor.u32 v3, v63  }
0x43e: {  	v48 =	vmul.f32 v48, v43;
	[tilespmem:s22+$0x1A0] =	vst v44;
	v44 =	vbroadcast v56, $0x0;
	v56 =	vor.u32 v61, v58  }
0x43f: {  	v54 =	vshll.u32 v54, v1;
	v46 =	vld.idx.msk [tilespmem:v46+s12+$0x0], $0xffff;
	v63 =	vbroadcast v53, $0x0;
	[tilespmem:s22+$0xFFFFFD90] =	vst v47;
	v58 =	vmul.f32 v51, v43  }
0x440: {  	v55 =	vshll.u32 v55, v1;
	[tilespmem:s22+$0xFFFFFE60] =	vst v48;
	v51 =	vor.u32 v59, v44;
	v59 =	vbroadcast v54, $0x0  }
0x441: {  	v55 =	vbroadcast v55, $0x0;
	v52 =	vmul.f32 v52, v43;
	[tilespmem:s22+$0x0] =	vst v58;
	v58 =	vor.u32 v5, v63  }
0x442: {  	p0 =	slt.u32 s24, $0x38;
	s30 =	sadd.s32 $0x3, s24;
	[tilespmem:s22+$0xFFFFFF30] =	vst v60;
	v60 =	vmul.f32 v50, v43;
	v63 =	vmov s24;
	v48 =	vld.idx.msk [tilespmem:v49+s12+$0x0], $0xffff;
	v53 =	vor.u32 v4, v59  }
.Ltmp18:
0x443: {  	[tilespmem:s22+$0xFFFFFCC0] =	vst v52;
	v52 =	vor.u32 v62, v45;
	v54 =	vshrl.u32 v63, $0x3;
	v59 =	vmov s30;
	v44 =	vld.idx.msk [tilespmem:v56+s12+$0x0], $0xffff;
	(pc) =	sbr.rel @p0 .LBB2_39-.Ltmp18, $4  }
0x444: {  	s28 =	sadd.s32 $0x7, s23;
	s29 =	sadd.s32 $0x2, s24;
	[tilespmem:s22+$0xD0] =	vst v60;
	v60 =	vmul.f32 v46, v43;
	v45 =	vshll.u32 v54, v1;
	v54 =	vshrl.u32 v59, $0x3;
	v59 =	vld [tilespmem:$0x1FC50]  }
0x445: {  	s26 =	sadd.s32 $0x1, s24;
	v50 =	vor.u32 v2, v55;
	v46 =	vor.u32 s28, v0;
	s28 =	sadd.s32 $0x4, s24;
	v47 =	vld.idx.msk [tilespmem:v51+s12+$0x0], $0xffff;
	v51 =	vmov s29  }
0x446: {  	s23 =	smov.u32 s24;
	s31 =	sadd.s32 $0x5, s24;
	v55 =	vmov s26;
	[tilespmem:s22+$0x270] =	vst v60;
	v60 =	vmov s28;
	v57 =	vshrl.u32 v51, $0x3;
	v51 =	vld.idx.msk [tilespmem:v58+s12+$0x0], $0xffff  }
0x447: {  	s25 =	sadd.s32 $0x6, s23;
	s24 =	sadd.s32 $0x8, s24;
	v56 =	vshrl.u32 v55, $0x3;
	v55 =	vmov s31;
	v49 =	vld.idx.msk [tilespmem:v53+s12+$0x0], $0xffff;
	v53 =	vshrl.u32 v60, $0x3  }
0x448: {  	v58 =	vmov s25;
	v56 =	vshll.u32 v56, v1;
	v55 =	vshrl.u32 v55, $0x3  }
0x449: {  	v57 =	vshll.u32 v57, v1;
	v54 =	vshll.u32 v54, v1;
	v56 =	vbroadcast v56, $0x0  }
0x44a: {  	v53 =	vshll.u32 v53, v1;
	v44 =	vmul.f32 v44, v43;
	v57 =	vbroadcast v57, $0x0  }
0x44b: {  	v58 =	vshrl.u32 v58, $0x3;
	v54 =	vbroadcast v54, $0x0;
	v56 =	vor.u32 v59, v56  }
0x44c: {  	v53 =	vbroadcast v53, $0x0;
	v58 =	vshll.u32 v58, v1;
	v57 =	vor.u32 v3, v57  }
0x44d: {  	v50 =	vld.idx.msk [tilespmem:v50+s12+$0x0], $0xffff;
	v55 =	vshll.u32 v55, v1;
	v58 =	vbroadcast v58, $0x0;
	v54 =	vor.u32 v4, v54  }
0x44e: {  	v52 =	vld.idx.msk [tilespmem:v52+s12+$0x0], $0xffff;
	v48 =	vmul.f32 v48, v43;
	s22 =	sadd.s32 $0x680, s22;
	v55 =	vbroadcast v55, $0x0;
	v53 =	vor.u32 v5, v53  }
0x44f: {  	v46 =	vld.idx.msk [tilespmem:v46+s12+$0x0], $0xffff;
	v45 =	vbroadcast v45, $0x0;
	v47 =	vmul.f32 v47, v43;
	[tilespmem:s22+$0x1A0] =	vst v44;
	v58 =	vor.u32 v61, v58  }
0x450: {  	[tilespmem:s22+$0xFFFFFE60] =	vst v48;
	v51 =	vmul.f32 v51, v43;
	v55 =	vor.u32 v2, v55;
	v56 =	vld.idx.msk [tilespmem:v56+s12+$0x0], $0xffff  }
0x451: {  	v45 =	vor.u32 v62, v45;
	v49 =	vmul.f32 v49, v43;
	[tilespmem:s22+$0xFFFFFD90] =	vst v47;
	v57 =	vld.idx.msk [tilespmem:v57+s12+$0x0], $0xffff  }
0x452: {  	v50 =	vmul.f32 v50, v43;
	[tilespmem:s22+$0x0] =	vst v51;
	v54 =	vld.idx.msk [tilespmem:v54+s12+$0x0], $0xffff  }
0x453: {  	s23 =	sadd.s32 $0x7, s23;
	v63 =	vmul.f32 v52, v43;
	[tilespmem:s22+$0xFFFFFF30] =	vst v49;
	v53 =	vld.idx.msk [tilespmem:v53+s12+$0x0], $0xffff  }
0x454: {  	v62 =	vor.u32 s23, v0;
	v46 =	vmul.f32 v46, v43;
	[tilespmem:s22+$0xD0] =	vst v50;
	v58 =	vld.idx.msk [tilespmem:v58+s12+$0x0], $0xffff  }
0x455: {  	[tilespmem:s22+$0xFFFFFCC0] =	vst v63;
	v55 =	vld.idx.msk [tilespmem:v55+s12+$0x0], $0xffff;
	v52 =	vmul.f32 v56, v43  }
0x456: {  	v45 =	vld.idx.msk [tilespmem:v45+s12+$0x0], $0xffff;
	[tilespmem:s22+$0x270] =	vst v46;
	s22 =	sadd.s32 $0x680, s22;
	v48 =	vmul.f32 v57, v43  }
0x457: {  	s26 =	simm.s32 $0x1;
	v54 =	vmul.f32 v54, v43;
	[tilespmem:s22+$0xFFFFFD90] =	vst v52  }
0x458: {  	s24 =	simm.s32 $0x2;
	s28 =	simm.s32 $0x3;
	v60 =	vmov s26;
	v49 =	vmul.f32 v53, v43;
	[tilespmem:s22+$0xFFFFFE60] =	vst v48  }
0x459: {  	s29 =	simm.s32 $0x4;
	v61 =	vmov s24;
	v59 =	vld.idx.msk [tilespmem:v62+s12+$0x0], $0xffff;
	v62 =	vmov s28;
	v47 =	vmul.f32 v58, v43;
	[tilespmem:s22+$0xFFFFFF30] =	vst v54  }
0x45a: {  	s30 =	simm.s32 $0x5;
	v63 =	vmov s29;
	v50 =	vshrl.u32 v60, $0x3;
	v53 =	vmul.f32 v55, v43;
	[tilespmem:s22+$0x0] =	vst v49  }
0x45b: {  	v60 =	vmov s30;
	v62 =	vshrl.u32 v62, $0x3;
	v45 =	vmul.f32 v45, v43;
	[tilespmem:s22+$0x1A0] =	vst v47  }
0x45c: {  	s31 =	simm.s32 $0x6;
	v44 =	vshrl.u32 v63, $0x3;
	v50 =	vshll.u32 v50, v1;
	v47 =	vshll.u32 v62, v1;
	v62 =	vld [tilespmem:$0x1FF10];
	[tilespmem:s22+$0xD0] =	vst v53  }
0x45d: {  	v46 =	vshrl.u32 v60, $0x3;
	v55 =	vshrl.u32 v61, $0x3;
	v61 =	vmov s31;
	v3 =	vld [tilespmem:$0x1FEC0];
	[tilespmem:s22+$0xFFFFFCC0] =	vst v45  }
0x45e: {  	v44 =	vshll.u32 v44, v1;
	v50 =	vbroadcast v50, $0x0;
	v63 =	vshrl.u32 v61, $0x3;
	v4 =	vld [tilespmem:$0x1FED0]  }
0x45f: {  	s25 =	simm.s32 $0x0;
	v46 =	vshll.u32 v46, v1;
	v43 =	vmul.f32 v59, v43;
	v56 =	vshll.u32 v63, v1  }
0x460: {  	v58 =	vmov s25;
	v57 =	vshll.u32 v55, v1;
	s25 =	simm.s32 $0x8;
	v52 =	vbroadcast v56, $0x0;
	v5 =	vld [tilespmem:$0x1FEE0]  }
0x461: {  	v51 =	vshrl.u32 v58, $0x3;
	v48 =	vbroadcast v57, $0x0;
	v59 =	vmov s25;
	[tilespmem:s22+$0x270] =	vst v43  }
0x462: {  	v51 =	vshll.u32 v51, v1;
	v47 =	vbroadcast v47, $0x0;
	v2 =	vld [tilespmem:$0x1FEF0];
	v58 =	vor.u32 v62, v52  }
0x463: {  	v45 =	vor.u32 v4, v48;
	v48 =	vbroadcast v51, $0x0;
	v51 =	vshrl.u32 v59, $0x3;
	v59 =	vld [tilespmem:$0x1FC60]  }
0x464: {  	s29 =	simm.s32 $0xA;
	s30 =	simm.s32 $0xB;
	v44 =	vbroadcast v44, $0x0;
	v46 =	vbroadcast v46, $0x0;
	v61 =	vld [tilespmem:$0x1FF00];
	v50 =	vor.u32 v3, v50  }
0x465: {  	s24 =	simm.s32 $0xD;
	s31 =	simm.s32 $0xC;
	v54 =	vmov s29;
	v55 =	vmov s30;
	v63 =	vld [tilespmem:$0x1FF20];
	v47 =	vor.u32 v5, v47  }
0x466: {  	v60 =	vmov s31;
	v57 =	vmov s24;
	v54 =	vshrl.u32 v54, $0x3  }
0x467: {  	v55 =	vshrl.u32 v55, $0x3;
	s25 =	simm.s32 $0xE;
	v56 =	vshrl.u32 v60, $0x3;
	v43 =	vld [tilespmem:s21+$0x6440];
	v44 =	vor.u32 v2, v44  }
0x468: {  	v60 =	vmov s25;
	v57 =	vshrl.u32 v57, $0x3;
	v49 =	vld.idx.msk [tilespmem:v58+s12+$0x0], $0xffff;
	v48 =	vor.u32 v59, v48  }
0x469: {  	s26 =	simm.s32 $0x7;
	s28 =	simm.s32 $0x9;
	v54 =	vshll.u32 v54, v1;
	v55 =	vshll.u32 v55, v1;
	v46 =	vor.u32 v61, v46;
	v50 =	vld.idx.msk [tilespmem:v50+s12+$0x0], $0xffff  }
0x46a: {  	v53 =	vmov s28;
	v52 =	vor.u32 s26, v63;
	v58 =	vshrl.u32 v60, $0x3;
	v47 =	vld.idx.msk [tilespmem:v47+s12+$0x0], $0xffff  }
0x46b: {  	v56 =	vshll.u32 v56, v1;
	v53 =	vshrl.u32 v53, $0x3;
	v58 =	vshll.u32 v58, v1;
	v45 =	vld.idx.msk [tilespmem:v45+s12+$0x0], $0xffff  }
0x46c: {  	v54 =	vbroadcast v54, $0x0;
	v53 =	vshll.u32 v53, v1;
	v58 =	vbroadcast v58, $0x0;
	v44 =	vld.idx.msk [tilespmem:v44+s12+$0x0], $0xffff  }
0x46d: {  	v57 =	vshll.u32 v57, v1;
	v53 =	vbroadcast v53, $0x0;
	v49 =	vmul.f32 v49, v43;
	v48 =	vld.idx.msk [tilespmem:v48+s12+$0x0], $0xffff  }
0x46e: {  	s22 =	simm.s32 $0x16780;
	v54 =	vor.u32 v4, v54;
	v46 =	vld.idx.msk [tilespmem:v46+s12+$0x0], $0xffff;
	v58 =	vor.u32 v62, v58;
	v50 =	vmul.f32 v50, v43  }
0x46f: {  	v52 =	vld.idx.msk [tilespmem:v52+s12+$0x0], $0xffff;
	v47 =	vmul.f32 v47, v43;
	[tilespmem:s22+$0x1A0] =	vst v49;
	v49 =	vor.u32 v3, v53;
	v53 =	vbroadcast v55, $0x0  }
0x470: {  	v51 =	vshll.u32 v51, v1;
	v60 =	vbroadcast v56, $0x0;
	v45 =	vmul.f32 v45, v43;
	[tilespmem:s22+$0xFFFFFD90] =	vst v50  }
0x471: {  	v44 =	vmul.f32 v44, v43;
	v53 =	vor.u32 v5, v53;
	[tilespmem:s22+$0xFFFFFF30] =	vst v47;
	v47 =	vbroadcast v51, $0x0  }
0x472: {  	s28 =	simm.s32 $0x11;
	[tilespmem:s22+$0xFFFFFE60] =	vst v45;
	v51 =	vor.u32 v2, v60;
	v45 =	vmul.f32 v48, v43;
	v48 =	vbroadcast v57, $0x0  }
0x473: {  	v56 =	vmov s28;
	v55 =	vmul.f32 v46, v43;
	[tilespmem:s22+$0x0] =	vst v44;
	v44 =	vld.idx.msk [tilespmem:v58+s12+$0x0], $0xffff  }
0x474: {  	s23 =	simm.s32 $0x10;
	s26 =	simm.s32 $0xF;
	v57 =	vmul.f32 v52, v43;
	v52 =	vor.u32 v59, v47;
	v47 =	vld.idx.msk [tilespmem:v49+s12+$0x0], $0xffff;
	v50 =	vor.u32 v61, v48  }
0x475: {  	s29 =	simm.s32 $0x12;
	v56 =	vshrl.u32 v56, $0x3;
	v46 =	vor.u32 s26, v63;
	s26 =	simm.s32 $0x14;
	v60 =	vmov s23;
	[tilespmem:s22+$0xD0] =	vst v55;
	v48 =	vld.idx.msk [tilespmem:v54+s12+$0x0], $0xffff  }
0x476: {  	s30 =	simm.s32 $0x13;
	s31 =	simm.s32 $0x15;
	v55 =	vshrl.u32 v60, $0x3;
	v58 =	vmov s29;
	v60 =	vmov s26;
	[tilespmem:s22+$0xFFFFFCC0] =	vst v45;
	v49 =	vld.idx.msk [tilespmem:v53+s12+$0x0], $0xffff  }
0x477: {  	v59 =	vmov s30;
	v45 =	vshll.u32 v55, v1;
	v55 =	vmov s31;
	[tilespmem:s22+$0x270] =	vst v57;
	v51 =	vld.idx.msk [tilespmem:v51+s12+$0x0], $0xffff  }
0x478: {  	s24 =	simm.s32 $0x18;
	s25 =	simm.s32 $0x16;
	v57 =	vshrl.u32 v58, $0x3;
	v54 =	vshrl.u32 v59, $0x3;
	v53 =	vshrl.u32 v60, $0x3;
	v0 =	vld [tilespmem:$0x1FC60]  }
.LBB2_41:
0x479: {  	p0 =	slt.u32 s24, $0x38;
	v56 =	vshll.u32 v56, v1;
	v55 =	vshrl.u32 v55, $0x3;
	v58 =	vmov s25;
	v50 =	vld.idx.msk [tilespmem:v50+s12+$0x0], $0xffff  }
0x47a: {  	v57 =	vshll.u32 v57, v1;
	v44 =	vmul.f32 v44, v43;
	v58 =	vshrl.u32 v58, $0x3;
	v52 =	vld.idx.msk [tilespmem:v52+s12+$0x0], $0xffff  }
0x47b: {  	v54 =	vshll.u32 v54, v1;
	s22 =	sadd.s32 $0x680, s22;
	v47 =	vmul.f32 v47, v43;
	v58 =	vshll.u32 v58, v1;
	v46 =	vld.idx.msk [tilespmem:v46+s12+$0x0], $0xffff  }
0x47c: {  	v53 =	vshll.u32 v53, v1;
	v48 =	vmul.f32 v48, v43;
	v58 =	vbroadcast v58, $0x0;
	[tilespmem:s22+$0x1A0] =	vst v44  }
0x47d: {  	v55 =	vshll.u32 v55, v1;
	v44 =	vbroadcast v56, $0x0;
	[tilespmem:s22+$0xFFFFFD90] =	vst v47;
	v47 =	vmul.f32 v49, v43  }
0x47e: {  	v49 =	vbroadcast v57, $0x0;
	v56 =	vor.u32 v62, v58;
	[tilespmem:s22+$0xFFFFFE60] =	vst v48;
	v48 =	vmul.f32 v51, v43  }
0x47f: {  	v51 =	vor.u32 v3, v44;
	v44 =	vbroadcast v54, $0x0;
	[tilespmem:s22+$0xFFFFFF30] =	vst v47;
	v47 =	vmul.f32 v50, v43  }
0x480: {  	v49 =	vor.u32 v4, v49;
	v50 =	vbroadcast v53, $0x0;
	v52 =	vmul.f32 v52, v43;
	[tilespmem:s22+$0x0] =	vst v48  }
0x481: {  	v53 =	vor.u32 v5, v44;
	v44 =	vbroadcast v55, $0x0;
	[tilespmem:s22+$0xD0] =	vst v47;
	v47 =	vmul.f32 v46, v43  }
0x482: {  	v45 =	vbroadcast v45, $0x0;
	s25 =	sadd.s32 $0x7, s23;
	s23 =	smov.u32 s24;
	v58 =	vor.u32 v2, v50;
	[tilespmem:s22+$0xFFFFFCC0] =	vst v52  }
.Ltmp19:
0x483: {  	s26 =	sadd.s32 $0x1, s24;
	v48 =	vmov s24;
	v46 =	vor.u32 s25, v63;
	v50 =	vor.u32 v61, v44;
	v44 =	vld.idx.msk [tilespmem:v56+s12+$0x0], $0xffff;
	[tilespmem:s22+$0x270] =	vst v47;
	(pc) =	sbr.rel @p0 .LBB2_41-.Ltmp19, $4  }
0x484: {  	s28 =	sadd.s32 $0x4, s24;
	v55 =	vmov s26;
	s26 =	sadd.s32 $0x3, s24;
	v54 =	vshrl.u32 v48, $0x3;
	s25 =	sadd.s32 $0x2, s24;
	v52 =	vor.u32 v0, v45;
	v47 =	vld.idx.msk [tilespmem:v51+s12+$0x0], $0xffff  }
0x485: {  	v60 =	vmov s28;
	v59 =	vmov s26;
	v51 =	vmov s25;
	s25 =	sadd.s32 $0x5, s24;
	v48 =	vld.idx.msk [tilespmem:v49+s12+$0x0], $0xffff  }
0x486: {  	v45 =	vshll.u32 v54, v1;
	v56 =	vshrl.u32 v55, $0x3;
	v55 =	vmov s25;
	v49 =	vld.idx.msk [tilespmem:v53+s12+$0x0], $0xffff  }
0x487: {  	v54 =	vshrl.u32 v59, $0x3;
	s24 =	sadd.s32 $0x8, s24;
	v57 =	vshrl.u32 v51, $0x3;
	s25 =	sadd.s32 $0x6, s23;
	v53 =	vshrl.u32 v60, $0x3;
	v51 =	vld.idx.msk [tilespmem:v58+s12+$0x0], $0xffff  }
0x488: {  	v58 =	vmov s25;
	v56 =	vshll.u32 v56, v1  }
0x489: {  	v55 =	vshrl.u32 v55, $0x3;
	v57 =	vshll.u32 v57, v1;
	v56 =	vbroadcast v56, $0x0  }
0x48a: {  	v54 =	vshll.u32 v54, v1;
	v53 =	vshll.u32 v53, v1;
	v57 =	vbroadcast v57, $0x0  }
0x48b: {  	v58 =	vshrl.u32 v58, $0x3;
	v54 =	vbroadcast v54, $0x0;
	v56 =	vor.u32 v3, v56  }
0x48c: {  	v55 =	vshll.u32 v55, v1;
	v53 =	vbroadcast v53, $0x0;
	v57 =	vor.u32 v4, v57  }
0x48d: {  	v50 =	vld.idx.msk [tilespmem:v50+s12+$0x0], $0xffff;
	v58 =	vshll.u32 v58, v1;
	v55 =	vbroadcast v55, $0x0;
	v54 =	vor.u32 v5, v54  }
0x48e: {  	v52 =	vld.idx.msk [tilespmem:v52+s12+$0x0], $0xffff;
	v44 =	vmul.f32 v44, v43;
	v58 =	vbroadcast v58, $0x0;
	v53 =	vor.u32 v2, v53  }
0x48f: {  	v46 =	vld.idx.msk [tilespmem:v46+s12+$0x0], $0xffff;
	s22 =	sadd.s32 $0x680, s22;
	v47 =	vmul.f32 v47, v43;
	v55 =	vor.u32 v61, v55  }
0x490: {  	v45 =	vbroadcast v45, $0x0;
	v48 =	vmul.f32 v48, v43;
	[tilespmem:s22+$0x1A0] =	vst v44;
	v58 =	vor.u32 v62, v58;
	v56 =	vld.idx.msk [tilespmem:v56+s12+$0x0], $0xffff  }
0x491: {  	v49 =	vmul.f32 v49, v43;
	[tilespmem:s22+$0xFFFFFD90] =	vst v47;
	v57 =	vld.idx.msk [tilespmem:v57+s12+$0x0], $0xffff  }
0x492: {  	v45 =	vor.u32 v0, v45;
	v51 =	vmul.f32 v51, v43;
	[tilespmem:s22+$0xFFFFFE60] =	vst v48;
	v54 =	vld.idx.msk [tilespmem:v54+s12+$0x0], $0xffff  }
0x493: {  	s23 =	sadd.s32 $0x7, s23;
	v50 =	vmul.f32 v50, v43;
	[tilespmem:s22+$0xFFFFFF30] =	vst v49;
	v53 =	vld.idx.msk [tilespmem:v53+s12+$0x0], $0xffff  }
0x494: {  	v59 =	vor.u32 s23, v63;
	v44 =	vmul.f32 v52, v43;
	[tilespmem:s22+$0x0] =	vst v51;
	v55 =	vld.idx.msk [tilespmem:v55+s12+$0x0], $0xffff  }
0x495: {  	s25 =	simm.s32 $0x0;
	s28 =	simm.s32 $0x3;
	v46 =	vmul.f32 v46, v43;
	[tilespmem:s22+$0xD0] =	vst v50;
	v58 =	vld.idx.msk [tilespmem:v58+s12+$0x0], $0xffff  }
0x496: {  	s26 =	simm.s32 $0x1;
	s24 =	simm.s32 $0x2;
	v60 =	vmov s25;
	v63 =	vmov s28;
	[tilespmem:s22+$0xFFFFFCC0] =	vst v44;
	v52 =	vmul.f32 v56, v43  }
0x497: {  	s29 =	simm.s32 $0x4;
	v61 =	vmov s26;
	v62 =	vmov s24;
	v45 =	vld.idx.msk [tilespmem:v45+s12+$0x0], $0xffff;
	[tilespmem:s22+$0x270] =	vst v46;
	s22 =	sadd.s32 $0x680, s22;
	v48 =	vmul.f32 v57, v43  }
0x498: {  	v51 =	vshrl.u32 v60, $0x3;
	v60 =	vmov s29;
	v54 =	vmul.f32 v54, v43;
	[tilespmem:s22+$0xFFFFFD90] =	vst v52  }
0x499: {  	s31 =	simm.s32 $0x6;
	v59 =	vld.idx.msk [tilespmem:v59+s12+$0x0], $0xffff;
	v50 =	vshrl.u32 v61, $0x3;
	v49 =	vmul.f32 v53, v43;
	v53 =	vmul.f32 v55, v43;
	[tilespmem:s22+$0xFFFFFE60] =	vst v48  }
0x49a: {  	s30 =	simm.s32 $0x5;
	v55 =	vshrl.u32 v62, $0x3;
	v62 =	vmov s31;
	v47 =	vmul.f32 v58, v43;
	[tilespmem:s22+$0xFFFFFF30] =	vst v54  }
0x49b: {  	v61 =	vmov s30;
	v44 =	vshrl.u32 v60, $0x3;
	v60 =	vshrl.u32 v62, $0x3;
	[tilespmem:s22+$0x0] =	vst v49  }
0x49c: {  	v46 =	vshrl.u32 v61, $0x3;
	v45 =	vmul.f32 v45, v43;
	v61 =	vshll.u32 v60, v1;
	[tilespmem:s22+$0x1A0] =	vst v47  }
0x49d: {  	v63 =	vshrl.u32 v63, $0x3;
	v52 =	vbroadcast v61, $0x0;
	v61 =	vld [tilespmem:$0x1FF80];
	[tilespmem:s22+$0xD0] =	vst v53  }
0x49e: {  	v51 =	vshll.u32 v51, v1;
	v50 =	vshll.u32 v50, v1;
	v43 =	vmul.f32 v59, v43;
	v59 =	vld [tilespmem:$0x1FF30];
	[tilespmem:s22+$0xFFFFFCC0] =	vst v45  }
0x49f: {  	v44 =	vshll.u32 v44, v1;
	v50 =	vbroadcast v50, $0x0;
	v46 =	vshll.u32 v46, v1;
	v3 =	vld [tilespmem:$0x1FF40]  }
0x4a0: {  	s25 =	simm.s32 $0x8;
	v44 =	vbroadcast v44, $0x0;
	v46 =	vbroadcast v46, $0x0;
	v62 =	vshll.u32 v55, v1;
	v4 =	vld [tilespmem:$0x1FF50];
	[tilespmem:s22+$0x270] =	vst v43  }
0x4a1: {  	v58 =	vbroadcast v51, $0x0;
	v48 =	vbroadcast v62, $0x0;
	v62 =	vmov s25;
	v5 =	vld [tilespmem:$0x1FF60]  }
0x4a2: {  	s29 =	simm.s32 $0xA;
	v47 =	vshll.u32 v63, v1;
	v51 =	vshrl.u32 v62, $0x3;
	v62 =	vld [tilespmem:$0x1FC70];
	v63 =	vor.u32 v61, v52  }
0x4a3: {  	s24 =	simm.s32 $0xD;
	s30 =	simm.s32 $0xB;
	v54 =	vmov s29;
	v47 =	vbroadcast v47, $0x0;
	v2 =	vld [tilespmem:$0x1FF70];
	v50 =	vor.u32 v59, v50  }
0x4a4: {  	v55 =	vmov s30;
	v60 =	vmov s24;
	v0 =	vld [tilespmem:$0x1FC80];
	v45 =	vor.u32 v3, v48  }
0x4a5: {  	v54 =	vshrl.u32 v54, $0x3;
	v55 =	vshrl.u32 v55, $0x3;
	v47 =	vor.u32 v4, v47  }
0x4a6: {  	s31 =	simm.s32 $0xC;
	v57 =	vshrl.u32 v60, $0x3;
	v54 =	vshll.u32 v54, v1;
	v43 =	vld [tilespmem:s21+$0x6450];
	v44 =	vor.u32 v5, v44  }
0x4a7: {  	s25 =	simm.s32 $0xE;
	v55 =	vshll.u32 v55, v1;
	v48 =	vor.u32 v62, v58;
	v49 =	vld.idx.msk [tilespmem:v63+s12+$0x0], $0xffff;
	v63 =	vmov s31  }
0x4a8: {  	s28 =	simm.s32 $0x9;
	s26 =	simm.s32 $0x7;
	v46 =	vor.u32 v2, v46;
	v50 =	vld.idx.msk [tilespmem:v50+s12+$0x0], $0xffff;
	v56 =	vshrl.u32 v63, $0x3;
	v63 =	vmov s25  }
0x4a9: {  	v53 =	vmov s28;
	v52 =	vor.u32 s26, v0;
	v45 =	vld.idx.msk [tilespmem:v45+s12+$0x0], $0xffff;
	v58 =	vshrl.u32 v63, $0x3  }
0x4aa: {  	v51 =	vshll.u32 v51, v1;
	v53 =	vshrl.u32 v53, $0x3;
	v47 =	vld.idx.msk [tilespmem:v47+s12+$0x0], $0xffff;
	v58 =	vshll.u32 v58, v1  }
0x4ab: {  	v54 =	vbroadcast v54, $0x0;
	v53 =	vshll.u32 v53, v1;
	v44 =	vld.idx.msk [tilespmem:v44+s12+$0x0], $0xffff;
	v58 =	vbroadcast v58, $0x0  }
0x4ac: {  	v57 =	vshll.u32 v57, v1;
	v60 =	vbroadcast v55, $0x0;
	v53 =	vbroadcast v53, $0x0;
	v48 =	vld.idx.msk [tilespmem:v48+s12+$0x0], $0xffff  }
0x4ad: {  	v56 =	vshll.u32 v56, v1;
	v46 =	vld.idx.msk [tilespmem:v46+s12+$0x0], $0xffff;
	v49 =	vmul.f32 v49, v43;
	v58 =	vor.u32 v61, v58  }
0x4ae: {  	s22 =	simm.s32 $0x16790;
	v54 =	vor.u32 v3, v54;
	v52 =	vld.idx.msk [tilespmem:v52+s12+$0x0], $0xffff;
	v63 =	vbroadcast v56, $0x0;
	v50 =	vmul.f32 v50, v43  }
0x4af: {  	v45 =	vmul.f32 v45, v43;
	v47 =	vmul.f32 v47, v43;
	[tilespmem:s22+$0x1A0] =	vst v49;
	v49 =	vor.u32 v59, v53  }
0x4b0: {  	v53 =	vor.u32 v4, v60;
	v60 =	vbroadcast v51, $0x0;
	v44 =	vmul.f32 v44, v43;
	[tilespmem:s22+$0xFFFFFD90] =	vst v50  }
0x4b1: {  	s28 =	simm.s32 $0x11;
	v51 =	vor.u32 v5, v63;
	[tilespmem:s22+$0xFFFFFE60] =	vst v45;
	v45 =	vmul.f32 v48, v43;
	v48 =	vbroadcast v57, $0x0  }
0x4b2: {  	s23 =	simm.s32 $0x10;
	v56 =	vmov s28;
	v55 =	vmul.f32 v46, v43;
	[tilespmem:s22+$0x0] =	vst v44;
	v44 =	vld.idx.msk [tilespmem:v58+s12+$0x0], $0xffff  }
0x4b3: {  	s26 =	simm.s32 $0xF;
	v56 =	vshrl.u32 v56, $0x3;
	v63 =	vmov s23;
	[tilespmem:s22+$0xFFFFFF30] =	vst v47;
	v50 =	vor.u32 v2, v48;
	v48 =	vld.idx.msk [tilespmem:v54+s12+$0x0], $0xffff  }
0x4b4: {  	s30 =	simm.s32 $0x13;
	v46 =	vor.u32 s26, v0;
	s26 =	simm.s32 $0x14;
	v57 =	vmul.f32 v52, v43;
	v52 =	vor.u32 v62, v60;
	[tilespmem:s22+$0xD0] =	vst v55;
	v47 =	vld.idx.msk [tilespmem:v49+s12+$0x0], $0xffff  }
0x4b5: {  	s29 =	simm.s32 $0x12;
	s31 =	simm.s32 $0x15;
	v59 =	vmov s30;
	v60 =	vmov s26;
	v55 =	vshrl.u32 v63, $0x3;
	[tilespmem:s22+$0xFFFFFCC0] =	vst v45;
	v49 =	vld.idx.msk [tilespmem:v53+s12+$0x0], $0xffff  }
0x4b6: {  	v58 =	vmov s29;
	v45 =	vshll.u32 v55, v1;
	v55 =	vmov s31;
	[tilespmem:s22+$0x270] =	vst v57;
	v51 =	vld.idx.msk [tilespmem:v51+s12+$0x0], $0xffff  }
0x4b7: {  	s24 =	simm.s32 $0x18;
	s25 =	simm.s32 $0x16;
	v54 =	vshrl.u32 v59, $0x3;
	v57 =	vshrl.u32 v58, $0x3;
	v53 =	vshrl.u32 v60, $0x3;
	v63 =	vld [tilespmem:$0x1FF30]  }
.LBB2_43:
0x4b8: {  	p0 =	slt.u32 s24, $0x38;
	v56 =	vshll.u32 v56, v1;
	v55 =	vshrl.u32 v55, $0x3;
	v58 =	vmov s25;
	v50 =	vld.idx.msk [tilespmem:v50+s12+$0x0], $0xffff  }
0x4b9: {  	v57 =	vshll.u32 v57, v1;
	v44 =	vmul.f32 v44, v43;
	v58 =	vshrl.u32 v58, $0x3;
	v52 =	vld.idx.msk [tilespmem:v52+s12+$0x0], $0xffff  }
0x4ba: {  	v54 =	vshll.u32 v54, v1;
	s22 =	sadd.s32 $0x680, s22;
	v47 =	vmul.f32 v47, v43;
	v58 =	vshll.u32 v58, v1;
	v46 =	vld.idx.msk [tilespmem:v46+s12+$0x0], $0xffff  }
0x4bb: {  	v53 =	vshll.u32 v53, v1;
	v48 =	vmul.f32 v48, v43;
	v58 =	vbroadcast v58, $0x0;
	[tilespmem:s22+$0x1A0] =	vst v44  }
0x4bc: {  	v55 =	vshll.u32 v55, v1;
	v44 =	vbroadcast v56, $0x0;
	[tilespmem:s22+$0xFFFFFD90] =	vst v47;
	v47 =	vmul.f32 v49, v43  }
0x4bd: {  	v49 =	vbroadcast v57, $0x0;
	v56 =	vor.u32 v61, v58;
	[tilespmem:s22+$0xFFFFFE60] =	vst v48;
	v48 =	vmul.f32 v51, v43  }
0x4be: {  	v51 =	vor.u32 v63, v44;
	v44 =	vbroadcast v54, $0x0;
	[tilespmem:s22+$0xFFFFFF30] =	vst v47;
	v47 =	vmul.f32 v50, v43  }
0x4bf: {  	v49 =	vor.u32 v3, v49;
	v50 =	vbroadcast v53, $0x0;
	v52 =	vmul.f32 v52, v43;
	[tilespmem:s22+$0x0] =	vst v48  }
0x4c0: {  	v53 =	vor.u32 v4, v44;
	v44 =	vbroadcast v55, $0x0;
	[tilespmem:s22+$0xD0] =	vst v47;
	v47 =	vmul.f32 v46, v43  }
0x4c1: {  	v45 =	vbroadcast v45, $0x0;
	s25 =	sadd.s32 $0x7, s23;
	s23 =	smov.u32 s24;
	v58 =	vor.u32 v5, v50;
	[tilespmem:s22+$0xFFFFFCC0] =	vst v52  }
.Ltmp20:
0x4c2: {  	s26 =	sadd.s32 $0x1, s24;
	v48 =	vmov s24;
	v46 =	vor.u32 s25, v0;
	v50 =	vor.u32 v2, v44;
	v44 =	vld.idx.msk [tilespmem:v56+s12+$0x0], $0xffff;
	[tilespmem:s22+$0x270] =	vst v47;
	(pc) =	sbr.rel @p0 .LBB2_43-.Ltmp20, $4  }
0x4c3: {  	s28 =	sadd.s32 $0x4, s24;
	v55 =	vmov s26;
	s26 =	sadd.s32 $0x3, s24;
	v54 =	vshrl.u32 v48, $0x3;
	s25 =	sadd.s32 $0x2, s24;
	v52 =	vor.u32 v62, v45;
	v47 =	vld.idx.msk [tilespmem:v51+s12+$0x0], $0xffff  }
0x4c4: {  	v60 =	vmov s28;
	v59 =	vmov s26;
	v51 =	vmov s25;
	s25 =	sadd.s32 $0x5, s24;
	v48 =	vld.idx.msk [tilespmem:v49+s12+$0x0], $0xffff  }
0x4c5: {  	v45 =	vshll.u32 v54, v1;
	v56 =	vshrl.u32 v55, $0x3;
	v55 =	vmov s25;
	v49 =	vld.idx.msk [tilespmem:v53+s12+$0x0], $0xffff  }
0x4c6: {  	v54 =	vshrl.u32 v59, $0x3;
	s24 =	sadd.s32 $0x8, s24;
	v57 =	vshrl.u32 v51, $0x3;
	s25 =	sadd.s32 $0x6, s23;
	v53 =	vshrl.u32 v60, $0x3;
	v51 =	vld.idx.msk [tilespmem:v58+s12+$0x0], $0xffff  }
0x4c7: {  	v58 =	vmov s25;
	v56 =	vshll.u32 v56, v1;
	v55 =	vshrl.u32 v55, $0x3  }
0x4c8: {  	v57 =	vshll.u32 v57, v1;
	v54 =	vshll.u32 v54, v1;
	v56 =	vbroadcast v56, $0x0  }
0x4c9: {  	v53 =	vshll.u32 v53, v1;
	v44 =	vmul.f32 v44, v43;
	v57 =	vbroadcast v57, $0x0  }
0x4ca: {  	v58 =	vshrl.u32 v58, $0x3;
	v54 =	vbroadcast v54, $0x0;
	v56 =	vor.u32 v63, v56  }
0x4cb: {  	v53 =	vbroadcast v53, $0x0;
	v58 =	vshll.u32 v58, v1;
	v57 =	vor.u32 v3, v57  }
0x4cc: {  	v50 =	vld.idx.msk [tilespmem:v50+s12+$0x0], $0xffff;
	v55 =	vshll.u32 v55, v1;
	v58 =	vbroadcast v58, $0x0;
	v54 =	vor.u32 v4, v54  }
0x4cd: {  	v52 =	vld.idx.msk [tilespmem:v52+s12+$0x0], $0xffff;
	s22 =	sadd.s32 $0x680, s22;
	v47 =	vmul.f32 v47, v43;
	v55 =	vbroadcast v55, $0x0;
	v53 =	vor.u32 v5, v53  }
0x4ce: {  	v46 =	vld.idx.msk [tilespmem:v46+s12+$0x0], $0xffff;
	v45 =	vbroadcast v45, $0x0;
	v48 =	vmul.f32 v48, v43;
	[tilespmem:s22+$0x1A0] =	vst v44;
	v58 =	vor.u32 v61, v58  }
0x4cf: {  	v49 =	vmul.f32 v49, v43;
	[tilespmem:s22+$0xFFFFFD90] =	vst v47;
	v55 =	vor.u32 v2, v55;
	v56 =	vld.idx.msk [tilespmem:v56+s12+$0x0], $0xffff  }
0x4d0: {  	v45 =	vor.u32 v62, v45;
	v51 =	vmul.f32 v51, v43;
	[tilespmem:s22+$0xFFFFFE60] =	vst v48;
	v57 =	vld.idx.msk [tilespmem:v57+s12+$0x0], $0xffff  }
0x4d1: {  	v50 =	vmul.f32 v50, v43;
	[tilespmem:s22+$0xFFFFFF30] =	vst v49;
	v54 =	vld.idx.msk [tilespmem:v54+s12+$0x0], $0xffff  }
0x4d2: {  	v63 =	vmul.f32 v52, v43;
	[tilespmem:s22+$0x0] =	vst v51;
	v53 =	vld.idx.msk [tilespmem:v53+s12+$0x0], $0xffff  }
0x4d3: {  	s23 =	sadd.s32 $0x7, s23;
	v46 =	vmul.f32 v46, v43;
	[tilespmem:s22+$0xD0] =	vst v50;
	v58 =	vld.idx.msk [tilespmem:v58+s12+$0x0], $0xffff  }
0x4d4: {  	v59 =	vor.u32 s23, v0;
	[tilespmem:s22+$0xFFFFFCC0] =	vst v63;
	v55 =	vld.idx.msk [tilespmem:v55+s12+$0x0], $0xffff;
	v52 =	vmul.f32 v56, v43  }
0x4d5: {  	v45 =	vld.idx.msk [tilespmem:v45+s12+$0x0], $0xffff;
	[tilespmem:s22+$0x270] =	vst v46;
	s22 =	sadd.s32 $0x680, s22;
	v48 =	vmul.f32 v57, v43  }
0x4d6: {  	s28 =	simm.s32 $0x3;
	v54 =	vmul.f32 v54, v43;
	[tilespmem:s22+$0xFFFFFD90] =	vst v52  }
0x4d7: {  	s26 =	simm.s32 $0x1;
	v62 =	vmov s28;
	v49 =	vmul.f32 v53, v43;
	[tilespmem:s22+$0xFFFFFE60] =	vst v48  }
0x4d8: {  	s24 =	simm.s32 $0x2;
	s29 =	simm.s32 $0x4;
	v60 =	vmov s26;
	v62 =	vshrl.u32 v62, $0x3;
	v47 =	vmul.f32 v58, v43;
	[tilespmem:s22+$0xFFFFFF30] =	vst v54  }
0x4d9: {  	s30 =	simm.s32 $0x5;
	v61 =	vmov s24;
	v59 =	vld.idx.msk [tilespmem:v59+s12+$0x0], $0xffff;
	v63 =	vmov s29;
	v53 =	vmul.f32 v55, v43;
	[tilespmem:s22+$0x0] =	vst v49  }
0x4da: {  	v50 =	vshrl.u32 v60, $0x3;
	v60 =	vmov s30;
	v45 =	vmul.f32 v45, v43;
	[tilespmem:s22+$0x1A0] =	vst v47  }
0x4db: {  	s31 =	simm.s32 $0x6;
	v44 =	vshrl.u32 v63, $0x3;
	v50 =	vshll.u32 v50, v1;
	v47 =	vshll.u32 v62, v1;
	v62 =	vld [tilespmem:$0x1FFB0];
	[tilespmem:s22+$0xD0] =	vst v53  }
0x4dc: {  	v46 =	vshrl.u32 v60, $0x3;
	v55 =	vshrl.u32 v61, $0x3;
	v61 =	vmov s31;
	v3 =	vld [tilespmem:$0x1FFA0];
	[tilespmem:s22+$0xFFFFFCC0] =	vst v45  }
0x4dd: {  	v44 =	vshll.u32 v44, v1;
	v50 =	vbroadcast v50, $0x0;
	v63 =	vshrl.u32 v61, $0x3;
	v4 =	vld [tilespmem:$0x1FC90]  }
0x4de: {  	s25 =	simm.s32 $0x0;
	v46 =	vshll.u32 v46, v1;
	v43 =	vmul.f32 v59, v43;
	v56 =	vshll.u32 v63, v1  }
0x4df: {  	v58 =	vmov s25;
	v57 =	vshll.u32 v55, v1;
	s25 =	simm.s32 $0x8;
	v52 =	vbroadcast v56, $0x0;
	v5 =	vld [tilespmem:$0x1FCA0]  }
0x4e0: {  	v51 =	vshrl.u32 v58, $0x3;
	v48 =	vbroadcast v57, $0x0;
	v59 =	vmov s25;
	[tilespmem:s22+$0x270] =	vst v43  }
0x4e1: {  	v51 =	vshll.u32 v51, v1;
	v47 =	vbroadcast v47, $0x0;
	v2 =	vld [tilespmem:$0x1FCB0];
	v58 =	vor.u32 v62, v52  }
0x4e2: {  	v45 =	vor.u32 v4, v48;
	v48 =	vbroadcast v51, $0x0;
	v51 =	vshrl.u32 v59, $0x3;
	v59 =	vld [tilespmem:$0x1FF90]  }
0x4e3: {  	s29 =	simm.s32 $0xA;
	s30 =	simm.s32 $0xB;
	v44 =	vbroadcast v44, $0x0;
	v46 =	vbroadcast v46, $0x0;
	v61 =	vld [tilespmem:$0x1FCC0];
	v50 =	vor.u32 v3, v50  }
0x4e4: {  	s24 =	simm.s32 $0xD;
	s31 =	simm.s32 $0xC;
	v54 =	vmov s29;
	v55 =	vmov s30;
	v63 =	vld [tilespmem:$0x1FCD0];
	v47 =	vor.u32 v5, v47  }
0x4e5: {  	v60 =	vmov s31;
	v57 =	vmov s24;
	v54 =	vshrl.u32 v54, $0x3  }
0x4e6: {  	v55 =	vshrl.u32 v55, $0x3;
	s25 =	simm.s32 $0xE;
	v56 =	vshrl.u32 v60, $0x3;
	v43 =	vld [tilespmem:s21+$0x6460];
	v44 =	vor.u32 v2, v44  }
0x4e7: {  	v60 =	vmov s25;
	v57 =	vshrl.u32 v57, $0x3;
	v49 =	vld.idx.msk [tilespmem:v58+s12+$0x0], $0xffff;
	v48 =	vor.u32 v59, v48  }
0x4e8: {  	s26 =	simm.s32 $0x7;
	s28 =	simm.s32 $0x9;
	v54 =	vshll.u32 v54, v1;
	v55 =	vshll.u32 v55, v1;
	v46 =	vor.u32 v61, v46;
	v50 =	vld.idx.msk [tilespmem:v50+s12+$0x0], $0xffff  }
0x4e9: {  	v53 =	vmov s28;
	v52 =	vor.u32 s26, v63;
	v58 =	vshrl.u32 v60, $0x3;
	v47 =	vld.idx.msk [tilespmem:v47+s12+$0x0], $0xffff  }
0x4ea: {  	v56 =	vshll.u32 v56, v1;
	v53 =	vshrl.u32 v53, $0x3;
	v58 =	vshll.u32 v58, v1;
	v45 =	vld.idx.msk [tilespmem:v45+s12+$0x0], $0xffff  }
0x4eb: {  	v54 =	vbroadcast v54, $0x0;
	v53 =	vshll.u32 v53, v1;
	v58 =	vbroadcast v58, $0x0;
	v44 =	vld.idx.msk [tilespmem:v44+s12+$0x0], $0xffff  }
0x4ec: {  	v57 =	vshll.u32 v57, v1;
	v53 =	vbroadcast v53, $0x0;
	v49 =	vmul.f32 v49, v43;
	v48 =	vld.idx.msk [tilespmem:v48+s12+$0x0], $0xffff  }
0x4ed: {  	s22 =	simm.s32 $0x167A0;
	v54 =	vor.u32 v4, v54;
	v46 =	vld.idx.msk [tilespmem:v46+s12+$0x0], $0xffff;
	v58 =	vor.u32 v62, v58;
	v50 =	vmul.f32 v50, v43  }
0x4ee: {  	v52 =	vld.idx.msk [tilespmem:v52+s12+$0x0], $0xffff;
	v47 =	vmul.f32 v47, v43;
	[tilespmem:s22+$0x1A0] =	vst v49;
	v49 =	vor.u32 v3, v53;
	v53 =	vbroadcast v55, $0x0  }
0x4ef: {  	v51 =	vshll.u32 v51, v1;
	v60 =	vbroadcast v56, $0x0;
	v45 =	vmul.f32 v45, v43;
	[tilespmem:s22+$0xFFFFFD90] =	vst v50  }
0x4f0: {  	v44 =	vmul.f32 v44, v43;
	v53 =	vor.u32 v5, v53;
	[tilespmem:s22+$0xFFFFFF30] =	vst v47;
	v47 =	vbroadcast v51, $0x0  }
0x4f1: {  	s28 =	simm.s32 $0x11;
	[tilespmem:s22+$0xFFFFFE60] =	vst v45;
	v51 =	vor.u32 v2, v60;
	v45 =	vmul.f32 v48, v43;
	v48 =	vbroadcast v57, $0x0  }
0x4f2: {  	v56 =	vmov s28;
	v55 =	vmul.f32 v46, v43;
	[tilespmem:s22+$0x0] =	vst v44;
	v44 =	vld.idx.msk [tilespmem:v58+s12+$0x0], $0xffff  }
0x4f3: {  	s23 =	simm.s32 $0x10;
	s26 =	simm.s32 $0xF;
	v57 =	vmul.f32 v52, v43;
	v52 =	vor.u32 v59, v47;
	v47 =	vld.idx.msk [tilespmem:v49+s12+$0x0], $0xffff;
	v50 =	vor.u32 v61, v48  }
0x4f4: {  	s29 =	simm.s32 $0x12;
	v56 =	vshrl.u32 v56, $0x3;
	v46 =	vor.u32 s26, v63;
	s26 =	simm.s32 $0x14;
	v60 =	vmov s23;
	[tilespmem:s22+$0xD0] =	vst v55;
	v48 =	vld.idx.msk [tilespmem:v54+s12+$0x0], $0xffff  }
0x4f5: {  	s30 =	simm.s32 $0x13;
	s31 =	simm.s32 $0x15;
	v55 =	vshrl.u32 v60, $0x3;
	v58 =	vmov s29;
	v60 =	vmov s26;
	[tilespmem:s22+$0xFFFFFCC0] =	vst v45;
	v49 =	vld.idx.msk [tilespmem:v53+s12+$0x0], $0xffff  }
0x4f6: {  	v59 =	vmov s30;
	v45 =	vshll.u32 v55, v1;
	v55 =	vmov s31;
	[tilespmem:s22+$0x270] =	vst v57;
	v51 =	vld.idx.msk [tilespmem:v51+s12+$0x0], $0xffff  }
0x4f7: {  	s24 =	simm.s32 $0x18;
	s25 =	simm.s32 $0x16;
	v57 =	vshrl.u32 v58, $0x3;
	v54 =	vshrl.u32 v59, $0x3;
	v53 =	vshrl.u32 v60, $0x3;
	v0 =	vld [tilespmem:$0x1FF90]  }
.LBB2_45:
0x4f8: {  	p0 =	slt.u32 s24, $0x38;
	v56 =	vshll.u32 v56, v1;
	v55 =	vshrl.u32 v55, $0x3;
	v58 =	vmov s25;
	v50 =	vld.idx.msk [tilespmem:v50+s12+$0x0], $0xffff  }
0x4f9: {  	v57 =	vshll.u32 v57, v1;
	v44 =	vmul.f32 v44, v43;
	v58 =	vshrl.u32 v58, $0x3;
	v52 =	vld.idx.msk [tilespmem:v52+s12+$0x0], $0xffff  }
0x4fa: {  	v54 =	vshll.u32 v54, v1;
	s22 =	sadd.s32 $0x680, s22;
	v47 =	vmul.f32 v47, v43;
	v58 =	vshll.u32 v58, v1;
	v46 =	vld.idx.msk [tilespmem:v46+s12+$0x0], $0xffff  }
0x4fb: {  	v53 =	vshll.u32 v53, v1;
	v48 =	vmul.f32 v48, v43;
	v58 =	vbroadcast v58, $0x0;
	[tilespmem:s22+$0x1A0] =	vst v44  }
0x4fc: {  	v55 =	vshll.u32 v55, v1;
	v44 =	vbroadcast v56, $0x0;
	[tilespmem:s22+$0xFFFFFD90] =	vst v47;
	v47 =	vmul.f32 v49, v43  }
0x4fd: {  	v49 =	vbroadcast v57, $0x0;
	v56 =	vor.u32 v62, v58;
	[tilespmem:s22+$0xFFFFFE60] =	vst v48;
	v48 =	vmul.f32 v51, v43  }
0x4fe: {  	v51 =	vor.u32 v3, v44;
	v44 =	vbroadcast v54, $0x0;
	[tilespmem:s22+$0xFFFFFF30] =	vst v47;
	v47 =	vmul.f32 v50, v43  }
0x4ff: {  	v49 =	vor.u32 v4, v49;
	v50 =	vbroadcast v53, $0x0;
	v52 =	vmul.f32 v52, v43;
	[tilespmem:s22+$0x0] =	vst v48  }
0x500: {  	v53 =	vor.u32 v5, v44;
	v44 =	vbroadcast v55, $0x0;
	[tilespmem:s22+$0xD0] =	vst v47;
	v47 =	vmul.f32 v46, v43  }
0x501: {  	v45 =	vbroadcast v45, $0x0;
	s25 =	sadd.s32 $0x7, s23;
	s23 =	smov.u32 s24;
	v58 =	vor.u32 v2, v50;
	[tilespmem:s22+$0xFFFFFCC0] =	vst v52  }
.Ltmp21:
0x502: {  	s26 =	sadd.s32 $0x1, s24;
	v48 =	vmov s24;
	v46 =	vor.u32 s25, v63;
	v50 =	vor.u32 v61, v44;
	v44 =	vld.idx.msk [tilespmem:v56+s12+$0x0], $0xffff;
	[tilespmem:s22+$0x270] =	vst v47;
	(pc) =	sbr.rel @p0 .LBB2_45-.Ltmp21, $4  }
0x503: {  	s28 =	sadd.s32 $0x4, s24;
	v55 =	vmov s26;
	s26 =	sadd.s32 $0x3, s24;
	v54 =	vshrl.u32 v48, $0x3;
	s25 =	sadd.s32 $0x2, s24;
	v52 =	vor.u32 v0, v45;
	v47 =	vld.idx.msk [tilespmem:v51+s12+$0x0], $0xffff  }
0x504: {  	v60 =	vmov s28;
	v59 =	vmov s26;
	v51 =	vmov s25;
	s25 =	sadd.s32 $0x5, s24;
	v48 =	vld.idx.msk [tilespmem:v49+s12+$0x0], $0xffff  }
0x505: {  	v45 =	vshll.u32 v54, v1;
	v56 =	vshrl.u32 v55, $0x3;
	v55 =	vmov s25;
	v49 =	vld.idx.msk [tilespmem:v53+s12+$0x0], $0xffff  }
0x506: {  	v54 =	vshrl.u32 v59, $0x3;
	s24 =	sadd.s32 $0x8, s24;
	v57 =	vshrl.u32 v51, $0x3;
	s25 =	sadd.s32 $0x6, s23;
	v53 =	vshrl.u32 v60, $0x3;
	v51 =	vld.idx.msk [tilespmem:v58+s12+$0x0], $0xffff  }
0x507: {  	v58 =	vmov s25;
	v56 =	vshll.u32 v56, v1;
	v55 =	vshrl.u32 v55, $0x3  }
0x508: {  	v57 =	vshll.u32 v57, v1;
	v54 =	vshll.u32 v54, v1;
	v56 =	vbroadcast v56, $0x0  }
0x509: {  	v53 =	vshll.u32 v53, v1;
	v44 =	vmul.f32 v44, v43;
	v57 =	vbroadcast v57, $0x0  }
0x50a: {  	v58 =	vshrl.u32 v58, $0x3;
	v54 =	vbroadcast v54, $0x0;
	v56 =	vor.u32 v3, v56  }
0x50b: {  	v55 =	vshll.u32 v55, v1;
	v53 =	vbroadcast v53, $0x0;
	v57 =	vor.u32 v4, v57  }
0x50c: {  	v50 =	vld.idx.msk [tilespmem:v50+s12+$0x0], $0xffff;
	v58 =	vshll.u32 v58, v1;
	v55 =	vbroadcast v55, $0x0;
	v54 =	vor.u32 v5, v54  }
0x50d: {  	v52 =	vld.idx.msk [tilespmem:v52+s12+$0x0], $0xffff;
	s22 =	sadd.s32 $0x680, s22;
	v47 =	vmul.f32 v47, v43;
	v58 =	vbroadcast v58, $0x0;
	v53 =	vor.u32 v2, v53  }
0x50e: {  	v46 =	vld.idx.msk [tilespmem:v46+s12+$0x0], $0xffff;
	v45 =	vbroadcast v45, $0x0;
	v48 =	vmul.f32 v48, v43;
	[tilespmem:s22+$0x1A0] =	vst v44;
	v55 =	vor.u32 v61, v55  }
0x50f: {  	v49 =	vmul.f32 v49, v43;
	[tilespmem:s22+$0xFFFFFD90] =	vst v47;
	v58 =	vor.u32 v62, v58;
	v56 =	vld.idx.msk [tilespmem:v56+s12+$0x0], $0xffff  }
0x510: {  	v45 =	vor.u32 v0, v45;
	v51 =	vmul.f32 v51, v43;
	[tilespmem:s22+$0xFFFFFE60] =	vst v48;
	v57 =	vld.idx.msk [tilespmem:v57+s12+$0x0], $0xffff  }
0x511: {  	s23 =	sadd.s32 $0x7, s23;
	v50 =	vmul.f32 v50, v43;
	[tilespmem:s22+$0xFFFFFF30] =	vst v49;
	v54 =	vld.idx.msk [tilespmem:v54+s12+$0x0], $0xffff  }
0x512: {  	s26 =	simm.s32 $0x1;
	v59 =	vor.u32 s23, v63;
	v63 =	vmul.f32 v52, v43;
	[tilespmem:s22+$0x0] =	vst v51;
	v53 =	vld.idx.msk [tilespmem:v53+s12+$0x0], $0xffff  }
0x513: {  	s24 =	simm.s32 $0x2;
	s28 =	simm.s32 $0x3;
	v60 =	vmov s26;
	v46 =	vmul.f32 v46, v43;
	[tilespmem:s22+$0xD0] =	vst v50;
	v55 =	vld.idx.msk [tilespmem:v55+s12+$0x0], $0xffff  }
0x514: {  	s29 =	simm.s32 $0x4;
	v61 =	vmov s24;
	v62 =	vmov s28;
	[tilespmem:s22+$0xFFFFFCC0] =	vst v63;
	v58 =	vld.idx.msk [tilespmem:v58+s12+$0x0], $0xffff;
	v52 =	vmul.f32 v56, v43  }
0x515: {  	s30 =	simm.s32 $0x5;
	v62 =	vshrl.u32 v62, $0x3;
	v45 =	vld.idx.msk [tilespmem:v45+s12+$0x0], $0xffff;
	v63 =	vmov s29;
	[tilespmem:s22+$0x270] =	vst v46;
	s22 =	sadd.s32 $0x680, s22;
	v48 =	vmul.f32 v57, v43  }
0x516: {  	v50 =	vshrl.u32 v60, $0x3;
	v60 =	vmov s30;
	v54 =	vmul.f32 v54, v43;
	[tilespmem:s22+$0xFFFFFD90] =	vst v52  }
0x517: {  	v59 =	vld.idx.msk [tilespmem:v59+s12+$0x0], $0xffff;
	v44 =	vshrl.u32 v63, $0x3;
	v50 =	vshll.u32 v50, v1;
	v49 =	vmul.f32 v53, v43;
	[tilespmem:s22+$0xFFFFFE60] =	vst v48  }
0x518: {  	v46 =	vshrl.u32 v60, $0x3;
	v44 =	vshll.u32 v44, v1;
	v53 =	vmul.f32 v55, v43;
	[tilespmem:s22+$0xFFFFFF30] =	vst v54  }
0x519: {  	s31 =	simm.s32 $0x6;
	v50 =	vbroadcast v50, $0x0;
	v46 =	vshll.u32 v46, v1;
	v47 =	vmul.f32 v58, v43;
	[tilespmem:s22+$0x0] =	vst v49  }
0x51a: {  	v45 =	vmul.f32 v45, v43;
	v55 =	vshrl.u32 v61, $0x3;
	v61 =	vmov s31;
	[tilespmem:s22+$0xD0] =	vst v53  }
0x51b: {  	s25 =	simm.s32 $0x0;
	v44 =	vbroadcast v44, $0x0;
	v46 =	vbroadcast v46, $0x0;
	v63 =	vshrl.u32 v61, $0x3;
	[tilespmem:s22+$0x1A0] =	vst v47  }
0x51c: {  	s29 =	simm.s32 $0xA;
	v58 =	vmov s25;
	v43 =	vmul.f32 v59, v43;
	v56 =	vshll.u32 v63, v1;
	v63 =	vld [tilespmem:$0x1FFD0];
	[tilespmem:s22+$0xFFFFFCC0] =	vst v45  }
0x51d: {  	s30 =	simm.s32 $0xB;
	s31 =	simm.s32 $0xC;
	v57 =	vshll.u32 v55, v1;
	v54 =	vmov s29;
	v52 =	vbroadcast v56, $0x0;
	v3 =	vld [tilespmem:$0x1FFE0]  }
0x51e: {  	v55 =	vmov s30;
	v61 =	vmov s31;
	v51 =	vshrl.u32 v58, $0x3;
	v4 =	vld [tilespmem:$0x1FCE0];
	[tilespmem:s22+$0x270] =	vst v43  }
0x51f: {  	s28 =	simm.s32 $0x9;
	s25 =	simm.s32 $0x8;
	v48 =	vbroadcast v57, $0x0;
	v47 =	vshll.u32 v62, v1;
	v58 =	vor.u32 v37, v52;
	v62 =	vld [tilespmem:$0x1FFC0]  }
0x520: {  	v60 =	vmov s25;
	v53 =	vmov s28;
	v54 =	vshrl.u32 v54, $0x3;
	v5 =	vld [tilespmem:$0x1FCF0]  }
0x521: {  	v51 =	vshll.u32 v51, v1;
	v47 =	vbroadcast v47, $0x0;
	v2 =	vld [tilespmem:$0x1FD10];
	v50 =	vor.u32 v63, v50  }
0x522: {  	v55 =	vshrl.u32 v55, $0x3;
	v59 =	vbroadcast v51, $0x0;
	v45 =	vor.u32 v3, v48  }
0x523: {  	s25 =	simm.s32 $0xE;
	v53 =	vshrl.u32 v53, $0x3;
	v56 =	vshrl.u32 v61, $0x3;
	v43 =	vld [tilespmem:s21+$0x6470];
	v47 =	vor.u32 v4, v47  }
0x524: {  	v61 =	vmov s25;
	v54 =	vshll.u32 v54, v1;
	v49 =	vld.idx.msk [tilespmem:v58+s12+$0x0], $0xffff;
	v48 =	vor.u32 v62, v59  }
0x525: {  	s24 =	simm.s32 $0xD;
	v55 =	vshll.u32 v55, v1;
	v51 =	vshrl.u32 v60, $0x3;
	v44 =	vor.u32 v5, v44  }
0x526: {  	s26 =	simm.s32 $0x7;
	v60 =	vmov s24;
	v53 =	vshll.u32 v53, v1;
	v46 =	vor.u32 v2, v46;
	v50 =	vld.idx.msk [tilespmem:v50+s12+$0x0], $0xffff  }
0x527: {  	v56 =	vshll.u32 v56, v1;
	v54 =	vbroadcast v54, $0x0;
	v52 =	vor.u32 s26, v38;
	v45 =	vld.idx.msk [tilespmem:v45+s12+$0x0], $0xffff  }
0x528: {  	v51 =	vshll.u32 v51, v1;
	v57 =	vshrl.u32 v60, $0x3;
	v58 =	vshrl.u32 v61, $0x3;
	v47 =	vld.idx.msk [tilespmem:v47+s12+$0x0], $0xffff  }
0x529: {  	v53 =	vbroadcast v53, $0x0;
	v58 =	vshll.u32 v58, v1;
	v49 =	vmul.f32 v49, v43;
	v48 =	vld.idx.msk [tilespmem:v48+s12+$0x0], $0xffff  }
0x52a: {  	s22 =	simm.s32 $0x167B0;
	v60 =	vbroadcast v55, $0x0;
	v57 =	vshll.u32 v57, v1;
	v58 =	vbroadcast v58, $0x0;
	v44 =	vld.idx.msk [tilespmem:v44+s12+$0x0], $0xffff  }
0x52b: {  	s28 =	simm.s32 $0x11;
	v54 =	vor.u32 v3, v54;
	v61 =	vbroadcast v56, $0x0;
	v46 =	vld.idx.msk [tilespmem:v46+s12+$0x0], $0xffff;
	[tilespmem:s22+$0x1A0] =	vst v49;
	v49 =	vor.u32 v63, v53  }
0x52c: {  	v52 =	vld.idx.msk [tilespmem:v52+s12+$0x0], $0xffff;
	v56 =	vmov s28;
	v58 =	vor.u32 v37, v58;
	v45 =	vmul.f32 v45, v43  }
0x52d: {  	s30 =	simm.s32 $0x13;
	v53 =	vor.u32 v4, v60;
	v50 =	vmul.f32 v50, v43;
	v47 =	vmul.f32 v47, v43  }
0x52e: {  	v59 =	vmov s30;
	[tilespmem:s22+$0xFFFFFE60] =	vst v45;
	v45 =	vmul.f32 v48, v43;
	v48 =	vbroadcast v57, $0x0  }
0x52f: {  	s23 =	simm.s32 $0x10;
	v60 =	vbroadcast v51, $0x0;
	v51 =	vor.u32 v5, v61;
	v44 =	vmul.f32 v44, v43;
	[tilespmem:s22+$0xFFFFFD90] =	vst v50  }
0x530: {  	s26 =	simm.s32 $0xF;
	v61 =	vmov s23;
	v55 =	vmul.f32 v46, v43;
	[tilespmem:s22+$0xFFFFFF30] =	vst v47;
	v47 =	vld.idx.msk [tilespmem:v49+s12+$0x0], $0xffff;
	v50 =	vor.u32 v2, v48  }
0x531: {  	v46 =	vor.u32 s26, v38;
	s26 =	simm.s32 $0x14;
	v57 =	vmul.f32 v52, v43;
	v52 =	vor.u32 v62, v60;
	[tilespmem:s22+$0x0] =	vst v44;
	v44 =	vld.idx.msk [tilespmem:v58+s12+$0x0], $0xffff  }
0x532: {  	s29 =	simm.s32 $0x12;
	v56 =	vshrl.u32 v56, $0x3;
	v60 =	vmov s26;
	v49 =	vld.idx.msk [tilespmem:v53+s12+$0x0], $0xffff;
	[tilespmem:s22+$0xD0] =	vst v55;
	v55 =	vshrl.u32 v61, $0x3  }
0x533: {  	s31 =	simm.s32 $0x15;
	v58 =	vmov s29;
	v53 =	vshrl.u32 v60, $0x3;
	v48 =	vld.idx.msk [tilespmem:v54+s12+$0x0], $0xffff;
	[tilespmem:s22+$0xFFFFFCC0] =	vst v45;
	v45 =	vshll.u32 v55, v1  }
0x534: {  	s25 =	simm.s32 $0x16;
	s24 =	simm.s32 $0x18;
	v51 =	vld.idx.msk [tilespmem:v51+s12+$0x0], $0xffff;
	v55 =	vmov s31;
	[tilespmem:s22+$0x270] =	vst v57;
	v57 =	vshrl.u32 v58, $0x3;
	v54 =	vshrl.u32 v59, $0x3  }
.LBB2_47:
0x535: {  	p0 =	slt.u32 s24, $0x38;
	v56 =	vshll.u32 v56, v1;
	v55 =	vshrl.u32 v55, $0x3;
	v58 =	vmov s25;
	v50 =	vld.idx.msk [tilespmem:v50+s12+$0x0], $0xffff  }
0x536: {  	v57 =	vshll.u32 v57, v1;
	v44 =	vmul.f32 v44, v43;
	v58 =	vshrl.u32 v58, $0x3;
	v52 =	vld.idx.msk [tilespmem:v52+s12+$0x0], $0xffff  }
0x537: {  	v54 =	vshll.u32 v54, v1;
	s22 =	sadd.s32 $0x680, s22;
	v47 =	vmul.f32 v47, v43;
	v58 =	vshll.u32 v58, v1;
	v46 =	vld.idx.msk [tilespmem:v46+s12+$0x0], $0xffff  }
0x538: {  	v53 =	vshll.u32 v53, v1;
	v48 =	vmul.f32 v48, v43;
	v58 =	vbroadcast v58, $0x0;
	[tilespmem:s22+$0x1A0] =	vst v44  }
0x539: {  	v55 =	vshll.u32 v55, v1;
	v44 =	vbroadcast v56, $0x0;
	[tilespmem:s22+$0xFFFFFD90] =	vst v47;
	v47 =	vmul.f32 v49, v43  }
0x53a: {  	v49 =	vbroadcast v57, $0x0;
	v56 =	vor.u32 v37, v58;
	[tilespmem:s22+$0xFFFFFE60] =	vst v48;
	v48 =	vmul.f32 v51, v43  }
0x53b: {  	v51 =	vor.u32 v63, v44;
	v44 =	vbroadcast v54, $0x0;
	[tilespmem:s22+$0xFFFFFF30] =	vst v47;
	v47 =	vmul.f32 v50, v43  }
0x53c: {  	v49 =	vor.u32 v3, v49;
	v50 =	vbroadcast v53, $0x0;
	v52 =	vmul.f32 v52, v43;
	[tilespmem:s22+$0x0] =	vst v48  }
0x53d: {  	v53 =	vor.u32 v4, v44;
	v44 =	vbroadcast v55, $0x0;
	[tilespmem:s22+$0xD0] =	vst v47;
	v47 =	vmul.f32 v46, v43  }
0x53e: {  	v45 =	vbroadcast v45, $0x0;
	s25 =	sadd.s32 $0x7, s23;
	s23 =	smov.u32 s24;
	v58 =	vor.u32 v5, v50;
	[tilespmem:s22+$0xFFFFFCC0] =	vst v52  }
.Ltmp22:
0x53f: {  	s26 =	sadd.s32 $0x1, s24;
	v48 =	vmov s24;
	v46 =	vor.u32 s25, v38;
	v50 =	vor.u32 v2, v44;
	v44 =	vld.idx.msk [tilespmem:v56+s12+$0x0], $0xffff;
	[tilespmem:s22+$0x270] =	vst v47;
	(pc) =	sbr.rel @p0 .LBB2_47-.Ltmp22, $4  }
0x540: {  	s28 =	sadd.s32 $0x4, s24;
	v55 =	vmov s26;
	s26 =	sadd.s32 $0x3, s24;
	v54 =	vshrl.u32 v48, $0x3;
	s25 =	sadd.s32 $0x2, s24;
	v52 =	vor.u32 v62, v45;
	v47 =	vld.idx.msk [tilespmem:v51+s12+$0x0], $0xffff  }
0x541: {  	v60 =	vmov s28;
	v59 =	vmov s26;
	v51 =	vmov s25;
	s25 =	sadd.s32 $0x5, s24;
	v48 =	vld.idx.msk [tilespmem:v49+s12+$0x0], $0xffff  }
0x542: {  	v45 =	vshll.u32 v54, v1;
	v56 =	vshrl.u32 v55, $0x3;
	v55 =	vmov s25;
	v49 =	vld.idx.msk [tilespmem:v53+s12+$0x0], $0xffff  }
0x543: {  	v54 =	vshrl.u32 v59, $0x3;
	s24 =	sadd.s32 $0x8, s24;
	v57 =	vshrl.u32 v51, $0x3;
	s25 =	sadd.s32 $0x6, s23;
	v53 =	vshrl.u32 v60, $0x3;
	v51 =	vld.idx.msk [tilespmem:v58+s12+$0x0], $0xffff  }
0x544: {  	v58 =	vmov s25  }
0x545: {  	v56 =	vshll.u32 v56, v1;
	v55 =	vshrl.u32 v55, $0x3;
	v57 =	vshll.u32 v57, v1  }
0x546: {  	v54 =	vshll.u32 v54, v1;
	v53 =	vshll.u32 v53, v1;
	v45 =	vbroadcast v45, $0x0;
	s23 =	sadd.s32 $0x7, s23  }
0x547: {  	v44 =	vmul.f32 v44, v43;
	v56 =	vbroadcast v56, $0x0;
	v38 =	vor.u32 s23, v38  }
0x548: {  	v58 =	vshrl.u32 v58, $0x3;
	v57 =	vbroadcast v57, $0x0;
	v45 =	vor.u32 v62, v45  }
0x549: {  	v52 =	vld.idx.msk [tilespmem:v52+s12+$0x0], $0xffff;
	v54 =	vbroadcast v54, $0x0;
	v55 =	vshll.u32 v55, v1;
	v56 =	vor.u32 v63, v56  }
0x54a: {  	v46 =	vld.idx.msk [tilespmem:v46+s12+$0x0], $0xffff;
	v53 =	vbroadcast v53, $0x0;
	v47 =	vmul.f32 v47, v43;
	v57 =	vor.u32 v3, v57  }
0x54b: {  	v50 =	vld.idx.msk [tilespmem:v50+s12+$0x0], $0xffff;
	s24 =	simm.s32 $0x2;
	v58 =	vshll.u32 v58, v1;
	v55 =	vbroadcast v55, $0x0;
	v54 =	vor.u32 v4, v54  }
0x54c: {  	s28 =	simm.s32 $0x3;
	s29 =	simm.s32 $0x4;
	v59 =	vmov s24;
	v58 =	vbroadcast v58, $0x0;
	v53 =	vor.u32 v5, v53;
	v38 =	vld.idx.msk [tilespmem:v38+s12+$0x0], $0xffff  }
0x54d: {  	v60 =	vmov s28;
	v61 =	vmov s29;
	v55 =	vor.u32 v2, v55;
	v45 =	vld.idx.msk [tilespmem:v45+s12+$0x0], $0xffff  }
0x54e: {  	s22 =	sadd.s32 $0x680, s22;
	v48 =	vmul.f32 v48, v43;
	v37 =	vor.u32 v37, v58;
	v4 =	vmul.f32 v52, v43;
	v56 =	vld.idx.msk [tilespmem:v56+s12+$0x0], $0xffff  }
0x54f: {  	s25 =	simm.s32 $0x0;
	s30 =	simm.s32 $0x5;
	[tilespmem:s22+$0x1A0] =	vst v44;
	v44 =	vshrl.u32 v61, $0x3;
	v49 =	vmul.f32 v49, v43;
	v46 =	vmul.f32 v46, v43;
	v57 =	vld.idx.msk [tilespmem:v57+s12+$0x0], $0xffff  }
0x550: {  	v5 =	vmov s25;
	v51 =	vmul.f32 v51, v43;
	[tilespmem:s22+$0xFFFFFCC0] =	vst v4;
	v4 =	vmov s30;
	v54 =	vld.idx.msk [tilespmem:v54+s12+$0x0], $0xffff  }
0x551: {  	s26 =	simm.s32 $0x1;
	v44 =	vshll.u32 v44, v1;
	v50 =	vmul.f32 v50, v43;
	[tilespmem:s22+$0x270] =	vst v46;
	v53 =	vld.idx.msk [tilespmem:v53+s12+$0x0], $0xffff;
	v46 =	vshrl.u32 v4, $0x3  }
0x552: {  	v44 =	vbroadcast v44, $0x0;
	v58 =	vmov s26;
	[tilespmem:s22+$0x0] =	vst v51;
	v55 =	vld.idx.msk [tilespmem:v55+s12+$0x0], $0xffff;
	v46 =	vshll.u32 v46, v1  }
0x553: {  	v51 =	vshrl.u32 v59, $0x3;
	[tilespmem:s22+$0xD0] =	vst v50;
	v50 =	vshrl.u32 v58, $0x3;
	v37 =	vld.idx.msk [tilespmem:v37+s12+$0x0], $0xffff;
	v46 =	vbroadcast v46, $0x0  }
0x554: {  	[tilespmem:s22+$0xFFFFFD90] =	vst v47;
	v61 =	vshll.u32 v51, v1;
	v38 =	vmul.f32 v38, v43;
	v45 =	vmul.f32 v45, v43  }
0x555: {  	[tilespmem:s22+$0xFFFFFE60] =	vst v48;
	v59 =	vshll.u32 v50, v1;
	v47 =	vmul.f32 v56, v43;
	v48 =	vmul.f32 v57, v43  }
0x556: {  	s31 =	simm.s32 $0x6;
	[tilespmem:s22+$0xFFFFFF30] =	vst v49;
	s22 =	sadd.s32 $0x680, s22;
	v46 =	vor.u32 v41, v46;
	v52 =	vmul.f32 v54, v43;
	v49 =	vmul.f32 v53, v43  }
0x557: {  	v57 =	vshrl.u32 v5, $0x3;
	v5 =	vmov s31;
	[tilespmem:s22+$0x270] =	vst v38;
	v38 =	vor.u32 v33, v44  }
0x558: {  	v53 =	vmul.f32 v55, v43;
	v58 =	vshrl.u32 v5, $0x3;
	[tilespmem:s22+$0xFFFFFCC0] =	vst v45;
	v37 =	vmul.f32 v37, v43  }
0x559: {  	s25 =	simm.s32 $0x8;
	v43 =	vshll.u32 v57, v1;
	v57 =	vshrl.u32 v60, $0x3;
	[tilespmem:s22+$0xFFFFFD90] =	vst v47;
	v60 =	vshll.u32 v58, v1  }
0x55a: {  	s28 =	simm.s32 $0x9;
	s30 =	simm.s32 $0xB;
	[tilespmem:s22+$0xFFFFFE60] =	vst v48;
	v47 =	vbroadcast v59, $0x0;
	v48 =	vbroadcast v61, $0x0;
	v58 =	vmov s25  }
0x55b: {  	[tilespmem:s22+$0xFFFFFF30] =	vst v52;
	v59 =	vmov s28;
	v61 =	vmov s30;
	v50 =	vbroadcast v60, $0x0  }
0x55c: {  	s29 =	simm.s32 $0xA;
	[tilespmem:s22+$0x0] =	vst v49;
	v43 =	vbroadcast v43, $0x0;
	v44 =	vshrl.u32 v58, $0x3;
	v47 =	vor.u32 v36, v47  }
0x55d: {  	v60 =	vmov s29;
	[tilespmem:s22+$0x1A0] =	vst v37;
	v37 =	vshll.u32 v57, v1;
	v4 =	vor.u32 v39, v50  }
0x55e: {  	[tilespmem:s22+$0xD0] =	vst v53;
	v51 =	vshrl.u32 v59, $0x3;
	v53 =	vshrl.u32 v61, $0x3;
	v37 =	vbroadcast v37, $0x0  }
0x55f: {  	s25 =	simm.s32 $0xE;
	v5 =	vor.u32 v34, v48;
	v44 =	vshll.u32 v44, v1;
	v52 =	vshrl.u32 v60, $0x3;
	v38 =	vld.idx.msk [tilespmem:v38+s12+$0x0], $0xffff  }
0x560: {  	v51 =	vshll.u32 v51, v1;
	v60 =	vmov s25;
	v57 =	vor.u32 v35, v37;
	v37 =	vld [tilespmem:s21+$0x6480]  }
0x561: {  	s26 =	simm.s32 $0x7;
	v53 =	vshll.u32 v53, v1;
	v43 =	vor.u32 v40, v43;
	v56 =	vshrl.u32 v60, $0x3;
	v47 =	vld.idx.msk [tilespmem:v47+s12+$0x0], $0xffff  }
0x562: {  	v50 =	vor.u32 s26, v42;
	v51 =	vbroadcast v51, $0x0;
	v56 =	vshll.u32 v56, v1;
	v49 =	vld.idx.msk [tilespmem:v4+s12+$0x0], $0xffff  }
0x563: {  	v52 =	vshll.u32 v52, v1;
	v46 =	vld.idx.msk [tilespmem:v46+s12+$0x0], $0xffff;
	v61 =	vbroadcast v53, $0x0;
	v56 =	vbroadcast v56, $0x0  }
0x564: {  	s24 =	simm.s32 $0xD;
	v60 =	vbroadcast v44, $0x0;
	s26 =	simm.s32 $0xF;
	v52 =	vbroadcast v52, $0x0;
	v45 =	vld.idx.msk [tilespmem:v5+s12+$0x0], $0xffff  }
0x565: {  	s31 =	simm.s32 $0xC;
	v44 =	vor.u32 s26, v42;
	v5 =	vmov s24;
	v56 =	vor.u32 v39, v56;
	v48 =	vld.idx.msk [tilespmem:v57+s12+$0x0], $0xffff  }
0x566: {  	v4 =	vmov s31;
	v55 =	vshrl.u32 v5, $0x3;
	v43 =	vld.idx.msk [tilespmem:v43+s12+$0x0], $0xffff;
	v47 =	vmul.f32 v47, v37  }
0x567: {  	s22 =	simm.s32 $0x167C0;
	v50 =	vld.idx.msk [tilespmem:v50+s12+$0x0], $0xffff;
	v54 =	vshrl.u32 v4, $0x3;
	v55 =	vshll.u32 v55, v1;
	v49 =	vmul.f32 v49, v37  }
0x568: {  	v54 =	vshll.u32 v54, v1;
	v38 =	vmul.f32 v38, v37;
	[tilespmem:s22+$0xFFFFFD90] =	vst v47;
	v47 =	vor.u32 v34, v52  }
0x569: {  	v46 =	vmul.f32 v46, v37;
	v4 =	vbroadcast v54, $0x0;
	[tilespmem:s22+$0x1A0] =	vst v49;
	v49 =	vor.u32 v36, v51  }
0x56a: {  	s31 =	simm.s32 $0x15;
	v5 =	vbroadcast v55, $0x0;
	v48 =	vmul.f32 v48, v37;
	v51 =	vor.u32 v35, v61  }
0x56b: {  	v53 =	vmov s31;
	v45 =	vmul.f32 v45, v37;
	[tilespmem:s22+$0x0] =	vst v38;
	v38 =	vld.idx.msk [tilespmem:v56+s12+$0x0], $0xffff;
	v57 =	vor.u32 v33, v4  }
0x56c: {  	s23 =	simm.s32 $0x10;
	s28 =	simm.s32 $0x11;
	v43 =	vmul.f32 v43, v37;
	v55 =	vmul.f32 v50, v37;
	[tilespmem:s22+$0xFFFFFF30] =	vst v48;
	v48 =	vor.u32 v41, v5  }
0x56d: {  	s30 =	simm.s32 $0x13;
	[tilespmem:s22+$0xD0] =	vst v46;
	v4 =	vmov s28;
	v50 =	vor.u32 v40, v60;
	v61 =	vmov s23;
	v46 =	vld.idx.msk [tilespmem:v47+s12+$0x0], $0xffff  }
0x56e: {  	s29 =	simm.s32 $0x12;
	s26 =	simm.s32 $0x14;
	v60 =	vmov s30;
	[tilespmem:s22+$0xFFFFFE60] =	vst v45;
	v54 =	vshrl.u32 v4, $0x3;
	v52 =	vshrl.u32 v61, $0x3;
	v45 =	vld.idx.msk [tilespmem:v49+s12+$0x0], $0xffff  }
0x56f: {  	[tilespmem:s22+$0xFFFFFCC0] =	vst v43;
	v61 =	vmov s26;
	v5 =	vmov s29;
	v43 =	vshll.u32 v52, v1;
	v47 =	vld.idx.msk [tilespmem:v51+s12+$0x0], $0xffff  }
0x570: {  	s25 =	simm.s32 $0x16;
	s24 =	simm.s32 $0x18;
	[tilespmem:s22+$0x270] =	vst v55;
	v52 =	vshrl.u32 v60, $0x3;
	v55 =	vshrl.u32 v5, $0x3;
	v51 =	vshrl.u32 v61, $0x3;
	v49 =	vld.idx.msk [tilespmem:v57+s12+$0x0], $0xffff  }
.LBB2_49:
0x571: {  	p0 =	slt.u32 s24, $0x38;
	v54 =	vshll.u32 v54, v1;
	v53 =	vshrl.u32 v53, $0x3;
	v56 =	vmov s25;
	v48 =	vld.idx.msk [tilespmem:v48+s12+$0x0], $0xffff  }
0x572: {  	v55 =	vshll.u32 v55, v1;
	v38 =	vmul.f32 v38, v37;
	v56 =	vshrl.u32 v56, $0x3;
	v50 =	vld.idx.msk [tilespmem:v50+s12+$0x0], $0xffff  }
0x573: {  	v52 =	vshll.u32 v52, v1;
	s22 =	sadd.s32 $0x680, s22;
	v45 =	vmul.f32 v45, v37;
	v56 =	vshll.u32 v56, v1;
	v44 =	vld.idx.msk [tilespmem:v44+s12+$0x0], $0xffff  }
0x574: {  	v51 =	vshll.u32 v51, v1;
	v46 =	vmul.f32 v46, v37;
	v56 =	vbroadcast v56, $0x0;
	[tilespmem:s22+$0x1A0] =	vst v38  }
0x575: {  	v53 =	vshll.u32 v53, v1;
	v38 =	vbroadcast v54, $0x0;
	[tilespmem:s22+$0xFFFFFD90] =	vst v45;
	v45 =	vmul.f32 v47, v37  }
0x576: {  	v47 =	vbroadcast v55, $0x0;
	v54 =	vor.u32 v39, v56;
	[tilespmem:s22+$0xFFFFFE60] =	vst v46;
	v46 =	vmul.f32 v49, v37  }
0x577: {  	v49 =	vor.u32 v36, v38;
	v38 =	vbroadcast v52, $0x0;
	[tilespmem:s22+$0xFFFFFF30] =	vst v45;
	v45 =	vmul.f32 v48, v37  }
0x578: {  	v47 =	vor.u32 v34, v47;
	v48 =	vbroadcast v51, $0x0;
	v50 =	vmul.f32 v50, v37;
	[tilespmem:s22+$0x0] =	vst v46  }
0x579: {  	v51 =	vor.u32 v35, v38;
	v38 =	vbroadcast v53, $0x0;
	[tilespmem:s22+$0xD0] =	vst v45;
	v45 =	vmul.f32 v44, v37  }
0x57a: {  	v43 =	vbroadcast v43, $0x0;
	s25 =	sadd.s32 $0x7, s23;
	s23 =	smov.u32 s24;
	v56 =	vor.u32 v33, v48;
	[tilespmem:s22+$0xFFFFFCC0] =	vst v50  }
.Ltmp23:
0x57b: {  	s26 =	sadd.s32 $0x1, s24;
	v46 =	vmov s24;
	v44 =	vor.u32 s25, v42;
	v48 =	vor.u32 v41, v38;
	v38 =	vld.idx.msk [tilespmem:v54+s12+$0x0], $0xffff;
	[tilespmem:s22+$0x270] =	vst v45;
	(pc) =	sbr.rel @p0 .LBB2_49-.Ltmp23, $4  }
0x57c: {  	s28 =	sadd.s32 $0x4, s24;
	v53 =	vmov s26;
	s26 =	sadd.s32 $0x3, s24;
	v52 =	vshrl.u32 v46, $0x3;
	s25 =	sadd.s32 $0x2, s24;
	v50 =	vor.u32 v40, v43;
	v45 =	vld.idx.msk [tilespmem:v49+s12+$0x0], $0xffff  }
0x57d: {  	v58 =	vmov s28;
	v57 =	vmov s26;
	v49 =	vmov s25;
	s25 =	sadd.s32 $0x5, s24;
	v46 =	vld.idx.msk [tilespmem:v47+s12+$0x0], $0xffff  }
0x57e: {  	v43 =	vshll.u32 v52, v1;
	v54 =	vshrl.u32 v53, $0x3;
	v53 =	vmov s25;
	v47 =	vld.idx.msk [tilespmem:v51+s12+$0x0], $0xffff  }
0x57f: {  	v52 =	vshrl.u32 v57, $0x3;
	s24 =	sadd.s32 $0x8, s24;
	v55 =	vshrl.u32 v49, $0x3;
	s25 =	sadd.s32 $0x6, s23;
	v51 =	vshrl.u32 v58, $0x3;
	v49 =	vld.idx.msk [tilespmem:v56+s12+$0x0], $0xffff  }
0x580: {  	v56 =	vmov s25;
	v54 =	vshll.u32 v54, v1  }
0x581: {  	v53 =	vshrl.u32 v53, $0x3;
	v55 =	vshll.u32 v55, v1;
	v52 =	vshll.u32 v52, v1  }
0x582: {  	v51 =	vshll.u32 v51, v1;
	v43 =	vbroadcast v43, $0x0;
	v38 =	vmul.f32 v38, v37  }
0x583: {  	v56 =	vshrl.u32 v56, $0x3;
	v54 =	vbroadcast v54, $0x0;
	v55 =	vbroadcast v55, $0x0  }
0x584: {  	s23 =	sadd.s32 $0x7, s23;
	v52 =	vbroadcast v52, $0x0;
	v53 =	vshll.u32 v53, v1;
	v51 =	vbroadcast v51, $0x0  }
0x585: {  	s25 =	simm.s32 $0x0;
	v42 =	vor.u32 s23, v42;
	v57 =	vmul.f32 v45, v37;
	v56 =	vshll.u32 v56, v1  }
0x586: {  	v48 =	vld.idx.msk [tilespmem:v48+s12+$0x0], $0xffff;
	v40 =	vor.u32 v40, v43;
	v58 =	vmul.f32 v46, v37;
	v46 =	vmov s25  }
0x587: {  	v50 =	vld.idx.msk [tilespmem:v50+s12+$0x0], $0xffff;
	v56 =	vbroadcast v56, $0x0;
	v36 =	vor.u32 v36, v54;
	v34 =	vor.u32 v34, v55  }
0x588: {  	v44 =	vld.idx.msk [tilespmem:v44+s12+$0x0], $0xffff;
	s24 =	simm.s32 $0x2;
	s28 =	simm.s32 $0x3;
	s30 =	simm.s32 $0x5;
	v35 =	vor.u32 v35, v52;
	v33 =	vor.u32 v33, v51;
	v59 =	vmul.f32 v47, v37  }
0x589: {  	s22 =	sadd.s32 $0x680, s22;
	s31 =	simm.s32 $0x6;
	v51 =	vmov s24;
	v52 =	vmov s28;
	v54 =	vmov s30  }
0x58a: {  	[tilespmem:s22+$0x1A0] =	vst v38;
	v55 =	vmov s31;
	v60 =	vmul.f32 v49, v37;
	v49 =	vshrl.u32 v46, $0x3  }
0x58b: {  	[tilespmem:s22+$0xFFFFFD90] =	vst v57;
	v45 =	vshrl.u32 v51, $0x3;
	v39 =	vor.u32 v39, v56;
	v56 =	vbroadcast v53, $0x0  }
0x58c: {  	s26 =	simm.s32 $0x1;
	[tilespmem:s22+$0xFFFFFE60] =	vst v58;
	v57 =	vshrl.u32 v55, $0x3;
	v48 =	vmul.f32 v48, v37;
	v61 =	vmul.f32 v50, v37;
	v40 =	vld.idx.msk [tilespmem:v40+s12+$0x0], $0xffff  }
0x58d: {  	s29 =	simm.s32 $0x4;
	s28 =	simm.s32 $0x9;
	v44 =	vmul.f32 v44, v37;
	[tilespmem:s22+$0xFFFFFF30] =	vst v59;
	v50 =	vmov s26;
	v41 =	vor.u32 v41, v56;
	v36 =	vld.idx.msk [tilespmem:v36+s12+$0x0], $0xffff  }
0x58e: {  	v53 =	vmov s29;
	v59 =	vshrl.u32 v54, $0x3;
	v54 =	vmov s28;
	[tilespmem:s22+$0x0] =	vst v60;
	v34 =	vld.idx.msk [tilespmem:v34+s12+$0x0], $0xffff  }
0x58f: {  	s26 =	simm.s32 $0x7;
	s29 =	simm.s32 $0xA;
	v43 =	vshrl.u32 v50, $0x3;
	v38 =	vshrl.u32 v53, $0x3;
	v60 =	vshll.u32 v57, v1;
	[tilespmem:s22+$0xD0] =	vst v48;
	v35 =	vld.idx.msk [tilespmem:v35+s12+$0x0], $0xffff  }
0x590: {  	s31 =	simm.s32 $0xC;
	v47 =	vshll.u32 v59, v1;
	v53 =	vor.u32 s26, v32;
	v55 =	vmov s29;
	[tilespmem:s22+$0xFFFFFCC0] =	vst v61;
	v33 =	vld.idx.msk [tilespmem:v33+s12+$0x0], $0xffff  }
0x591: {  	v57 =	vmov s31;
	[tilespmem:s22+$0x270] =	vst v44;
	v56 =	vshrl.u32 v52, $0x3;
	v39 =	vld.idx.msk [tilespmem:v39+s12+$0x0], $0xffff;
	v40 =	vmul.f32 v40, v37  }
0x592: {  	s22 =	sadd.s32 $0x680, s22;
	v58 =	vshll.u32 v43, v1;
	v61 =	vshll.u32 v45, v1;
	v41 =	vld.idx.msk [tilespmem:v41+s12+$0x0], $0xffff;
	v36 =	vmul.f32 v36, v37  }
0x593: {  	s25 =	simm.s32 $0x8;
	v42 =	vld.idx.msk [tilespmem:v42+s12+$0x0], $0xffff;
	v44 =	vbroadcast v60, $0x0;
	v46 =	vshll.u32 v38, v1;
	v34 =	vmul.f32 v34, v37;
	[tilespmem:s22+$0xFFFFFCC0] =	vst v40  }
0x594: {  	v38 =	vbroadcast v47, $0x0;
	v52 =	vmov s25;
	v35 =	vmul.f32 v35, v37;
	[tilespmem:s22+$0xFFFFFD90] =	vst v36  }
0x595: {  	v43 =	vshrl.u32 v54, $0x3;
	s25 =	simm.s32 $0xE;
	v48 =	vbroadcast v61, $0x0;
	v33 =	vmul.f32 v33, v37;
	[tilespmem:s22+$0xFFFFFE60] =	vst v34  }
0x596: {  	v43 =	vshll.u32 v43, v1;
	v59 =	vmov s25;
	v39 =	vmul.f32 v39, v37;
	[tilespmem:s22+$0xFFFFFF30] =	vst v35  }
0x597: {  	v38 =	vor.u32 v31, v38;
	v50 =	vor.u32 v26, v48;
	[tilespmem:s22+$0x0] =	vst v33;
	v41 =	vmul.f32 v41, v37  }
0x598: {  	v43 =	vbroadcast v43, $0x0;
	v48 =	vshrl.u32 v59, $0x3;
	v37 =	vmul.f32 v42, v37;
	[tilespmem:s22+$0x1A0] =	vst v39  }
0x599: {  	v48 =	vshll.u32 v48, v1;
	v36 =	vbroadcast v58, $0x0;
	v39 =	vshll.u32 v56, v1;
	[tilespmem:s22+$0xD0] =	vst v41  }
0x59a: {  	v42 =	vshll.u32 v49, v1;
	v49 =	vor.u32 v29, v44;
	v39 =	vbroadcast v39, $0x0;
	[tilespmem:s22+$0x270] =	vst v37  }
0x59b: {  	v48 =	vbroadcast v48, $0x0;
	v36 =	vor.u32 v28, v36;
	v51 =	vbroadcast v42, $0x0;
	v33 =	vld [tilespmem:s21+$0x6490]  }
0x59c: {  	s24 =	simm.s32 $0xD;
	v61 =	vor.u32 v28, v43;
	v35 =	vbroadcast v46, $0x0;
	v39 =	vor.u32 v27, v39;
	v40 =	vld.idx.msk [tilespmem:v50+s12+$0x0], $0xffff  }
0x59d: {  	v48 =	vor.u32 v29, v48;
	v58 =	vmov s24;
	v41 =	vor.u32 v30, v51;
	v38 =	vld.idx.msk [tilespmem:v38+s12+$0x0], $0xffff  }
0x59e: {  	s30 =	simm.s32 $0xB;
	v46 =	vshrl.u32 v57, $0x3;
	v35 =	vor.u32 v25, v35;
	v44 =	vshrl.u32 v55, $0x3;
	v42 =	vld.idx.msk [tilespmem:v53+s12+$0x0], $0xffff  }
0x59f: {  	v47 =	vshrl.u32 v58, $0x3;
	v56 =	vmov s30;
	v44 =	vshll.u32 v44, v1;
	v34 =	vld.idx.msk [tilespmem:v49+s12+$0x0], $0xffff  }
0x5a0: {  	v46 =	vshll.u32 v46, v1;
	v45 =	vshrl.u32 v56, $0x3;
	v44 =	vbroadcast v44, $0x0;
	v36 =	vld.idx.msk [tilespmem:v36+s12+$0x0], $0xffff  }
0x5a1: {  	v37 =	vshrl.u32 v52, $0x3;
	v45 =	vshll.u32 v45, v1;
	v39 =	vld.idx.msk [tilespmem:v39+s12+$0x0], $0xffff;
	v40 =	vmul.f32 v40, v33  }
0x5a2: {  	s22 =	simm.s32 $0x167D0;
	v53 =	vbroadcast v46, $0x0;
	v44 =	vor.u32 v26, v44;
	v41 =	vld.idx.msk [tilespmem:v41+s12+$0x0], $0xffff;
	v38 =	vmul.f32 v38, v33  }
0x5a3: {  	v37 =	vshll.u32 v37, v1;
	v52 =	vbroadcast v45, $0x0;
	v35 =	vld.idx.msk [tilespmem:v35+s12+$0x0], $0xffff;
	v55 =	vmul.f32 v42, v33;
	[tilespmem:s22+$0xFFFFFE60] =	vst v40  }
0x5a4: {  	v37 =	vbroadcast v37, $0x0;
	v56 =	vor.u32 v25, v53;
	v34 =	vmul.f32 v34, v33;
	[tilespmem:s22+$0xD0] =	vst v38  }
0x5a5: {  	v47 =	vshll.u32 v47, v1;
	v43 =	vor.u32 v27, v52;
	v36 =	vmul.f32 v36, v33;
	[tilespmem:s22+$0x270] =	vst v55  }
0x5a6: {  	v54 =	vbroadcast v47, $0x0;
	v42 =	vor.u32 v30, v37;
	v37 =	vld.idx.msk [tilespmem:v61+s12+$0x0], $0xffff;
	[tilespmem:s22+$0x1A0] =	vst v34;
	v39 =	vmul.f32 v39, v33  }
0x5a7: {  	s23 =	simm.s32 $0x10;
	v38 =	vld.idx.msk [tilespmem:v44+s12+$0x0], $0xffff;
	[tilespmem:s22+$0xFFFFFD90] =	vst v36;
	v41 =	vmul.f32 v41, v33  }
0x5a8: {  	s28 =	simm.s32 $0x11;
	s29 =	simm.s32 $0x12;
	v57 =	vmov s23;
	v60 =	vmul.f32 v35, v33;
	v40 =	vor.u32 v31, v54;
	v34 =	vld.idx.msk [tilespmem:v48+s12+$0x0], $0xffff;
	[tilespmem:s22+$0xFFFFFF30] =	vst v39  }
0x5a9: {  	s26 =	simm.s32 $0xF;
	v59 =	vmov s29;
	v58 =	vmov s28;
	v39 =	vshrl.u32 v57, $0x3;
	[tilespmem:s22+$0xFFFFFCC0] =	vst v41;
	v41 =	vld.idx.msk [tilespmem:v56+s12+$0x0], $0xffff  }
0x5aa: {  	s30 =	simm.s32 $0x13;
	v47 =	vshrl.u32 v59, $0x3;
	[tilespmem:s22+$0x0] =	vst v60;
	v36 =	vor.u32 s26, v32;
	s26 =	simm.s32 $0x14;
	v35 =	vshll.u32 v39, v1;
	v39 =	vld.idx.msk [tilespmem:v43+s12+$0x0], $0xffff  }
0x5ab: {  	s31 =	simm.s32 $0x15;
	v46 =	vshrl.u32 v58, $0x3;
	v60 =	vmov s30;
	v61 =	vmov s26;
	v5 =	vld [tilespmem:$0x1FC00]  }
0x5ac: {  	s25 =	simm.s32 $0x16;
	s24 =	simm.s32 $0x18;
	v45 =	vmov s31;
	v44 =	vshrl.u32 v60, $0x3;
	v43 =	vshrl.u32 v61, $0x3;
	v2 =	vld [tilespmem:$0x1FBF0]  }
.LBB2_51:
0x5ad: {  	p0 =	slt.u32 s24, $0x38;
	v46 =	vshll.u32 v46, v1;
	v45 =	vshrl.u32 v45, $0x3;
	v48 =	vmov s25;
	v40 =	vld.idx.msk [tilespmem:v40+s12+$0x0], $0xffff  }
0x5ae: {  	v47 =	vshll.u32 v47, v1;
	v34 =	vmul.f32 v34, v33;
	v48 =	vshrl.u32 v48, $0x3;
	v42 =	vld.idx.msk [tilespmem:v42+s12+$0x0], $0xffff  }
0x5af: {  	v44 =	vshll.u32 v44, v1;
	s22 =	sadd.s32 $0x680, s22;
	v37 =	vmul.f32 v37, v33;
	v48 =	vshll.u32 v48, v1;
	v36 =	vld.idx.msk [tilespmem:v36+s12+$0x0], $0xffff  }
0x5b0: {  	v43 =	vshll.u32 v43, v1;
	v38 =	vmul.f32 v38, v33;
	v48 =	vbroadcast v48, $0x0;
	[tilespmem:s22+$0x1A0] =	vst v34  }
0x5b1: {  	v45 =	vshll.u32 v45, v1;
	v34 =	vbroadcast v46, $0x0;
	[tilespmem:s22+$0xFFFFFD90] =	vst v37;
	v37 =	vmul.f32 v39, v33  }
0x5b2: {  	v39 =	vbroadcast v47, $0x0;
	v46 =	vor.u32 v29, v48;
	[tilespmem:s22+$0xFFFFFE60] =	vst v38;
	v38 =	vmul.f32 v41, v33  }
0x5b3: {  	v41 =	vor.u32 v28, v34;
	v34 =	vbroadcast v44, $0x0;
	[tilespmem:s22+$0xFFFFFF30] =	vst v37;
	v37 =	vmul.f32 v40, v33  }
0x5b4: {  	v39 =	vor.u32 v26, v39;
	v40 =	vbroadcast v43, $0x0;
	v42 =	vmul.f32 v42, v33;
	[tilespmem:s22+$0x0] =	vst v38  }
0x5b5: {  	v43 =	vor.u32 v27, v34;
	v34 =	vbroadcast v45, $0x0;
	[tilespmem:s22+$0xD0] =	vst v37;
	v37 =	vmul.f32 v36, v33  }
0x5b6: {  	v35 =	vbroadcast v35, $0x0;
	s25 =	sadd.s32 $0x7, s23;
	s23 =	smov.u32 s24;
	v48 =	vor.u32 v25, v40;
	[tilespmem:s22+$0xFFFFFCC0] =	vst v42  }
.Ltmp24:
0x5b7: {  	s26 =	sadd.s32 $0x1, s24;
	v38 =	vmov s24;
	v36 =	vor.u32 s25, v32;
	v40 =	vor.u32 v31, v34;
	v34 =	vld.idx.msk [tilespmem:v46+s12+$0x0], $0xffff;
	[tilespmem:s22+$0x270] =	vst v37;
	(pc) =	sbr.rel @p0 .LBB2_51-.Ltmp24, $4  }
0x5b8: {  	s28 =	sadd.s32 $0x4, s24;
	v45 =	vmov s26;
	s26 =	sadd.s32 $0x3, s24;
	v44 =	vshrl.u32 v38, $0x3;
	s25 =	sadd.s32 $0x2, s24;
	v42 =	vor.u32 v30, v35;
	v37 =	vld.idx.msk [tilespmem:v41+s12+$0x0], $0xffff  }
0x5b9: {  	v50 =	vmov s28;
	v49 =	vmov s26;
	v41 =	vmov s25;
	s25 =	sadd.s32 $0x5, s24;
	v38 =	vld.idx.msk [tilespmem:v39+s12+$0x0], $0xffff  }
0x5ba: {  	v35 =	vshll.u32 v44, v1;
	v46 =	vshrl.u32 v45, $0x3;
	v45 =	vmov s25;
	v39 =	vld.idx.msk [tilespmem:v43+s12+$0x0], $0xffff  }
0x5bb: {  	v44 =	vshrl.u32 v49, $0x3;
	s24 =	sadd.s32 $0x8, s24;
	v47 =	vshrl.u32 v41, $0x3;
	s25 =	sadd.s32 $0x6, s23;
	v43 =	vshrl.u32 v50, $0x3;
	v41 =	vld.idx.msk [tilespmem:v48+s12+$0x0], $0xffff  }
0x5bc: {  	v48 =	vmov s25  }
0x5bd: {  	v46 =	vshll.u32 v46, v1;
	v45 =	vshrl.u32 v45, $0x3;
	v47 =	vshll.u32 v47, v1  }
0x5be: {  	v44 =	vshll.u32 v44, v1;
	v43 =	vshll.u32 v43, v1;
	v35 =	vbroadcast v35, $0x0;
	s23 =	sadd.s32 $0x7, s23  }
0x5bf: {  	v34 =	vmul.f32 v34, v33;
	v46 =	vbroadcast v46, $0x0;
	v32 =	vor.u32 s23, v32  }
0x5c0: {  	v48 =	vshrl.u32 v48, $0x3;
	v47 =	vbroadcast v47, $0x0;
	v30 =	vor.u32 v30, v35  }
0x5c1: {  	v40 =	vld.idx.msk [tilespmem:v40+s12+$0x0], $0xffff;
	v44 =	vbroadcast v44, $0x0;
	v45 =	vshll.u32 v45, v1;
	v28 =	vor.u32 v28, v46  }
0x5c2: {  	v42 =	vld.idx.msk [tilespmem:v42+s12+$0x0], $0xffff;
	v43 =	vbroadcast v43, $0x0;
	v48 =	vshll.u32 v48, v1;
	v26 =	vor.u32 v26, v47  }
0x5c3: {  	v36 =	vld.idx.msk [tilespmem:v36+s12+$0x0], $0xffff;
	s22 =	sadd.s32 $0x680, s22;
	v49 =	vmul.f32 v37, v33;
	v48 =	vbroadcast v48, $0x0;
	v27 =	vor.u32 v27, v44  }
0x5c4: {  	v50 =	vmul.f32 v38, v33;
	[tilespmem:s22+$0x1A0] =	vst v34;
	v25 =	vor.u32 v25, v43;
	v32 =	vld.idx.msk [tilespmem:v32+s12+$0x0], $0xffff  }
0x5c5: {  	s25 =	simm.s32 $0x0;
	s26 =	simm.s32 $0x1;
	v51 =	vmul.f32 v39, v33;
	[tilespmem:s22+$0xFFFFFD90] =	vst v49;
	v29 =	vor.u32 v29, v48;
	v48 =	vbroadcast v45, $0x0;
	v30 =	vld.idx.msk [tilespmem:v30+s12+$0x0], $0xffff  }
0x5c6: {  	s24 =	simm.s32 $0x2;
	v54 =	vmov s25;
	v56 =	vmov s26;
	v52 =	vmul.f32 v41, v33;
	[tilespmem:s22+$0xFFFFFE60] =	vst v50;
	v28 =	vld.idx.msk [tilespmem:v28+s12+$0x0], $0xffff  }
0x5c7: {  	s28 =	simm.s32 $0x3;
	s29 =	simm.s32 $0x4;
	v57 =	vmov s24;
	v40 =	vmul.f32 v40, v33;
	[tilespmem:s22+$0xFFFFFF30] =	vst v51;
	v31 =	vor.u32 v31, v48;
	v26 =	vld.idx.msk [tilespmem:v26+s12+$0x0], $0xffff  }
0x5c8: {  	s30 =	simm.s32 $0x5;
	s31 =	simm.s32 $0x6;
	v58 =	vmov s28;
	v59 =	vmov s29;
	v53 =	vmul.f32 v42, v33;
	[tilespmem:s22+$0x0] =	vst v52;
	v27 =	vld.idx.msk [tilespmem:v27+s12+$0x0], $0xffff  }
0x5c9: {  	v60 =	vmov s30;
	v61 =	vmov s31;
	v36 =	vmul.f32 v36, v33;
	[tilespmem:s22+$0xD0] =	vst v40;
	v25 =	vld.idx.msk [tilespmem:v25+s12+$0x0], $0xffff  }
0x5ca: {  	v55 =	vshrl.u32 v54, $0x3;
	v35 =	vshrl.u32 v56, $0x3;
	[tilespmem:s22+$0xFFFFFCC0] =	vst v53;
	v29 =	vld.idx.msk [tilespmem:v29+s12+$0x0], $0xffff;
	v32 =	vmul.f32 v32, v33  }
0x5cb: {  	v37 =	vshrl.u32 v57, $0x3;
	v42 =	vshrl.u32 v61, $0x3;
	[tilespmem:s22+$0x270] =	vst v36;
	s22 =	sadd.s32 $0x680, s22;
	v28 =	vmul.f32 v28, v33  }
0x5cc: {  	v34 =	vshrl.u32 v59, $0x3;
	v44 =	vshll.u32 v42, v1;
	v31 =	vld.idx.msk [tilespmem:v31+s12+$0x0], $0xffff;
	v26 =	vmul.f32 v26, v33;
	[tilespmem:s22+$0x270] =	vst v32  }
0x5cd: {  	s26 =	simm.s32 $0x7;
	v43 =	vshrl.u32 v60, $0x3;
	v36 =	vbroadcast v44, $0x0;
	v27 =	vmul.f32 v27, v33;
	[tilespmem:s22+$0xFFFFFD90] =	vst v28  }
0x5ce: {  	v47 =	vor.u32 s26, v24;
	v30 =	vmul.f32 v30, v33;
	v25 =	vmul.f32 v25, v33;
	[tilespmem:s22+$0xFFFFFE60] =	vst v26  }
0x5cf: {  	v29 =	vmul.f32 v29, v33;
	v28 =	vshll.u32 v35, v1;
	v26 =	vshll.u32 v37, v1;
	[tilespmem:s22+$0xFFFFFF30] =	vst v27  }
0x5d0: {  	v27 =	vshll.u32 v34, v1;
	[tilespmem:s22+$0x0] =	vst v25;
	v28 =	vbroadcast v28, $0x0;
	v25 =	vbroadcast v26, $0x0  }
0x5d1: {  	[tilespmem:s22+$0xFFFFFCC0] =	vst v30;
	v26 =	vor.u32 v21, v36;
	v27 =	vbroadcast v27, $0x0;
	v31 =	vmul.f32 v31, v33  }
0x5d2: {  	v33 =	vshll.u32 v55, v1;
	[tilespmem:s22+$0x1A0] =	vst v29;
	v29 =	vshrl.u32 v58, $0x3;
	v28 =	vor.u32 v20, v28  }
0x5d3: {  	v29 =	vshll.u32 v29, v1;
	v30 =	vor.u32 v18, v25;
	v33 =	vbroadcast v33, $0x0;
	[tilespmem:s22+$0xD0] =	vst v31  }
0x5d4: {  	v45 =	vshll.u32 v43, v1;
	v27 =	vor.u32 v17, v27;
	v29 =	vbroadcast v29, $0x0;
	v25 =	vld [tilespmem:s21+$0x64A0]  }
0x5d5: {  	v31 =	vbroadcast v45, $0x0;
	v33 =	vor.u32 v22, v33;
	v34 =	vld.idx.msk [tilespmem:v47+s12+$0x0], $0xffff  }
0x5d6: {  	s25 =	simm.s32 $0x8;
	v29 =	vor.u32 v19, v29;
	v26 =	vld.idx.msk [tilespmem:v26+s12+$0x0], $0xffff  }
0x5d7: {  	v46 =	vmov s25;
	s25 =	simm.s32 $0xE;
	v31 =	vor.u32 v23, v31;
	v28 =	vld.idx.msk [tilespmem:v28+s12+$0x0], $0xffff  }
0x5d8: {  	s29 =	simm.s32 $0xA;
	v53 =	vmov s25;
	v30 =	vld.idx.msk [tilespmem:v30+s12+$0x0], $0xffff  }
0x5d9: {  	v49 =	vmov s29;
	v40 =	vshrl.u32 v53, $0x3;
	v27 =	vld.idx.msk [tilespmem:v27+s12+$0x0], $0xffff  }
0x5da: {  	v40 =	vshll.u32 v40, v1;
	v36 =	vshrl.u32 v49, $0x3;
	v33 =	vld.idx.msk [tilespmem:v33+s12+$0x0], $0xffff;
	v55 =	vmul.f32 v34, v25  }
0x5db: {  	v40 =	vbroadcast v40, $0x0;
	v36 =	vshll.u32 v36, v1;
	s22 =	simm.s32 $0x167E0;
	v29 =	vld.idx.msk [tilespmem:v29+s12+$0x0], $0xffff;
	v26 =	vmul.f32 v26, v25  }
0x5dc: {  	s30 =	simm.s32 $0xB;
	v36 =	vbroadcast v36, $0x0;
	v31 =	vld.idx.msk [tilespmem:v31+s12+$0x0], $0xffff;
	[tilespmem:s22+$0x270] =	vst v55;
	v28 =	vmul.f32 v28, v25  }
0x5dd: {  	s24 =	simm.s32 $0xD;
	v50 =	vmov s30;
	v40 =	vor.u32 v21, v40;
	v30 =	vmul.f32 v30, v25;
	[tilespmem:s22+$0x1A0] =	vst v26  }
0x5de: {  	s31 =	simm.s32 $0xC;
	v52 =	vmov s24;
	v36 =	vor.u32 v18, v36;
	v26 =	vmul.f32 v27, v25;
	[tilespmem:s22+$0xFFFFFD90] =	vst v28  }
0x5df: {  	s28 =	simm.s32 $0x9;
	v51 =	vmov s31;
	v39 =	vshrl.u32 v52, $0x3;
	[tilespmem:s22+$0xFFFFFE60] =	vst v30;
	v33 =	vmul.f32 v33, v25  }
0x5e0: {  	v48 =	vmov s28;
	v39 =	vshll.u32 v39, v1;
	[tilespmem:s22+$0x0] =	vst v26;
	v29 =	vmul.f32 v29, v25  }
0x5e1: {  	v32 =	vshrl.u32 v46, $0x3;
	v30 =	vbroadcast v39, $0x0;
	v31 =	vmul.f32 v31, v25;
	[tilespmem:s22+$0xFFFFFCC0] =	vst v33  }
0x5e2: {  	v32 =	vshll.u32 v32, v1;
	v35 =	vshrl.u32 v48, $0x3;
	v37 =	vshrl.u32 v50, $0x3;
	v26 =	vld.idx.msk [tilespmem:v40+s12+$0x0], $0xffff;
	[tilespmem:s22+$0xFFFFFF30] =	vst v29  }
0x5e3: {  	v35 =	vshll.u32 v35, v1;
	v29 =	vbroadcast v32, $0x0;
	v32 =	vor.u32 v23, v30;
	[tilespmem:s22+$0xD0] =	vst v31;
	v30 =	vld.idx.msk [tilespmem:v36+s12+$0x0], $0xffff  }
0x5e4: {  	v38 =	vshrl.u32 v51, $0x3;
	v37 =	vshll.u32 v37, v1;
	v35 =	vbroadcast v35, $0x0;
	v51 =	vld [tilespmem:$0x1FF70]  }
0x5e5: {  	v38 =	vshll.u32 v38, v1;
	s28 =	simm.s32 $0x11;
	v54 =	vbroadcast v37, $0x0;
	v52 =	vld [tilespmem:$0x1FF80]  }
0x5e6: {  	v58 =	vmov s28;
	v27 =	vor.u32 v20, v35;
	v28 =	vbroadcast v38, $0x0;
	v53 =	vld [tilespmem:$0x1FFA0]  }
0x5e7: {  	v35 =	vor.u32 v19, v54;
	v38 =	vshrl.u32 v58, $0x3;
	v58 =	vld [tilespmem:$0x1FFB0]  }
0x5e8: {  	v56 =	vor.u32 v17, v28;
	v6 =	vld [tilespmem:$0x1FBD0]  }
0x5e9: {  	s23 =	simm.s32 $0x10;
	s29 =	simm.s32 $0x12;
	v4 =	vld [tilespmem:$0x1FBB0]  }
0x5ea: {  	v57 =	vmov s23;
	s26 =	simm.s32 $0xF;
	s30 =	simm.s32 $0x13;
	v59 =	vmov s29;
	v7 =	vld [tilespmem:$0x1FBE0];
	v34 =	vor.u32 v22, v29  }
0x5eb: {  	v60 =	vmov s30;
	s31 =	simm.s32 $0x15;
	v28 =	vor.u32 s26, v24;
	s26 =	simm.s32 $0x14;
	v31 =	vshrl.u32 v57, $0x3;
	v29 =	vld.idx.msk [tilespmem:v27+s12+$0x0], $0xffff  }
0x5ec: {  	v37 =	vmov s31;
	v61 =	vmov s26;
	v27 =	vshll.u32 v31, v1;
	v31 =	vld.idx.msk [tilespmem:v35+s12+$0x0], $0xffff  }
0x5ed: {  	s24 =	simm.s32 $0x18;
	s25 =	simm.s32 $0x16;
	v39 =	vshrl.u32 v59, $0x3;
	v36 =	vshrl.u32 v60, $0x3;
	v35 =	vshrl.u32 v61, $0x3;
	v33 =	vld.idx.msk [tilespmem:v56+s12+$0x0], $0xffff  }
.LBB2_53:
0x5ee: {  	p0 =	slt.u32 s24, $0x38;
	v38 =	vshll.u32 v38, v1;
	v37 =	vshrl.u32 v37, $0x3;
	v40 =	vmov s25;
	v32 =	vld.idx.msk [tilespmem:v32+s12+$0x0], $0xffff  }
0x5ef: {  	v39 =	vshll.u32 v39, v1;
	v26 =	vmul.f32 v26, v25;
	v40 =	vshrl.u32 v40, $0x3;
	v34 =	vld.idx.msk [tilespmem:v34+s12+$0x0], $0xffff  }
0x5f0: {  	v36 =	vshll.u32 v36, v1;
	s22 =	sadd.s32 $0x680, s22;
	v29 =	vmul.f32 v29, v25;
	v40 =	vshll.u32 v40, v1;
	v28 =	vld.idx.msk [tilespmem:v28+s12+$0x0], $0xffff  }
0x5f1: {  	v35 =	vshll.u32 v35, v1;
	v30 =	vmul.f32 v30, v25;
	v40 =	vbroadcast v40, $0x0;
	[tilespmem:s22+$0x1A0] =	vst v26  }
0x5f2: {  	v37 =	vshll.u32 v37, v1;
	v26 =	vbroadcast v38, $0x0;
	[tilespmem:s22+$0xFFFFFD90] =	vst v29;
	v29 =	vmul.f32 v31, v25  }
0x5f3: {  	v31 =	vbroadcast v39, $0x0;
	v38 =	vor.u32 v21, v40;
	[tilespmem:s22+$0xFFFFFE60] =	vst v30;
	v30 =	vmul.f32 v33, v25  }
0x5f4: {  	v33 =	vor.u32 v20, v26;
	v26 =	vbroadcast v36, $0x0;
	[tilespmem:s22+$0xFFFFFF30] =	vst v29;
	v29 =	vmul.f32 v32, v25  }
0x5f5: {  	v31 =	vor.u32 v18, v31;
	v32 =	vbroadcast v35, $0x0;
	v34 =	vmul.f32 v34, v25;
	[tilespmem:s22+$0x0] =	vst v30  }
0x5f6: {  	v35 =	vor.u32 v19, v26;
	v26 =	vbroadcast v37, $0x0;
	[tilespmem:s22+$0xD0] =	vst v29;
	v29 =	vmul.f32 v28, v25  }
0x5f7: {  	v27 =	vbroadcast v27, $0x0;
	s25 =	sadd.s32 $0x7, s23;
	s23 =	smov.u32 s24;
	v40 =	vor.u32 v17, v32;
	[tilespmem:s22+$0xFFFFFCC0] =	vst v34  }
.Ltmp25:
0x5f8: {  	s26 =	sadd.s32 $0x1, s24;
	v30 =	vmov s24;
	v28 =	vor.u32 s25, v24;
	v32 =	vor.u32 v23, v26;
	v26 =	vld.idx.msk [tilespmem:v38+s12+$0x0], $0xffff;
	[tilespmem:s22+$0x270] =	vst v29;
	(pc) =	sbr.rel @p0 .LBB2_53-.Ltmp25, $4  }
0x5f9: {  	s28 =	sadd.s32 $0x4, s24;
	v37 =	vmov s26;
	s26 =	sadd.s32 $0x3, s24;
	v36 =	vshrl.u32 v30, $0x3;
	s25 =	sadd.s32 $0x2, s24;
	v34 =	vor.u32 v22, v27;
	v29 =	vld.idx.msk [tilespmem:v33+s12+$0x0], $0xffff  }
0x5fa: {  	v42 =	vmov s28;
	v41 =	vmov s26;
	v33 =	vmov s25;
	s25 =	sadd.s32 $0x5, s24;
	v30 =	vld.idx.msk [tilespmem:v31+s12+$0x0], $0xffff  }
0x5fb: {  	v27 =	vshll.u32 v36, v1;
	v38 =	vshrl.u32 v37, $0x3;
	v37 =	vmov s25;
	v31 =	vld.idx.msk [tilespmem:v35+s12+$0x0], $0xffff  }
0x5fc: {  	v36 =	vshrl.u32 v41, $0x3;
	s24 =	sadd.s32 $0x8, s24;
	v39 =	vshrl.u32 v33, $0x3;
	s25 =	sadd.s32 $0x6, s23;
	v35 =	vshrl.u32 v42, $0x3;
	v33 =	vld.idx.msk [tilespmem:v40+s12+$0x0], $0xffff  }
0x5fd: {  	v40 =	vmov s25;
	v38 =	vshll.u32 v38, v1  }
0x5fe: {  	v37 =	vshrl.u32 v37, $0x3;
	v39 =	vshll.u32 v39, v1;
	v27 =	vbroadcast v27, $0x0;
	s23 =	sadd.s32 $0x7, s23  }
0x5ff: {  	v36 =	vshll.u32 v36, v1;
	v38 =	vbroadcast v38, $0x0;
	v24 =	vor.u32 s23, v24  }
0x600: {  	v35 =	vshll.u32 v35, v1;
	v39 =	vbroadcast v39, $0x0;
	v22 =	vor.u32 v22, v27  }
0x601: {  	v32 =	vld.idx.msk [tilespmem:v32+s12+$0x0], $0xffff;
	v40 =	vshrl.u32 v40, $0x3;
	v36 =	vbroadcast v36, $0x0;
	v20 =	vor.u32 v20, v38  }
0x602: {  	v34 =	vld.idx.msk [tilespmem:v34+s12+$0x0], $0xffff;
	v37 =	vshll.u32 v37, v1;
	v35 =	vbroadcast v35, $0x0;
	v18 =	vor.u32 v18, v39  }
0x603: {  	v28 =	vld.idx.msk [tilespmem:v28+s12+$0x0], $0xffff;
	v40 =	vshll.u32 v40, v1;
	v55 =	vbroadcast v37, $0x0;
	v19 =	vor.u32 v19, v36  }
0x604: {  	v40 =	vbroadcast v40, $0x0;
	v17 =	vor.u32 v17, v35;
	v24 =	vld.idx.msk [tilespmem:v24+s12+$0x0], $0xffff  }
0x605: {  	v26 =	vmul.f32 v26, v25;
	v23 =	vor.u32 v23, v55;
	v22 =	vld.idx.msk [tilespmem:v22+s12+$0x0], $0xffff  }
0x606: {  	s22 =	sadd.s32 $0x680, s22;
	v27 =	vmul.f32 v29, v25;
	v21 =	vor.u32 v21, v40;
	v20 =	vld.idx.msk [tilespmem:v20+s12+$0x0], $0xffff  }
0x607: {  	v29 =	vmul.f32 v30, v25;
	[tilespmem:s22+$0x1A0] =	vst v26;
	v18 =	vld.idx.msk [tilespmem:v18+s12+$0x0], $0xffff  }
0x608: {  	v30 =	vmul.f32 v31, v25;
	[tilespmem:s22+$0xFFFFFD90] =	vst v27;
	v19 =	vld.idx.msk [tilespmem:v19+s12+$0x0], $0xffff  }
0x609: {  	s25 =	simm.s32 $0x0;
	s24 =	simm.s32 $0x2;
	v31 =	vmul.f32 v33, v25;
	[tilespmem:s22+$0xFFFFFE60] =	vst v29;
	v17 =	vld.idx.msk [tilespmem:v17+s12+$0x0], $0xffff  }
0x60a: {  	s28 =	simm.s32 $0x3;
	v27 =	vmov s25;
	v29 =	vmov s24;
	v32 =	vmul.f32 v32, v25;
	[tilespmem:s22+$0xFFFFFF30] =	vst v30;
	v23 =	vld.idx.msk [tilespmem:v23+s12+$0x0], $0xffff  }
0x60b: {  	s31 =	simm.s32 $0x6;
	v26 =	vmul.f32 v34, v25;
	v28 =	vmul.f32 v28, v25;
	v30 =	vmov s28;
	[tilespmem:s22+$0x0] =	vst v31;
	v21 =	vld.idx.msk [tilespmem:v21+s12+$0x0], $0xffff  }
0x60c: {  	s29 =	simm.s32 $0x4;
	v29 =	vshrl.u32 v29, $0x3;
	v31 =	vmov s31;
	[tilespmem:s22+$0xD0] =	vst v32;
	v24 =	vmul.f32 v24, v25  }
0x60d: {  	s30 =	simm.s32 $0x5;
	[tilespmem:s22+$0xFFFFFCC0] =	vst v26;
	v26 =	vmov s29;
	v22 =	vmul.f32 v22, v25;
	v18 =	vmul.f32 v18, v25  }
0x60e: {  	[tilespmem:s22+$0x270] =	vst v28;
	s22 =	sadd.s32 $0x680, s22;
	v28 =	vmov s30;
	v20 =	vmul.f32 v20, v25;
	v19 =	vmul.f32 v19, v25  }
0x60f: {  	s26 =	simm.s32 $0x1;
	v26 =	vshrl.u32 v26, $0x3;
	v17 =	vmul.f32 v17, v25;
	v23 =	vmul.f32 v23, v25;
	[tilespmem:s22+$0xFFFFFE60] =	vst v18  }
0x610: {  	v21 =	vmul.f32 v21, v25;
	v25 =	vshrl.u32 v27, $0x3;
	v27 =	vmov s26;
	[tilespmem:s22+$0xFFFFFF30] =	vst v19  }
0x611: {  	v18 =	vshll.u32 v29, v1;
	v19 =	vshll.u32 v26, v1;
	[tilespmem:s22+$0x0] =	vst v17;
	v25 =	vshll.u32 v25, v1  }
0x612: {  	v27 =	vshrl.u32 v27, $0x3;
	v17 =	vbroadcast v18, $0x0;
	[tilespmem:s22+$0x1A0] =	vst v21;
	v21 =	vshrl.u32 v30, $0x3  }
0x613: {  	[tilespmem:s22+$0xFFFFFD90] =	vst v20;
	v30 =	vshrl.u32 v31, $0x3;
	v20 =	vshll.u32 v27, v1;
	v25 =	vbroadcast v25, $0x0  }
0x614: {  	[tilespmem:s22+$0xFFFFFCC0] =	vst v22;
	v27 =	vshrl.u32 v28, $0x3;
	v20 =	vbroadcast v20, $0x0;
	v22 =	vor.u32 v10, v17  }
0x615: {  	v28 =	vshll.u32 v30, v1;
	v21 =	vshll.u32 v21, v1;
	v25 =	vor.u32 v14, v25  }
0x616: {  	[tilespmem:s22+$0x270] =	vst v24;
	s26 =	simm.s32 $0x7;
	v26 =	vshll.u32 v27, v1;
	v28 =	vbroadcast v28, $0x0;
	v20 =	vor.u32 v12, v20  }
0x617: {  	[tilespmem:s22+$0xD0] =	vst v23;
	v21 =	vbroadcast v21, $0x0;
	v23 =	vbroadcast v26, $0x0;
	v26 =	vor.u32 s26, v16  }
0x618: {  	v17 =	vld [tilespmem:s21+$0x64B0];
	v18 =	vor.u32 v13, v28  }
0x619: {  	s25 =	simm.s32 $0x8;
	v19 =	vbroadcast v19, $0x0;
	v21 =	vor.u32 v11, v21;
	v22 =	vld.idx.msk [tilespmem:v22+s12+$0x0], $0xffff  }
0x61a: {  	v24 =	vmov s25;
	s25 =	simm.s32 $0xE;
	v23 =	vor.u32 v15, v23;
	v25 =	vld.idx.msk [tilespmem:v25+s12+$0x0], $0xffff  }
0x61b: {  	s29 =	simm.s32 $0xA;
	v56 =	vmov s25;
	v19 =	vor.u32 v9, v19;
	v20 =	vld.idx.msk [tilespmem:v20+s12+$0x0], $0xffff  }
0x61c: {  	v32 =	vshrl.u32 v56, $0x3;
	v28 =	vmov s29;
	v26 =	vld.idx.msk [tilespmem:v26+s12+$0x0], $0xffff  }
0x61d: {  	s24 =	simm.s32 $0xD;
	v32 =	vshll.u32 v32, v1;
	v28 =	vshrl.u32 v28, $0x3;
	v18 =	vld.idx.msk [tilespmem:v18+s12+$0x0], $0xffff  }
0x61e: {  	v31 =	vmov s24;
	v28 =	vshll.u32 v28, v1;
	v21 =	vld.idx.msk [tilespmem:v21+s12+$0x0], $0xffff;
	v22 =	vmul.f32 v22, v17  }
0x61f: {  	s22 =	simm.s32 $0x167F0;
	v31 =	vshrl.u32 v31, $0x3;
	v28 =	vbroadcast v28, $0x0;
	v23 =	vld.idx.msk [tilespmem:v23+s12+$0x0], $0xffff;
	v25 =	vmul.f32 v25, v17  }
0x620: {  	v32 =	vbroadcast v32, $0x0;
	v31 =	vshll.u32 v31, v1;
	v19 =	vld.idx.msk [tilespmem:v19+s12+$0x0], $0xffff;
	v20 =	vmul.f32 v20, v17;
	[tilespmem:s22+$0xFFFFFE60] =	vst v22  }
0x621: {  	v28 =	vor.u32 v10, v28;
	v22 =	vbroadcast v31, $0x0;
	v31 =	vmul.f32 v26, v17;
	[tilespmem:s22+$0xFFFFFCC0] =	vst v25  }
0x622: {  	v32 =	vor.u32 v13, v32;
	v18 =	vmul.f32 v18, v17;
	[tilespmem:s22+$0xFFFFFD90] =	vst v20  }
0x623: {  	v21 =	vmul.f32 v21, v17;
	[tilespmem:s22+$0x270] =	vst v31  }
0x624: {  	v24 =	vshrl.u32 v24, $0x3;
	v23 =	vmul.f32 v23, v17;
	[tilespmem:s22+$0x1A0] =	vst v18  }
0x625: {  	s28 =	simm.s32 $0x9;
	v24 =	vshll.u32 v24, v1;
	v18 =	vmul.f32 v19, v17;
	[tilespmem:s22+$0xFFFFFF30] =	vst v21  }
0x626: {  	s31 =	simm.s32 $0xC;
	v27 =	vmov s28;
	v21 =	vbroadcast v24, $0x0;
	v24 =	vor.u32 v15, v22;
	[tilespmem:s22+$0xD0] =	vst v23;
	v22 =	vld.idx.msk [tilespmem:v28+s12+$0x0], $0xffff  }
0x627: {  	s30 =	simm.s32 $0xB;
	v30 =	vmov s31;
	v27 =	vshrl.u32 v27, $0x3;
	[tilespmem:s22+$0x0] =	vst v18;
	v18 =	vld.idx.msk [tilespmem:v32+s12+$0x0], $0xffff  }
0x628: {  	v29 =	vmov s30;
	v30 =	vshrl.u32 v30, $0x3;
	v27 =	vshll.u32 v27, v1;
	v43 =	vld [tilespmem:$0x1FED0]  }
0x629: {  	v29 =	vshrl.u32 v29, $0x3;
	v30 =	vshll.u32 v30, v1;
	v27 =	vbroadcast v27, $0x0;
	v44 =	vld [tilespmem:$0x1FEE0]  }
0x62a: {  	v29 =	vshll.u32 v29, v1;
	v20 =	vbroadcast v30, $0x0;
	v45 =	vld [tilespmem:$0x1FEF0]  }
0x62b: {  	v19 =	vor.u32 v12, v27;
	v27 =	vbroadcast v29, $0x0;
	v46 =	vld [tilespmem:$0x1FF00]  }
0x62c: {  	v57 =	vor.u32 v9, v20;
	v47 =	vld [tilespmem:$0x1FF10]  }
0x62d: {  	s23 =	simm.s32 $0x10;
	s30 =	simm.s32 $0x13;
	v27 =	vor.u32 v11, v27;
	v48 =	vld [tilespmem:$0x1FF40]  }
0x62e: {  	v60 =	vmov s30;
	s29 =	simm.s32 $0x12;
	v26 =	vmov s23;
	v49 =	vld [tilespmem:$0x1FF50]  }
0x62f: {  	s28 =	simm.s32 $0x11;
	s26 =	simm.s32 $0xF;
	v59 =	vmov s29;
	v23 =	vshrl.u32 v26, $0x3;
	v26 =	vor.u32 v14, v21;
	v50 =	vld [tilespmem:$0x1FF60]  }
0x630: {  	v31 =	vshrl.u32 v59, $0x3;
	v29 =	vmov s28;
	v20 =	vor.u32 s26, v16;
	s26 =	simm.s32 $0x14;
	v21 =	vld.idx.msk [tilespmem:v19+s12+$0x0], $0xffff  }
0x631: {  	s31 =	simm.s32 $0x15;
	v28 =	vshrl.u32 v60, $0x3;
	v30 =	vshrl.u32 v29, $0x3;
	v61 =	vmov s26;
	v25 =	vld.idx.msk [tilespmem:v57+s12+$0x0], $0xffff  }
0x632: {  	s25 =	simm.s32 $0x16;
	s24 =	simm.s32 $0x18;
	v29 =	vmov s31;
	v19 =	vshll.u32 v23, v1;
	v23 =	vld.idx.msk [tilespmem:v27+s12+$0x0], $0xffff;
	v27 =	vshrl.u32 v61, $0x3  }
.LBB2_55:
0x633: {  	p0 =	slt.u32 s24, $0x38;
	v30 =	vshll.u32 v30, v1;
	v29 =	vshrl.u32 v29, $0x3;
	v32 =	vmov s25;
	v24 =	vld.idx.msk [tilespmem:v24+s12+$0x0], $0xffff  }
0x634: {  	v31 =	vshll.u32 v31, v1;
	v18 =	vmul.f32 v18, v17;
	v32 =	vshrl.u32 v32, $0x3;
	v26 =	vld.idx.msk [tilespmem:v26+s12+$0x0], $0xffff  }
0x635: {  	v28 =	vshll.u32 v28, v1;
	s22 =	sadd.s32 $0x680, s22;
	v21 =	vmul.f32 v21, v17;
	v32 =	vshll.u32 v32, v1;
	v20 =	vld.idx.msk [tilespmem:v20+s12+$0x0], $0xffff  }
0x636: {  	v27 =	vshll.u32 v27, v1;
	v22 =	vmul.f32 v22, v17;
	v32 =	vbroadcast v32, $0x0;
	[tilespmem:s22+$0x1A0] =	vst v18  }
0x637: {  	v29 =	vshll.u32 v29, v1;
	v18 =	vbroadcast v30, $0x0;
	[tilespmem:s22+$0xFFFFFD90] =	vst v21;
	v21 =	vmul.f32 v23, v17  }
0x638: {  	v23 =	vbroadcast v31, $0x0;
	v30 =	vor.u32 v13, v32;
	[tilespmem:s22+$0xFFFFFE60] =	vst v22;
	v22 =	vmul.f32 v25, v17  }
0x639: {  	v25 =	vor.u32 v12, v18;
	v18 =	vbroadcast v28, $0x0;
	[tilespmem:s22+$0xFFFFFF30] =	vst v21;
	v21 =	vmul.f32 v24, v17  }
0x63a: {  	v23 =	vor.u32 v10, v23;
	v24 =	vbroadcast v27, $0x0;
	v26 =	vmul.f32 v26, v17;
	[tilespmem:s22+$0x0] =	vst v22  }
0x63b: {  	v27 =	vor.u32 v11, v18;
	v18 =	vbroadcast v29, $0x0;
	[tilespmem:s22+$0xD0] =	vst v21;
	v21 =	vmul.f32 v20, v17  }
0x63c: {  	v19 =	vbroadcast v19, $0x0;
	s25 =	sadd.s32 $0x7, s23;
	s23 =	smov.u32 s24;
	v32 =	vor.u32 v9, v24;
	[tilespmem:s22+$0xFFFFFCC0] =	vst v26  }
.Ltmp26:
0x63d: {  	s26 =	sadd.s32 $0x1, s24;
	v22 =	vmov s24;
	v20 =	vor.u32 s25, v16;
	v24 =	vor.u32 v15, v18;
	v18 =	vld.idx.msk [tilespmem:v30+s12+$0x0], $0xffff;
	[tilespmem:s22+$0x270] =	vst v21;
	(pc) =	sbr.rel @p0 .LBB2_55-.Ltmp26, $4  }
0x63e: {  	s28 =	sadd.s32 $0x4, s24;
	v29 =	vmov s26;
	s26 =	sadd.s32 $0x3, s24;
	v28 =	vshrl.u32 v22, $0x3;
	s25 =	sadd.s32 $0x2, s24;
	v26 =	vor.u32 v14, v19;
	v21 =	vld.idx.msk [tilespmem:v25+s12+$0x0], $0xffff  }
0x63f: {  	v34 =	vmov s28;
	v33 =	vmov s26;
	v25 =	vmov s25;
	s25 =	sadd.s32 $0x5, s24;
	v22 =	vld.idx.msk [tilespmem:v23+s12+$0x0], $0xffff  }
0x640: {  	v19 =	vshll.u32 v28, v1;
	v30 =	vshrl.u32 v29, $0x3;
	v29 =	vmov s25;
	v23 =	vld.idx.msk [tilespmem:v27+s12+$0x0], $0xffff  }
0x641: {  	v28 =	vshrl.u32 v33, $0x3;
	s24 =	sadd.s32 $0x8, s24;
	v31 =	vshrl.u32 v25, $0x3;
	s25 =	sadd.s32 $0x6, s23;
	v27 =	vshrl.u32 v34, $0x3;
	v25 =	vld.idx.msk [tilespmem:v32+s12+$0x0], $0xffff  }
0x642: {  	v32 =	vmov s25;
	v30 =	vshll.u32 v30, v1  }
0x643: {  	v29 =	vshrl.u32 v29, $0x3;
	v31 =	vshll.u32 v31, v1;
	v19 =	vbroadcast v19, $0x0;
	s23 =	sadd.s32 $0x7, s23  }
0x644: {  	v28 =	vshll.u32 v28, v1;
	v30 =	vbroadcast v30, $0x0;
	v16 =	vor.u32 s23, v16  }
0x645: {  	v27 =	vshll.u32 v27, v1;
	v31 =	vbroadcast v31, $0x0;
	v14 =	vor.u32 v14, v19  }
0x646: {  	v24 =	vld.idx.msk [tilespmem:v24+s12+$0x0], $0xffff;
	v32 =	vshrl.u32 v32, $0x3;
	v28 =	vbroadcast v28, $0x0;
	v12 =	vor.u32 v12, v30  }
0x647: {  	v26 =	vld.idx.msk [tilespmem:v26+s12+$0x0], $0xffff;
	v27 =	vbroadcast v27, $0x0;
	v32 =	vshll.u32 v32, v1;
	v10 =	vor.u32 v10, v31  }
0x648: {  	v20 =	vld.idx.msk [tilespmem:v20+s12+$0x0], $0xffff;
	v29 =	vshll.u32 v29, v1;
	v32 =	vbroadcast v32, $0x0;
	v11 =	vor.u32 v11, v28  }
0x649: {  	v18 =	vmul.f32 v18, v17;
	v28 =	vbroadcast v29, $0x0;
	v9 =	vor.u32 v9, v27;
	v16 =	vld.idx.msk [tilespmem:v16+s12+$0x0], $0xffff  }
0x64a: {  	s22 =	sadd.s32 $0x680, s22;
	v19 =	vmul.f32 v21, v17;
	v13 =	vor.u32 v13, v32;
	v14 =	vld.idx.msk [tilespmem:v14+s12+$0x0], $0xffff  }
0x64b: {  	v21 =	vmul.f32 v22, v17;
	[tilespmem:s22+$0x1A0] =	vst v18;
	v15 =	vor.u32 v15, v28;
	v12 =	vld.idx.msk [tilespmem:v12+s12+$0x0], $0xffff  }
0x64c: {  	v22 =	vmul.f32 v23, v17;
	[tilespmem:s22+$0xFFFFFD90] =	vst v19;
	v10 =	vld.idx.msk [tilespmem:v10+s12+$0x0], $0xffff  }
0x64d: {  	v23 =	vmul.f32 v25, v17;
	[tilespmem:s22+$0xFFFFFE60] =	vst v21;
	v11 =	vld.idx.msk [tilespmem:v11+s12+$0x0], $0xffff  }
0x64e: {  	v24 =	vmul.f32 v24, v17;
	[tilespmem:s22+$0xFFFFFF30] =	vst v22;
	v9 =	vld.idx.msk [tilespmem:v9+s12+$0x0], $0xffff  }
0x64f: {  	s25 =	simm.s32 $0x0;
	v18 =	vmul.f32 v26, v17;
	[tilespmem:s22+$0x0] =	vst v23;
	v13 =	vld.idx.msk [tilespmem:v13+s12+$0x0], $0xffff  }
0x650: {  	s24 =	simm.s32 $0x2;
	s28 =	simm.s32 $0x3;
	v19 =	vmov s25;
	v20 =	vmul.f32 v20, v17;
	[tilespmem:s22+$0xD0] =	vst v24;
	v15 =	vld.idx.msk [tilespmem:v15+s12+$0x0], $0xffff  }
0x651: {  	s31 =	simm.s32 $0x6;
	v21 =	vmov s24;
	v22 =	vmov s28;
	[tilespmem:s22+$0xFFFFFCC0] =	vst v18;
	v16 =	vmul.f32 v16, v17  }
0x652: {  	s29 =	simm.s32 $0x4;
	v21 =	vshrl.u32 v21, $0x3;
	v23 =	vmov s31;
	[tilespmem:s22+$0x270] =	vst v20;
	s22 =	sadd.s32 $0x680, s22;
	v12 =	vmul.f32 v12, v17  }
0x653: {  	s30 =	simm.s32 $0x5;
	v18 =	vmov s29;
	v14 =	vmul.f32 v14, v17;
	v10 =	vmul.f32 v10, v17;
	[tilespmem:s22+$0x270] =	vst v16  }
0x654: {  	v20 =	vmov s30;
	v11 =	vmul.f32 v11, v17;
	v9 =	vmul.f32 v9, v17;
	[tilespmem:s22+$0xFFFFFD90] =	vst v12  }
0x655: {  	s26 =	simm.s32 $0x1;
	v18 =	vshrl.u32 v18, $0x3;
	v13 =	vmul.f32 v13, v17;
	v15 =	vmul.f32 v15, v17;
	[tilespmem:s22+$0xFFFFFE60] =	vst v10  }
0x656: {  	v17 =	vshrl.u32 v19, $0x3;
	v19 =	vmov s26;
	v10 =	vshll.u32 v21, v1;
	[tilespmem:s22+$0xFFFFFF30] =	vst v11  }
0x657: {  	v11 =	vshll.u32 v18, v1;
	[tilespmem:s22+$0x0] =	vst v9;
	v19 =	vshrl.u32 v19, $0x3;
	v9 =	vbroadcast v10, $0x0  }
0x658: {  	[tilespmem:s22+$0x1A0] =	vst v13;
	v13 =	vshrl.u32 v22, $0x3;
	v22 =	vshrl.u32 v23, $0x3;
	v12 =	vshll.u32 v19, v1  }
0x659: {  	[tilespmem:s22+$0xFFFFFCC0] =	vst v14;
	v19 =	vshrl.u32 v20, $0x3;
	v20 =	vshll.u32 v22, v1;
	v12 =	vbroadcast v12, $0x0  }
0x65a: {  	[tilespmem:s22+$0xD0] =	vst v15;
	v13 =	vshll.u32 v13, v1;
	v14 =	vor.u32 v2, v9;
	v20 =	vbroadcast v20, $0x0  }
0x65b: {  	v18 =	vshll.u32 v19, v1;
	v28 =	vld [tilespmem:$0x1FC10];
	v13 =	vbroadcast v13, $0x0;
	v12 =	vor.u32 v4, v12  }
0x65c: {  	v29 =	vld [tilespmem:$0x1FBC0];
	v15 =	vbroadcast v18, $0x0;
	v10 =	vor.u32 v7, v20  }
0x65d: {  	v17 =	vshll.u32 v17, v1;
	v11 =	vbroadcast v11, $0x0;
	v13 =	vor.u32 v6, v13  }
0x65e: {  	v17 =	vbroadcast v17, $0x0;
	v9 =	vld [tilespmem:s21+$0x64C0];
	v15 =	vor.u32 v8, v15  }
0x65f: {  	s24 =	simm.s32 $0xE;
	v11 =	vor.u32 v5, v11;
	v14 =	vld.idx.msk [tilespmem:v14+s12+$0x0], $0xffff  }
0x660: {  	v57 =	vmov s24;
	s26 =	simm.s32 $0x7;
	v17 =	vor.u32 v28, v17;
	v12 =	vld.idx.msk [tilespmem:v12+s12+$0x0], $0xffff  }
0x661: {  	s28 =	simm.s32 $0x9;
	v24 =	vshrl.u32 v57, $0x3;
	v18 =	vor.u32 s26, v29;
	v10 =	vld.idx.msk [tilespmem:v10+s12+$0x0], $0xffff  }
0x662: {  	s29 =	simm.s32 $0xA;
	v24 =	vshll.u32 v24, v1;
	v19 =	vmov s28;
	v13 =	vld.idx.msk [tilespmem:v13+s12+$0x0], $0xffff  }
0x663: {  	v24 =	vbroadcast v24, $0x0;
	v19 =	vshrl.u32 v19, $0x3;
	v20 =	vmov s29;
	v15 =	vld.idx.msk [tilespmem:v15+s12+$0x0], $0xffff  }
0x664: {  	v19 =	vshll.u32 v19, v1;
	v20 =	vshrl.u32 v20, $0x3;
	v11 =	vld.idx.msk [tilespmem:v11+s12+$0x0], $0xffff;
	v14 =	vmul.f32 v14, v9  }
0x665: {  	s21 =	simm.s32 $0x16800;
	v19 =	vbroadcast v19, $0x0;
	v20 =	vshll.u32 v20, v1;
	v17 =	vld.idx.msk [tilespmem:v17+s12+$0x0], $0xffff;
	v12 =	vmul.f32 v12, v9  }
0x666: {  	v24 =	vor.u32 v7, v24;
	v20 =	vbroadcast v20, $0x0;
	v18 =	vld.idx.msk [tilespmem:v18+s12+$0x0], $0xffff;
	[tilespmem:s21+$0xFFFFFE60] =	vst v14;
	v10 =	vmul.f32 v10, v9  }
0x667: {  	s25 =	simm.s32 $0x8;
	v19 =	vor.u32 v4, v19;
	v13 =	vmul.f32 v13, v9;
	[tilespmem:s21+$0xFFFFFD90] =	vst v12  }
0x668: {  	v16 =	vmov s25;
	v20 =	vor.u32 v2, v20;
	v15 =	vmul.f32 v15, v9;
	[tilespmem:s21+$0x1A0] =	vst v10  }
0x669: {  	v16 =	vshrl.u32 v16, $0x3;
	v10 =	vmul.f32 v11, v9;
	[tilespmem:s21+$0xFFFFFF30] =	vst v13  }
0x66a: {  	v16 =	vshll.u32 v16, v1;
	v14 =	vmul.f32 v17, v9;
	[tilespmem:s21+$0xD0] =	vst v15  }
0x66b: {  	s31 =	simm.s32 $0xC;
	s30 =	simm.s32 $0xB;
	v16 =	vbroadcast v16, $0x0;
	v18 =	vmul.f32 v18, v9;
	v13 =	vld.idx.msk [tilespmem:v24+s12+$0x0], $0xffff;
	[tilespmem:s21+$0x0] =	vst v10  }
0x66c: {  	v21 =	vmov s30;
	v22 =	vmov s31;
	v15 =	vld.idx.msk [tilespmem:v19+s12+$0x0], $0xffff;
	[tilespmem:s21+$0xFFFFFCC0] =	vst v14  }
0x66d: {  	s23 =	simm.s32 $0xD;
	v21 =	vshrl.u32 v21, $0x3;
	v22 =	vshrl.u32 v22, $0x3;
	v17 =	vor.u32 v28, v16;
	v16 =	vld.idx.msk [tilespmem:v20+s12+$0x0], $0xffff;
	[tilespmem:s21+$0x270] =	vst v18  }
0x66e: {  	v23 =	vmov s23;
	v21 =	vshll.u32 v21, v1;
	v22 =	vshll.u32 v22, v1;
	v35 =	vld [tilespmem:$0x1FE40]  }
0x66f: {  	v23 =	vshrl.u32 v23, $0x3;
	v12 =	vbroadcast v22, $0x0;
	v11 =	vbroadcast v21, $0x0;
	v36 =	vld [tilespmem:$0x1FE50]  }
0x670: {  	v23 =	vshll.u32 v23, v1;
	v37 =	vld [tilespmem:$0x1FE60]  }
0x671: {  	v60 =	vor.u32 v5, v12;
	v59 =	vor.u32 v6, v11;
	v11 =	vbroadcast v23, $0x0;
	v38 =	vld [tilespmem:$0x1FE70]  }
0x672: {  	s30 =	simm.s32 $0x14;
	v39 =	vld [tilespmem:$0x1FE80]  }
0x673: {  	v27 =	vmov s30;
	s31 =	simm.s32 $0x15;
	s29 =	simm.s32 $0x13;
	s26 =	simm.s32 $0x11;
	v40 =	vld [tilespmem:$0x1FE90];
	v12 =	vor.u32 v8, v11  }
0x674: {  	s25 =	simm.s32 $0xF;
	s22 =	simm.s32 $0x10;
	s28 =	simm.s32 $0x12;
	v61 =	vmov s29;
	v22 =	vmov s31;
	v21 =	vmov s26;
	v41 =	vld [tilespmem:$0x1FEA0]  }
0x675: {  	v19 =	vmov s28;
	v10 =	vmov s22;
	v42 =	vld [tilespmem:$0x1FEC0];
	v11 =	vor.u32 s25, v29  }
0x676: {  	v20 =	vshrl.u32 v61, $0x3;
	v21 =	vshrl.u32 v21, $0x3;
	v10 =	vshrl.u32 v10, $0x3;
	v18 =	vld.idx.msk [tilespmem:v60+s12+$0x0], $0xffff  }
0x677: {  	s24 =	simm.s32 $0x16;
	s23 =	simm.s32 $0x18;
	v23 =	vshrl.u32 v19, $0x3;
	v19 =	vshrl.u32 v27, $0x3;
	v10 =	vshll.u32 v10, v1;
	v14 =	vld.idx.msk [tilespmem:v59+s12+$0x0], $0xffff  }
.LBB2_57:
0x678: {  	p0 =	slt.u32 s23, $0x38;
	v21 =	vshll.u32 v21, v1;
	v22 =	vshrl.u32 v22, $0x3;
	v24 =	vmov s24;
	v12 =	vld.idx.msk [tilespmem:v12+s12+$0x0], $0xffff  }
0x679: {  	v23 =	vshll.u32 v23, v1;
	v13 =	vmul.f32 v13, v9;
	v24 =	vshrl.u32 v24, $0x3;
	v17 =	vld.idx.msk [tilespmem:v17+s12+$0x0], $0xffff  }
0x67a: {  	v20 =	vshll.u32 v20, v1;
	s21 =	sadd.s32 $0x680, s21;
	v15 =	vmul.f32 v15, v9;
	v24 =	vshll.u32 v24, v1;
	v11 =	vld.idx.msk [tilespmem:v11+s12+$0x0], $0xffff  }
0x67b: {  	v19 =	vshll.u32 v19, v1;
	v16 =	vmul.f32 v16, v9;
	v24 =	vbroadcast v24, $0x0;
	[tilespmem:s21+$0x1A0] =	vst v13  }
0x67c: {  	v13 =	vbroadcast v21, $0x0;
	v21 =	vshll.u32 v22, v1;
	v14 =	vmul.f32 v14, v9;
	[tilespmem:s21+$0xFFFFFD90] =	vst v15  }
0x67d: {  	v15 =	vbroadcast v23, $0x0;
	v22 =	vor.u32 v7, v24;
	[tilespmem:s21+$0xFFFFFE60] =	vst v16;
	v16 =	vmul.f32 v18, v9  }
0x67e: {  	v18 =	vor.u32 v4, v13;
	v13 =	vbroadcast v20, $0x0;
	v12 =	vmul.f32 v12, v9;
	[tilespmem:s21+$0xFFFFFF30] =	vst v14  }
0x67f: {  	v14 =	vor.u32 v2, v15;
	v15 =	vbroadcast v19, $0x0;
	v17 =	vmul.f32 v17, v9;
	[tilespmem:s21+$0x0] =	vst v16  }
0x680: {  	v19 =	vor.u32 v6, v13;
	v13 =	vbroadcast v21, $0x0;
	v16 =	vmul.f32 v11, v9;
	[tilespmem:s21+$0xD0] =	vst v12  }
0x681: {  	v10 =	vbroadcast v10, $0x0;
	s24 =	sadd.s32 $0x7, s22;
	s22 =	smov.u32 s23;
	v24 =	vor.u32 v5, v15;
	[tilespmem:s21+$0xFFFFFCC0] =	vst v17  }
.Ltmp27:
0x682: {  	s25 =	sadd.s32 $0x1, s23;
	v11 =	vor.u32 s24, v29;
	v15 =	vmov s23;
	v12 =	vor.u32 v8, v13;
	v13 =	vld.idx.msk [tilespmem:v22+s12+$0x0], $0xffff;
	[tilespmem:s21+$0x270] =	vst v16;
	(pc) =	sbr.rel @p0 .LBB2_57-.Ltmp27, $4  }
0x683: {  	s26 =	sadd.s32 $0x4, s23;
	v21 =	vmov s25;
	s24 =	sadd.s32 $0x2, s23;
	s25 =	sadd.s32 $0x3, s23;
	v20 =	vshrl.u32 v15, $0x3;
	v17 =	vor.u32 v28, v10;
	v15 =	vld.idx.msk [tilespmem:v18+s12+$0x0], $0xffff  }
0x684: {  	v26 =	vmov s26;
	v25 =	vmov s25;
	v18 =	vmov s24;
	s24 =	sadd.s32 $0x5, s23;
	v16 =	vld.idx.msk [tilespmem:v14+s12+$0x0], $0xffff  }
0x685: {  	v21 =	vshrl.u32 v21, $0x3;
	v10 =	vshll.u32 v20, v1;
	v22 =	vmov s24;
	v14 =	vld.idx.msk [tilespmem:v19+s12+$0x0], $0xffff  }
0x686: {  	v20 =	vshrl.u32 v25, $0x3;
	s23 =	sadd.s32 $0x8, s23;
	v23 =	vshrl.u32 v18, $0x3;
	s24 =	sadd.s32 $0x6, s22;
	v19 =	vshrl.u32 v26, $0x3;
	v18 =	vld.idx.msk [tilespmem:v24+s12+$0x0], $0xffff  }
0x687: {  	v24 =	vmov s24;
	v21 =	vshll.u32 v21, v1;
	v22 =	vshrl.u32 v22, $0x3  }
0x688: {  	v23 =	vshll.u32 v23, v1;
	v13 =	vmul.f32 v13, v9;
	v10 =	vbroadcast v10, $0x0  }
0x689: {  	v20 =	vshll.u32 v20, v1;
	v19 =	vshll.u32 v19, v1;
	v21 =	vbroadcast v21, $0x0  }
0x68a: {  	v24 =	vshrl.u32 v24, $0x3;
	v23 =	vbroadcast v23, $0x0;
	v54 =	vor.u32 v28, v10  }
0x68b: {  	v20 =	vbroadcast v20, $0x0;
	v24 =	vshll.u32 v24, v1;
	v4 =	vor.u32 v4, v21  }
0x68c: {  	v12 =	vld.idx.msk [tilespmem:v12+s12+$0x0], $0xffff;
	v61 =	vshll.u32 v22, v1;
	v24 =	vbroadcast v24, $0x0;
	v2 =	vor.u32 v2, v23  }
0x68d: {  	v17 =	vld.idx.msk [tilespmem:v17+s12+$0x0], $0xffff;
	s21 =	sadd.s32 $0x680, s21;
	v19 =	vbroadcast v19, $0x0;
	v15 =	vmul.f32 v15, v9;
	v3 =	vor.u32 v6, v20  }
0x68e: {  	v11 =	vld.idx.msk [tilespmem:v11+s12+$0x0], $0xffff;
	v32 =	vbroadcast v61, $0x0;
	v16 =	vmul.f32 v16, v9;
	[tilespmem:s21+$0x1A0] =	vst v13;
	v7 =	vor.u32 v7, v24  }
0x68f: {  	v33 =	vor.u32 v5, v19;
	[tilespmem:s21+$0xFFFFFD90] =	vst v15;
	v14 =	vmul.f32 v14, v9;
	v5 =	vld.idx.msk [tilespmem:v54+s12+$0x0], $0xffff  }
0x690: {  	s22 =	sadd.s32 $0x7, s22;
	v8 =	vor.u32 v8, v32;
	[tilespmem:s21+$0xFFFFFE60] =	vst v16;
	v34 =	vmul.f32 v18, v9;
	v4 =	vld.idx.msk [tilespmem:v4+s12+$0x0], $0xffff  }
0x691: {  	v56 =	vor.u32 s22, v29;
	[tilespmem:s21+$0xFFFFFF30] =	vst v14;
	v55 =	vmul.f32 v12, v9;
	v2 =	vld.idx.msk [tilespmem:v2+s12+$0x0], $0xffff  }
0x692: {  	v57 =	vmul.f32 v17, v9;
	[tilespmem:s21+$0x0] =	vst v34;
	v3 =	vld.idx.msk [tilespmem:v3+s12+$0x0], $0xffff  }
0x693: {  	v59 =	vmul.f32 v11, v9;
	[tilespmem:s21+$0xD0] =	vst v55;
	v7 =	vld.idx.msk [tilespmem:v7+s12+$0x0], $0xffff  }
0x694: {  	[tilespmem:s21+$0xFFFFFCC0] =	vst v57;
	v60 =	vld.idx.msk [tilespmem:v33+s12+$0x0], $0xffff;
	v61 =	vmul.f32 v5, v9  }
0x695: {  	s31 =	sadd.s32 $0x680, s21;
	[tilespmem:s21+$0x270] =	vst v59;
	v8 =	vld.idx.msk [tilespmem:v8+s12+$0x0], $0xffff;
	v4 =	vmul.f32 v4, v9  }
0x696: {  	v6 =	vld.idx.msk [tilespmem:v56+s12+$0x0], $0xffff;
	v2 =	vmul.f32 v2, v9;
	[tilespmem:s31+$0xFFFFFCC0] =	vst v61  }
0x697: {  	v3 =	vmul.f32 v3, v9;
	[tilespmem:s31+$0xFFFFFD90] =	vst v4  }
0x698: {  	v7 =	vmul.f32 v7, v9;
	[tilespmem:s31+$0xFFFFFE60] =	vst v2  }
0x699: {  	v2 =	vmul.f32 v60, v9;
	[tilespmem:s31+$0xFFFFFF30] =	vst v3  }
0x69a: {  	v3 =	vmul.f32 v8, v9;
	[tilespmem:s31+$0x1A0] =	vst v7  }
0x69b: {  	[tilespmem:s31+$0x0] =	vst v2;
	v2 =	vmul.f32 v6, v9  }
0x69c: {  	[tilespmem:s31+$0xD0] =	vst v3  }
0x69d: {  	[tilespmem:s31+$0x270] =	vst v2  }
0x69e: {  	v27 =	vld [tilespmem:$0x1FDB0]  }
0x69f: {  	v28 =	vld [tilespmem:$0x1FDC0]  }
0x6a0: {  	v29 =	vld [tilespmem:$0x1FDD0]  }
0x6a1: {  	s20 =	sadd.s32 s4, s20;
	v30 =	vld [tilespmem:$0x1FDE0]  }
0x6a2: {  	s20 =	smul.u32 $0x640, s20;
	v31 =	vld [tilespmem:$0x1FE00]  }
0x6a3: {  	v32 =	vld [tilespmem:$0x1FE10]  }
0x6a4: {  	s23 =	simm.s32 $0x164D0;
	s20 =	sadd.s32 s2, s20;
	v33 =	vld [tilespmem:$0x1FE20]  }
0x6a5: {  	s22 =	simm.s32 $0x19;
	s24 =	sadd.s32 $0x0, s20;
	s21 =	simm.s32 $0x16400;
	v34 =	vld [tilespmem:$0x1FE30]  }
.LBB2_59:
0x6a6: {  	[hbm4b:s24+s3] =	stream.linear.scatter [tilespmem:s21], [sflag:$0x4], $0xC8, $0x38;
	[tilespmem:$0x19800] =	vst v63  }
0x6a7: {  	s24 =	smov.u32 s22;
	s21 =	smov.u32 s23;
	p0 =	sne.s32 s22, $0x627  }
.Ltmp28:
0x6a8: {  	s22 =	sadd.s32 $0x19, s22;
	(pc) =	sbr.rel @p0 .LBB2_59-.Ltmp28, $2  }
0x6a9: {  	_ =	sdelay $0x2  }
0x6aa: {  	s23 =	sadd.s32 $0xD0, s23;
	s24 =	sadd.s32 s24, s20  }
0x6ab: {  	v20 =	vld [tilespmem:$0x1FD20]  }
0x6ac: {  	s19 =	sadd.s32 $0x1, s19;
	v21 =	vld [tilespmem:$0x1FD30]  }
0x6ad: {  	v22 =	vld [tilespmem:$0x1FD40];
	p0 =	sne.s32 s19, $0x40  }
.Ltmp29:
0x6ae: {  	v23 =	vld [tilespmem:$0x1FD50];
	(pc) =	sbr.rel @p0 .LBB2_4-.Ltmp29, $4  }
0x6af: {  	v24 =	vld [tilespmem:$0x1FD60]  }
0x6b0: {  	v25 =	vld [tilespmem:$0x1FD70]  }
0x6b1: {  	v26 =	vld [tilespmem:$0x1FDA0]  }
0x6b2: {  	[hbm4b:s24+s3] =	stream.linear.scatter [tilespmem:s21], [sflag:$0x4], $0xC8, $0x38;
	v18 =	vld [tilespmem:$0x1FFF0]  }
0x6b3: {  	s17 =	sadd.s32 $0x1, s17  }
0x6b4: {  	_ =	swait.ge [sflag:s15], $0x3200;
	p0 =	sne.s32 s17, s8  }
.Ltmp30:
0x6b5: {  	[sflag:s15] =	ssyncset.done $0x0;
	(pc) =	sbr.rel @p0 .LBB2_1-.Ltmp30, $4  }
0x6b6: {  	[sflag:s15] =	ssyncadd.s32 $0xFFFFCE00  }
0x6b7: {  	_ =	swait.ge [sflag:s16], $0x3200  }
0x6b8: {  	[sflag:s16] =	ssyncset.done $0x0  }
0x6b9: {  	[sflag:s16] =	ssyncadd.s32 $0xFFFFCE00  }
0x6ba: {  	_ =	sfence.sel $0x180000  }
0x6bb: {  	[bflag:$0x0] =	sbarrier.arrive $0xFFFF  }
0x6bc: {  	p0 =	sne.s32 s0, $0x0;
	_ =	strace $0x90000047  }
0x6bd: {  	s0 =	sadd.s32 @!p0 $0x100000, s1;
	[bflag:$0x2] =	sbarrier.arrive $0xFFFF  }
0x6be: {  	[sflag:s0] =	ssyncadd.tile.s32 @!p0 $0x1;
	_ =	shalt  }
.Lfunc_end2:
_tile_overlayer_lowered:
.L_overlay_start_2:
0x6bf: {  	(tag) =	ssettag $0x2  }
0x6c0: {  	s0 =	rddreg [dreg:$0x0];
	s2 =	stileid.u32  }
0x6c1: {  	s1 =	rddreg [dreg:$0x1];
	p0 =	sne.s32 s2, $0x0  }
0x6c2: {  	s3 =	rddreg [dreg:$0x2];
	[bflag:$0x3] =	sbarrier.arrive $0xFFFF;
	s2 =	simm.s32 @!p0 $0x1C05  }
0x6c3: {  	[timem:s3], [sflag:s2] =	dma.local @!p0 [hbm:s0], s1  }
0x6c4: {  	s0 =	simm.s32 @!p0 $0x5  }
0x6c5: {  	_ =	swait.ge @!p0 [sflag:s0], s1  }
0x6c6: {  	s1 =	ssub.s32 @!p0 $0x0, s1;
	[sflag:s0] =	ssyncset.done @!p0 $0x0  }
0x6c7: {  	[sflag:s0] =	ssyncadd.s32 @!p0 s1  }
0x6c8: {  	[bflag:$0x3] =	sbarrier.arrive $0xFFFF  }
0x6c9: {  	_ =	shalt  }

// kernel: sparse-core-data-format-call.cloned.1.call-start
scs
called_computation_lowered:
.L_overlay_start_0:
0x0: {  	s2 =	sld [smem:$0x3FD9]  }
0x1: {  	s3 =	sld [smem:$0x3FFE];
	_ =	sdelay $0x1  }
0x2: {  	s1 =	srdreg.scid  }
0x3: {  	s0 =	sand.u32 $0x1, s1  }
0x4: {  	s18 =	sshll.u32 s0, $0xA;
	s2 =	sadd.s32 s3, s2  }
0x5: {  	s2 =	sadd.s32 s2, s18  }
0x6: {  	[smem:$0x3FC5] =	sst s2  }
0x7: {  	_ = 	snop  }
0x8: {  	s2 =	sld [smem:$0x3FD0];
	(tm) =	ssettm $0x1  }
0x9: {  	s19 =	sld [smem:$0x3FFB];
	_ =	sdelay $0x3  }
0xa: {  	_ =	strace s19  }
0xb: {  	s3 =	sld [smem:$0x3FFC];
	_ =	sdelay $0x3  }
0xc: {  	_ =	strace s3  }
0xd: {  	s3 =	sld [smem:$0x3FFD];
	_ =	sdelay $0x3  }
0xe: {  	_ =	strace s3  }
0xf: {  	_ =	strace $0x8FFFFFFF  }
0x10: {  	s20 =	sld [smem:$0x3FDB];
	_ =	sdelay $0x1  }
0x11: {  	s4 =	simm.s32 $_scs_section_size  }
0x12: {  	s5 =	simm.s32 $_size__tile_overlayer_lowered;
	s6 =	simm.s32 $_tile_overlayer_lowered  }
0x13: {  	s23 =	simm.s32 $0x1BFF;
	s22 =	sshll.u32 s6, $0x1;
	s3 =	sadd.s32 s4, s20  }
0x14: {  	s7 =	simm.s32 $0x0;
	s21 =	sshll.u32 s5, $0x1;
	s5 =	sadd.s32 s22, s3  }
0x15: {  	[timem:s7], [sflag:s23] =	dma.local [hbm:s5], s21  }
0x16: {  	_ =	swait.ge [sflag:s23], s21  }
0x17: {  	s4 =	ssub.s32 $0x0, s21;
	[sflag:s23] =	ssyncset.done $0x0  }
0x18: {  	[sflag:s23] =	ssyncadd.s32 s4;
	_ =	sdelay $0x1  }
0x19: {  	s24 =	simm.s32 $0x1B8B  }
0x1a: {  	_ =	swait.ge [sflag:s24], $0x1  }
0x1b: {  	[sflag:s24] =	ssyncset.done $0x0  }
0x1c: {  	s26 =	simm.s32 $0x1B8E;
	s25 =	sld [smem:$0x3FFE];
	[sflag:s24] =	ssyncadd.s32 $0xFFFFFFFF  }
0x1d: {  	s27 =	simm.s32 $execute0_lowered;
	[smem:$0x3FD2] =	sst s26  }
0x1e: {  	s5 =	sshll.u32 s27, $0x1;
	_ =	strace $0x80000049;
	[dreg:$0x1] =	wrdreg $0xFFFFFFFF  }
0x1f: {  	s28 =	simm.s32 $_size_execute0_lowered;
	s3 =	sadd.s32 s3, s5;
	[dreg:$0x0] =	wrdreg $0x0  }
0x20: {  	s5 =	sshll.u32 s28, $0x1;
	[dreg:$0x2] =	wrdreg s3  }
0x21: {  	[dreg:$0x3] =	wrdreg s5  }
0x22: {  	[dreg:$0x4] =	wrdreg $0xC0  }
0x23: {  	_ =	task [dreg:s7], $0x5FFFF  }
0x24: {  	[dreg:$0x1] =	wrdreg $0xFFFFFFFF  }
0x25: {  	[dreg:$0x0] =	wrdreg $0x60  }
0x26: {  	[dreg:$0x2] =	wrdreg s25  }
0x27: {  	[dreg:$0x3] =	wrdreg s2  }
0x28: {  	[dreg:$0x4] =	wrdreg $0x9  }
0x29: {  	_ =	task.clear_ibuf [dreg:s7], $0x5FFFF;
	_ =	strace $0x90000049  }
0x2a: {  	s29 =	simm.s32 $0x9;
	_ =	strace $0x8000004B  }
0x2b: {  	_ =	swait.ge [sflag:s29], $0x1  }
0x2c: {  	[sflag:s29] =	ssyncadd.s32 $0xFFFFFFFF  }
0x2d: {  	_ =	strace $0x9000004B  }
0x2e: {  	_ =	sfence  }
0x2f: {  	s30 =	sld [smem:$0x0];
	_ =	sdelay $0x2  }
0x30: {  	s31 =	sshll.u32 s1, $0xD;
	s1 =	sshrl.u32 s1, $0x2  }
0x31: {  	s3 =	sand.u32 $0x4000, s31;
	s1 =	sadd.s32 s1, s30  }
0x32: {  	s0 =	sor.u32 s3, s0;
	s1 =	sshll.u32 s1, $0x11  }
0x33: {  	s0 =	sor.u32 s1, s0  }
0x34: {  	s0 =	sadd.s32 $0x8F2B, s0  }
0x35: {  	[sflag:s0] =	ssyncadd.remote.s32 $0x1  }
0x36: {  	_ =	sfence.sel $0xFFFF  }
0x37: {  	[dreg:$0x0] =	wrdreg $0xFFFFFFFF;
	(pc) =	sbr.abs _section_cstart, $3  }
0x38: {  	[dreg:$0x1] =	wrdreg $0xFFFFFFFF  }
0x39: {  	_ =	task.clear_ibuf [dreg:s7], $0x2FFFF;
	_ =	strace $0x9FFFFFFF  }
0x3a: {  	(tm) =	ssettm $0x7FFFFFFF  }
0x3b: {  	_ =	shalt  }
tec
execute0_lowered:
.L_overlay_start_1:
0x0: {  	(tag) =	ssettag $0x1  }
0x1: {  	s5 =	rddreg [dreg:$0x0]  }
0x2: {  	s0 =	srdreg.scid;
	s3 =	rddreg [dreg:$0x1];
	s7 =	simm.s32 $0x1  }
0x3: {  	s8 =	simm.s32 $0x2;
	s16 =	simm.s32 $0x0;
	s1 =	sshll.u32 s0, $0x4  }
0x4: {  	s18 =	simm.s32 $0x0;
	s0 =	stileid.u32;
	s1 =	sand.u32 $0x10, s1  }
0x5: {  	s17 =	simm.s32 $0x0;
	s9 =	simm.s32 $0x0;
	s1 =	sor.u32 s0, s1  }
0x6: {  	s10 =	simm.s32 $0x0;
	s11 =	simm.s32 $0x0;
	s2 =	sshll.u32 s1, $0x7  }
0x7: {  	s12 =	simm.s32 $0x0;
	s13 =	simm.s32 $0x0;
	s6 =	ssub.s32 $0x1000, s2  }
0x8: {  	s15 =	simm.s32 $0x0;
	s5 =	sadd.s32 $0xC00, s5;
	s4 =	sand.u32 $0xF80, s6  }
.Ltmp0:
0x9: {  	s1 =	rddreg [dreg:$0x2];
	p0 =	sne.s32 s4, $0x0;
	(pc) =	sbr.rel .LBB1_1-.Ltmp0, $4  }
0xa: {  	_ =	strace $0x8000004A;
	s6 =	sshrl.u32 s6, $0xC;
	s7 =	simm.s32 @!p0 $0x0  }
0xb: {  	s14 =	smov.u32 s2;
	s4 =	simm.s32 $0x1;
	s6 =	sadd.s32 s7, s6  }
0xc: {  	[sflag:s4] =	ssyncpa.u1 $0x0;
	p0 =	por $0x0, $0x0;
	s6 =	sshll.u32 s6, $0x7  }
0xd: {  	[sflag:s8] =	ssyncpa.u1 $0x0;
	s8 =	simm.s32 $0x8000;
	s7 =	sor.u32 $0x1, s6  }
.LBB1_4:
0xe: {  	s23 =	sshra.s32 s23, $0x2;
	s30 =	sshll.u32 s9, $0xC  }
0xf: {  	p1 =	sgt.s32 s10, $0x3F;
	s24 =	smov.u32 s10;
	s25 =	sshra.s32 s10, $0x1F  }
0x10: {  	s26 =	sshll.u32 s11, $0x3;
	s28 =	smov.u32 s11;
	s29 =	sshra.s32 s11, $0x1F  }
0x11: {  	s22 =	sadd.s32 s23, s22;
	s24 =	simm.s32 @!p1 $0x3F;
	s25 =	sand.u32 s25, s10  }
0x12: {  	s23 =	sand.u32 $0xFFFF8000, s30;
	s27 =	sand.u32 $0xFFFFFC00, s26;
	p1 =	sgt.s32 s9, $0x48  }
0x13: {  	s31 =	sand.u32 s29, s11;
	s29 =	sshll.u32 s9, $0x7;
	s30 =	sshra.s32 s9, $0x1F  }
0x14: {  	[tilespmem:s21+$0x2040 ss:$0x81] =	vst.msk $0xffff, v4;
	s24 =	ssub.s32 s24, s25;
	s23 =	sadd.s32 s27, s23;
	s27 =	smov.u32 s9  }
0x15: {  	[tilespmem:s21+$0x2850 ss:$0x81] =	vst.msk $0xffff, v3;
	s29 =	sand.u32 $0x380, s29;
	s25 =	sadd.s32 $0xFFFFFFC1, s24;
	s27 =	simm.s32 @!p1 $0x48  }
0x16: {  	v5 =	vld [tilespmem:s20+$0xFFFFFFD0];
	[tilespmem:s21+$0x3060 ss:$0x81] =	vst.msk $0xffff, v2;
	p1 =	sgt.s32 s11, $0xF80;
	s23 =	sshrl.u32 s23, $0xC;
	s24 =	ssub.s32 $0x40, s24  }
0x17: {  	v58 =	vld [tilespmem:s20+$0xFFFFFFE0];
	[tilespmem:s21+$0x0 ss:$0x81] =	vst.msk $0xffff, v1;
	s28 =	simm.s32 @!p1 $0xF80;
	p1 =	sgt.s32 s25, $0x0;
	s21 =	smulhi.u32 $0x147AE15, s23  }
0x18: {  	v59 =	vld [tilespmem:s20+$0xFFFFFFF0];
	s25 =	ssub.s32 s28, s31;
	s28 =	sand.u32 s30, s9;
	s24 =	simm.s32 @p1 $0x0  }
0x19: {  	v60 =	vld [tilespmem:s20+$0x0];
	s27 =	ssub.s32 s27, s28;
	s31 =	sadd.s32 $0xFFFFF080, s25;
	s25 =	ssub.s32 $0x1000, s25  }
0x1a: {  	v61 =	vld [tilespmem:s20+$0x10];
	[tilespmem:s22+$0x3870 ss:$0x81] =	vst.msk $0xffff, v0;
	s21 =	smul.u32 $0xC8, s21;
	s28 =	sand.u32 $0x7, s11;
	p1 =	sgt.s32 s31, $0x7F  }
0x1b: {  	v62 =	vld [tilespmem:s20+$0x20];
	[tilespmem:s22+$0x810 ss:$0x81] =	vst.msk $0xffff, v5;
	s30 =	sadd.s32 $0xFFFFFFB8, s27;
	s31 =	sand.u32 $0x78, s11;
	s25 =	simm.s32 @p1 $0x0  }
0x1c: {  	v63 =	vld [tilespmem:s20+$0xFFFFFFC0];
	[tilespmem:s22+$0x1020 ss:$0x81] =	vst.msk $0xffff, v58;
	p1 =	sgt.s32 s30, $0x7F;
	s30 =	sand.u32 $0xC00, s26;
	s24 =	smul.u32 s25, s24  }
0x1d: {  	[tilespmem:s22+$0x1830 ss:$0x81] =	vst.msk $0xffff, v59;
	s26 =	ssub.s32 $0xC8, s27;
	s20 =	sor.u32 s31, s30;
	s31 =	smul.u32 $0x19000, s10  }
0x1e: {  	[tilespmem:s22+$0x2040 ss:$0x81] =	vst.msk $0xffff, v60;
	s21 =	ssub.s32 s23, s21;
	s26 =	simm.s32 @p1 $0x0;
	s20 =	sor.u32 s29, s20  }
0x1f: {  	[tilespmem:s22+$0x2850 ss:$0x81] =	vst.msk $0xffff, v61;
	s26 =	smul.u32 s26, s24;
	s20 =	sshrl.u32 s20, $0x3;
	s27 =	sadd.s32 s3, s31  }
0x20: {  	[tilespmem:s22+$0x3060 ss:$0x81] =	vst.msk $0xffff, v62;
	s21 =	sshll.u32 s21, $0x9;
	s29 =	sshll.u32 s28, $0x12;
	s20 =	sadd.s32 s20, s27  }
0x21: {  	[tilespmem:s22+$0x0 ss:$0x81] =	vst.msk $0xffff, v63;
	s31 =	sor.u32 $0x400, s29;
	s30 =	sand.u32 $0x3FFFFFFF, s26;
	s20 =	sadd.s32 s21, s20  }
0x22: {  	[hbm4b:s20+s31] =	stream.strided.scatter [tilespmem:s19], [sflag:$0x2], s30, s8, s31, $0x20;
	[tilespmem:$0x10100] =	vst v63  }
.LBB1_5:
0x23: {  	p1 =	slt.u32 s15, $0x2  }
0x24: {  	p2 =	sgt.s32 @!p1 s18, $0x3F  }
0x25: {  	s19 =	smov.u32 s18;
	s20 =	sshra.s32 @!p1 s18, $0x1F;
	p2 =	por !p2, p1  }
0x26: {  	s18 =	sand.u32 @!p1 s20, s18;
	s19 =	simm.s32 @p2 $0x3F  }
0x27: {  	p3 =	sgt.s32 @!p1 s16, $0x48;
	s18 =	ssub.s32 @!p1 s19, s18  }
0x28: {  	p4 =	sgt.s32 @!p1 s17, $0xF80;
	s21 =	sshra.s32 @!p1 s17, $0x1F;
	s19 =	sadd.s32 @!p1 $0xFFFFFFC1, s18  }
0x29: {  	s20 =	smov.u32 s16;
	p2 =	sgt.s32 @!p1 s19, $0x0;
	s19 =	sshra.s32 @!p1 s16, $0x1F  }
0x2a: {  	p4 =	por !p4, p1;
	s16 =	sand.u32 @!p1 s19, s16;
	s19 =	smov.u32 s17  }
0x2b: {  	p3 =	por !p3, p1;
	s17 =	sand.u32 @!p1 s21, s17;
	s19 =	simm.s32 @p4 $0xF80  }
0x2c: {  	s20 =	simm.s32 @p3 $0x48;
	s18 =	ssub.s32 @!p1 $0x40, s18;
	s17 =	ssub.s32 @!p1 s19, s17  }
0x2d: {  	p2 =	por !p2, p1;
	s16 =	ssub.s32 @!p1 s20, s16;
	s20 =	sadd.s32 @!p1 $0xFFFFF080, s17  }
0x2e: {  	s18 =	simm.s32 @!p2 $0x0;
	p3 =	sgt.s32 @!p1 s20, $0x7F  }
0x2f: {  	s19 =	sadd.s32 @!p1 $0xFFFFFFB8, s16;
	s17 =	ssub.s32 @!p1 $0x1000, s17;
	p3 =	por !p3, p1  }
0x30: {  	p2 =	sgt.s32 @!p1 s19, $0x7F;
	s19 =	sadd.s32 $0x80, s12;
	s17 =	simm.s32 @!p3 $0x0  }
0x31: {  	p3 =	sgt.s32 s19, $0xC7;
	s17 =	smul.u32 @!p1 s17, s18;
	s18 =	simm.s32 $0x1  }
0x32: {  	s16 =	ssub.s32 @!p1 $0xC8, s16;
	p2 =	por !p2, p1;
	s18 =	simm.s32 @!p3 $0x0  }
0x33: {  	s21 =	smov.u32 s14;
	s16 =	simm.s32 @!p2 $0x0;
	s20 =	sadd.s32 s18, s13  }
0x34: {  	s16 =	smul.u32 @!p1 s16, s17;
	s17 =	sadd.s32 $0x1000, s14;
	p2 =	sgt.s32 s20, $0x3F  }
0x35: {  	p0 =	por !p0, !p0;
	s22 =	simm.s32 @!p1 $0x2;
	s21 =	smov.u32 @p2 s17  }
0x36: {  	s19 =	simm.s32 @p3 $0x0;
	s20 =	simm.s32 @p2 $0x0;
	p2 =	sgt.s32 s21, $0xFFF  }
0x37: {  	s18 =	smov.u32 s10;
	s21 =	smov.u32 @p2 s2;
	p2 =	sne.s32 s15, s7  }
.Ltmp1:
0x38: {  	s10 =	smov.u32 s13;
	s16 =	sand.u32 @!p1 $0x3FFFFFFF, s16;
	(pc) =	sbr.rel @!p2 .LBB1_6-.Ltmp1, $4  }
0x39: {  	s17 =	smov.u32 s11;
	s11 =	smov.u32 s14;
	_ =	swait.ge @!p1 [sflag:s22], s16  }
0x3a: {  	s23 =	ssub.s32 @!p1 $0x0, s16;
	s16 =	smov.u32 s9;
	s9 =	smov.u32 s12  }
0x3b: {  	s12 =	smov.u32 s19;
	s13 =	smov.u32 s20;
	[sflag:s22] =	ssyncset.done @!p1 $0x0  }
0x3c: {  	s15 =	sadd.s32 $0x1, s15;
	[sflag:s22] =	ssyncadd.s32 @!p1 s23;
	s14 =	smov.u32 s21  }
.LBB1_1:
0x3d: {  	p1 =	sge.u32 s15, s6  }
0x3e: {  	s31 =	sadd.s32 $0xFFFFFFFF, s15;
	s19 =	sxor.u32 @!p1 $0xFFFFFFFF, s15  }
0x3f: {  	s20 =	sshll.u32 @!p1 s13, $0x8;
	s21 =	sshll.u32 @!p1 s12, $0x3;
	s22 =	sshll.u32 @!p1 s13, $0x7  }
0x40: {  	s23 =	sand.u32 @!p1 $0x78, s12;
	s20 =	sand.u32 @!p1 $0x3800, s20;
	s21 =	sand.u32 @!p1 $0x3C00, s21  }
0x41: {  	s19 =	sshll.u32 @!p1 s19, $0xE;
	s20 =	sadd.s32 @!p1 s20, s21;
	s21 =	sand.u32 @!p1 $0x300, s22  }
0x42: {  	s19 =	sand.u32 @!p1 $0x4000, s19;
	s20 =	sor.u32 @!p1 s21, s20;
	s21 =	sand.u32 @!p1 $0x80, s22  }
0x43: {  	s22 =	sshll.u32 @!p1 s14, $0xB;
	s21 =	sor.u32 @!p1 s23, s21;
	s20 =	sshrl.u32 @!p1 s20, $0x3  }
0x44: {  	s22 =	sadd.s32 @!p1 s5, s22;
	s23 =	sand.u32 @!p1 $0x7, s12;
	s21 =	sshrl.u32 @!p1 s21, $0x3  }
0x45: {  	s20 =	sand.u32 @!p1 $0x7E0, s20;
	s21 =	sadd.s32 @!p1 s21, s22;
	s22 =	sshll.u32 @!p1 s23, $0x12  }
0x46: {  	s20 =	sadd.s32 @!p1 s20, s21;
	s21 =	sor.u32 @!p1 $0x80, s22;
	s22 =	simm.s32 @!p1 $0x4000  }
0x47: {  	[tilespmem:s19], [sflag:$0x1] =	stream.strided.gather @!p1 [hbm4b:s20+s21], $0x4000, s22, s21, $0x38;
	[tilespmem:$0x10100] =	vst v63  }
0x48: {  	p1 =	sge.u32 s31, s6  }
.Ltmp2:
0x49: {  	_ = 	snop;
	(pc) =	sbr.rel @p1 .LBB1_5-.Ltmp2, $1  }
0x4a: {  	_ =	sdelay $0x3  }
0x4b: {  	s19 =	simm.s32 $0x1  }
0x4c: {  	_ =	swait.ge [sflag:s4], $0x4000;
	s19 =	simm.s32 @!p0 $0x0  }
0x4d: {  	[sflag:s4] =	ssyncset.done $0x0;
	s20 =	sshll.u32 s19, $0xE  }
0x4e: {  	[sflag:s4] =	ssyncadd.s32 $0xFFFFC000;
	s20 =	sor.u32 $0x40, s20  }
0x4f: {  	s19 =	smul.u32 $0x10200, s19;
	v0 =	vld [tilespmem:s20+$0x30]  }
0x50: {  	v1 =	vld [tilespmem:s20+$0xFFFFFFD0]  }
0x51: {  	s19 =	sshrl.u32 s19, $0x2;
	v5 =	vld [tilespmem:s20+$0xFFFFFFE0]  }
0x52: {  	v6 =	vld [tilespmem:s20+$0xFFFFFFF0];
	s22 =	sor.u32 $0x8000, s19  }
0x53: {  	s31 =	sand.u32 $0x1, s15;
	v4 =	vld [tilespmem:s20+$0x0];
	s21 =	sadd.s32 $0x0, s22  }
0x54: {  	v3 =	vld [tilespmem:s20+$0x10];
	s19 =	smul.u32 $0x10200, s31;
	[tilespmem:s21+$0x3870 ss:$0x81] =	vst.msk $0xffff, v0  }
0x55: {  	v2 =	vld [tilespmem:s20+$0x20];
	[tilespmem:s21+$0x810 ss:$0x81] =	vst.msk $0xffff, v1  }
0x56: {  	s19 =	sshrl.u32 s19, $0x2;
	v1 =	vld [tilespmem:s20+$0xFFFFFFC0];
	[tilespmem:s21+$0x1020 ss:$0x81] =	vst.msk $0xffff, v5;
	s20 =	sadd.s32 $0x80, s20  }
0x57: {  	s23 =	simm.s32 $0x4;
	s24 =	simm.s32 $0x8;
	s19 =	sor.u32 $0x8000, s19;
	[tilespmem:s21+$0x1830 ss:$0x81] =	vst.msk $0xffff, v6;
	v0 =	vld [tilespmem:s20+$0x30]  }
.LBB1_3:
0x58: {  	p1 =	sne.s32 s24, $0x1FC;
	v5 =	vld [tilespmem:s20+$0xFFFFFFD0];
	[tilespmem:s21+$0x2040 ss:$0x81] =	vst.msk $0xffff, v4  }
0x59: {  	v6 =	vld [tilespmem:s20+$0xFFFFFFE0];
	[tilespmem:s21+$0x2850 ss:$0x81] =	vst.msk $0xffff, v3  }
0x5a: {  	s25 =	sshra.s32 s23, $0x2;
	s23 =	smov.u32 s24;
	v7 =	vld [tilespmem:s20+$0xFFFFFFF0];
	[tilespmem:s21+$0x3060 ss:$0x81] =	vst.msk $0xffff, v2  }
.Ltmp3:
0x5b: {  	v4 =	vld [tilespmem:s20+$0x0];
	[tilespmem:s21+$0x0 ss:$0x81] =	vst.msk $0xffff, v1;
	s21 =	sadd.s32 s25, s22;
	(pc) =	sbr.rel @p1 .LBB1_3-.Ltmp3, $4  }
0x5c: {  	v3 =	vld [tilespmem:s20+$0x10];
	[tilespmem:s21+$0x3870 ss:$0x81] =	vst.msk $0xffff, v0  }
0x5d: {  	[tilespmem:s21+$0x810 ss:$0x81] =	vst.msk $0xffff, v5;
	v2 =	vld [tilespmem:s20+$0x20]  }
0x5e: {  	v1 =	vld [tilespmem:s20+$0xFFFFFFC0];
	[tilespmem:s21+$0x1020 ss:$0x81] =	vst.msk $0xffff, v6;
	s20 =	sadd.s32 $0x80, s20  }
0x5f: {  	s24 =	sadd.s32 $0x4, s24;
	v0 =	vld [tilespmem:s20+$0x30];
	[tilespmem:s21+$0x1830 ss:$0x81] =	vst.msk $0xffff, v7  }
.Ltmp4:
0x60: {  	_ = 	snop;
	(pc) =	sbr.rel .LBB1_4-.Ltmp4, $1  }
0x61: {  	_ =	sdelay $0x3  }
.LBB1_6:
0x62: {  	_ =	sfence.sel $0x180000  }
0x63: {  	s2 =	simm.s32 $0x1;
	[bflag:$0x0] =	sbarrier.arrive $0xFFFF  }
0x64: {  	s31 =	simm.s32 $0x2;
	[sflag:s2] =	ssyncpa.u1 $0x1  }
0x65: {  	[sflag:s31] =	ssyncpa.u1 $0x1  }
0x66: {  	p0 =	sne.s32 s0, $0x0;
	_ =	strace $0x9000004A  }
0x67: {  	s0 =	sadd.s32 @!p0 $0x100000, s1;
	[bflag:$0x2] =	sbarrier.arrive $0xFFFF  }
0x68: {  	[sflag:s0] =	ssyncadd.tile.s32 @!p0 $0x1;
	_ =	shalt  }
.Lfunc_end1:
_tile_overlayer_lowered:
.L_overlay_start_2:
0x69: {  	(tag) =	ssettag $0x2  }
0x6a: {  	s0 =	rddreg [dreg:$0x0];
	s2 =	stileid.u32  }
0x6b: {  	s1 =	rddreg [dreg:$0x1];
	p0 =	sne.s32 s2, $0x0  }
0x6c: {  	s3 =	rddreg [dreg:$0x2];
	[bflag:$0x3] =	sbarrier.arrive $0xFFFF;
	s2 =	simm.s32 @!p0 $0x1C01  }
0x6d: {  	[timem:s3], [sflag:s2] =	dma.local @!p0 [hbm:s0], s1  }
0x6e: {  	s0 =	simm.s32 @!p0 $0x1  }
0x6f: {  	_ =	swait.ge @!p0 [sflag:s0], s1  }
0x70: {  	s1 =	ssub.s32 @!p0 $0x0, s1;
	[sflag:s0] =	ssyncset.done @!p0 $0x0  }
0x71: {  	[sflag:s0] =	ssyncadd.s32 @!p0 s1  }
0x72: {  	[bflag:$0x3] =	sbarrier.arrive $0xFFFF  }
0x73: {  	_ =	shalt  }

</sc_bundles>
